<compile_context>
chip_gen: v7x
topology: tpu7x:2x2x1
jax: 0.10.2.dev20260603
libtpu: 0.0.44.dev20260713+nightly
codegen_flags: <defaults>
</compile_context>

<pallas_src>
import functools

import jax
import jax.numpy as jnp
from jax import lax
from jax.experimental import pallas as pl
from jax.experimental.pallas import tpu as pltpu
from jax.experimental.pallas import tpu_sc as plsc

B = 16384
TOPK = 1024
NSUB = 16
CHUNK = B // NSUB
NV = CHUNK // 16
KF = float(TOPK)
NBINS = 128
HB = 2 * NBINS
ROUNDS = ((24, 128, True), (18, 64, False), (12, 64, False),
          (6, 64, False), (0, 64, False))


def _make_sc_kernel():
    mesh = plsc.VectorSubcoreMesh(core_axis_name="c", subcore_axis_name="s",
                                  num_cores=1)

    @functools.partial(
        pl.kernel,
        mesh=mesh,
        out_type=jax.ShapeDtypeStruct((16,), jnp.float32),
        compiler_params=pltpu.CompilerParams(needs_layout_passes=False),
        scratch_types=[
            pltpu.VMEM((CHUNK,), jnp.float32),
            pltpu.VMEM((CHUNK,), jnp.float32),
            pltpu.VMEM((CHUNK,), jnp.float32),
            pltpu.VMEM((CHUNK,), jnp.int32),
            pltpu.VMEM((HB,), jnp.float32),
            pltpu.VMEM((NSUB * HB,), jnp.float32),
            pltpu.VMEM((16,), jnp.float32),
            pltpu.VMEM_SHARED((2, NSUB * HB), jnp.float32),
        ],
    )
    def topk_sum_kernel(p_hbm, t_hbm, s_hbm, out_hbm,
                        p_v, t_v, s_v, bits_v, hist_v, gat_v, res_v, shared):
        c = lax.axis_index("c")
        w = lax.axis_index("s")
        base = w * CHUNK
        pltpu.sync_copy(p_hbm.at[pl.ds(base, CHUNK)], p_v)
        pltpu.sync_copy(t_hbm.at[pl.ds(base, CHUNK)], t_v)
        pltpu.sync_copy(s_hbm.at[pl.ds(base, CHUNK)], s_v)

        lane = lax.iota(jnp.int32, 16)
        zero16 = jnp.zeros((16,), jnp.int32)
        one16f = jnp.zeros((16,), jnp.float32) + 1.0

        gdn = lax.GatherDimensionNumbers(
            offset_dims=(), collapsed_slice_dims=(0,), start_index_map=(0,))

        def shuffle(x, idx):
            return lax.gather(
                x, idx[:, None], gdn, (1,),
                mode=lax.GatherScatterMode.PROMISE_IN_BOUNDS)

        def vsum(x):
            for sh in (8, 4, 2, 1):
                x = x + shuffle(x, lane ^ sh)
            return x

        def bcast0(x):
            return shuffle(x, zero16)

        def compute_bits(i, carry):
            sl = pl.ds(i * 16, 16)
            d = p_v[sl] - s_v[sl]
            l = t_v[sl] * d * d
            bits_v[sl] = lax.bitcast_convert_type(l, jnp.int32)
            return carry

        lax.fori_loop(0, NV, compute_bits, 0)

        P = zero16
        C_gt = jnp.zeros((16,), jnp.float32)
        V_gt = jnp.zeros((16,), jnp.float32)

        for rnd, (shift, nbins, first) in enumerate(ROUNDS):
            parity = rnd % 2
            nb = nbins // 16

            hw = 2 * nbins

            def zbody(i, carry):
                hist_v[pl.ds(i * 16, 16)] = jnp.zeros((16,), jnp.float32)
                return carry

            lax.fori_loop(0, hw // 16, zbody, 0)

            span = jnp.int32(nbins << shift) if not first else None

            def sbody(i, carry):
                v = bits_v[pl.ds(i * 16, 16)]
                diff = v - P
                if first:
                    cand = v >= P
                else:
                    cand = (v >= P) & (diff < span)
                digit = jnp.right_shift(diff, shift) & (nbins - 1)
                lval = lax.bitcast_convert_type(v, jnp.float32)
                plsc.addupdate_scatter(hist_v, [digit], one16f, mask=cand)
                plsc.addupdate_scatter(hist_v, [digit + nbins], lval,
                                       mask=cand)
                return carry

            lax.fori_loop(0, NV, sbody, 0)

            pltpu.sync_copy(hist_v.at[pl.ds(0, hw)],
                            shared.at[parity, pl.ds(w * hw, hw)])
            plsc.subcore_barrier()
            pltpu.sync_copy(shared.at[parity, pl.ds(0, NSUB * hw)],
                            gat_v.at[pl.ds(0, NSUB * hw)])

            def mbody(r, accs):
                off = r * hw
                new = []
                for bv in range(nb):
                    new.append(accs[bv] + gat_v[pl.ds(off + bv * 16, 16)])
                for bv in range(nb):
                    new.append(accs[nb + bv]
                               + gat_v[pl.ds(off + nbins + bv * 16, 16)])
                return tuple(new)

            accs = lax.fori_loop(
                0, NSUB, mbody,
                tuple(jnp.zeros((16,), jnp.float32) for _ in range(2 * nb)))
            cnt = accs[:nb]
            val = accs[nb:]

            suf = [None] * nb
            carry = jnp.zeros((16,), jnp.float32)
            for bv in range(nb - 1, -1, -1):
                x = cnt[bv]
                for sh in (1, 2, 4, 8):
                    x = x + jnp.where(lane < 16 - sh,
                                      shuffle(x, (lane + sh) & 15), 0.0)
                x = x + carry
                carry = bcast0(x)
                suf[bv] = x

            R = KF - C_gt
            acc_d = jnp.zeros((16,), jnp.float32)
            for bv in range(nb):
                bin_id = lane + bv * 16
                acc_d = acc_d + jnp.where((suf[bv] >= R) & (bin_id >= 1),
                                          1.0, 0.0)
            dstar = vsum(acc_d)
            dstar_i = dstar.astype(jnp.int32)

            acc_s = jnp.zeros((16,), jnp.float32)
            acc_v = jnp.zeros((16,), jnp.float32)
            dnext = dstar + 1.0
            for bv in range(nb):
                bin_id = (lane + bv * 16).astype(jnp.float32)
                acc_s = acc_s + jnp.where(bin_id == dnext, suf[bv], 0.0)
                acc_v = acc_v + jnp.where(bin_id >= dnext, val[bv], 0.0)
            snext = vsum(acc_s)
            vnext = vsum(acc_v)

            P = P + lax.shift_left(dstar_i, shift)
            C_gt = C_gt + snext
            V_gt = V_gt + vnext

        tf = lax.bitcast_convert_type(P, jnp.float32)
        res_v[...] = (V_gt + (KF - C_gt) * tf) * (1.0 / KF)

        @pl.when(jnp.logical_and(c == 0, w == 0))
        def _():
            pltpu.sync_copy(res_v, out_hbm)

    return topk_sum_kernel


_sc_kernel = _make_sc_kernel()


def kernel(inputs, targets, k):
    del k
    out = _sc_kernel(inputs.reshape(B), targets[:, 0], targets[:, 1])
    return out[0]

# --- scband reference (transcript-rebuilt; emitter-appended) ---
"""Pipeline reference for scband-hard-mining-mse-56212531970157 (READ-ONLY COPY).

The authoritative reference and input builder live on the scoring server;
editing this copy changes nothing except your own understanding.
"""

import jax, jax.numpy as jnp
import numpy as np

B = 16384
K = 1024

def setup_inputs(seed: int = 0) -> dict:
    key = jax.random.key(seed)
    k1, k2, k3 = jax.random.split(key, 3)
    inputs = jax.random.normal(k1, (B, 1), dtype=jnp.float32)
    t = jax.random.randint(k2, (B,), 0, 2).astype(jnp.float32)
    true_steer = jax.random.normal(k3, (B,), dtype=jnp.float32)
    targets = jnp.stack([t, true_steer], axis=1)
    return {"inputs": inputs, "targets": targets, "k": K}

def reference(inputs, targets, k):
    # Faithful port of hard_mining_mse.custom_mse
    t = targets[:, 0]
    samples_steer = (t == 1.0).astype(jnp.int32)
    n_samples_steer = jnp.sum(samples_steer)
    pred_steer = jnp.squeeze(inputs, -1)
    true_steer = targets[:, 1]
    l_steer = t * jnp.square(pred_steer - true_steer)
    k_min = jnp.minimum(k, n_samples_steer)
    max_l_steer, indices = jax.lax.top_k(l_steer, K)
    max_l_steer = jnp.where(jnp.arange(K) < k_min, max_l_steer, jnp.zeros((), dtype=l_steer.dtype))
    hard_l_steer = jnp.sum(max_l_steer) / jnp.asarray(k, dtype=l_steer.dtype)
    return jnp.where(n_samples_steer == 0, jnp.asarray(0.0, dtype=jnp.float32), hard_l_steer)

if __name__ == "__main__":
    import jax
    _d = setup_inputs()
    print(jax.jit(kernel)(*tuple(_d.values())))

</pallas_src>

<mosaic_0001>
#map = affine_map<(d0, d1) -> (0)>
module attributes {stable_mosaic.version = 14 : i64} {
  func.func @topk_sum_kernel(%arg0: i32, %arg1: i32, %arg2: memref<16384xf32, #tpu.memory_space<hbm>>, %arg3: memref<16384xf32, #tpu.memory_space<hbm>>, %arg4: memref<16384xf32, #tpu.memory_space<hbm>>, %arg5: memref<16xf32, #tpu.memory_space<hbm>>, %arg6: memref<1024xf32, #tpu.memory_space<vmem>>, %arg7: memref<1024xf32, #tpu.memory_space<vmem>>, %arg8: memref<1024xf32, #tpu.memory_space<vmem>>, %arg9: memref<1024xi32, #tpu.memory_space<vmem>>, %arg10: memref<256xf32, #tpu.memory_space<vmem>>, %arg11: memref<4096xf32, #tpu.memory_space<vmem>>, %arg12: memref<16xf32, #tpu.memory_space<vmem>>, %arg13: memref<2x4096xf32, #tpu.memory_space<vmem_shared>>) attributes {dimension_semantics = [#tpu.dimension_semantics<core_parallel>, #tpu.dimension_semantics<subcore_parallel>], iteration_bounds = array<i64: 1, 16>, scalar_prefetch = 0 : i64, scratch_operands = 8 : i64, tpu.core_type = #tpu.core_type<sc_vector_subcore>, window_params = [{transform_indices = #map}, {transform_indices = #map}, {transform_indices = #map}, {transform_indices = #map}]} {
    %mul3A = arith.constant 1024 : i32
    %mul3A_0 = arith.muli %arg1, %mul3A : i32
    "tpu.region"() ({
      %run_scoped3A_3062 = tpu.sem_alloc : memref<!tpu.dma_semaphore, #tpu.memory_space<semaphore_mem>>
      %dma_start3A = tpu.memref_slice %arg2[%mul3A_0] : memref<16384xf32, #tpu.memory_space<hbm>> -> memref<1024xf32, #tpu.memory_space<hbm>>
      %dma_start3A_3063 = tpu.memref_slice %arg2[%mul3A_0] : memref<16384xf32, #tpu.memory_space<hbm>> -> memref<1024xf32, #tpu.memory_space<hbm>>
      tpu.enqueue_dma source(%dma_start3A_3063 : memref<1024xf32, #tpu.memory_space<hbm>>) target(%arg6 : memref<1024xf32, #tpu.memory_space<vmem>>) target_semaphore(%run_scoped3A_3062 : memref<!tpu.dma_semaphore, #tpu.memory_space<semaphore_mem>>)
      %dma_wait3A = tpu.memref_slice %arg2[%mul3A_0] : memref<16384xf32, #tpu.memory_space<hbm>> -> memref<1024xf32, #tpu.memory_space<hbm>>
      %dma_wait3A_3064 = tpu.memref_slice %arg2[%mul3A_0] : memref<16384xf32, #tpu.memory_space<hbm>> -> memref<1024xf32, #tpu.memory_space<hbm>>
      tpu.wait_dma2 semaphore(%run_scoped3A_3062 : memref<!tpu.dma_semaphore, #tpu.memory_space<semaphore_mem>>) src(%dma_wait3A_3064 : memref<1024xf32, #tpu.memory_space<hbm>>) dst(%arg6 : memref<1024xf32, #tpu.memory_space<vmem>>)
      tpu.yield
    }) : () -> ()
    "tpu.region"() ({
      %run_scoped3A_3062 = tpu.sem_alloc : memref<!tpu.dma_semaphore, #tpu.memory_space<semaphore_mem>>
      %dma_start3A = tpu.memref_slice %arg3[%mul3A_0] : memref<16384xf32, #tpu.memory_space<hbm>> -> memref<1024xf32, #tpu.memory_space<hbm>>
      %dma_start3A_3063 = tpu.memref_slice %arg3[%mul3A_0] : memref<16384xf32, #tpu.memory_space<hbm>> -> memref<1024xf32, #tpu.memory_space<hbm>>
      tpu.enqueue_dma source(%dma_start3A_3063 : memref<1024xf32, #tpu.memory_space<hbm>>) target(%arg7 : memref<1024xf32, #tpu.memory_space<vmem>>) target_semaphore(%run_scoped3A_3062 : memref<!tpu.dma_semaphore, #tpu.memory_space<semaphore_mem>>)
      %dma_wait3A = tpu.memref_slice %arg3[%mul3A_0] : memref<16384xf32, #tpu.memory_space<hbm>> -> memref<1024xf32, #tpu.memory_space<hbm>>
      %dma_wait3A_3064 = tpu.memref_slice %arg3[%mul3A_0] : memref<16384xf32, #tpu.memory_space<hbm>> -> memref<1024xf32, #tpu.memory_space<hbm>>
      tpu.wait_dma2 semaphore(%run_scoped3A_3062 : memref<!tpu.dma_semaphore, #tpu.memory_space<semaphore_mem>>) src(%dma_wait3A_3064 : memref<1024xf32, #tpu.memory_space<hbm>>) dst(%arg7 : memref<1024xf32, #tpu.memory_space<vmem>>)
      tpu.yield
    }) : () -> ()
    "tpu.region"() ({
      %run_scoped3A_3062 = tpu.sem_alloc : memref<!tpu.dma_semaphore, #tpu.memory_space<semaphore_mem>>
      %dma_start3A = tpu.memref_slice %arg4[%mul3A_0] : memref<16384xf32, #tpu.memory_space<hbm>> -> memref<1024xf32, #tpu.memory_space<hbm>>
      %dma_start3A_3063 = tpu.memref_slice %arg4[%mul3A_0] : memref<16384xf32, #tpu.memory_space<hbm>> -> memref<1024xf32, #tpu.memory_space<hbm>>
      tpu.enqueue_dma source(%dma_start3A_3063 : memref<1024xf32, #tpu.memory_space<hbm>>) target(%arg8 : memref<1024xf32, #tpu.memory_space<vmem>>) target_semaphore(%run_scoped3A_3062 : memref<!tpu.dma_semaphore, #tpu.memory_space<semaphore_mem>>)
      %dma_wait3A = tpu.memref_slice %arg4[%mul3A_0] : memref<16384xf32, #tpu.memory_space<hbm>> -> memref<1024xf32, #tpu.memory_space<hbm>>
      %dma_wait3A_3064 = tpu.memref_slice %arg4[%mul3A_0] : memref<16384xf32, #tpu.memory_space<hbm>> -> memref<1024xf32, #tpu.memory_space<hbm>>
      tpu.wait_dma2 semaphore(%run_scoped3A_3062 : memref<!tpu.dma_semaphore, #tpu.memory_space<semaphore_mem>>) src(%dma_wait3A_3064 : memref<1024xf32, #tpu.memory_space<hbm>>) dst(%arg8 : memref<1024xf32, #tpu.memory_space<vmem>>)
      tpu.yield
    }) : () -> ()
    %iota3A = tpu.iota {dimensions = array<i32: 0>} : vector<16xi32>
    %broadcast_in_dim3A = arith.constant 0 : i32
    %broadcast_in_dim3A_1 = vector.broadcast %broadcast_in_dim3A : i32 to vector<16xi32>
    %broadcast_in_dim3A_2 = arith.constant 0.000000e+00 : f32
    %broadcast_in_dim3A_3 = vector.broadcast %broadcast_in_dim3A_2 : f32 to vector<16xf32>
    %add3A = arith.constant 1.000000e+00 : f32
    %add3A_4 = vector.broadcast %add3A : f32 to vector<16xf32>
    %add3A_5 = arith.addf %broadcast_in_dim3A_3, %add3A_4 : vector<16xf32>
    %scan3A = arith.constant 0 : i32
    %scan3A_6 = arith.constant 0 : i32
    %scan3A_7 = arith.constant 64 : i32
    %scan3A_8 = arith.addi %scan3A_6, %scan3A_7 : i32
    %scan3A_9 = arith.constant 1 : i32
    scf.for %scan3A_3062 = %scan3A_6 to %scan3A_8 step %scan3A_9  : i32 {
      %mul3A_3063 = arith.constant 16 : i32
      %mul3A_3064 = arith.muli %scan3A_3062, %mul3A_3063 : i32
      %get3A = arith.index_cast %mul3A_3064 : i32 to index
      %get3A_3065 = tpu.vector_load %arg6[%get3A] {strides = array<i32>} : memref<1024xf32, #tpu.memory_space<vmem>>, vector<16xf32>,
      %get3A_3066 = arith.index_cast %mul3A_3064 : i32 to index
      %get3A_3067 = tpu.vector_load %arg8[%get3A_3066] {strides = array<i32>} : memref<1024xf32, #tpu.memory_space<vmem>>, vector<16xf32>,
      %sub3A_3068 = arith.subf %get3A_3065, %get3A_3067 : vector<16xf32>
      %get3A_3069 = arith.index_cast %mul3A_3064 : i32 to index
      %get3A_3070 = tpu.vector_load %arg7[%get3A_3069] {strides = array<i32>} : memref<1024xf32, #tpu.memory_space<vmem>>, vector<16xf32>,
      %mul3A_3071 = arith.mulf %get3A_3070, %sub3A_3068 : vector<16xf32>
      %mul3A_3072 = arith.mulf %mul3A_3071, %sub3A_3068 : vector<16xf32>
      %bitcast_convert_type3A_3073 = tpu.bitcast %mul3A_3072 : vector<16xf32> -> vector<16xi32>
      %swap3A_3074 = arith.index_cast %mul3A_3064 : i32 to index
      %swap3A_3075 = tpu.vector_load %arg9[%swap3A_3074] {strides = array<i32>} : memref<1024xi32, #tpu.memory_space<vmem>>, vector<16xi32>,
      tpu.vector_store %arg9[%swap3A_3074], %bitcast_convert_type3A_3073 {strides = array<i32>} : memref<1024xi32, #tpu.memory_space<vmem>>, vector<16xi32>,
    }
    %scan3A_10 = arith.constant 64 : i32
    %broadcast_in_dim3A_11 = arith.constant 0.000000e+00 : f32
    %broadcast_in_dim3A_12 = vector.broadcast %broadcast_in_dim3A_11 : f32 to vector<16xf32>
    %broadcast_in_dim3A_13 = arith.constant 0.000000e+00 : f32
    %broadcast_in_dim3A_14 = vector.broadcast %broadcast_in_dim3A_13 : f32 to vector<16xf32>
    %scan3A_15 = arith.constant 0 : i32
    %scan3A_16 = arith.constant 0 : i32
    %scan3A_17 = arith.constant 16 : i32
    %scan3A_18 = arith.addi %scan3A_16, %scan3A_17 : i32
    %scan3A_19 = arith.constant 1 : i32
    scf.for %scan3A_3062 = %scan3A_16 to %scan3A_18 step %scan3A_19  : i32 {
      %broadcast_in_dim3A_3063 = arith.constant 0.000000e+00 : f32
      %broadcast_in_dim3A_3064 = vector.broadcast %broadcast_in_dim3A_3063 : f32 to vector<16xf32>
      %mul3A_3065 = arith.constant 16 : i32
      %mul3A_3066 = arith.muli %scan3A_3062, %mul3A_3065 : i32
      %swap3A_3067 = arith.index_cast %mul3A_3066 : i32 to index
      %swap3A_3068 = tpu.vector_load %arg10[%swap3A_3067] {strides = array<i32>} : memref<256xf32, #tpu.memory_space<vmem>>, vector<16xf32>,
      tpu.vector_store %arg10[%swap3A_3067], %broadcast_in_dim3A_3064 {strides = array<i32>} : memref<256xf32, #tpu.memory_space<vmem>>, vector<16xf32>,
    }
    %scan3A_20 = arith.constant 16 : i32
    %scan3A_21 = arith.constant 0 : i32
    %scan3A_22 = arith.constant 0 : i32
    %scan3A_23 = arith.constant 64 : i32
    %scan3A_24 = arith.addi %scan3A_22, %scan3A_23 : i32
    %scan3A_25 = arith.constant 1 : i32
    scf.for %scan3A_3062 = %scan3A_22 to %scan3A_24 step %scan3A_25  : i32 {
      %mul3A_3063 = arith.constant 16 : i32
      %mul3A_3064 = arith.muli %scan3A_3062, %mul3A_3063 : i32
      %get3A = arith.index_cast %mul3A_3064 : i32 to index
      %get3A_3065 = tpu.vector_load %arg9[%get3A] {strides = array<i32>} : memref<1024xi32, #tpu.memory_space<vmem>>, vector<16xi32>,
      %sub3A_3066 = arith.subi %get3A_3065, %broadcast_in_dim3A_1 : vector<16xi32>
      %ge3A_3067 = arith.cmpi sge, %get3A_3065, %broadcast_in_dim3A_1 : vector<16xi32>
      %shift_right_arithmetic3A = arith.constant 24 : i32
      %shift_right_arithmetic3A_3068 = vector.broadcast %shift_right_arithmetic3A : i32 to vector<16xi32>
      %shift_right_arithmetic3A_3069 = arith.shrsi %sub3A_3066, %shift_right_arithmetic3A_3068 : vector<16xi32>
      %and3A_3070 = arith.constant 127 : i32
      %and3A_3071 = vector.broadcast %and3A_3070 : i32 to vector<16xi32>
      %and3A_3072 = arith.andi %shift_right_arithmetic3A_3069, %and3A_3071 : vector<16xi32>
      %bitcast_convert_type3A_3073 = tpu.bitcast %get3A_3065 : vector<16xi32> -> vector<16xf32>
      tpu.vector_store_idx %arg10[%and3A_3072], %add3A_5 masked %ge3A_3067 {add = true} : memref<256xf32, #tpu.memory_space<vmem>>[vector<16xi32>], vector<16xf32>, vector<16xi1>
      %add3A_3074 = arith.constant 128 : i32
      %add3A_3075 = vector.broadcast %add3A_3074 : i32 to vector<16xi32>
      %add3A_3076 = arith.addi %and3A_3072, %add3A_3075 : vector<16xi32>
      tpu.vector_store_idx %arg10[%add3A_3076], %bitcast_convert_type3A_3073 masked %ge3A_3067 {add = true} : memref<256xf32, #tpu.memory_space<vmem>>[vector<16xi32>], vector<16xf32>, vector<16xi1>
    }
    %scan3A_26 = arith.constant 64 : i32
    %mul3A_27 = arith.constant 256 : i32
    %mul3A_28 = arith.muli %arg1, %mul3A_27 : i32
    %run_scoped3A = arith.constant 0 : i32
    "tpu.region"() ({
      %run_scoped3A_3062 = tpu.sem_alloc : memref<!tpu.dma_semaphore, #tpu.memory_space<semaphore_mem>>
      %dma_start3A = arith.constant 0 : i32
      %dma_start3A_3063 = tpu.memref_slice %arg10[%dma_start3A] : memref<256xf32, #tpu.memory_space<vmem>> -> memref<256xf32, #tpu.memory_space<vmem>>
      %dma_start3A_3064 = tpu.memref_slice %arg13[%run_scoped3A, %mul3A_28] : memref<2x4096xf32, #tpu.memory_space<vmem_shared>> -> memref<1x256xf32, #tpu.memory_space<vmem_shared>>
      %dma_start3A_3065 = tpu.memref_squeeze %dma_start3A_3064 : memref<1x256xf32, #tpu.memory_space<vmem_shared>> -> memref<256xf32, #tpu.memory_space<vmem_shared>>
      %dma_start3A_3066 = tpu.memref_slice %arg13[%run_scoped3A, %mul3A_28] : memref<2x4096xf32, #tpu.memory_space<vmem_shared>> -> memref<1x256xf32, #tpu.memory_space<vmem_shared>>
      %dma_start3A_3067 = tpu.memref_squeeze %dma_start3A_3066 : memref<1x256xf32, #tpu.memory_space<vmem_shared>> -> memref<256xf32, #tpu.memory_space<vmem_shared>>
      %dma_start3A_3068 = arith.constant 0 : i32
      %dma_start3A_3069 = tpu.memref_slice %arg10[%dma_start3A_3068] : memref<256xf32, #tpu.memory_space<vmem>> -> memref<256xf32, #tpu.memory_space<vmem>>
      tpu.enqueue_dma source(%dma_start3A_3069 : memref<256xf32, #tpu.memory_space<vmem>>) target(%dma_start3A_3067 : memref<256xf32, #tpu.memory_space<vmem_shared>>) target_semaphore(%run_scoped3A_3062 : memref<!tpu.dma_semaphore, #tpu.memory_space<semaphore_mem>>)
      %dma_wait3A = arith.constant 0 : i32
      %dma_wait3A_3070 = tpu.memref_slice %arg10[%dma_wait3A] : memref<256xf32, #tpu.memory_space<vmem>> -> memref<256xf32, #tpu.memory_space<vmem>>
      %dma_wait3A_3071 = tpu.memref_slice %arg13[%run_scoped3A, %mul3A_28] : memref<2x4096xf32, #tpu.memory_space<vmem_shared>> -> memref<1x256xf32, #tpu.memory_space<vmem_shared>>
      %dma_wait3A_3072 = tpu.memref_squeeze %dma_wait3A_3071 : memref<1x256xf32, #tpu.memory_space<vmem_shared>> -> memref<256xf32, #tpu.memory_space<vmem_shared>>
      %dma_wait3A_3073 = tpu.memref_slice %arg13[%run_scoped3A, %mul3A_28] : memref<2x4096xf32, #tpu.memory_space<vmem_shared>> -> memref<1x256xf32, #tpu.memory_space<vmem_shared>>
      %dma_wait3A_3074 = tpu.memref_squeeze %dma_wait3A_3073 : memref<1x256xf32, #tpu.memory_space<vmem_shared>> -> memref<256xf32, #tpu.memory_space<vmem_shared>>
      %dma_wait3A_3075 = arith.constant 0 : i32
      %dma_wait3A_3076 = tpu.memref_slice %arg10[%dma_wait3A_3075] : memref<256xf32, #tpu.memory_space<vmem>> -> memref<256xf32, #tpu.memory_space<vmem>>
      tpu.wait_dma2 semaphore(%run_scoped3A_3062 : memref<!tpu.dma_semaphore, #tpu.memory_space<semaphore_mem>>) src(%dma_wait3A_3076 : memref<256xf32, #tpu.memory_space<vmem>>) dst(%dma_wait3A_3074 : memref<256xf32, #tpu.memory_space<vmem_shared>>)
      tpu.yield
    }) : () -> ()
    %barrier3A = arith.constant 0 : index
    tpu.barrier barrier_id(%barrier3A)
    %run_scoped3A_29 = arith.constant 0 : i32
    "tpu.region"() ({
      %run_scoped3A_3062 = tpu.sem_alloc : memref<!tpu.dma_semaphore, #tpu.memory_space<semaphore_mem>>
      %dma_start3A = arith.constant 0 : i32
      %dma_start3A_3063 = tpu.memref_slice %arg11[%dma_start3A] : memref<4096xf32, #tpu.memory_space<vmem>> -> memref<4096xf32, #tpu.memory_space<vmem>>
      %dma_start3A_3064 = arith.constant 0 : i32
      %dma_start3A_3065 = tpu.memref_slice %arg13[%run_scoped3A_29, %dma_start3A_3064] : memref<2x4096xf32, #tpu.memory_space<vmem_shared>> -> memref<1x4096xf32, #tpu.memory_space<vmem_shared>>
      %dma_start3A_3066 = tpu.memref_squeeze %dma_start3A_3065 : memref<1x4096xf32, #tpu.memory_space<vmem_shared>> -> memref<4096xf32, #tpu.memory_space<vmem_shared>>
      %dma_start3A_3067 = arith.constant 0 : i32
      %dma_start3A_3068 = tpu.memref_slice %arg11[%dma_start3A_3067] : memref<4096xf32, #tpu.memory_space<vmem>> -> memref<4096xf32, #tpu.memory_space<vmem>>
      %dma_start3A_3069 = arith.constant 0 : i32
      %dma_start3A_3070 = tpu.memref_slice %arg13[%run_scoped3A_29, %dma_start3A_3069] : memref<2x4096xf32, #tpu.memory_space<vmem_shared>> -> memref<1x4096xf32, #tpu.memory_space<vmem_shared>>
      %dma_start3A_3071 = tpu.memref_squeeze %dma_start3A_3070 : memref<1x4096xf32, #tpu.memory_space<vmem_shared>> -> memref<4096xf32, #tpu.memory_space<vmem_shared>>
      tpu.enqueue_dma source(%dma_start3A_3071 : memref<4096xf32, #tpu.memory_space<vmem_shared>>) target(%dma_start3A_3068 : memref<4096xf32, #tpu.memory_space<vmem>>) target_semaphore(%run_scoped3A_3062 : memref<!tpu.dma_semaphore, #tpu.memory_space<semaphore_mem>>)
      %dma_wait3A = arith.constant 0 : i32
      %dma_wait3A_3072 = tpu.memref_slice %arg11[%dma_wait3A] : memref<4096xf32, #tpu.memory_space<vmem>> -> memref<4096xf32, #tpu.memory_space<vmem>>
      %dma_wait3A_3073 = arith.constant 0 : i32
      %dma_wait3A_3074 = tpu.memref_slice %arg13[%run_scoped3A_29, %dma_wait3A_3073] : memref<2x4096xf32, #tpu.memory_space<vmem_shared>> -> memref<1x4096xf32, #tpu.memory_space<vmem_shared>>
      %dma_wait3A_3075 = tpu.memref_squeeze %dma_wait3A_3074 : memref<1x4096xf32, #tpu.memory_space<vmem_shared>> -> memref<4096xf32, #tpu.memory_space<vmem_shared>>
      %dma_wait3A_3076 = arith.constant 0 : i32
      %dma_wait3A_3077 = tpu.memref_slice %arg11[%dma_wait3A_3076] : memref<4096xf32, #tpu.memory_space<vmem>> -> memref<4096xf32, #tpu.memory_space<vmem>>
      %dma_wait3A_3078 = arith.constant 0 : i32
      %dma_wait3A_3079 = tpu.memref_slice %arg13[%run_scoped3A_29, %dma_wait3A_3078] : memref<2x4096xf32, #tpu.memory_space<vmem_shared>> -> memref<1x4096xf32, #tpu.memory_space<vmem_shared>>
      %dma_wait3A_3080 = tpu.memref_squeeze %dma_wait3A_3079 : memref<1x4096xf32, #tpu.memory_space<vmem_shared>> -> memref<4096xf32, #tpu.memory_space<vmem_shared>>
      tpu.wait_dma2 semaphore(%run_scoped3A_3062 : memref<!tpu.dma_semaphore, #tpu.memory_space<semaphore_mem>>) src(%dma_wait3A_3080 : memref<4096xf32, #tpu.memory_space<vmem_shared>>) dst(%dma_wait3A_3077 : memref<4096xf32, #tpu.memory_space<vmem>>)
      tpu.yield
    }) : () -> ()
    %broadcast_in_dim3A_30 = arith.constant 0.000000e+00 : f32
    %broadcast_in_dim3A_31 = vector.broadcast %broadcast_in_dim3A_30 : f32 to vector<16xf32>
    %broadcast_in_dim3A_32 = arith.constant 0.000000e+00 : f32
    %broadcast_in_dim3A_33 = vector.broadcast %broadcast_in_dim3A_32 : f32 to vector<16xf32>
    %broadcast_in_dim3A_34 = arith.constant 0.000000e+00 : f32
    %broadcast_in_dim3A_35 = vector.broadcast %broadcast_in_dim3A_34 : f32 to vector<16xf32>
    %broadcast_in_dim3A_36 = arith.constant 0.000000e+00 : f32
    %broadcast_in_dim3A_37 = vector.broadcast %broadcast_in_dim3A_36 : f32 to vector<16xf32>
    %broadcast_in_dim3A_38 = arith.constant 0.000000e+00 : f32
    %broadcast_in_dim3A_39 = vector.broadcast %broadcast_in_dim3A_38 : f32 to vector<16xf32>
    %broadcast_in_dim3A_40 = arith.constant 0.000000e+00 : f32
    %broadcast_in_dim3A_41 = vector.broadcast %broadcast_in_dim3A_40 : f32 to vector<16xf32>
    %broadcast_in_dim3A_42 = arith.constant 0.000000e+00 : f32
    %broadcast_in_dim3A_43 = vector.broadcast %broadcast_in_dim3A_42 : f32 to vector<16xf32>
    %broadcast_in_dim3A_44 = arith.constant 0.000000e+00 : f32
    %broadcast_in_dim3A_45 = vector.broadcast %broadcast_in_dim3A_44 : f32 to vector<16xf32>
    %broadcast_in_dim3A_46 = arith.constant 0.000000e+00 : f32
    %broadcast_in_dim3A_47 = vector.broadcast %broadcast_in_dim3A_46 : f32 to vector<16xf32>
    %broadcast_in_dim3A_48 = arith.constant 0.000000e+00 : f32
    %broadcast_in_dim3A_49 = vector.broadcast %broadcast_in_dim3A_48 : f32 to vector<16xf32>
    %broadcast_in_dim3A_50 = arith.constant 0.000000e+00 : f32
    %broadcast_in_dim3A_51 = vector.broadcast %broadcast_in_dim3A_50 : f32 to vector<16xf32>
    %broadcast_in_dim3A_52 = arith.constant 0.000000e+00 : f32
    %broadcast_in_dim3A_53 = vector.broadcast %broadcast_in_dim3A_52 : f32 to vector<16xf32>
    %broadcast_in_dim3A_54 = arith.constant 0.000000e+00 : f32
    %broadcast_in_dim3A_55 = vector.broadcast %broadcast_in_dim3A_54 : f32 to vector<16xf32>
    %broadcast_in_dim3A_56 = arith.constant 0.000000e+00 : f32
    %broadcast_in_dim3A_57 = vector.broadcast %broadcast_in_dim3A_56 : f32 to vector<16xf32>
    %broadcast_in_dim3A_58 = arith.constant 0.000000e+00 : f32
    %broadcast_in_dim3A_59 = vector.broadcast %broadcast_in_dim3A_58 : f32 to vector<16xf32>
    %broadcast_in_dim3A_60 = arith.constant 0.000000e+00 : f32
    %broadcast_in_dim3A_61 = vector.broadcast %broadcast_in_dim3A_60 : f32 to vector<16xf32>
    %scan3A_62 = arith.constant 0 : i32
    %scan3A_63 = arith.constant 16 : i32
    %scan3A_64 = arith.addi %scan3A_62, %scan3A_63 : i32
    %scan3A_65 = arith.constant 1 : i32
    %scan3A_66:16 = scf.for %scan3A_3062 = %scan3A_62 to %scan3A_64 step %scan3A_65 iter_args(%scan3A_3063 = %broadcast_in_dim3A_31, %scan3A_3064 = %broadcast_in_dim3A_33, %scan3A_3065 = %broadcast_in_dim3A_35, %scan3A_3066 = %broadcast_in_dim3A_37, %scan3A_3067 = %broadcast_in_dim3A_39, %scan3A_3068 = %broadcast_in_dim3A_41, %scan3A_3069 = %broadcast_in_dim3A_43, %scan3A_3070 = %broadcast_in_dim3A_45, %scan3A_3071 = %broadcast_in_dim3A_47, %scan3A_3072 = %broadcast_in_dim3A_49, %scan3A_3073 = %broadcast_in_dim3A_51, %scan3A_3074 = %broadcast_in_dim3A_53, %scan3A_3075 = %broadcast_in_dim3A_55, %scan3A_3076 = %broadcast_in_dim3A_57, %scan3A_3077 = %broadcast_in_dim3A_59, %scan3A_3078 = %broadcast_in_dim3A_61) -> (vector<16xf32>, vector<16xf32>, vector<16xf32>, vector<16xf32>, vector<16xf32>, vector<16xf32>, vector<16xf32>, vector<16xf32>, vector<16xf32>, vector<16xf32>, vector<16xf32>, vector<16xf32>, vector<16xf32>, vector<16xf32>, vector<16xf32>, vector<16xf32>)  : i32 {
      %mul3A_3079 = arith.constant 256 : i32
      %mul3A_3080 = arith.muli %scan3A_3062, %mul3A_3079 : i32
      %add3A_3081 = arith.constant 0 : i32
      %add3A_3082 = arith.addi %mul3A_3080, %add3A_3081 : i32
      %get3A = arith.index_cast %add3A_3082 : i32 to index
      %get3A_3083 = tpu.vector_load %arg11[%get3A] {strides = array<i32>} : memref<4096xf32, #tpu.memory_space<vmem>>, vector<16xf32>,
      %add3A_3084 = arith.addf %scan3A_3063, %get3A_3083 : vector<16xf32>
      %add3A_3085 = arith.constant 16 : i32
      %add3A_3086 = arith.addi %mul3A_3080, %add3A_3085 : i32
      %get3A_3087 = arith.index_cast %add3A_3086 : i32 to index
      %get3A_3088 = tpu.vector_load %arg11[%get3A_3087] {strides = array<i32>} : memref<4096xf32, #tpu.memory_space<vmem>>, vector<16xf32>,
      %add3A_3089 = arith.addf %scan3A_3064, %get3A_3088 : vector<16xf32>
      %add3A_3090 = arith.constant 32 : i32
      %add3A_3091 = arith.addi %mul3A_3080, %add3A_3090 : i32
      %get3A_3092 = arith.index_cast %add3A_3091 : i32 to index
      %get3A_3093 = tpu.vector_load %arg11[%get3A_3092] {strides = array<i32>} : memref<4096xf32, #tpu.memory_space<vmem>>, vector<16xf32>,
      %add3A_3094 = arith.addf %scan3A_3065, %get3A_3093 : vector<16xf32>
      %add3A_3095 = arith.constant 48 : i32
      %add3A_3096 = arith.addi %mul3A_3080, %add3A_3095 : i32
      %get3A_3097 = arith.index_cast %add3A_3096 : i32 to index
      %get3A_3098 = tpu.vector_load %arg11[%get3A_3097] {strides = array<i32>} : memref<4096xf32, #tpu.memory_space<vmem>>, vector<16xf32>,
      %add3A_3099 = arith.addf %scan3A_3066, %get3A_3098 : vector<16xf32>
      %add3A_3100 = arith.constant 64 : i32
      %add3A_3101 = arith.addi %mul3A_3080, %add3A_3100 : i32
      %get3A_3102 = arith.index_cast %add3A_3101 : i32 to index
      %get3A_3103 = tpu.vector_load %arg11[%get3A_3102] {strides = array<i32>} : memref<4096xf32, #tpu.memory_space<vmem>>, vector<16xf32>,
      %add3A_3104 = arith.addf %scan3A_3067, %get3A_3103 : vector<16xf32>
      %add3A_3105 = arith.constant 80 : i32
      %add3A_3106 = arith.addi %mul3A_3080, %add3A_3105 : i32
      %get3A_3107 = arith.index_cast %add3A_3106 : i32 to index
      %get3A_3108 = tpu.vector_load %arg11[%get3A_3107] {strides = array<i32>} : memref<4096xf32, #tpu.memory_space<vmem>>, vector<16xf32>,
      %add3A_3109 = arith.addf %scan3A_3068, %get3A_3108 : vector<16xf32>
      %add3A_3110 = arith.constant 96 : i32
      %add3A_3111 = arith.addi %mul3A_3080, %add3A_3110 : i32
      %get3A_3112 = arith.index_cast %add3A_3111 : i32 to index
      %get3A_3113 = tpu.vector_load %arg11[%get3A_3112] {strides = array<i32>} : memref<4096xf32, #tpu.memory_space<vmem>>, vector<16xf32>,
      %add3A_3114 = arith.addf %scan3A_3069, %get3A_3113 : vector<16xf32>
      %add3A_3115 = arith.constant 112 : i32
      %add3A_3116 = arith.addi %mul3A_3080, %add3A_3115 : i32
      %get3A_3117 = arith.index_cast %add3A_3116 : i32 to index
      %get3A_3118 = tpu.vector_load %arg11[%get3A_3117] {strides = array<i32>} : memref<4096xf32, #tpu.memory_space<vmem>>, vector<16xf32>,
      %add3A_3119 = arith.addf %scan3A_3070, %get3A_3118 : vector<16xf32>
      %add3A_3120 = arith.constant 128 : i32
      %add3A_3121 = arith.addi %mul3A_3080, %add3A_3120 : i32
      %add3A_3122 = arith.constant 0 : i32
      %add3A_3123 = arith.addi %add3A_3121, %add3A_3122 : i32
      %get3A_3124 = arith.index_cast %add3A_3123 : i32 to index
      %get3A_3125 = tpu.vector_load %arg11[%get3A_3124] {strides = array<i32>} : memref<4096xf32, #tpu.memory_space<vmem>>, vector<16xf32>,
      %add3A_3126 = arith.addf %scan3A_3071, %get3A_3125 : vector<16xf32>
      %add3A_3127 = arith.constant 128 : i32
      %add3A_3128 = arith.addi %mul3A_3080, %add3A_3127 : i32
      %add3A_3129 = arith.constant 16 : i32
      %add3A_3130 = arith.addi %add3A_3128, %add3A_3129 : i32
      %get3A_3131 = arith.index_cast %add3A_3130 : i32 to index
      %get3A_3132 = tpu.vector_load %arg11[%get3A_3131] {strides = array<i32>} : memref<4096xf32, #tpu.memory_space<vmem>>, vector<16xf32>,
      %add3A_3133 = arith.addf %scan3A_3072, %get3A_3132 : vector<16xf32>
      %add3A_3134 = arith.constant 128 : i32
      %add3A_3135 = arith.addi %mul3A_3080, %add3A_3134 : i32
      %add3A_3136 = arith.constant 32 : i32
      %add3A_3137 = arith.addi %add3A_3135, %add3A_3136 : i32
      %get3A_3138 = arith.index_cast %add3A_3137 : i32 to index
      %get3A_3139 = tpu.vector_load %arg11[%get3A_3138] {strides = array<i32>} : memref<4096xf32, #tpu.memory_space<vmem>>, vector<16xf32>,
      %add3A_3140 = arith.addf %scan3A_3073, %get3A_3139 : vector<16xf32>
      %add3A_3141 = arith.constant 128 : i32
      %add3A_3142 = arith.addi %mul3A_3080, %add3A_3141 : i32
      %add3A_3143 = arith.constant 48 : i32
      %add3A_3144 = arith.addi %add3A_3142, %add3A_3143 : i32
      %get3A_3145 = arith.index_cast %add3A_3144 : i32 to index
      %get3A_3146 = tpu.vector_load %arg11[%get3A_3145] {strides = array<i32>} : memref<4096xf32, #tpu.memory_space<vmem>>, vector<16xf32>,
      %add3A_3147 = arith.addf %scan3A_3074, %get3A_3146 : vector<16xf32>
      %add3A_3148 = arith.constant 128 : i32
      %add3A_3149 = arith.addi %mul3A_3080, %add3A_3148 : i32
      %add3A_3150 = arith.constant 64 : i32
      %add3A_3151 = arith.addi %add3A_3149, %add3A_3150 : i32
      %get3A_3152 = arith.index_cast %add3A_3151 : i32 to index
      %get3A_3153 = tpu.vector_load %arg11[%get3A_3152] {strides = array<i32>} : memref<4096xf32, #tpu.memory_space<vmem>>, vector<16xf32>,
      %add3A_3154 = arith.addf %scan3A_3075, %get3A_3153 : vector<16xf32>
      %add3A_3155 = arith.constant 128 : i32
      %add3A_3156 = arith.addi %mul3A_3080, %add3A_3155 : i32
      %add3A_3157 = arith.constant 80 : i32
      %add3A_3158 = arith.addi %add3A_3156, %add3A_3157 : i32
      %get3A_3159 = arith.index_cast %add3A_3158 : i32 to index
      %get3A_3160 = tpu.vector_load %arg11[%get3A_3159] {strides = array<i32>} : memref<4096xf32, #tpu.memory_space<vmem>>, vector<16xf32>,
      %add3A_3161 = arith.addf %scan3A_3076, %get3A_3160 : vector<16xf32>
      %add3A_3162 = arith.constant 128 : i32
      %add3A_3163 = arith.addi %mul3A_3080, %add3A_3162 : i32
      %add3A_3164 = arith.constant 96 : i32
      %add3A_3165 = arith.addi %add3A_3163, %add3A_3164 : i32
      %get3A_3166 = arith.index_cast %add3A_3165 : i32 to index
      %get3A_3167 = tpu.vector_load %arg11[%get3A_3166] {strides = array<i32>} : memref<4096xf32, #tpu.memory_space<vmem>>, vector<16xf32>,
      %add3A_3168 = arith.addf %scan3A_3077, %get3A_3167 : vector<16xf32>
      %add3A_3169 = arith.constant 128 : i32
      %add3A_3170 = arith.addi %mul3A_3080, %add3A_3169 : i32
      %add3A_3171 = arith.constant 112 : i32
      %add3A_3172 = arith.addi %add3A_3170, %add3A_3171 : i32
      %get3A_3173 = arith.index_cast %add3A_3172 : i32 to index
      %get3A_3174 = tpu.vector_load %arg11[%get3A_3173] {strides = array<i32>} : memref<4096xf32, #tpu.memory_space<vmem>>, vector<16xf32>,
      %add3A_3175 = arith.addf %scan3A_3078, %get3A_3174 : vector<16xf32>
      scf.yield %add3A_3084, %add3A_3089, %add3A_3094, %add3A_3099, %add3A_3104, %add3A_3109, %add3A_3114, %add3A_3119, %add3A_3126, %add3A_3133, %add3A_3140, %add3A_3147, %add3A_3154, %add3A_3161, %add3A_3168, %add3A_3175 : vector<16xf32>, vector<16xf32>, vector<16xf32>, vector<16xf32>, vector<16xf32>, vector<16xf32>, vector<16xf32>, vector<16xf32>, vector<16xf32>, vector<16xf32>, vector<16xf32>, vector<16xf32>, vector<16xf32>, vector<16xf32>, vector<16xf32>, vector<16xf32>
    }
    %scan3A_67 = arith.constant 16 : i32
    %broadcast_in_dim3A_68 = arith.constant 0.000000e+00 : f32
    %broadcast_in_dim3A_69 = vector.broadcast %broadcast_in_dim3A_68 : f32 to vector<16xf32>
    %lt3A = arith.constant 15 : i32
    %lt3A_70 = vector.broadcast %lt3A : i32 to vector<16xi32>
    %lt3A_71 = arith.cmpi slt, %iota3A, %lt3A_70 : vector<16xi32>
    %add3A_72 = arith.constant 1 : i32
    %add3A_73 = vector.broadcast %add3A_72 : i32 to vector<16xi32>
    %add3A_74 = arith.addi %iota3A, %add3A_73 : vector<16xi32>
    %and3A = arith.constant 15 : i32
    %and3A_75 = vector.broadcast %and3A : i32 to vector<16xi32>
    %and3A_76 = arith.andi %add3A_74, %and3A_75 : vector<16xi32>
    %broadcast_in_dim3A_77 = vector.shape_cast %and3A_76 : vector<16xi32> to vector<16x1xi32>
    %gather3A = vector.shape_cast %broadcast_in_dim3A_77 : vector<16x1xi32> to vector<16xi32>
    %gather3A_78 = tpu.dynamic_gather %scan3A_66#7[%gather3A] in [0] : vector<16xf32>, vector<16xi32> -> vector<16xf32>
    %jit3A = arith.constant 0.000000e+00 : f32
    %broadcast_in_dim3A_79 = vector.broadcast %jit3A : f32 to vector<16xf32>
    %select_n3A = arith.select %lt3A_71, %gather3A_78, %broadcast_in_dim3A_79 : vector<16xi1>, vector<16xf32>
    %add3A_80 = arith.addf %scan3A_66#7, %select_n3A : vector<16xf32>
    %lt3A_81 = arith.constant 14 : i32
    %lt3A_82 = vector.broadcast %lt3A_81 : i32 to vector<16xi32>
    %lt3A_83 = arith.cmpi slt, %iota3A, %lt3A_82 : vector<16xi32>
    %add3A_84 = arith.constant 2 : i32
    %add3A_85 = vector.broadcast %add3A_84 : i32 to vector<16xi32>
    %add3A_86 = arith.addi %iota3A, %add3A_85 : vector<16xi32>
    %and3A_87 = arith.constant 15 : i32
    %and3A_88 = vector.broadcast %and3A_87 : i32 to vector<16xi32>
    %and3A_89 = arith.andi %add3A_86, %and3A_88 : vector<16xi32>
    %broadcast_in_dim3A_90 = vector.shape_cast %and3A_89 : vector<16xi32> to vector<16x1xi32>
    %gather3A_91 = vector.shape_cast %broadcast_in_dim3A_90 : vector<16x1xi32> to vector<16xi32>
    %gather3A_92 = tpu.dynamic_gather %add3A_80[%gather3A_91] in [0] : vector<16xf32>, vector<16xi32> -> vector<16xf32>
    %jit3A_93 = arith.constant 0.000000e+00 : f32
    %broadcast_in_dim3A_94 = vector.broadcast %jit3A_93 : f32 to vector<16xf32>
    %select_n3A_95 = arith.select %lt3A_83, %gather3A_92, %broadcast_in_dim3A_94 : vector<16xi1>, vector<16xf32>
    %add3A_96 = arith.addf %add3A_80, %select_n3A_95 : vector<16xf32>
    %lt3A_97 = arith.constant 12 : i32
    %lt3A_98 = vector.broadcast %lt3A_97 : i32 to vector<16xi32>
    %lt3A_99 = arith.cmpi slt, %iota3A, %lt3A_98 : vector<16xi32>
    %add3A_100 = arith.constant 4 : i32
    %add3A_101 = vector.broadcast %add3A_100 : i32 to vector<16xi32>
    %add3A_102 = arith.addi %iota3A, %add3A_101 : vector<16xi32>
    %and3A_103 = arith.constant 15 : i32
    %and3A_104 = vector.broadcast %and3A_103 : i32 to vector<16xi32>
    %and3A_105 = arith.andi %add3A_102, %and3A_104 : vector<16xi32>
    %broadcast_in_dim3A_106 = vector.shape_cast %and3A_105 : vector<16xi32> to vector<16x1xi32>
    %gather3A_107 = vector.shape_cast %broadcast_in_dim3A_106 : vector<16x1xi32> to vector<16xi32>
    %gather3A_108 = tpu.dynamic_gather %add3A_96[%gather3A_107] in [0] : vector<16xf32>, vector<16xi32> -> vector<16xf32>
    %jit3A_109 = arith.constant 0.000000e+00 : f32
    %broadcast_in_dim3A_110 = vector.broadcast %jit3A_109 : f32 to vector<16xf32>
    %select_n3A_111 = arith.select %lt3A_99, %gather3A_108, %broadcast_in_dim3A_110 : vector<16xi1>, vector<16xf32>
    %add3A_112 = arith.addf %add3A_96, %select_n3A_111 : vector<16xf32>
    %lt3A_113 = arith.constant 8 : i32
    %lt3A_114 = vector.broadcast %lt3A_113 : i32 to vector<16xi32>
    %lt3A_115 = arith.cmpi slt, %iota3A, %lt3A_114 : vector<16xi32>
    %add3A_116 = arith.constant 8 : i32
    %add3A_117 = vector.broadcast %add3A_116 : i32 to vector<16xi32>
    %add3A_118 = arith.addi %iota3A, %add3A_117 : vector<16xi32>
    %and3A_119 = arith.constant 15 : i32
    %and3A_120 = vector.broadcast %and3A_119 : i32 to vector<16xi32>
    %and3A_121 = arith.andi %add3A_118, %and3A_120 : vector<16xi32>
    %broadcast_in_dim3A_122 = vector.shape_cast %and3A_121 : vector<16xi32> to vector<16x1xi32>
    %gather3A_123 = vector.shape_cast %broadcast_in_dim3A_122 : vector<16x1xi32> to vector<16xi32>
    %gather3A_124 = tpu.dynamic_gather %add3A_112[%gather3A_123] in [0] : vector<16xf32>, vector<16xi32> -> vector<16xf32>
    %jit3A_125 = arith.constant 0.000000e+00 : f32
    %broadcast_in_dim3A_126 = vector.broadcast %jit3A_125 : f32 to vector<16xf32>
    %select_n3A_127 = arith.select %lt3A_115, %gather3A_124, %broadcast_in_dim3A_126 : vector<16xi1>, vector<16xf32>
    %add3A_128 = arith.addf %add3A_112, %select_n3A_127 : vector<16xf32>
    %add3A_129 = arith.addf %add3A_128, %broadcast_in_dim3A_69 : vector<16xf32>
    %broadcast_in_dim3A_130 = vector.shape_cast %broadcast_in_dim3A_1 : vector<16xi32> to vector<16x1xi32>
    %gather3A_131 = vector.shape_cast %broadcast_in_dim3A_130 : vector<16x1xi32> to vector<16xi32>
    %gather3A_132 = tpu.dynamic_gather %add3A_129[%gather3A_131] in [0] : vector<16xf32>, vector<16xi32> -> vector<16xf32>
    %lt3A_133 = arith.constant 15 : i32
    %lt3A_134 = vector.broadcast %lt3A_133 : i32 to vector<16xi32>
    %lt3A_135 = arith.cmpi slt, %iota3A, %lt3A_134 : vector<16xi32>
    %add3A_136 = arith.constant 1 : i32
    %add3A_137 = vector.broadcast %add3A_136 : i32 to vector<16xi32>
    %add3A_138 = arith.addi %iota3A, %add3A_137 : vector<16xi32>
    %and3A_139 = arith.constant 15 : i32
    %and3A_140 = vector.broadcast %and3A_139 : i32 to vector<16xi32>
    %and3A_141 = arith.andi %add3A_138, %and3A_140 : vector<16xi32>
    %broadcast_in_dim3A_142 = vector.shape_cast %and3A_141 : vector<16xi32> to vector<16x1xi32>
    %gather3A_143 = vector.shape_cast %broadcast_in_dim3A_142 : vector<16x1xi32> to vector<16xi32>
    %gather3A_144 = tpu.dynamic_gather %scan3A_66#6[%gather3A_143] in [0] : vector<16xf32>, vector<16xi32> -> vector<16xf32>
    %jit3A_145 = arith.constant 0.000000e+00 : f32
    %broadcast_in_dim3A_146 = vector.broadcast %jit3A_145 : f32 to vector<16xf32>
    %select_n3A_147 = arith.select %lt3A_135, %gather3A_144, %broadcast_in_dim3A_146 : vector<16xi1>, vector<16xf32>
    %add3A_148 = arith.addf %scan3A_66#6, %select_n3A_147 : vector<16xf32>
    %lt3A_149 = arith.constant 14 : i32
    %lt3A_150 = vector.broadcast %lt3A_149 : i32 to vector<16xi32>
    %lt3A_151 = arith.cmpi slt, %iota3A, %lt3A_150 : vector<16xi32>
    %add3A_152 = arith.constant 2 : i32
    %add3A_153 = vector.broadcast %add3A_152 : i32 to vector<16xi32>
    %add3A_154 = arith.addi %iota3A, %add3A_153 : vector<16xi32>
    %and3A_155 = arith.constant 15 : i32
    %and3A_156 = vector.broadcast %and3A_155 : i32 to vector<16xi32>
    %and3A_157 = arith.andi %add3A_154, %and3A_156 : vector<16xi32>
    %broadcast_in_dim3A_158 = vector.shape_cast %and3A_157 : vector<16xi32> to vector<16x1xi32>
    %gather3A_159 = vector.shape_cast %broadcast_in_dim3A_158 : vector<16x1xi32> to vector<16xi32>
    %gather3A_160 = tpu.dynamic_gather %add3A_148[%gather3A_159] in [0] : vector<16xf32>, vector<16xi32> -> vector<16xf32>
    %jit3A_161 = arith.constant 0.000000e+00 : f32
    %broadcast_in_dim3A_162 = vector.broadcast %jit3A_161 : f32 to vector<16xf32>
    %select_n3A_163 = arith.select %lt3A_151, %gather3A_160, %broadcast_in_dim3A_162 : vector<16xi1>, vector<16xf32>
    %add3A_164 = arith.addf %add3A_148, %select_n3A_163 : vector<16xf32>
    %lt3A_165 = arith.constant 12 : i32
    %lt3A_166 = vector.broadcast %lt3A_165 : i32 to vector<16xi32>
    %lt3A_167 = arith.cmpi slt, %iota3A, %lt3A_166 : vector<16xi32>
    %add3A_168 = arith.constant 4 : i32
    %add3A_169 = vector.broadcast %add3A_168 : i32 to vector<16xi32>
    %add3A_170 = arith.addi %iota3A, %add3A_169 : vector<16xi32>
    %and3A_171 = arith.constant 15 : i32
    %and3A_172 = vector.broadcast %and3A_171 : i32 to vector<16xi32>
    %and3A_173 = arith.andi %add3A_170, %and3A_172 : vector<16xi32>
    %broadcast_in_dim3A_174 = vector.shape_cast %and3A_173 : vector<16xi32> to vector<16x1xi32>
    %gather3A_175 = vector.shape_cast %broadcast_in_dim3A_174 : vector<16x1xi32> to vector<16xi32>
    %gather3A_176 = tpu.dynamic_gather %add3A_164[%gather3A_175] in [0] : vector<16xf32>, vector<16xi32> -> vector<16xf32>
    %jit3A_177 = arith.constant 0.000000e+00 : f32
    %broadcast_in_dim3A_178 = vector.broadcast %jit3A_177 : f32 to vector<16xf32>
    %select_n3A_179 = arith.select %lt3A_167, %gather3A_176, %broadcast_in_dim3A_178 : vector<16xi1>, vector<16xf32>
    %add3A_180 = arith.addf %add3A_164, %select_n3A_179 : vector<16xf32>
    %lt3A_181 = arith.constant 8 : i32
    %lt3A_182 = vector.broadcast %lt3A_181 : i32 to vector<16xi32>
    %lt3A_183 = arith.cmpi slt, %iota3A, %lt3A_182 : vector<16xi32>
    %add3A_184 = arith.constant 8 : i32
    %add3A_185 = vector.broadcast %add3A_184 : i32 to vector<16xi32>
    %add3A_186 = arith.addi %iota3A, %add3A_185 : vector<16xi32>
    %and3A_187 = arith.constant 15 : i32
    %and3A_188 = vector.broadcast %and3A_187 : i32 to vector<16xi32>
    %and3A_189 = arith.andi %add3A_186, %and3A_188 : vector<16xi32>
    %broadcast_in_dim3A_190 = vector.shape_cast %and3A_189 : vector<16xi32> to vector<16x1xi32>
    %gather3A_191 = vector.shape_cast %broadcast_in_dim3A_190 : vector<16x1xi32> to vector<16xi32>
    %gather3A_192 = tpu.dynamic_gather %add3A_180[%gather3A_191] in [0] : vector<16xf32>, vector<16xi32> -> vector<16xf32>
    %jit3A_193 = arith.constant 0.000000e+00 : f32
    %broadcast_in_dim3A_194 = vector.broadcast %jit3A_193 : f32 to vector<16xf32>
    %select_n3A_195 = arith.select %lt3A_183, %gather3A_192, %broadcast_in_dim3A_194 : vector<16xi1>, vector<16xf32>
    %add3A_196 = arith.addf %add3A_180, %select_n3A_195 : vector<16xf32>
    %add3A_197 = arith.addf %add3A_196, %gather3A_132 : vector<16xf32>
    %broadcast_in_dim3A_198 = vector.shape_cast %broadcast_in_dim3A_1 : vector<16xi32> to vector<16x1xi32>
    %gather3A_199 = vector.shape_cast %broadcast_in_dim3A_198 : vector<16x1xi32> to vector<16xi32>
    %gather3A_200 = tpu.dynamic_gather %add3A_197[%gather3A_199] in [0] : vector<16xf32>, vector<16xi32> -> vector<16xf32>
    %lt3A_201 = arith.constant 15 : i32
    %lt3A_202 = vector.broadcast %lt3A_201 : i32 to vector<16xi32>
    %lt3A_203 = arith.cmpi slt, %iota3A, %lt3A_202 : vector<16xi32>
    %add3A_204 = arith.constant 1 : i32
    %add3A_205 = vector.broadcast %add3A_204 : i32 to vector<16xi32>
    %add3A_206 = arith.addi %iota3A, %add3A_205 : vector<16xi32>
    %and3A_207 = arith.constant 15 : i32
    %and3A_208 = vector.broadcast %and3A_207 : i32 to vector<16xi32>
    %and3A_209 = arith.andi %add3A_206, %and3A_208 : vector<16xi32>
    %broadcast_in_dim3A_210 = vector.shape_cast %and3A_209 : vector<16xi32> to vector<16x1xi32>
    %gather3A_211 = vector.shape_cast %broadcast_in_dim3A_210 : vector<16x1xi32> to vector<16xi32>
    %gather3A_212 = tpu.dynamic_gather %scan3A_66#5[%gather3A_211] in [0] : vector<16xf32>, vector<16xi32> -> vector<16xf32>
    %jit3A_213 = arith.constant 0.000000e+00 : f32
    %broadcast_in_dim3A_214 = vector.broadcast %jit3A_213 : f32 to vector<16xf32>
    %select_n3A_215 = arith.select %lt3A_203, %gather3A_212, %broadcast_in_dim3A_214 : vector<16xi1>, vector<16xf32>
    %add3A_216 = arith.addf %scan3A_66#5, %select_n3A_215 : vector<16xf32>
    %lt3A_217 = arith.constant 14 : i32
    %lt3A_218 = vector.broadcast %lt3A_217 : i32 to vector<16xi32>
    %lt3A_219 = arith.cmpi slt, %iota3A, %lt3A_218 : vector<16xi32>
    %add3A_220 = arith.constant 2 : i32
    %add3A_221 = vector.broadcast %add3A_220 : i32 to vector<16xi32>
    %add3A_222 = arith.addi %iota3A, %add3A_221 : vector<16xi32>
    %and3A_223 = arith.constant 15 : i32
    %and3A_224 = vector.broadcast %and3A_223 : i32 to vector<16xi32>
    %and3A_225 = arith.andi %add3A_222, %and3A_224 : vector<16xi32>
    %broadcast_in_dim3A_226 = vector.shape_cast %and3A_225 : vector<16xi32> to vector<16x1xi32>
    %gather3A_227 = vector.shape_cast %broadcast_in_dim3A_226 : vector<16x1xi32> to vector<16xi32>
    %gather3A_228 = tpu.dynamic_gather %add3A_216[%gather3A_227] in [0] : vector<16xf32>, vector<16xi32> -> vector<16xf32>
    %jit3A_229 = arith.constant 0.000000e+00 : f32
    %broadcast_in_dim3A_230 = vector.broadcast %jit3A_229 : f32 to vector<16xf32>
    %select_n3A_231 = arith.select %lt3A_219, %gather3A_228, %broadcast_in_dim3A_230 : vector<16xi1>, vector<16xf32>
    %add3A_232 = arith.addf %add3A_216, %select_n3A_231 : vector<16xf32>
    %lt3A_233 = arith.constant 12 : i32
    %lt3A_234 = vector.broadcast %lt3A_233 : i32 to vector<16xi32>
    %lt3A_235 = arith.cmpi slt, %iota3A, %lt3A_234 : vector<16xi32>
    %add3A_236 = arith.constant 4 : i32
    %add3A_237 = vector.broadcast %add3A_236 : i32 to vector<16xi32>
    %add3A_238 = arith.addi %iota3A, %add3A_237 : vector<16xi32>
    %and3A_239 = arith.constant 15 : i32
    %and3A_240 = vector.broadcast %and3A_239 : i32 to vector<16xi32>
    %and3A_241 = arith.andi %add3A_238, %and3A_240 : vector<16xi32>
    %broadcast_in_dim3A_242 = vector.shape_cast %and3A_241 : vector<16xi32> to vector<16x1xi32>
    %gather3A_243 = vector.shape_cast %broadcast_in_dim3A_242 : vector<16x1xi32> to vector<16xi32>
    %gather3A_244 = tpu.dynamic_gather %add3A_232[%gather3A_243] in [0] : vector<16xf32>, vector<16xi32> -> vector<16xf32>
    %jit3A_245 = arith.constant 0.000000e+00 : f32
    %broadcast_in_dim3A_246 = vector.broadcast %jit3A_245 : f32 to vector<16xf32>
    %select_n3A_247 = arith.select %lt3A_235, %gather3A_244, %broadcast_in_dim3A_246 : vector<16xi1>, vector<16xf32>
    %add3A_248 = arith.addf %add3A_232, %select_n3A_247 : vector<16xf32>
    %lt3A_249 = arith.constant 8 : i32
    %lt3A_250 = vector.broadcast %lt3A_249 : i32 to vector<16xi32>
    %lt3A_251 = arith.cmpi slt, %iota3A, %lt3A_250 : vector<16xi32>
    %add3A_252 = arith.constant 8 : i32
    %add3A_253 = vector.broadcast %add3A_252 : i32 to vector<16xi32>
    %add3A_254 = arith.addi %iota3A, %add3A_253 : vector<16xi32>
    %and3A_255 = arith.constant 15 : i32
    %and3A_256 = vector.broadcast %and3A_255 : i32 to vector<16xi32>
    %and3A_257 = arith.andi %add3A_254, %and3A_256 : vector<16xi32>
    %broadcast_in_dim3A_258 = vector.shape_cast %and3A_257 : vector<16xi32> to vector<16x1xi32>
    %gather3A_259 = vector.shape_cast %broadcast_in_dim3A_258 : vector<16x1xi32> to vector<16xi32>
    %gather3A_260 = tpu.dynamic_gather %add3A_248[%gather3A_259] in [0] : vector<16xf32>, vector<16xi32> -> vector<16xf32>
    %jit3A_261 = arith.constant 0.000000e+00 : f32
    %broadcast_in_dim3A_262 = vector.broadcast %jit3A_261 : f32 to vector<16xf32>
    %select_n3A_263 = arith.select %lt3A_251, %gather3A_260, %broadcast_in_dim3A_262 : vector<16xi1>, vector<16xf32>
    %add3A_264 = arith.addf %add3A_248, %select_n3A_263 : vector<16xf32>
    %add3A_265 = arith.addf %add3A_264, %gather3A_200 : vector<16xf32>
    %broadcast_in_dim3A_266 = vector.shape_cast %broadcast_in_dim3A_1 : vector<16xi32> to vector<16x1xi32>
    %gather3A_267 = vector.shape_cast %broadcast_in_dim3A_266 : vector<16x1xi32> to vector<16xi32>
    %gather3A_268 = tpu.dynamic_gather %add3A_265[%gather3A_267] in [0] : vector<16xf32>, vector<16xi32> -> vector<16xf32>
    %lt3A_269 = arith.constant 15 : i32
    %lt3A_270 = vector.broadcast %lt3A_269 : i32 to vector<16xi32>
    %lt3A_271 = arith.cmpi slt, %iota3A, %lt3A_270 : vector<16xi32>
    %add3A_272 = arith.constant 1 : i32
    %add3A_273 = vector.broadcast %add3A_272 : i32 to vector<16xi32>
    %add3A_274 = arith.addi %iota3A, %add3A_273 : vector<16xi32>
    %and3A_275 = arith.constant 15 : i32
    %and3A_276 = vector.broadcast %and3A_275 : i32 to vector<16xi32>
    %and3A_277 = arith.andi %add3A_274, %and3A_276 : vector<16xi32>
    %broadcast_in_dim3A_278 = vector.shape_cast %and3A_277 : vector<16xi32> to vector<16x1xi32>
    %gather3A_279 = vector.shape_cast %broadcast_in_dim3A_278 : vector<16x1xi32> to vector<16xi32>
    %gather3A_280 = tpu.dynamic_gather %scan3A_66#4[%gather3A_279] in [0] : vector<16xf32>, vector<16xi32> -> vector<16xf32>
    %jit3A_281 = arith.constant 0.000000e+00 : f32
    %broadcast_in_dim3A_282 = vector.broadcast %jit3A_281 : f32 to vector<16xf32>
    %select_n3A_283 = arith.select %lt3A_271, %gather3A_280, %broadcast_in_dim3A_282 : vector<16xi1>, vector<16xf32>
    %add3A_284 = arith.addf %scan3A_66#4, %select_n3A_283 : vector<16xf32>
    %lt3A_285 = arith.constant 14 : i32
    %lt3A_286 = vector.broadcast %lt3A_285 : i32 to vector<16xi32>
    %lt3A_287 = arith.cmpi slt, %iota3A, %lt3A_286 : vector<16xi32>
    %add3A_288 = arith.constant 2 : i32
    %add3A_289 = vector.broadcast %add3A_288 : i32 to vector<16xi32>
    %add3A_290 = arith.addi %iota3A, %add3A_289 : vector<16xi32>
    %and3A_291 = arith.constant 15 : i32
    %and3A_292 = vector.broadcast %and3A_291 : i32 to vector<16xi32>
    %and3A_293 = arith.andi %add3A_290, %and3A_292 : vector<16xi32>
    %broadcast_in_dim3A_294 = vector.shape_cast %and3A_293 : vector<16xi32> to vector<16x1xi32>
    %gather3A_295 = vector.shape_cast %broadcast_in_dim3A_294 : vector<16x1xi32> to vector<16xi32>
    %gather3A_296 = tpu.dynamic_gather %add3A_284[%gather3A_295] in [0] : vector<16xf32>, vector<16xi32> -> vector<16xf32>
    %jit3A_297 = arith.constant 0.000000e+00 : f32
    %broadcast_in_dim3A_298 = vector.broadcast %jit3A_297 : f32 to vector<16xf32>
    %select_n3A_299 = arith.select %lt3A_287, %gather3A_296, %broadcast_in_dim3A_298 : vector<16xi1>, vector<16xf32>
    %add3A_300 = arith.addf %add3A_284, %select_n3A_299 : vector<16xf32>
    %lt3A_301 = arith.constant 12 : i32
    %lt3A_302 = vector.broadcast %lt3A_301 : i32 to vector<16xi32>
    %lt3A_303 = arith.cmpi slt, %iota3A, %lt3A_302 : vector<16xi32>
    %add3A_304 = arith.constant 4 : i32
    %add3A_305 = vector.broadcast %add3A_304 : i32 to vector<16xi32>
    %add3A_306 = arith.addi %iota3A, %add3A_305 : vector<16xi32>
    %and3A_307 = arith.constant 15 : i32
    %and3A_308 = vector.broadcast %and3A_307 : i32 to vector<16xi32>
    %and3A_309 = arith.andi %add3A_306, %and3A_308 : vector<16xi32>
    %broadcast_in_dim3A_310 = vector.shape_cast %and3A_309 : vector<16xi32> to vector<16x1xi32>
    %gather3A_311 = vector.shape_cast %broadcast_in_dim3A_310 : vector<16x1xi32> to vector<16xi32>
    %gather3A_312 = tpu.dynamic_gather %add3A_300[%gather3A_311] in [0] : vector<16xf32>, vector<16xi32> -> vector<16xf32>
    %jit3A_313 = arith.constant 0.000000e+00 : f32
    %broadcast_in_dim3A_314 = vector.broadcast %jit3A_313 : f32 to vector<16xf32>
    %select_n3A_315 = arith.select %lt3A_303, %gather3A_312, %broadcast_in_dim3A_314 : vector<16xi1>, vector<16xf32>
    %add3A_316 = arith.addf %add3A_300, %select_n3A_315 : vector<16xf32>
    %lt3A_317 = arith.constant 8 : i32
    %lt3A_318 = vector.broadcast %lt3A_317 : i32 to vector<16xi32>
    %lt3A_319 = arith.cmpi slt, %iota3A, %lt3A_318 : vector<16xi32>
    %add3A_320 = arith.constant 8 : i32
    %add3A_321 = vector.broadcast %add3A_320 : i32 to vector<16xi32>
    %add3A_322 = arith.addi %iota3A, %add3A_321 : vector<16xi32>
    %and3A_323 = arith.constant 15 : i32
    %and3A_324 = vector.broadcast %and3A_323 : i32 to vector<16xi32>
    %and3A_325 = arith.andi %add3A_322, %and3A_324 : vector<16xi32>
    %broadcast_in_dim3A_326 = vector.shape_cast %and3A_325 : vector<16xi32> to vector<16x1xi32>
    %gather3A_327 = vector.shape_cast %broadcast_in_dim3A_326 : vector<16x1xi32> to vector<16xi32>
    %gather3A_328 = tpu.dynamic_gather %add3A_316[%gather3A_327] in [0] : vector<16xf32>, vector<16xi32> -> vector<16xf32>
    %jit3A_329 = arith.constant 0.000000e+00 : f32
    %broadcast_in_dim3A_330 = vector.broadcast %jit3A_329 : f32 to vector<16xf32>
    %select_n3A_331 = arith.select %lt3A_319, %gather3A_328, %broadcast_in_dim3A_330 : vector<16xi1>, vector<16xf32>
    %add3A_332 = arith.addf %add3A_316, %select_n3A_331 : vector<16xf32>
    %add3A_333 = arith.addf %add3A_332, %gather3A_268 : vector<16xf32>
    %broadcast_in_dim3A_334 = vector.shape_cast %broadcast_in_dim3A_1 : vector<16xi32> to vector<16x1xi32>
    %gather3A_335 = vector.shape_cast %broadcast_in_dim3A_334 : vector<16x1xi32> to vector<16xi32>
    %gather3A_336 = tpu.dynamic_gather %add3A_333[%gather3A_335] in [0] : vector<16xf32>, vector<16xi32> -> vector<16xf32>
    %lt3A_337 = arith.constant 15 : i32
    %lt3A_338 = vector.broadcast %lt3A_337 : i32 to vector<16xi32>
    %lt3A_339 = arith.cmpi slt, %iota3A, %lt3A_338 : vector<16xi32>
    %add3A_340 = arith.constant 1 : i32
    %add3A_341 = vector.broadcast %add3A_340 : i32 to vector<16xi32>
    %add3A_342 = arith.addi %iota3A, %add3A_341 : vector<16xi32>
    %and3A_343 = arith.constant 15 : i32
    %and3A_344 = vector.broadcast %and3A_343 : i32 to vector<16xi32>
    %and3A_345 = arith.andi %add3A_342, %and3A_344 : vector<16xi32>
    %broadcast_in_dim3A_346 = vector.shape_cast %and3A_345 : vector<16xi32> to vector<16x1xi32>
    %gather3A_347 = vector.shape_cast %broadcast_in_dim3A_346 : vector<16x1xi32> to vector<16xi32>
    %gather3A_348 = tpu.dynamic_gather %scan3A_66#3[%gather3A_347] in [0] : vector<16xf32>, vector<16xi32> -> vector<16xf32>
    %jit3A_349 = arith.constant 0.000000e+00 : f32
    %broadcast_in_dim3A_350 = vector.broadcast %jit3A_349 : f32 to vector<16xf32>
    %select_n3A_351 = arith.select %lt3A_339, %gather3A_348, %broadcast_in_dim3A_350 : vector<16xi1>, vector<16xf32>
    %add3A_352 = arith.addf %scan3A_66#3, %select_n3A_351 : vector<16xf32>
    %lt3A_353 = arith.constant 14 : i32
    %lt3A_354 = vector.broadcast %lt3A_353 : i32 to vector<16xi32>
    %lt3A_355 = arith.cmpi slt, %iota3A, %lt3A_354 : vector<16xi32>
    %add3A_356 = arith.constant 2 : i32
    %add3A_357 = vector.broadcast %add3A_356 : i32 to vector<16xi32>
    %add3A_358 = arith.addi %iota3A, %add3A_357 : vector<16xi32>
    %and3A_359 = arith.constant 15 : i32
    %and3A_360 = vector.broadcast %and3A_359 : i32 to vector<16xi32>
    %and3A_361 = arith.andi %add3A_358, %and3A_360 : vector<16xi32>
    %broadcast_in_dim3A_362 = vector.shape_cast %and3A_361 : vector<16xi32> to vector<16x1xi32>
    %gather3A_363 = vector.shape_cast %broadcast_in_dim3A_362 : vector<16x1xi32> to vector<16xi32>
    %gather3A_364 = tpu.dynamic_gather %add3A_352[%gather3A_363] in [0] : vector<16xf32>, vector<16xi32> -> vector<16xf32>
    %jit3A_365 = arith.constant 0.000000e+00 : f32
    %broadcast_in_dim3A_366 = vector.broadcast %jit3A_365 : f32 to vector<16xf32>
    %select_n3A_367 = arith.select %lt3A_355, %gather3A_364, %broadcast_in_dim3A_366 : vector<16xi1>, vector<16xf32>
    %add3A_368 = arith.addf %add3A_352, %select_n3A_367 : vector<16xf32>
    %lt3A_369 = arith.constant 12 : i32
    %lt3A_370 = vector.broadcast %lt3A_369 : i32 to vector<16xi32>
    %lt3A_371 = arith.cmpi slt, %iota3A, %lt3A_370 : vector<16xi32>
    %add3A_372 = arith.constant 4 : i32
    %add3A_373 = vector.broadcast %add3A_372 : i32 to vector<16xi32>
    %add3A_374 = arith.addi %iota3A, %add3A_373 : vector<16xi32>
    %and3A_375 = arith.constant 15 : i32
    %and3A_376 = vector.broadcast %and3A_375 : i32 to vector<16xi32>
    %and3A_377 = arith.andi %add3A_374, %and3A_376 : vector<16xi32>
    %broadcast_in_dim3A_378 = vector.shape_cast %and3A_377 : vector<16xi32> to vector<16x1xi32>
    %gather3A_379 = vector.shape_cast %broadcast_in_dim3A_378 : vector<16x1xi32> to vector<16xi32>
    %gather3A_380 = tpu.dynamic_gather %add3A_368[%gather3A_379] in [0] : vector<16xf32>, vector<16xi32> -> vector<16xf32>
    %jit3A_381 = arith.constant 0.000000e+00 : f32
    %broadcast_in_dim3A_382 = vector.broadcast %jit3A_381 : f32 to vector<16xf32>
    %select_n3A_383 = arith.select %lt3A_371, %gather3A_380, %broadcast_in_dim3A_382 : vector<16xi1>, vector<16xf32>
    %add3A_384 = arith.addf %add3A_368, %select_n3A_383 : vector<16xf32>
    %lt3A_385 = arith.constant 8 : i32
    %lt3A_386 = vector.broadcast %lt3A_385 : i32 to vector<16xi32>
    %lt3A_387 = arith.cmpi slt, %iota3A, %lt3A_386 : vector<16xi32>
    %add3A_388 = arith.constant 8 : i32
    %add3A_389 = vector.broadcast %add3A_388 : i32 to vector<16xi32>
    %add3A_390 = arith.addi %iota3A, %add3A_389 : vector<16xi32>
    %and3A_391 = arith.constant 15 : i32
    %and3A_392 = vector.broadcast %and3A_391 : i32 to vector<16xi32>
    %and3A_393 = arith.andi %add3A_390, %and3A_392 : vector<16xi32>
    %broadcast_in_dim3A_394 = vector.shape_cast %and3A_393 : vector<16xi32> to vector<16x1xi32>
    %gather3A_395 = vector.shape_cast %broadcast_in_dim3A_394 : vector<16x1xi32> to vector<16xi32>
    %gather3A_396 = tpu.dynamic_gather %add3A_384[%gather3A_395] in [0] : vector<16xf32>, vector<16xi32> -> vector<16xf32>
    %jit3A_397 = arith.constant 0.000000e+00 : f32
    %broadcast_in_dim3A_398 = vector.broadcast %jit3A_397 : f32 to vector<16xf32>
    %select_n3A_399 = arith.select %lt3A_387, %gather3A_396, %broadcast_in_dim3A_398 : vector<16xi1>, vector<16xf32>
    %add3A_400 = arith.addf %add3A_384, %select_n3A_399 : vector<16xf32>
    %add3A_401 = arith.addf %add3A_400, %gather3A_336 : vector<16xf32>
    %broadcast_in_dim3A_402 = vector.shape_cast %broadcast_in_dim3A_1 : vector<16xi32> to vector<16x1xi32>
    %gather3A_403 = vector.shape_cast %broadcast_in_dim3A_402 : vector<16x1xi32> to vector<16xi32>
    %gather3A_404 = tpu.dynamic_gather %add3A_401[%gather3A_403] in [0] : vector<16xf32>, vector<16xi32> -> vector<16xf32>
    %lt3A_405 = arith.constant 15 : i32
    %lt3A_406 = vector.broadcast %lt3A_405 : i32 to vector<16xi32>
    %lt3A_407 = arith.cmpi slt, %iota3A, %lt3A_406 : vector<16xi32>
    %add3A_408 = arith.constant 1 : i32
    %add3A_409 = vector.broadcast %add3A_408 : i32 to vector<16xi32>
    %add3A_410 = arith.addi %iota3A, %add3A_409 : vector<16xi32>
    %and3A_411 = arith.constant 15 : i32
    %and3A_412 = vector.broadcast %and3A_411 : i32 to vector<16xi32>
    %and3A_413 = arith.andi %add3A_410, %and3A_412 : vector<16xi32>
    %broadcast_in_dim3A_414 = vector.shape_cast %and3A_413 : vector<16xi32> to vector<16x1xi32>
    %gather3A_415 = vector.shape_cast %broadcast_in_dim3A_414 : vector<16x1xi32> to vector<16xi32>
    %gather3A_416 = tpu.dynamic_gather %scan3A_66#2[%gather3A_415] in [0] : vector<16xf32>, vector<16xi32> -> vector<16xf32>
    %jit3A_417 = arith.constant 0.000000e+00 : f32
    %broadcast_in_dim3A_418 = vector.broadcast %jit3A_417 : f32 to vector<16xf32>
    %select_n3A_419 = arith.select %lt3A_407, %gather3A_416, %broadcast_in_dim3A_418 : vector<16xi1>, vector<16xf32>
    %add3A_420 = arith.addf %scan3A_66#2, %select_n3A_419 : vector<16xf32>
    %lt3A_421 = arith.constant 14 : i32
    %lt3A_422 = vector.broadcast %lt3A_421 : i32 to vector<16xi32>
    %lt3A_423 = arith.cmpi slt, %iota3A, %lt3A_422 : vector<16xi32>
    %add3A_424 = arith.constant 2 : i32
    %add3A_425 = vector.broadcast %add3A_424 : i32 to vector<16xi32>
    %add3A_426 = arith.addi %iota3A, %add3A_425 : vector<16xi32>
    %and3A_427 = arith.constant 15 : i32
    %and3A_428 = vector.broadcast %and3A_427 : i32 to vector<16xi32>
    %and3A_429 = arith.andi %add3A_426, %and3A_428 : vector<16xi32>
    %broadcast_in_dim3A_430 = vector.shape_cast %and3A_429 : vector<16xi32> to vector<16x1xi32>
    %gather3A_431 = vector.shape_cast %broadcast_in_dim3A_430 : vector<16x1xi32> to vector<16xi32>
    %gather3A_432 = tpu.dynamic_gather %add3A_420[%gather3A_431] in [0] : vector<16xf32>, vector<16xi32> -> vector<16xf32>
    %jit3A_433 = arith.constant 0.000000e+00 : f32
    %broadcast_in_dim3A_434 = vector.broadcast %jit3A_433 : f32 to vector<16xf32>
    %select_n3A_435 = arith.select %lt3A_423, %gather3A_432, %broadcast_in_dim3A_434 : vector<16xi1>, vector<16xf32>
    %add3A_436 = arith.addf %add3A_420, %select_n3A_435 : vector<16xf32>
    %lt3A_437 = arith.constant 12 : i32
    %lt3A_438 = vector.broadcast %lt3A_437 : i32 to vector<16xi32>
    %lt3A_439 = arith.cmpi slt, %iota3A, %lt3A_438 : vector<16xi32>
    %add3A_440 = arith.constant 4 : i32
    %add3A_441 = vector.broadcast %add3A_440 : i32 to vector<16xi32>
    %add3A_442 = arith.addi %iota3A, %add3A_441 : vector<16xi32>
    %and3A_443 = arith.constant 15 : i32
    %and3A_444 = vector.broadcast %and3A_443 : i32 to vector<16xi32>
    %and3A_445 = arith.andi %add3A_442, %and3A_444 : vector<16xi32>
    %broadcast_in_dim3A_446 = vector.shape_cast %and3A_445 : vector<16xi32> to vector<16x1xi32>
    %gather3A_447 = vector.shape_cast %broadcast_in_dim3A_446 : vector<16x1xi32> to vector<16xi32>
    %gather3A_448 = tpu.dynamic_gather %add3A_436[%gather3A_447] in [0] : vector<16xf32>, vector<16xi32> -> vector<16xf32>
    %jit3A_449 = arith.constant 0.000000e+00 : f32
    %broadcast_in_dim3A_450 = vector.broadcast %jit3A_449 : f32 to vector<16xf32>
    %select_n3A_451 = arith.select %lt3A_439, %gather3A_448, %broadcast_in_dim3A_450 : vector<16xi1>, vector<16xf32>
    %add3A_452 = arith.addf %add3A_436, %select_n3A_451 : vector<16xf32>
    %lt3A_453 = arith.constant 8 : i32
    %lt3A_454 = vector.broadcast %lt3A_453 : i32 to vector<16xi32>
    %lt3A_455 = arith.cmpi slt, %iota3A, %lt3A_454 : vector<16xi32>
    %add3A_456 = arith.constant 8 : i32
    %add3A_457 = vector.broadcast %add3A_456 : i32 to vector<16xi32>
    %add3A_458 = arith.addi %iota3A, %add3A_457 : vector<16xi32>
    %and3A_459 = arith.constant 15 : i32
    %and3A_460 = vector.broadcast %and3A_459 : i32 to vector<16xi32>
    %and3A_461 = arith.andi %add3A_458, %and3A_460 : vector<16xi32>
    %broadcast_in_dim3A_462 = vector.shape_cast %and3A_461 : vector<16xi32> to vector<16x1xi32>
    %gather3A_463 = vector.shape_cast %broadcast_in_dim3A_462 : vector<16x1xi32> to vector<16xi32>
    %gather3A_464 = tpu.dynamic_gather %add3A_452[%gather3A_463] in [0] : vector<16xf32>, vector<16xi32> -> vector<16xf32>
    %jit3A_465 = arith.constant 0.000000e+00 : f32
    %broadcast_in_dim3A_466 = vector.broadcast %jit3A_465 : f32 to vector<16xf32>
    %select_n3A_467 = arith.select %lt3A_455, %gather3A_464, %broadcast_in_dim3A_466 : vector<16xi1>, vector<16xf32>
    %add3A_468 = arith.addf %add3A_452, %select_n3A_467 : vector<16xf32>
    %add3A_469 = arith.addf %add3A_468, %gather3A_404 : vector<16xf32>
    %broadcast_in_dim3A_470 = vector.shape_cast %broadcast_in_dim3A_1 : vector<16xi32> to vector<16x1xi32>
    %gather3A_471 = vector.shape_cast %broadcast_in_dim3A_470 : vector<16x1xi32> to vector<16xi32>
    %gather3A_472 = tpu.dynamic_gather %add3A_469[%gather3A_471] in [0] : vector<16xf32>, vector<16xi32> -> vector<16xf32>
    %lt3A_473 = arith.constant 15 : i32
    %lt3A_474 = vector.broadcast %lt3A_473 : i32 to vector<16xi32>
    %lt3A_475 = arith.cmpi slt, %iota3A, %lt3A_474 : vector<16xi32>
    %add3A_476 = arith.constant 1 : i32
    %add3A_477 = vector.broadcast %add3A_476 : i32 to vector<16xi32>
    %add3A_478 = arith.addi %iota3A, %add3A_477 : vector<16xi32>
    %and3A_479 = arith.constant 15 : i32
    %and3A_480 = vector.broadcast %and3A_479 : i32 to vector<16xi32>
    %and3A_481 = arith.andi %add3A_478, %and3A_480 : vector<16xi32>
    %broadcast_in_dim3A_482 = vector.shape_cast %and3A_481 : vector<16xi32> to vector<16x1xi32>
    %gather3A_483 = vector.shape_cast %broadcast_in_dim3A_482 : vector<16x1xi32> to vector<16xi32>
    %gather3A_484 = tpu.dynamic_gather %scan3A_66#1[%gather3A_483] in [0] : vector<16xf32>, vector<16xi32> -> vector<16xf32>
    %jit3A_485 = arith.constant 0.000000e+00 : f32
    %broadcast_in_dim3A_486 = vector.broadcast %jit3A_485 : f32 to vector<16xf32>
    %select_n3A_487 = arith.select %lt3A_475, %gather3A_484, %broadcast_in_dim3A_486 : vector<16xi1>, vector<16xf32>
    %add3A_488 = arith.addf %scan3A_66#1, %select_n3A_487 : vector<16xf32>
    %lt3A_489 = arith.constant 14 : i32
    %lt3A_490 = vector.broadcast %lt3A_489 : i32 to vector<16xi32>
    %lt3A_491 = arith.cmpi slt, %iota3A, %lt3A_490 : vector<16xi32>
    %add3A_492 = arith.constant 2 : i32
    %add3A_493 = vector.broadcast %add3A_492 : i32 to vector<16xi32>
    %add3A_494 = arith.addi %iota3A, %add3A_493 : vector<16xi32>
    %and3A_495 = arith.constant 15 : i32
    %and3A_496 = vector.broadcast %and3A_495 : i32 to vector<16xi32>
    %and3A_497 = arith.andi %add3A_494, %and3A_496 : vector<16xi32>
    %broadcast_in_dim3A_498 = vector.shape_cast %and3A_497 : vector<16xi32> to vector<16x1xi32>
    %gather3A_499 = vector.shape_cast %broadcast_in_dim3A_498 : vector<16x1xi32> to vector<16xi32>
    %gather3A_500 = tpu.dynamic_gather %add3A_488[%gather3A_499] in [0] : vector<16xf32>, vector<16xi32> -> vector<16xf32>
    %jit3A_501 = arith.constant 0.000000e+00 : f32
    %broadcast_in_dim3A_502 = vector.broadcast %jit3A_501 : f32 to vector<16xf32>
    %select_n3A_503 = arith.select %lt3A_491, %gather3A_500, %broadcast_in_dim3A_502 : vector<16xi1>, vector<16xf32>
    %add3A_504 = arith.addf %add3A_488, %select_n3A_503 : vector<16xf32>
    %lt3A_505 = arith.constant 12 : i32
    %lt3A_506 = vector.broadcast %lt3A_505 : i32 to vector<16xi32>
    %lt3A_507 = arith.cmpi slt, %iota3A, %lt3A_506 : vector<16xi32>
    %add3A_508 = arith.constant 4 : i32
    %add3A_509 = vector.broadcast %add3A_508 : i32 to vector<16xi32>
    %add3A_510 = arith.addi %iota3A, %add3A_509 : vector<16xi32>
    %and3A_511 = arith.constant 15 : i32
    %and3A_512 = vector.broadcast %and3A_511 : i32 to vector<16xi32>
    %and3A_513 = arith.andi %add3A_510, %and3A_512 : vector<16xi32>
    %broadcast_in_dim3A_514 = vector.shape_cast %and3A_513 : vector<16xi32> to vector<16x1xi32>
    %gather3A_515 = vector.shape_cast %broadcast_in_dim3A_514 : vector<16x1xi32> to vector<16xi32>
    %gather3A_516 = tpu.dynamic_gather %add3A_504[%gather3A_515] in [0] : vector<16xf32>, vector<16xi32> -> vector<16xf32>
    %jit3A_517 = arith.constant 0.000000e+00 : f32
    %broadcast_in_dim3A_518 = vector.broadcast %jit3A_517 : f32 to vector<16xf32>
    %select_n3A_519 = arith.select %lt3A_507, %gather3A_516, %broadcast_in_dim3A_518 : vector<16xi1>, vector<16xf32>
    %add3A_520 = arith.addf %add3A_504, %select_n3A_519 : vector<16xf32>
    %lt3A_521 = arith.constant 8 : i32
    %lt3A_522 = vector.broadcast %lt3A_521 : i32 to vector<16xi32>
    %lt3A_523 = arith.cmpi slt, %iota3A, %lt3A_522 : vector<16xi32>
    %add3A_524 = arith.constant 8 : i32
    %add3A_525 = vector.broadcast %add3A_524 : i32 to vector<16xi32>
    %add3A_526 = arith.addi %iota3A, %add3A_525 : vector<16xi32>
    %and3A_527 = arith.constant 15 : i32
    %and3A_528 = vector.broadcast %and3A_527 : i32 to vector<16xi32>
    %and3A_529 = arith.andi %add3A_526, %and3A_528 : vector<16xi32>
    %broadcast_in_dim3A_530 = vector.shape_cast %and3A_529 : vector<16xi32> to vector<16x1xi32>
    %gather3A_531 = vector.shape_cast %broadcast_in_dim3A_530 : vector<16x1xi32> to vector<16xi32>
    %gather3A_532 = tpu.dynamic_gather %add3A_520[%gather3A_531] in [0] : vector<16xf32>, vector<16xi32> -> vector<16xf32>
    %jit3A_533 = arith.constant 0.000000e+00 : f32
    %broadcast_in_dim3A_534 = vector.broadcast %jit3A_533 : f32 to vector<16xf32>
    %select_n3A_535 = arith.select %lt3A_523, %gather3A_532, %broadcast_in_dim3A_534 : vector<16xi1>, vector<16xf32>
    %add3A_536 = arith.addf %add3A_520, %select_n3A_535 : vector<16xf32>
    %add3A_537 = arith.addf %add3A_536, %gather3A_472 : vector<16xf32>
    %broadcast_in_dim3A_538 = vector.shape_cast %broadcast_in_dim3A_1 : vector<16xi32> to vector<16x1xi32>
    %gather3A_539 = vector.shape_cast %broadcast_in_dim3A_538 : vector<16x1xi32> to vector<16xi32>
    %gather3A_540 = tpu.dynamic_gather %add3A_537[%gather3A_539] in [0] : vector<16xf32>, vector<16xi32> -> vector<16xf32>
    %lt3A_541 = arith.constant 15 : i32
    %lt3A_542 = vector.broadcast %lt3A_541 : i32 to vector<16xi32>
    %lt3A_543 = arith.cmpi slt, %iota3A, %lt3A_542 : vector<16xi32>
    %add3A_544 = arith.constant 1 : i32
    %add3A_545 = vector.broadcast %add3A_544 : i32 to vector<16xi32>
    %add3A_546 = arith.addi %iota3A, %add3A_545 : vector<16xi32>
    %and3A_547 = arith.constant 15 : i32
    %and3A_548 = vector.broadcast %and3A_547 : i32 to vector<16xi32>
    %and3A_549 = arith.andi %add3A_546, %and3A_548 : vector<16xi32>
    %broadcast_in_dim3A_550 = vector.shape_cast %and3A_549 : vector<16xi32> to vector<16x1xi32>
    %gather3A_551 = vector.shape_cast %broadcast_in_dim3A_550 : vector<16x1xi32> to vector<16xi32>
    %gather3A_552 = tpu.dynamic_gather %scan3A_66#0[%gather3A_551] in [0] : vector<16xf32>, vector<16xi32> -> vector<16xf32>
    %jit3A_553 = arith.constant 0.000000e+00 : f32
    %broadcast_in_dim3A_554 = vector.broadcast %jit3A_553 : f32 to vector<16xf32>
    %select_n3A_555 = arith.select %lt3A_543, %gather3A_552, %broadcast_in_dim3A_554 : vector<16xi1>, vector<16xf32>
    %add3A_556 = arith.addf %scan3A_66#0, %select_n3A_555 : vector<16xf32>
    %lt3A_557 = arith.constant 14 : i32
    %lt3A_558 = vector.broadcast %lt3A_557 : i32 to vector<16xi32>
    %lt3A_559 = arith.cmpi slt, %iota3A, %lt3A_558 : vector<16xi32>
    %add3A_560 = arith.constant 2 : i32
    %add3A_561 = vector.broadcast %add3A_560 : i32 to vector<16xi32>
    %add3A_562 = arith.addi %iota3A, %add3A_561 : vector<16xi32>
    %and3A_563 = arith.constant 15 : i32
    %and3A_564 = vector.broadcast %and3A_563 : i32 to vector<16xi32>
    %and3A_565 = arith.andi %add3A_562, %and3A_564 : vector<16xi32>
    %broadcast_in_dim3A_566 = vector.shape_cast %and3A_565 : vector<16xi32> to vector<16x1xi32>
    %gather3A_567 = vector.shape_cast %broadcast_in_dim3A_566 : vector<16x1xi32> to vector<16xi32>
    %gather3A_568 = tpu.dynamic_gather %add3A_556[%gather3A_567] in [0] : vector<16xf32>, vector<16xi32> -> vector<16xf32>
    %jit3A_569 = arith.constant 0.000000e+00 : f32
    %broadcast_in_dim3A_570 = vector.broadcast %jit3A_569 : f32 to vector<16xf32>
    %select_n3A_571 = arith.select %lt3A_559, %gather3A_568, %broadcast_in_dim3A_570 : vector<16xi1>, vector<16xf32>
    %add3A_572 = arith.addf %add3A_556, %select_n3A_571 : vector<16xf32>
    %lt3A_573 = arith.constant 12 : i32
    %lt3A_574 = vector.broadcast %lt3A_573 : i32 to vector<16xi32>
    %lt3A_575 = arith.cmpi slt, %iota3A, %lt3A_574 : vector<16xi32>
    %add3A_576 = arith.constant 4 : i32
    %add3A_577 = vector.broadcast %add3A_576 : i32 to vector<16xi32>
    %add3A_578 = arith.addi %iota3A, %add3A_577 : vector<16xi32>
    %and3A_579 = arith.constant 15 : i32
    %and3A_580 = vector.broadcast %and3A_579 : i32 to vector<16xi32>
    %and3A_581 = arith.andi %add3A_578, %and3A_580 : vector<16xi32>
    %broadcast_in_dim3A_582 = vector.shape_cast %and3A_581 : vector<16xi32> to vector<16x1xi32>
    %gather3A_583 = vector.shape_cast %broadcast_in_dim3A_582 : vector<16x1xi32> to vector<16xi32>
    %gather3A_584 = tpu.dynamic_gather %add3A_572[%gather3A_583] in [0] : vector<16xf32>, vector<16xi32> -> vector<16xf32>
    %jit3A_585 = arith.constant 0.000000e+00 : f32
    %broadcast_in_dim3A_586 = vector.broadcast %jit3A_585 : f32 to vector<16xf32>
    %select_n3A_587 = arith.select %lt3A_575, %gather3A_584, %broadcast_in_dim3A_586 : vector<16xi1>, vector<16xf32>
    %add3A_588 = arith.addf %add3A_572, %select_n3A_587 : vector<16xf32>
    %lt3A_589 = arith.constant 8 : i32
    %lt3A_590 = vector.broadcast %lt3A_589 : i32 to vector<16xi32>
    %lt3A_591 = arith.cmpi slt, %iota3A, %lt3A_590 : vector<16xi32>
    %add3A_592 = arith.constant 8 : i32
    %add3A_593 = vector.broadcast %add3A_592 : i32 to vector<16xi32>
    %add3A_594 = arith.addi %iota3A, %add3A_593 : vector<16xi32>
    %and3A_595 = arith.constant 15 : i32
    %and3A_596 = vector.broadcast %and3A_595 : i32 to vector<16xi32>
    %and3A_597 = arith.andi %add3A_594, %and3A_596 : vector<16xi32>
    %broadcast_in_dim3A_598 = vector.shape_cast %and3A_597 : vector<16xi32> to vector<16x1xi32>
    %gather3A_599 = vector.shape_cast %broadcast_in_dim3A_598 : vector<16x1xi32> to vector<16xi32>
    %gather3A_600 = tpu.dynamic_gather %add3A_588[%gather3A_599] in [0] : vector<16xf32>, vector<16xi32> -> vector<16xf32>
    %jit3A_601 = arith.constant 0.000000e+00 : f32
    %broadcast_in_dim3A_602 = vector.broadcast %jit3A_601 : f32 to vector<16xf32>
    %select_n3A_603 = arith.select %lt3A_591, %gather3A_600, %broadcast_in_dim3A_602 : vector<16xi1>, vector<16xf32>
    %add3A_604 = arith.addf %add3A_588, %select_n3A_603 : vector<16xf32>
    %add3A_605 = arith.addf %add3A_604, %gather3A_540 : vector<16xf32>
    %broadcast_in_dim3A_606 = vector.shape_cast %broadcast_in_dim3A_1 : vector<16xi32> to vector<16x1xi32>
    %gather3A_607 = vector.shape_cast %broadcast_in_dim3A_606 : vector<16x1xi32> to vector<16xi32>
    %gather3A_608 = tpu.dynamic_gather %add3A_605[%gather3A_607] in [0] : vector<16xf32>, vector<16xi32> -> vector<16xf32>
    %sub3A = arith.constant 1.024000e+03 : f32
    %sub3A_609 = vector.broadcast %sub3A : f32 to vector<16xf32>
    %sub3A_610 = arith.subf %sub3A_609, %broadcast_in_dim3A_12 : vector<16xf32>
    %broadcast_in_dim3A_611 = arith.constant 0.000000e+00 : f32
    %broadcast_in_dim3A_612 = vector.broadcast %broadcast_in_dim3A_611 : f32 to vector<16xf32>
    %add3A_613 = arith.constant 0 : i32
    %add3A_614 = vector.broadcast %add3A_613 : i32 to vector<16xi32>
    %add3A_615 = arith.addi %iota3A, %add3A_614 : vector<16xi32>
    %ge3A = arith.cmpf oge, %add3A_605, %sub3A_610 : vector<16xf32>
    %ge3A_616 = arith.constant 1 : i32
    %ge3A_617 = vector.broadcast %ge3A_616 : i32 to vector<16xi32>
    %ge3A_618 = arith.cmpi sge, %add3A_615, %ge3A_617 : vector<16xi32>
    %and3A_619 = arith.andi %ge3A, %ge3A_618 : vector<16xi1>
    %jit3A_620 = arith.constant 1.000000e+00 : f32
    %jit3A_621 = arith.constant 0.000000e+00 : f32
    %broadcast_in_dim3A_622 = vector.broadcast %jit3A_620 : f32 to vector<16xf32>
    %broadcast_in_dim3A_623 = vector.broadcast %jit3A_621 : f32 to vector<16xf32>
    %select_n3A_624 = arith.select %and3A_619, %broadcast_in_dim3A_622, %broadcast_in_dim3A_623 : vector<16xi1>, vector<16xf32>
    %add3A_625 = arith.addf %broadcast_in_dim3A_612, %select_n3A_624 : vector<16xf32>
    %add3A_626 = arith.constant 16 : i32
    %add3A_627 = vector.broadcast %add3A_626 : i32 to vector<16xi32>
    %add3A_628 = arith.addi %iota3A, %add3A_627 : vector<16xi32>
    %ge3A_629 = arith.cmpf oge, %add3A_537, %sub3A_610 : vector<16xf32>
    %ge3A_630 = arith.constant 1 : i32
    %ge3A_631 = vector.broadcast %ge3A_630 : i32 to vector<16xi32>
    %ge3A_632 = arith.cmpi sge, %add3A_628, %ge3A_631 : vector<16xi32>
    %and3A_633 = arith.andi %ge3A_629, %ge3A_632 : vector<16xi1>
    %jit3A_634 = arith.constant 1.000000e+00 : f32
    %jit3A_635 = arith.constant 0.000000e+00 : f32
    %broadcast_in_dim3A_636 = vector.broadcast %jit3A_634 : f32 to vector<16xf32>
    %broadcast_in_dim3A_637 = vector.broadcast %jit3A_635 : f32 to vector<16xf32>
    %select_n3A_638 = arith.select %and3A_633, %broadcast_in_dim3A_636, %broadcast_in_dim3A_637 : vector<16xi1>, vector<16xf32>
    %add3A_639 = arith.addf %add3A_625, %select_n3A_638 : vector<16xf32>
    %add3A_640 = arith.constant 32 : i32
    %add3A_641 = vector.broadcast %add3A_640 : i32 to vector<16xi32>
    %add3A_642 = arith.addi %iota3A, %add3A_641 : vector<16xi32>
    %ge3A_643 = arith.cmpf oge, %add3A_469, %sub3A_610 : vector<16xf32>
    %ge3A_644 = arith.constant 1 : i32
    %ge3A_645 = vector.broadcast %ge3A_644 : i32 to vector<16xi32>
    %ge3A_646 = arith.cmpi sge, %add3A_642, %ge3A_645 : vector<16xi32>
    %and3A_647 = arith.andi %ge3A_643, %ge3A_646 : vector<16xi1>
    %jit3A_648 = arith.constant 1.000000e+00 : f32
    %jit3A_649 = arith.constant 0.000000e+00 : f32
    %broadcast_in_dim3A_650 = vector.broadcast %jit3A_648 : f32 to vector<16xf32>
    %broadcast_in_dim3A_651 = vector.broadcast %jit3A_649 : f32 to vector<16xf32>
    %select_n3A_652 = arith.select %and3A_647, %broadcast_in_dim3A_650, %broadcast_in_dim3A_651 : vector<16xi1>, vector<16xf32>
    %add3A_653 = arith.addf %add3A_639, %select_n3A_652 : vector<16xf32>
    %add3A_654 = arith.constant 48 : i32
    %add3A_655 = vector.broadcast %add3A_654 : i32 to vector<16xi32>
    %add3A_656 = arith.addi %iota3A, %add3A_655 : vector<16xi32>
    %ge3A_657 = arith.cmpf oge, %add3A_401, %sub3A_610 : vector<16xf32>
    %ge3A_658 = arith.constant 1 : i32
    %ge3A_659 = vector.broadcast %ge3A_658 : i32 to vector<16xi32>
    %ge3A_660 = arith.cmpi sge, %add3A_656, %ge3A_659 : vector<16xi32>
    %and3A_661 = arith.andi %ge3A_657, %ge3A_660 : vector<16xi1>
    %jit3A_662 = arith.constant 1.000000e+00 : f32
    %jit3A_663 = arith.constant 0.000000e+00 : f32
    %broadcast_in_dim3A_664 = vector.broadcast %jit3A_662 : f32 to vector<16xf32>
    %broadcast_in_dim3A_665 = vector.broadcast %jit3A_663 : f32 to vector<16xf32>
    %select_n3A_666 = arith.select %and3A_661, %broadcast_in_dim3A_664, %broadcast_in_dim3A_665 : vector<16xi1>, vector<16xf32>
    %add3A_667 = arith.addf %add3A_653, %select_n3A_666 : vector<16xf32>
    %add3A_668 = arith.constant 64 : i32
    %add3A_669 = vector.broadcast %add3A_668 : i32 to vector<16xi32>
    %add3A_670 = arith.addi %iota3A, %add3A_669 : vector<16xi32>
    %ge3A_671 = arith.cmpf oge, %add3A_333, %sub3A_610 : vector<16xf32>
    %ge3A_672 = arith.constant 1 : i32
    %ge3A_673 = vector.broadcast %ge3A_672 : i32 to vector<16xi32>
    %ge3A_674 = arith.cmpi sge, %add3A_670, %ge3A_673 : vector<16xi32>
    %and3A_675 = arith.andi %ge3A_671, %ge3A_674 : vector<16xi1>
    %jit3A_676 = arith.constant 1.000000e+00 : f32
    %jit3A_677 = arith.constant 0.000000e+00 : f32
    %broadcast_in_dim3A_678 = vector.broadcast %jit3A_676 : f32 to vector<16xf32>
    %broadcast_in_dim3A_679 = vector.broadcast %jit3A_677 : f32 to vector<16xf32>
    %select_n3A_680 = arith.select %and3A_675, %broadcast_in_dim3A_678, %broadcast_in_dim3A_679 : vector<16xi1>, vector<16xf32>
    %add3A_681 = arith.addf %add3A_667, %select_n3A_680 : vector<16xf32>
    %add3A_682 = arith.constant 80 : i32
    %add3A_683 = vector.broadcast %add3A_682 : i32 to vector<16xi32>
    %add3A_684 = arith.addi %iota3A, %add3A_683 : vector<16xi32>
    %ge3A_685 = arith.cmpf oge, %add3A_265, %sub3A_610 : vector<16xf32>
    %ge3A_686 = arith.constant 1 : i32
    %ge3A_687 = vector.broadcast %ge3A_686 : i32 to vector<16xi32>
    %ge3A_688 = arith.cmpi sge, %add3A_684, %ge3A_687 : vector<16xi32>
    %and3A_689 = arith.andi %ge3A_685, %ge3A_688 : vector<16xi1>
    %jit3A_690 = arith.constant 1.000000e+00 : f32
    %jit3A_691 = arith.constant 0.000000e+00 : f32
    %broadcast_in_dim3A_692 = vector.broadcast %jit3A_690 : f32 to vector<16xf32>
    %broadcast_in_dim3A_693 = vector.broadcast %jit3A_691 : f32 to vector<16xf32>
    %select_n3A_694 = arith.select %and3A_689, %broadcast_in_dim3A_692, %broadcast_in_dim3A_693 : vector<16xi1>, vector<16xf32>
    %add3A_695 = arith.addf %add3A_681, %select_n3A_694 : vector<16xf32>
    %add3A_696 = arith.constant 96 : i32
    %add3A_697 = vector.broadcast %add3A_696 : i32 to vector<16xi32>
    %add3A_698 = arith.addi %iota3A, %add3A_697 : vector<16xi32>
    %ge3A_699 = arith.cmpf oge, %add3A_197, %sub3A_610 : vector<16xf32>
    %ge3A_700 = arith.constant 1 : i32
    %ge3A_701 = vector.broadcast %ge3A_700 : i32 to vector<16xi32>
    %ge3A_702 = arith.cmpi sge, %add3A_698, %ge3A_701 : vector<16xi32>
    %and3A_703 = arith.andi %ge3A_699, %ge3A_702 : vector<16xi1>
    %jit3A_704 = arith.constant 1.000000e+00 : f32
    %jit3A_705 = arith.constant 0.000000e+00 : f32
    %broadcast_in_dim3A_706 = vector.broadcast %jit3A_704 : f32 to vector<16xf32>
    %broadcast_in_dim3A_707 = vector.broadcast %jit3A_705 : f32 to vector<16xf32>
    %select_n3A_708 = arith.select %and3A_703, %broadcast_in_dim3A_706, %broadcast_in_dim3A_707 : vector<16xi1>, vector<16xf32>
    %add3A_709 = arith.addf %add3A_695, %select_n3A_708 : vector<16xf32>
    %add3A_710 = arith.constant 112 : i32
    %add3A_711 = vector.broadcast %add3A_710 : i32 to vector<16xi32>
    %add3A_712 = arith.addi %iota3A, %add3A_711 : vector<16xi32>
    %ge3A_713 = arith.cmpf oge, %add3A_129, %sub3A_610 : vector<16xf32>
    %ge3A_714 = arith.constant 1 : i32
    %ge3A_715 = vector.broadcast %ge3A_714 : i32 to vector<16xi32>
    %ge3A_716 = arith.cmpi sge, %add3A_712, %ge3A_715 : vector<16xi32>
    %and3A_717 = arith.andi %ge3A_713, %ge3A_716 : vector<16xi1>
    %jit3A_718 = arith.constant 1.000000e+00 : f32
    %jit3A_719 = arith.constant 0.000000e+00 : f32
    %broadcast_in_dim3A_720 = vector.broadcast %jit3A_718 : f32 to vector<16xf32>
    %broadcast_in_dim3A_721 = vector.broadcast %jit3A_719 : f32 to vector<16xf32>
    %select_n3A_722 = arith.select %and3A_717, %broadcast_in_dim3A_720, %broadcast_in_dim3A_721 : vector<16xi1>, vector<16xf32>
    %add3A_723 = arith.addf %add3A_709, %select_n3A_722 : vector<16xf32>
    %xor3A = arith.constant 8 : i32
    %xor3A_724 = vector.broadcast %xor3A : i32 to vector<16xi32>
    %xor3A_725 = arith.xori %iota3A, %xor3A_724 : vector<16xi32>
    %broadcast_in_dim3A_726 = vector.shape_cast %xor3A_725 : vector<16xi32> to vector<16x1xi32>
    %gather3A_727 = vector.shape_cast %broadcast_in_dim3A_726 : vector<16x1xi32> to vector<16xi32>
    %gather3A_728 = tpu.dynamic_gather %add3A_723[%gather3A_727] in [0] : vector<16xf32>, vector<16xi32> -> vector<16xf32>
    %add3A_729 = arith.addf %add3A_723, %gather3A_728 : vector<16xf32>
    %xor3A_730 = arith.constant 4 : i32
    %xor3A_731 = vector.broadcast %xor3A_730 : i32 to vector<16xi32>
    %xor3A_732 = arith.xori %iota3A, %xor3A_731 : vector<16xi32>
    %broadcast_in_dim3A_733 = vector.shape_cast %xor3A_732 : vector<16xi32> to vector<16x1xi32>
    %gather3A_734 = vector.shape_cast %broadcast_in_dim3A_733 : vector<16x1xi32> to vector<16xi32>
    %gather3A_735 = tpu.dynamic_gather %add3A_729[%gather3A_734] in [0] : vector<16xf32>, vector<16xi32> -> vector<16xf32>
    %add3A_736 = arith.addf %add3A_729, %gather3A_735 : vector<16xf32>
    %xor3A_737 = arith.constant 2 : i32
    %xor3A_738 = vector.broadcast %xor3A_737 : i32 to vector<16xi32>
    %xor3A_739 = arith.xori %iota3A, %xor3A_738 : vector<16xi32>
    %broadcast_in_dim3A_740 = vector.shape_cast %xor3A_739 : vector<16xi32> to vector<16x1xi32>
    %gather3A_741 = vector.shape_cast %broadcast_in_dim3A_740 : vector<16x1xi32> to vector<16xi32>
    %gather3A_742 = tpu.dynamic_gather %add3A_736[%gather3A_741] in [0] : vector<16xf32>, vector<16xi32> -> vector<16xf32>
    %add3A_743 = arith.addf %add3A_736, %gather3A_742 : vector<16xf32>
    %xor3A_744 = arith.constant 1 : i32
    %xor3A_745 = vector.broadcast %xor3A_744 : i32 to vector<16xi32>
    %xor3A_746 = arith.xori %iota3A, %xor3A_745 : vector<16xi32>
    %broadcast_in_dim3A_747 = vector.shape_cast %xor3A_746 : vector<16xi32> to vector<16x1xi32>
    %gather3A_748 = vector.shape_cast %broadcast_in_dim3A_747 : vector<16x1xi32> to vector<16xi32>
    %gather3A_749 = tpu.dynamic_gather %add3A_743[%gather3A_748] in [0] : vector<16xf32>, vector<16xi32> -> vector<16xf32>
    %add3A_750 = arith.addf %add3A_743, %gather3A_749 : vector<16xf32>
    %convert_element_type3A = arith.fptosi %add3A_750 : vector<16xf32> to vector<16xi32>
    %broadcast_in_dim3A_751 = arith.constant 0.000000e+00 : f32
    %broadcast_in_dim3A_752 = vector.broadcast %broadcast_in_dim3A_751 : f32 to vector<16xf32>
    %broadcast_in_dim3A_753 = arith.constant 0.000000e+00 : f32
    %broadcast_in_dim3A_754 = vector.broadcast %broadcast_in_dim3A_753 : f32 to vector<16xf32>
    %add3A_755 = arith.constant 1.000000e+00 : f32
    %add3A_756 = vector.broadcast %add3A_755 : f32 to vector<16xf32>
    %add3A_757 = arith.addf %add3A_750, %add3A_756 : vector<16xf32>
    %add3A_758 = arith.constant 0 : i32
    %add3A_759 = vector.broadcast %add3A_758 : i32 to vector<16xi32>
    %add3A_760 = arith.addi %iota3A, %add3A_759 : vector<16xi32>
    %convert_element_type3A_761 = arith.sitofp %add3A_760 : vector<16xi32> to vector<16xf32>
    %eq3A = arith.cmpf oeq, %convert_element_type3A_761, %add3A_757 : vector<16xf32>
    %jit3A_762 = arith.constant 0.000000e+00 : f32
    %broadcast_in_dim3A_763 = vector.broadcast %jit3A_762 : f32 to vector<16xf32>
    %select_n3A_764 = arith.select %eq3A, %add3A_605, %broadcast_in_dim3A_763 : vector<16xi1>, vector<16xf32>
    %add3A_765 = arith.addf %broadcast_in_dim3A_752, %select_n3A_764 : vector<16xf32>
    %ge3A_766 = arith.cmpf oge, %convert_element_type3A_761, %add3A_757 : vector<16xf32>
    %jit3A_767 = arith.constant 0.000000e+00 : f32
    %broadcast_in_dim3A_768 = vector.broadcast %jit3A_767 : f32 to vector<16xf32>
    %select_n3A_769 = arith.select %ge3A_766, %scan3A_66#8, %broadcast_in_dim3A_768 : vector<16xi1>, vector<16xf32>
    %add3A_770 = arith.addf %broadcast_in_dim3A_754, %select_n3A_769 : vector<16xf32>
    %add3A_771 = arith.constant 16 : i32
    %add3A_772 = vector.broadcast %add3A_771 : i32 to vector<16xi32>
    %add3A_773 = arith.addi %iota3A, %add3A_772 : vector<16xi32>
    %convert_element_type3A_774 = arith.sitofp %add3A_773 : vector<16xi32> to vector<16xf32>
    %eq3A_775 = arith.cmpf oeq, %convert_element_type3A_774, %add3A_757 : vector<16xf32>
    %jit3A_776 = arith.constant 0.000000e+00 : f32
    %broadcast_in_dim3A_777 = vector.broadcast %jit3A_776 : f32 to vector<16xf32>
    %select_n3A_778 = arith.select %eq3A_775, %add3A_537, %broadcast_in_dim3A_777 : vector<16xi1>, vector<16xf32>
    %add3A_779 = arith.addf %add3A_765, %select_n3A_778 : vector<16xf32>
    %ge3A_780 = arith.cmpf oge, %convert_element_type3A_774, %add3A_757 : vector<16xf32>
    %jit3A_781 = arith.constant 0.000000e+00 : f32
    %broadcast_in_dim3A_782 = vector.broadcast %jit3A_781 : f32 to vector<16xf32>
    %select_n3A_783 = arith.select %ge3A_780, %scan3A_66#9, %broadcast_in_dim3A_782 : vector<16xi1>, vector<16xf32>
    %add3A_784 = arith.addf %add3A_770, %select_n3A_783 : vector<16xf32>
    %add3A_785 = arith.constant 32 : i32
    %add3A_786 = vector.broadcast %add3A_785 : i32 to vector<16xi32>
    %add3A_787 = arith.addi %iota3A, %add3A_786 : vector<16xi32>
    %convert_element_type3A_788 = arith.sitofp %add3A_787 : vector<16xi32> to vector<16xf32>
    %eq3A_789 = arith.cmpf oeq, %convert_element_type3A_788, %add3A_757 : vector<16xf32>
    %jit3A_790 = arith.constant 0.000000e+00 : f32
    %broadcast_in_dim3A_791 = vector.broadcast %jit3A_790 : f32 to vector<16xf32>
    %select_n3A_792 = arith.select %eq3A_789, %add3A_469, %broadcast_in_dim3A_791 : vector<16xi1>, vector<16xf32>
    %add3A_793 = arith.addf %add3A_779, %select_n3A_792 : vector<16xf32>
    %ge3A_794 = arith.cmpf oge, %convert_element_type3A_788, %add3A_757 : vector<16xf32>
    %jit3A_795 = arith.constant 0.000000e+00 : f32
    %broadcast_in_dim3A_796 = vector.broadcast %jit3A_795 : f32 to vector<16xf32>
    %select_n3A_797 = arith.select %ge3A_794, %scan3A_66#10, %broadcast_in_dim3A_796 : vector<16xi1>, vector<16xf32>
    %add3A_798 = arith.addf %add3A_784, %select_n3A_797 : vector<16xf32>
    %add3A_799 = arith.constant 48 : i32
    %add3A_800 = vector.broadcast %add3A_799 : i32 to vector<16xi32>
    %add3A_801 = arith.addi %iota3A, %add3A_800 : vector<16xi32>
    %convert_element_type3A_802 = arith.sitofp %add3A_801 : vector<16xi32> to vector<16xf32>
    %eq3A_803 = arith.cmpf oeq, %convert_element_type3A_802, %add3A_757 : vector<16xf32>
    %jit3A_804 = arith.constant 0.000000e+00 : f32
    %broadcast_in_dim3A_805 = vector.broadcast %jit3A_804 : f32 to vector<16xf32>
    %select_n3A_806 = arith.select %eq3A_803, %add3A_401, %broadcast_in_dim3A_805 : vector<16xi1>, vector<16xf32>
    %add3A_807 = arith.addf %add3A_793, %select_n3A_806 : vector<16xf32>
    %ge3A_808 = arith.cmpf oge, %convert_element_type3A_802, %add3A_757 : vector<16xf32>
    %jit3A_809 = arith.constant 0.000000e+00 : f32
    %broadcast_in_dim3A_810 = vector.broadcast %jit3A_809 : f32 to vector<16xf32>
    %select_n3A_811 = arith.select %ge3A_808, %scan3A_66#11, %broadcast_in_dim3A_810 : vector<16xi1>, vector<16xf32>
    %add3A_812 = arith.addf %add3A_798, %select_n3A_811 : vector<16xf32>
    %add3A_813 = arith.constant 64 : i32
    %add3A_814 = vector.broadcast %add3A_813 : i32 to vector<16xi32>
    %add3A_815 = arith.addi %iota3A, %add3A_814 : vector<16xi32>
    %convert_element_type3A_816 = arith.sitofp %add3A_815 : vector<16xi32> to vector<16xf32>
    %eq3A_817 = arith.cmpf oeq, %convert_element_type3A_816, %add3A_757 : vector<16xf32>
    %jit3A_818 = arith.constant 0.000000e+00 : f32
    %broadcast_in_dim3A_819 = vector.broadcast %jit3A_818 : f32 to vector<16xf32>
    %select_n3A_820 = arith.select %eq3A_817, %add3A_333, %broadcast_in_dim3A_819 : vector<16xi1>, vector<16xf32>
    %add3A_821 = arith.addf %add3A_807, %select_n3A_820 : vector<16xf32>
    %ge3A_822 = arith.cmpf oge, %convert_element_type3A_816, %add3A_757 : vector<16xf32>
    %jit3A_823 = arith.constant 0.000000e+00 : f32
    %broadcast_in_dim3A_824 = vector.broadcast %jit3A_823 : f32 to vector<16xf32>
    %select_n3A_825 = arith.select %ge3A_822, %scan3A_66#12, %broadcast_in_dim3A_824 : vector<16xi1>, vector<16xf32>
    %add3A_826 = arith.addf %add3A_812, %select_n3A_825 : vector<16xf32>
    %add3A_827 = arith.constant 80 : i32
    %add3A_828 = vector.broadcast %add3A_827 : i32 to vector<16xi32>
    %add3A_829 = arith.addi %iota3A, %add3A_828 : vector<16xi32>
    %convert_element_type3A_830 = arith.sitofp %add3A_829 : vector<16xi32> to vector<16xf32>
    %eq3A_831 = arith.cmpf oeq, %convert_element_type3A_830, %add3A_757 : vector<16xf32>
    %jit3A_832 = arith.constant 0.000000e+00 : f32
    %broadcast_in_dim3A_833 = vector.broadcast %jit3A_832 : f32 to vector<16xf32>
    %select_n3A_834 = arith.select %eq3A_831, %add3A_265, %broadcast_in_dim3A_833 : vector<16xi1>, vector<16xf32>
    %add3A_835 = arith.addf %add3A_821, %select_n3A_834 : vector<16xf32>
    %ge3A_836 = arith.cmpf oge, %convert_element_type3A_830, %add3A_757 : vector<16xf32>
    %jit3A_837 = arith.constant 0.000000e+00 : f32
    %broadcast_in_dim3A_838 = vector.broadcast %jit3A_837 : f32 to vector<16xf32>
    %select_n3A_839 = arith.select %ge3A_836, %scan3A_66#13, %broadcast_in_dim3A_838 : vector<16xi1>, vector<16xf32>
    %add3A_840 = arith.addf %add3A_826, %select_n3A_839 : vector<16xf32>
    %add3A_841 = arith.constant 96 : i32
    %add3A_842 = vector.broadcast %add3A_841 : i32 to vector<16xi32>
    %add3A_843 = arith.addi %iota3A, %add3A_842 : vector<16xi32>
    %convert_element_type3A_844 = arith.sitofp %add3A_843 : vector<16xi32> to vector<16xf32>
    %eq3A_845 = arith.cmpf oeq, %convert_element_type3A_844, %add3A_757 : vector<16xf32>
    %jit3A_846 = arith.constant 0.000000e+00 : f32
    %broadcast_in_dim3A_847 = vector.broadcast %jit3A_846 : f32 to vector<16xf32>
    %select_n3A_848 = arith.select %eq3A_845, %add3A_197, %broadcast_in_dim3A_847 : vector<16xi1>, vector<16xf32>
    %add3A_849 = arith.addf %add3A_835, %select_n3A_848 : vector<16xf32>
    %ge3A_850 = arith.cmpf oge, %convert_element_type3A_844, %add3A_757 : vector<16xf32>
    %jit3A_851 = arith.constant 0.000000e+00 : f32
    %broadcast_in_dim3A_852 = vector.broadcast %jit3A_851 : f32 to vector<16xf32>
    %select_n3A_853 = arith.select %ge3A_850, %scan3A_66#14, %broadcast_in_dim3A_852 : vector<16xi1>, vector<16xf32>
    %add3A_854 = arith.addf %add3A_840, %select_n3A_853 : vector<16xf32>
    %add3A_855 = arith.constant 112 : i32
    %add3A_856 = vector.broadcast %add3A_855 : i32 to vector<16xi32>
    %add3A_857 = arith.addi %iota3A, %add3A_856 : vector<16xi32>
    %convert_element_type3A_858 = arith.sitofp %add3A_857 : vector<16xi32> to vector<16xf32>
    %eq3A_859 = arith.cmpf oeq, %convert_element_type3A_858, %add3A_757 : vector<16xf32>
    %jit3A_860 = arith.constant 0.000000e+00 : f32
    %broadcast_in_dim3A_861 = vector.broadcast %jit3A_860 : f32 to vector<16xf32>
    %select_n3A_862 = arith.select %eq3A_859, %add3A_129, %broadcast_in_dim3A_861 : vector<16xi1>, vector<16xf32>
    %add3A_863 = arith.addf %add3A_849, %select_n3A_862 : vector<16xf32>
    %ge3A_864 = arith.cmpf oge, %convert_element_type3A_858, %add3A_757 : vector<16xf32>
    %jit3A_865 = arith.constant 0.000000e+00 : f32
    %broadcast_in_dim3A_866 = vector.broadcast %jit3A_865 : f32 to vector<16xf32>
    %select_n3A_867 = arith.select %ge3A_864, %scan3A_66#15, %broadcast_in_dim3A_866 : vector<16xi1>, vector<16xf32>
    %add3A_868 = arith.addf %add3A_854, %select_n3A_867 : vector<16xf32>
    %xor3A_869 = arith.constant 8 : i32
    %xor3A_870 = vector.broadcast %xor3A_869 : i32 to vector<16xi32>
    %xor3A_871 = arith.xori %iota3A, %xor3A_870 : vector<16xi32>
    %broadcast_in_dim3A_872 = vector.shape_cast %xor3A_871 : vector<16xi32> to vector<16x1xi32>
    %gather3A_873 = vector.shape_cast %broadcast_in_dim3A_872 : vector<16x1xi32> to vector<16xi32>
    %gather3A_874 = tpu.dynamic_gather %add3A_863[%gather3A_873] in [0] : vector<16xf32>, vector<16xi32> -> vector<16xf32>
    %add3A_875 = arith.addf %add3A_863, %gather3A_874 : vector<16xf32>
    %xor3A_876 = arith.constant 4 : i32
    %xor3A_877 = vector.broadcast %xor3A_876 : i32 to vector<16xi32>
    %xor3A_878 = arith.xori %iota3A, %xor3A_877 : vector<16xi32>
    %broadcast_in_dim3A_879 = vector.shape_cast %xor3A_878 : vector<16xi32> to vector<16x1xi32>
    %gather3A_880 = vector.shape_cast %broadcast_in_dim3A_879 : vector<16x1xi32> to vector<16xi32>
    %gather3A_881 = tpu.dynamic_gather %add3A_875[%gather3A_880] in [0] : vector<16xf32>, vector<16xi32> -> vector<16xf32>
    %add3A_882 = arith.addf %add3A_875, %gather3A_881 : vector<16xf32>
    %xor3A_883 = arith.constant 2 : i32
    %xor3A_884 = vector.broadcast %xor3A_883 : i32 to vector<16xi32>
    %xor3A_885 = arith.xori %iota3A, %xor3A_884 : vector<16xi32>
    %broadcast_in_dim3A_886 = vector.shape_cast %xor3A_885 : vector<16xi32> to vector<16x1xi32>
    %gather3A_887 = vector.shape_cast %broadcast_in_dim3A_886 : vector<16x1xi32> to vector<16xi32>
    %gather3A_888 = tpu.dynamic_gather %add3A_882[%gather3A_887] in [0] : vector<16xf32>, vector<16xi32> -> vector<16xf32>
    %add3A_889 = arith.addf %add3A_882, %gather3A_888 : vector<16xf32>
    %xor3A_890 = arith.constant 1 : i32
    %xor3A_891 = vector.broadcast %xor3A_890 : i32 to vector<16xi32>
    %xor3A_892 = arith.xori %iota3A, %xor3A_891 : vector<16xi32>
    %broadcast_in_dim3A_893 = vector.shape_cast %xor3A_892 : vector<16xi32> to vector<16x1xi32>
    %gather3A_894 = vector.shape_cast %broadcast_in_dim3A_893 : vector<16x1xi32> to vector<16xi32>
    %gather3A_895 = tpu.dynamic_gather %add3A_889[%gather3A_894] in [0] : vector<16xf32>, vector<16xi32> -> vector<16xf32>
    %add3A_896 = arith.addf %add3A_889, %gather3A_895 : vector<16xf32>
    %xor3A_897 = arith.constant 8 : i32
    %xor3A_898 = vector.broadcast %xor3A_897 : i32 to vector<16xi32>
    %xor3A_899 = arith.xori %iota3A, %xor3A_898 : vector<16xi32>
    %broadcast_in_dim3A_900 = vector.shape_cast %xor3A_899 : vector<16xi32> to vector<16x1xi32>
    %gather3A_901 = vector.shape_cast %broadcast_in_dim3A_900 : vector<16x1xi32> to vector<16xi32>
    %gather3A_902 = tpu.dynamic_gather %add3A_868[%gather3A_901] in [0] : vector<16xf32>, vector<16xi32> -> vector<16xf32>
    %add3A_903 = arith.addf %add3A_868, %gather3A_902 : vector<16xf32>
    %xor3A_904 = arith.constant 4 : i32
    %xor3A_905 = vector.broadcast %xor3A_904 : i32 to vector<16xi32>
    %xor3A_906 = arith.xori %iota3A, %xor3A_905 : vector<16xi32>
    %broadcast_in_dim3A_907 = vector.shape_cast %xor3A_906 : vector<16xi32> to vector<16x1xi32>
    %gather3A_908 = vector.shape_cast %broadcast_in_dim3A_907 : vector<16x1xi32> to vector<16xi32>
    %gather3A_909 = tpu.dynamic_gather %add3A_903[%gather3A_908] in [0] : vector<16xf32>, vector<16xi32> -> vector<16xf32>
    %add3A_910 = arith.addf %add3A_903, %gather3A_909 : vector<16xf32>
    %xor3A_911 = arith.constant 2 : i32
    %xor3A_912 = vector.broadcast %xor3A_911 : i32 to vector<16xi32>
    %xor3A_913 = arith.xori %iota3A, %xor3A_912 : vector<16xi32>
    %broadcast_in_dim3A_914 = vector.shape_cast %xor3A_913 : vector<16xi32> to vector<16x1xi32>
    %gather3A_915 = vector.shape_cast %broadcast_in_dim3A_914 : vector<16x1xi32> to vector<16xi32>
    %gather3A_916 = tpu.dynamic_gather %add3A_910[%gather3A_915] in [0] : vector<16xf32>, vector<16xi32> -> vector<16xf32>
    %add3A_917 = arith.addf %add3A_910, %gather3A_916 : vector<16xf32>
    %xor3A_918 = arith.constant 1 : i32
    %xor3A_919 = vector.broadcast %xor3A_918 : i32 to vector<16xi32>
    %xor3A_920 = arith.xori %iota3A, %xor3A_919 : vector<16xi32>
    %broadcast_in_dim3A_921 = vector.shape_cast %xor3A_920 : vector<16xi32> to vector<16x1xi32>
    %gather3A_922 = vector.shape_cast %broadcast_in_dim3A_921 : vector<16x1xi32> to vector<16xi32>
    %gather3A_923 = tpu.dynamic_gather %add3A_917[%gather3A_922] in [0] : vector<16xf32>, vector<16xi32> -> vector<16xf32>
    %add3A_924 = arith.addf %add3A_917, %gather3A_923 : vector<16xf32>
    %shift_left3A = arith.constant 24 : i32
    %shift_left3A_925 = vector.broadcast %shift_left3A : i32 to vector<16xi32>
    %shift_left3A_926 = arith.shli %convert_element_type3A, %shift_left3A_925 : vector<16xi32>
    %add3A_927 = arith.addi %broadcast_in_dim3A_1, %shift_left3A_926 : vector<16xi32>
    %add3A_928 = arith.addf %broadcast_in_dim3A_12, %add3A_896 : vector<16xf32>
    %add3A_929 = arith.addf %broadcast_in_dim3A_14, %add3A_924 : vector<16xf32>
    %scan3A_930 = arith.constant 0 : i32
    %scan3A_931 = arith.constant 0 : i32
    %scan3A_932 = arith.constant 8 : i32
    %scan3A_933 = arith.addi %scan3A_931, %scan3A_932 : i32
    %scan3A_934 = arith.constant 1 : i32
    scf.for %scan3A_3062 = %scan3A_931 to %scan3A_933 step %scan3A_934  : i32 {
      %broadcast_in_dim3A_3063 = arith.constant 0.000000e+00 : f32
      %broadcast_in_dim3A_3064 = vector.broadcast %broadcast_in_dim3A_3063 : f32 to vector<16xf32>
      %mul3A_3065 = arith.constant 16 : i32
      %mul3A_3066 = arith.muli %scan3A_3062, %mul3A_3065 : i32
      %swap3A_3067 = arith.index_cast %mul3A_3066 : i32 to index
      %swap3A_3068 = tpu.vector_load %arg10[%swap3A_3067] {strides = array<i32>} : memref<256xf32, #tpu.memory_space<vmem>>, vector<16xf32>,
      tpu.vector_store %arg10[%swap3A_3067], %broadcast_in_dim3A_3064 {strides = array<i32>} : memref<256xf32, #tpu.memory_space<vmem>>, vector<16xf32>,
    }
    %scan3A_935 = arith.constant 8 : i32
    %scan3A_936 = arith.constant 0 : i32
    %scan3A_937 = arith.constant 16777216 : i32
    %scan3A_938 = arith.constant 0 : i32
    %scan3A_939 = arith.constant 64 : i32
    %scan3A_940 = arith.addi %scan3A_938, %scan3A_939 : i32
    %scan3A_941 = arith.constant 1 : i32
    scf.for %scan3A_3062 = %scan3A_938 to %scan3A_940 step %scan3A_941  : i32 {
      %mul3A_3063 = arith.constant 16 : i32
      %mul3A_3064 = arith.muli %scan3A_3062, %mul3A_3063 : i32
      %get3A = arith.index_cast %mul3A_3064 : i32 to index
      %get3A_3065 = tpu.vector_load %arg9[%get3A] {strides = array<i32>} : memref<1024xi32, #tpu.memory_space<vmem>>, vector<16xi32>,
      %sub3A_3066 = arith.subi %get3A_3065, %add3A_927 : vector<16xi32>
      %ge3A_3067 = arith.cmpi sge, %get3A_3065, %add3A_927 : vector<16xi32>
      %lt3A_3068 = vector.broadcast %scan3A_937 : i32 to vector<16xi32>
      %lt3A_3069 = arith.cmpi slt, %sub3A_3066, %lt3A_3068 : vector<16xi32>
      %and3A_3070 = arith.andi %ge3A_3067, %lt3A_3069 : vector<16xi1>
      %shift_right_arithmetic3A = arith.constant 18 : i32
      %shift_right_arithmetic3A_3071 = vector.broadcast %shift_right_arithmetic3A : i32 to vector<16xi32>
      %shift_right_arithmetic3A_3072 = arith.shrsi %sub3A_3066, %shift_right_arithmetic3A_3071 : vector<16xi32>
      %and3A_3073 = arith.constant 63 : i32
      %and3A_3074 = vector.broadcast %and3A_3073 : i32 to vector<16xi32>
      %and3A_3075 = arith.andi %shift_right_arithmetic3A_3072, %and3A_3074 : vector<16xi32>
      %bitcast_convert_type3A_3076 = tpu.bitcast %get3A_3065 : vector<16xi32> -> vector<16xf32>
      tpu.vector_store_idx %arg10[%and3A_3075], %add3A_5 masked %and3A_3070 {add = true} : memref<256xf32, #tpu.memory_space<vmem>>[vector<16xi32>], vector<16xf32>, vector<16xi1>
      %add3A_3077 = arith.constant 64 : i32
      %add3A_3078 = vector.broadcast %add3A_3077 : i32 to vector<16xi32>
      %add3A_3079 = arith.addi %and3A_3075, %add3A_3078 : vector<16xi32>
      tpu.vector_store_idx %arg10[%add3A_3079], %bitcast_convert_type3A_3076 masked %and3A_3070 {add = true} : memref<256xf32, #tpu.memory_space<vmem>>[vector<16xi32>], vector<16xf32>, vector<16xi1>
    }
    %scan3A_942 = arith.constant 64 : i32
    %mul3A_943 = arith.constant 128 : i32
    %mul3A_944 = arith.muli %arg1, %mul3A_943 : i32
    %run_scoped3A_945 = arith.constant 1 : i32
    "tpu.region"() ({
      %run_scoped3A_3062 = tpu.sem_alloc : memref<!tpu.dma_semaphore, #tpu.memory_space<semaphore_mem>>
      %dma_start3A = arith.constant 0 : i32
      %dma_start3A_3063 = tpu.memref_slice %arg10[%dma_start3A] : memref<256xf32, #tpu.memory_space<vmem>> -> memref<128xf32, #tpu.memory_space<vmem>>
      %dma_start3A_3064 = tpu.memref_slice %arg13[%run_scoped3A_945, %mul3A_944] : memref<2x4096xf32, #tpu.memory_space<vmem_shared>> -> memref<1x128xf32, #tpu.memory_space<vmem_shared>>
      %dma_start3A_3065 = tpu.memref_squeeze %dma_start3A_3064 : memref<1x128xf32, #tpu.memory_space<vmem_shared>> -> memref<128xf32, #tpu.memory_space<vmem_shared>>
      %dma_start3A_3066 = tpu.memref_slice %arg13[%run_scoped3A_945, %mul3A_944] : memref<2x4096xf32, #tpu.memory_space<vmem_shared>> -> memref<1x128xf32, #tpu.memory_space<vmem_shared>>
      %dma_start3A_3067 = tpu.memref_squeeze %dma_start3A_3066 : memref<1x128xf32, #tpu.memory_space<vmem_shared>> -> memref<128xf32, #tpu.memory_space<vmem_shared>>
      %dma_start3A_3068 = arith.constant 0 : i32
      %dma_start3A_3069 = tpu.memref_slice %arg10[%dma_start3A_3068] : memref<256xf32, #tpu.memory_space<vmem>> -> memref<128xf32, #tpu.memory_space<vmem>>
      tpu.enqueue_dma source(%dma_start3A_3069 : memref<128xf32, #tpu.memory_space<vmem>>) target(%dma_start3A_3067 : memref<128xf32, #tpu.memory_space<vmem_shared>>) target_semaphore(%run_scoped3A_3062 : memref<!tpu.dma_semaphore, #tpu.memory_space<semaphore_mem>>)
      %dma_wait3A = arith.constant 0 : i32
      %dma_wait3A_3070 = tpu.memref_slice %arg10[%dma_wait3A] : memref<256xf32, #tpu.memory_space<vmem>> -> memref<128xf32, #tpu.memory_space<vmem>>
      %dma_wait3A_3071 = tpu.memref_slice %arg13[%run_scoped3A_945, %mul3A_944] : memref<2x4096xf32, #tpu.memory_space<vmem_shared>> -> memref<1x128xf32, #tpu.memory_space<vmem_shared>>
      %dma_wait3A_3072 = tpu.memref_squeeze %dma_wait3A_3071 : memref<1x128xf32, #tpu.memory_space<vmem_shared>> -> memref<128xf32, #tpu.memory_space<vmem_shared>>
      %dma_wait3A_3073 = tpu.memref_slice %arg13[%run_scoped3A_945, %mul3A_944] : memref<2x4096xf32, #tpu.memory_space<vmem_shared>> -> memref<1x128xf32, #tpu.memory_space<vmem_shared>>
      %dma_wait3A_3074 = tpu.memref_squeeze %dma_wait3A_3073 : memref<1x128xf32, #tpu.memory_space<vmem_shared>> -> memref<128xf32, #tpu.memory_space<vmem_shared>>
      %dma_wait3A_3075 = arith.constant 0 : i32
      %dma_wait3A_3076 = tpu.memref_slice %arg10[%dma_wait3A_3075] : memref<256xf32, #tpu.memory_space<vmem>> -> memref<128xf32, #tpu.memory_space<vmem>>
      tpu.wait_dma2 semaphore(%run_scoped3A_3062 : memref<!tpu.dma_semaphore, #tpu.memory_space<semaphore_mem>>) src(%dma_wait3A_3076 : memref<128xf32, #tpu.memory_space<vmem>>) dst(%dma_wait3A_3074 : memref<128xf32, #tpu.memory_space<vmem_shared>>)
      tpu.yield
    }) : () -> ()
    %barrier3A_946 = arith.constant 0 : index
    tpu.barrier barrier_id(%barrier3A_946)
    %run_scoped3A_947 = arith.constant 1 : i32
    "tpu.region"() ({
      %run_scoped3A_3062 = tpu.sem_alloc : memref<!tpu.dma_semaphore, #tpu.memory_space<semaphore_mem>>
      %dma_start3A = arith.constant 0 : i32
      %dma_start3A_3063 = tpu.memref_slice %arg11[%dma_start3A] : memref<4096xf32, #tpu.memory_space<vmem>> -> memref<2048xf32, #tpu.memory_space<vmem>>
      %dma_start3A_3064 = arith.constant 0 : i32
      %dma_start3A_3065 = tpu.memref_slice %arg13[%run_scoped3A_947, %dma_start3A_3064] : memref<2x4096xf32, #tpu.memory_space<vmem_shared>> -> memref<1x2048xf32, #tpu.memory_space<vmem_shared>>
      %dma_start3A_3066 = tpu.memref_squeeze %dma_start3A_3065 : memref<1x2048xf32, #tpu.memory_space<vmem_shared>> -> memref<2048xf32, #tpu.memory_space<vmem_shared>>
      %dma_start3A_3067 = arith.constant 0 : i32
      %dma_start3A_3068 = tpu.memref_slice %arg11[%dma_start3A_3067] : memref<4096xf32, #tpu.memory_space<vmem>> -> memref<2048xf32, #tpu.memory_space<vmem>>
      %dma_start3A_3069 = arith.constant 0 : i32
      %dma_start3A_3070 = tpu.memref_slice %arg13[%run_scoped3A_947, %dma_start3A_3069] : memref<2x4096xf32, #tpu.memory_space<vmem_shared>> -> memref<1x2048xf32, #tpu.memory_space<vmem_shared>>
      %dma_start3A_3071 = tpu.memref_squeeze %dma_start3A_3070 : memref<1x2048xf32, #tpu.memory_space<vmem_shared>> -> memref<2048xf32, #tpu.memory_space<vmem_shared>>
      tpu.enqueue_dma source(%dma_start3A_3071 : memref<2048xf32, #tpu.memory_space<vmem_shared>>) target(%dma_start3A_3068 : memref<2048xf32, #tpu.memory_space<vmem>>) target_semaphore(%run_scoped3A_3062 : memref<!tpu.dma_semaphore, #tpu.memory_space<semaphore_mem>>)
      %dma_wait3A = arith.constant 0 : i32
      %dma_wait3A_3072 = tpu.memref_slice %arg11[%dma_wait3A] : memref<4096xf32, #tpu.memory_space<vmem>> -> memref<2048xf32, #tpu.memory_space<vmem>>
      %dma_wait3A_3073 = arith.constant 0 : i32
      %dma_wait3A_3074 = tpu.memref_slice %arg13[%run_scoped3A_947, %dma_wait3A_3073] : memref<2x4096xf32, #tpu.memory_space<vmem_shared>> -> memref<1x2048xf32, #tpu.memory_space<vmem_shared>>
      %dma_wait3A_3075 = tpu.memref_squeeze %dma_wait3A_3074 : memref<1x2048xf32, #tpu.memory_space<vmem_shared>> -> memref<2048xf32, #tpu.memory_space<vmem_shared>>
      %dma_wait3A_3076 = arith.constant 0 : i32
      %dma_wait3A_3077 = tpu.memref_slice %arg11[%dma_wait3A_3076] : memref<4096xf32, #tpu.memory_space<vmem>> -> memref<2048xf32, #tpu.memory_space<vmem>>
      %dma_wait3A_3078 = arith.constant 0 : i32
      %dma_wait3A_3079 = tpu.memref_slice %arg13[%run_scoped3A_947, %dma_wait3A_3078] : memref<2x4096xf32, #tpu.memory_space<vmem_shared>> -> memref<1x2048xf32, #tpu.memory_space<vmem_shared>>
      %dma_wait3A_3080 = tpu.memref_squeeze %dma_wait3A_3079 : memref<1x2048xf32, #tpu.memory_space<vmem_shared>> -> memref<2048xf32, #tpu.memory_space<vmem_shared>>
      tpu.wait_dma2 semaphore(%run_scoped3A_3062 : memref<!tpu.dma_semaphore, #tpu.memory_space<semaphore_mem>>) src(%dma_wait3A_3080 : memref<2048xf32, #tpu.memory_space<vmem_shared>>) dst(%dma_wait3A_3077 : memref<2048xf32, #tpu.memory_space<vmem>>)
      tpu.yield
    }) : () -> ()
    %broadcast_in_dim3A_948 = arith.constant 0.000000e+00 : f32
    %broadcast_in_dim3A_949 = vector.broadcast %broadcast_in_dim3A_948 : f32 to vector<16xf32>
    %broadcast_in_dim3A_950 = arith.constant 0.000000e+00 : f32
    %broadcast_in_dim3A_951 = vector.broadcast %broadcast_in_dim3A_950 : f32 to vector<16xf32>
    %broadcast_in_dim3A_952 = arith.constant 0.000000e+00 : f32
    %broadcast_in_dim3A_953 = vector.broadcast %broadcast_in_dim3A_952 : f32 to vector<16xf32>
    %broadcast_in_dim3A_954 = arith.constant 0.000000e+00 : f32
    %broadcast_in_dim3A_955 = vector.broadcast %broadcast_in_dim3A_954 : f32 to vector<16xf32>
    %broadcast_in_dim3A_956 = arith.constant 0.000000e+00 : f32
    %broadcast_in_dim3A_957 = vector.broadcast %broadcast_in_dim3A_956 : f32 to vector<16xf32>
    %broadcast_in_dim3A_958 = arith.constant 0.000000e+00 : f32
    %broadcast_in_dim3A_959 = vector.broadcast %broadcast_in_dim3A_958 : f32 to vector<16xf32>
    %broadcast_in_dim3A_960 = arith.constant 0.000000e+00 : f32
    %broadcast_in_dim3A_961 = vector.broadcast %broadcast_in_dim3A_960 : f32 to vector<16xf32>
    %broadcast_in_dim3A_962 = arith.constant 0.000000e+00 : f32
    %broadcast_in_dim3A_963 = vector.broadcast %broadcast_in_dim3A_962 : f32 to vector<16xf32>
    %scan3A_964 = arith.constant 0 : i32
    %scan3A_965 = arith.constant 16 : i32
    %scan3A_966 = arith.addi %scan3A_964, %scan3A_965 : i32
    %scan3A_967 = arith.constant 1 : i32
    %scan3A_968:8 = scf.for %scan3A_3062 = %scan3A_964 to %scan3A_966 step %scan3A_967 iter_args(%scan3A_3063 = %broadcast_in_dim3A_949, %scan3A_3064 = %broadcast_in_dim3A_951, %scan3A_3065 = %broadcast_in_dim3A_953, %scan3A_3066 = %broadcast_in_dim3A_955, %scan3A_3067 = %broadcast_in_dim3A_957, %scan3A_3068 = %broadcast_in_dim3A_959, %scan3A_3069 = %broadcast_in_dim3A_961, %scan3A_3070 = %broadcast_in_dim3A_963) -> (vector<16xf32>, vector<16xf32>, vector<16xf32>, vector<16xf32>, vector<16xf32>, vector<16xf32>, vector<16xf32>, vector<16xf32>)  : i32 {
      %mul3A_3071 = arith.constant 128 : i32
      %mul3A_3072 = arith.muli %scan3A_3062, %mul3A_3071 : i32
      %add3A_3073 = arith.constant 0 : i32
      %add3A_3074 = arith.addi %mul3A_3072, %add3A_3073 : i32
      %get3A = arith.index_cast %add3A_3074 : i32 to index
      %get3A_3075 = tpu.vector_load %arg11[%get3A] {strides = array<i32>} : memref<4096xf32, #tpu.memory_space<vmem>>, vector<16xf32>,
      %add3A_3076 = arith.addf %scan3A_3063, %get3A_3075 : vector<16xf32>
      %add3A_3077 = arith.constant 16 : i32
      %add3A_3078 = arith.addi %mul3A_3072, %add3A_3077 : i32
      %get3A_3079 = arith.index_cast %add3A_3078 : i32 to index
      %get3A_3080 = tpu.vector_load %arg11[%get3A_3079] {strides = array<i32>} : memref<4096xf32, #tpu.memory_space<vmem>>, vector<16xf32>,
      %add3A_3081 = arith.addf %scan3A_3064, %get3A_3080 : vector<16xf32>
      %add3A_3082 = arith.constant 32 : i32
      %add3A_3083 = arith.addi %mul3A_3072, %add3A_3082 : i32
      %get3A_3084 = arith.index_cast %add3A_3083 : i32 to index
      %get3A_3085 = tpu.vector_load %arg11[%get3A_3084] {strides = array<i32>} : memref<4096xf32, #tpu.memory_space<vmem>>, vector<16xf32>,
      %add3A_3086 = arith.addf %scan3A_3065, %get3A_3085 : vector<16xf32>
      %add3A_3087 = arith.constant 48 : i32
      %add3A_3088 = arith.addi %mul3A_3072, %add3A_3087 : i32
      %get3A_3089 = arith.index_cast %add3A_3088 : i32 to index
      %get3A_3090 = tpu.vector_load %arg11[%get3A_3089] {strides = array<i32>} : memref<4096xf32, #tpu.memory_space<vmem>>, vector<16xf32>,
      %add3A_3091 = arith.addf %scan3A_3066, %get3A_3090 : vector<16xf32>
      %add3A_3092 = arith.constant 64 : i32
      %add3A_3093 = arith.addi %mul3A_3072, %add3A_3092 : i32
      %add3A_3094 = arith.constant 0 : i32
      %add3A_3095 = arith.addi %add3A_3093, %add3A_3094 : i32
      %get3A_3096 = arith.index_cast %add3A_3095 : i32 to index
      %get3A_3097 = tpu.vector_load %arg11[%get3A_3096] {strides = array<i32>} : memref<4096xf32, #tpu.memory_space<vmem>>, vector<16xf32>,
      %add3A_3098 = arith.addf %scan3A_3067, %get3A_3097 : vector<16xf32>
      %add3A_3099 = arith.constant 64 : i32
      %add3A_3100 = arith.addi %mul3A_3072, %add3A_3099 : i32
      %add3A_3101 = arith.constant 16 : i32
      %add3A_3102 = arith.addi %add3A_3100, %add3A_3101 : i32
      %get3A_3103 = arith.index_cast %add3A_3102 : i32 to index
      %get3A_3104 = tpu.vector_load %arg11[%get3A_3103] {strides = array<i32>} : memref<4096xf32, #tpu.memory_space<vmem>>, vector<16xf32>,
      %add3A_3105 = arith.addf %scan3A_3068, %get3A_3104 : vector<16xf32>
      %add3A_3106 = arith.constant 64 : i32
      %add3A_3107 = arith.addi %mul3A_3072, %add3A_3106 : i32
      %add3A_3108 = arith.constant 32 : i32
      %add3A_3109 = arith.addi %add3A_3107, %add3A_3108 : i32
      %get3A_3110 = arith.index_cast %add3A_3109 : i32 to index
      %get3A_3111 = tpu.vector_load %arg11[%get3A_3110] {strides = array<i32>} : memref<4096xf32, #tpu.memory_space<vmem>>, vector<16xf32>,
      %add3A_3112 = arith.addf %scan3A_3069, %get3A_3111 : vector<16xf32>
      %add3A_3113 = arith.constant 64 : i32
      %add3A_3114 = arith.addi %mul3A_3072, %add3A_3113 : i32
      %add3A_3115 = arith.constant 48 : i32
      %add3A_3116 = arith.addi %add3A_3114, %add3A_3115 : i32
      %get3A_3117 = arith.index_cast %add3A_3116 : i32 to index
      %get3A_3118 = tpu.vector_load %arg11[%get3A_3117] {strides = array<i32>} : memref<4096xf32, #tpu.memory_space<vmem>>, vector<16xf32>,
      %add3A_3119 = arith.addf %scan3A_3070, %get3A_3118 : vector<16xf32>
      scf.yield %add3A_3076, %add3A_3081, %add3A_3086, %add3A_3091, %add3A_3098, %add3A_3105, %add3A_3112, %add3A_3119 : vector<16xf32>, vector<16xf32>, vector<16xf32>, vector<16xf32>, vector<16xf32>, vector<16xf32>, vector<16xf32>, vector<16xf32>
    }
    %scan3A_969 = arith.constant 16 : i32
    %broadcast_in_dim3A_970 = arith.constant 0.000000e+00 : f32
    %broadcast_in_dim3A_971 = vector.broadcast %broadcast_in_dim3A_970 : f32 to vector<16xf32>
    %lt3A_972 = arith.constant 15 : i32
    %lt3A_973 = vector.broadcast %lt3A_972 : i32 to vector<16xi32>
    %lt3A_974 = arith.cmpi slt, %iota3A, %lt3A_973 : vector<16xi32>
    %add3A_975 = arith.constant 1 : i32
    %add3A_976 = vector.broadcast %add3A_975 : i32 to vector<16xi32>
    %add3A_977 = arith.addi %iota3A, %add3A_976 : vector<16xi32>
    %and3A_978 = arith.constant 15 : i32
    %and3A_979 = vector.broadcast %and3A_978 : i32 to vector<16xi32>
    %and3A_980 = arith.andi %add3A_977, %and3A_979 : vector<16xi32>
    %broadcast_in_dim3A_981 = vector.shape_cast %and3A_980 : vector<16xi32> to vector<16x1xi32>
    %gather3A_982 = vector.shape_cast %broadcast_in_dim3A_981 : vector<16x1xi32> to vector<16xi32>
    %gather3A_983 = tpu.dynamic_gather %scan3A_968#3[%gather3A_982] in [0] : vector<16xf32>, vector<16xi32> -> vector<16xf32>
    %jit3A_984 = arith.constant 0.000000e+00 : f32
    %broadcast_in_dim3A_985 = vector.broadcast %jit3A_984 : f32 to vector<16xf32>
    %select_n3A_986 = arith.select %lt3A_974, %gather3A_983, %broadcast_in_dim3A_985 : vector<16xi1>, vector<16xf32>
    %add3A_987 = arith.addf %scan3A_968#3, %select_n3A_986 : vector<16xf32>
    %lt3A_988 = arith.constant 14 : i32
    %lt3A_989 = vector.broadcast %lt3A_988 : i32 to vector<16xi32>
    %lt3A_990 = arith.cmpi slt, %iota3A, %lt3A_989 : vector<16xi32>
    %add3A_991 = arith.constant 2 : i32
    %add3A_992 = vector.broadcast %add3A_991 : i32 to vector<16xi32>
    %add3A_993 = arith.addi %iota3A, %add3A_992 : vector<16xi32>
    %and3A_994 = arith.constant 15 : i32
    %and3A_995 = vector.broadcast %and3A_994 : i32 to vector<16xi32>
    %and3A_996 = arith.andi %add3A_993, %and3A_995 : vector<16xi32>
    %broadcast_in_dim3A_997 = vector.shape_cast %and3A_996 : vector<16xi32> to vector<16x1xi32>
    %gather3A_998 = vector.shape_cast %broadcast_in_dim3A_997 : vector<16x1xi32> to vector<16xi32>
    %gather3A_999 = tpu.dynamic_gather %add3A_987[%gather3A_998] in [0] : vector<16xf32>, vector<16xi32> -> vector<16xf32>
    %jit3A_1000 = arith.constant 0.000000e+00 : f32
    %broadcast_in_dim3A_1001 = vector.broadcast %jit3A_1000 : f32 to vector<16xf32>
    %select_n3A_1002 = arith.select %lt3A_990, %gather3A_999, %broadcast_in_dim3A_1001 : vector<16xi1>, vector<16xf32>
    %add3A_1003 = arith.addf %add3A_987, %select_n3A_1002 : vector<16xf32>
    %lt3A_1004 = arith.constant 12 : i32
    %lt3A_1005 = vector.broadcast %lt3A_1004 : i32 to vector<16xi32>
    %lt3A_1006 = arith.cmpi slt, %iota3A, %lt3A_1005 : vector<16xi32>
    %add3A_1007 = arith.constant 4 : i32
    %add3A_1008 = vector.broadcast %add3A_1007 : i32 to vector<16xi32>
    %add3A_1009 = arith.addi %iota3A, %add3A_1008 : vector<16xi32>
    %and3A_1010 = arith.constant 15 : i32
    %and3A_1011 = vector.broadcast %and3A_1010 : i32 to vector<16xi32>
    %and3A_1012 = arith.andi %add3A_1009, %and3A_1011 : vector<16xi32>
    %broadcast_in_dim3A_1013 = vector.shape_cast %and3A_1012 : vector<16xi32> to vector<16x1xi32>
    %gather3A_1014 = vector.shape_cast %broadcast_in_dim3A_1013 : vector<16x1xi32> to vector<16xi32>
    %gather3A_1015 = tpu.dynamic_gather %add3A_1003[%gather3A_1014] in [0] : vector<16xf32>, vector<16xi32> -> vector<16xf32>
    %jit3A_1016 = arith.constant 0.000000e+00 : f32
    %broadcast_in_dim3A_1017 = vector.broadcast %jit3A_1016 : f32 to vector<16xf32>
    %select_n3A_1018 = arith.select %lt3A_1006, %gather3A_1015, %broadcast_in_dim3A_1017 : vector<16xi1>, vector<16xf32>
    %add3A_1019 = arith.addf %add3A_1003, %select_n3A_1018 : vector<16xf32>
    %lt3A_1020 = arith.constant 8 : i32
    %lt3A_1021 = vector.broadcast %lt3A_1020 : i32 to vector<16xi32>
    %lt3A_1022 = arith.cmpi slt, %iota3A, %lt3A_1021 : vector<16xi32>
    %add3A_1023 = arith.constant 8 : i32
    %add3A_1024 = vector.broadcast %add3A_1023 : i32 to vector<16xi32>
    %add3A_1025 = arith.addi %iota3A, %add3A_1024 : vector<16xi32>
    %and3A_1026 = arith.constant 15 : i32
    %and3A_1027 = vector.broadcast %and3A_1026 : i32 to vector<16xi32>
    %and3A_1028 = arith.andi %add3A_1025, %and3A_1027 : vector<16xi32>
    %broadcast_in_dim3A_1029 = vector.shape_cast %and3A_1028 : vector<16xi32> to vector<16x1xi32>
    %gather3A_1030 = vector.shape_cast %broadcast_in_dim3A_1029 : vector<16x1xi32> to vector<16xi32>
    %gather3A_1031 = tpu.dynamic_gather %add3A_1019[%gather3A_1030] in [0] : vector<16xf32>, vector<16xi32> -> vector<16xf32>
    %jit3A_1032 = arith.constant 0.000000e+00 : f32
    %broadcast_in_dim3A_1033 = vector.broadcast %jit3A_1032 : f32 to vector<16xf32>
    %select_n3A_1034 = arith.select %lt3A_1022, %gather3A_1031, %broadcast_in_dim3A_1033 : vector<16xi1>, vector<16xf32>
    %add3A_1035 = arith.addf %add3A_1019, %select_n3A_1034 : vector<16xf32>
    %add3A_1036 = arith.addf %add3A_1035, %broadcast_in_dim3A_971 : vector<16xf32>
    %broadcast_in_dim3A_1037 = vector.shape_cast %broadcast_in_dim3A_1 : vector<16xi32> to vector<16x1xi32>
    %gather3A_1038 = vector.shape_cast %broadcast_in_dim3A_1037 : vector<16x1xi32> to vector<16xi32>
    %gather3A_1039 = tpu.dynamic_gather %add3A_1036[%gather3A_1038] in [0] : vector<16xf32>, vector<16xi32> -> vector<16xf32>
    %lt3A_1040 = arith.constant 15 : i32
    %lt3A_1041 = vector.broadcast %lt3A_1040 : i32 to vector<16xi32>
    %lt3A_1042 = arith.cmpi slt, %iota3A, %lt3A_1041 : vector<16xi32>
    %add3A_1043 = arith.constant 1 : i32
    %add3A_1044 = vector.broadcast %add3A_1043 : i32 to vector<16xi32>
    %add3A_1045 = arith.addi %iota3A, %add3A_1044 : vector<16xi32>
    %and3A_1046 = arith.constant 15 : i32
    %and3A_1047 = vector.broadcast %and3A_1046 : i32 to vector<16xi32>
    %and3A_1048 = arith.andi %add3A_1045, %and3A_1047 : vector<16xi32>
    %broadcast_in_dim3A_1049 = vector.shape_cast %and3A_1048 : vector<16xi32> to vector<16x1xi32>
    %gather3A_1050 = vector.shape_cast %broadcast_in_dim3A_1049 : vector<16x1xi32> to vector<16xi32>
    %gather3A_1051 = tpu.dynamic_gather %scan3A_968#2[%gather3A_1050] in [0] : vector<16xf32>, vector<16xi32> -> vector<16xf32>
    %jit3A_1052 = arith.constant 0.000000e+00 : f32
    %broadcast_in_dim3A_1053 = vector.broadcast %jit3A_1052 : f32 to vector<16xf32>
    %select_n3A_1054 = arith.select %lt3A_1042, %gather3A_1051, %broadcast_in_dim3A_1053 : vector<16xi1>, vector<16xf32>
    %add3A_1055 = arith.addf %scan3A_968#2, %select_n3A_1054 : vector<16xf32>
    %lt3A_1056 = arith.constant 14 : i32
    %lt3A_1057 = vector.broadcast %lt3A_1056 : i32 to vector<16xi32>
    %lt3A_1058 = arith.cmpi slt, %iota3A, %lt3A_1057 : vector<16xi32>
    %add3A_1059 = arith.constant 2 : i32
    %add3A_1060 = vector.broadcast %add3A_1059 : i32 to vector<16xi32>
    %add3A_1061 = arith.addi %iota3A, %add3A_1060 : vector<16xi32>
    %and3A_1062 = arith.constant 15 : i32
    %and3A_1063 = vector.broadcast %and3A_1062 : i32 to vector<16xi32>
    %and3A_1064 = arith.andi %add3A_1061, %and3A_1063 : vector<16xi32>
    %broadcast_in_dim3A_1065 = vector.shape_cast %and3A_1064 : vector<16xi32> to vector<16x1xi32>
    %gather3A_1066 = vector.shape_cast %broadcast_in_dim3A_1065 : vector<16x1xi32> to vector<16xi32>
    %gather3A_1067 = tpu.dynamic_gather %add3A_1055[%gather3A_1066] in [0] : vector<16xf32>, vector<16xi32> -> vector<16xf32>
    %jit3A_1068 = arith.constant 0.000000e+00 : f32
    %broadcast_in_dim3A_1069 = vector.broadcast %jit3A_1068 : f32 to vector<16xf32>
    %select_n3A_1070 = arith.select %lt3A_1058, %gather3A_1067, %broadcast_in_dim3A_1069 : vector<16xi1>, vector<16xf32>
    %add3A_1071 = arith.addf %add3A_1055, %select_n3A_1070 : vector<16xf32>
    %lt3A_1072 = arith.constant 12 : i32
    %lt3A_1073 = vector.broadcast %lt3A_1072 : i32 to vector<16xi32>
    %lt3A_1074 = arith.cmpi slt, %iota3A, %lt3A_1073 : vector<16xi32>
    %add3A_1075 = arith.constant 4 : i32
    %add3A_1076 = vector.broadcast %add3A_1075 : i32 to vector<16xi32>
    %add3A_1077 = arith.addi %iota3A, %add3A_1076 : vector<16xi32>
    %and3A_1078 = arith.constant 15 : i32
    %and3A_1079 = vector.broadcast %and3A_1078 : i32 to vector<16xi32>
    %and3A_1080 = arith.andi %add3A_1077, %and3A_1079 : vector<16xi32>
    %broadcast_in_dim3A_1081 = vector.shape_cast %and3A_1080 : vector<16xi32> to vector<16x1xi32>
    %gather3A_1082 = vector.shape_cast %broadcast_in_dim3A_1081 : vector<16x1xi32> to vector<16xi32>
    %gather3A_1083 = tpu.dynamic_gather %add3A_1071[%gather3A_1082] in [0] : vector<16xf32>, vector<16xi32> -> vector<16xf32>
    %jit3A_1084 = arith.constant 0.000000e+00 : f32
    %broadcast_in_dim3A_1085 = vector.broadcast %jit3A_1084 : f32 to vector<16xf32>
    %select_n3A_1086 = arith.select %lt3A_1074, %gather3A_1083, %broadcast_in_dim3A_1085 : vector<16xi1>, vector<16xf32>
    %add3A_1087 = arith.addf %add3A_1071, %select_n3A_1086 : vector<16xf32>
    %lt3A_1088 = arith.constant 8 : i32
    %lt3A_1089 = vector.broadcast %lt3A_1088 : i32 to vector<16xi32>
    %lt3A_1090 = arith.cmpi slt, %iota3A, %lt3A_1089 : vector<16xi32>
    %add3A_1091 = arith.constant 8 : i32
    %add3A_1092 = vector.broadcast %add3A_1091 : i32 to vector<16xi32>
    %add3A_1093 = arith.addi %iota3A, %add3A_1092 : vector<16xi32>
    %and3A_1094 = arith.constant 15 : i32
    %and3A_1095 = vector.broadcast %and3A_1094 : i32 to vector<16xi32>
    %and3A_1096 = arith.andi %add3A_1093, %and3A_1095 : vector<16xi32>
    %broadcast_in_dim3A_1097 = vector.shape_cast %and3A_1096 : vector<16xi32> to vector<16x1xi32>
    %gather3A_1098 = vector.shape_cast %broadcast_in_dim3A_1097 : vector<16x1xi32> to vector<16xi32>
    %gather3A_1099 = tpu.dynamic_gather %add3A_1087[%gather3A_1098] in [0] : vector<16xf32>, vector<16xi32> -> vector<16xf32>
    %jit3A_1100 = arith.constant 0.000000e+00 : f32
    %broadcast_in_dim3A_1101 = vector.broadcast %jit3A_1100 : f32 to vector<16xf32>
    %select_n3A_1102 = arith.select %lt3A_1090, %gather3A_1099, %broadcast_in_dim3A_1101 : vector<16xi1>, vector<16xf32>
    %add3A_1103 = arith.addf %add3A_1087, %select_n3A_1102 : vector<16xf32>
    %add3A_1104 = arith.addf %add3A_1103, %gather3A_1039 : vector<16xf32>
    %broadcast_in_dim3A_1105 = vector.shape_cast %broadcast_in_dim3A_1 : vector<16xi32> to vector<16x1xi32>
    %gather3A_1106 = vector.shape_cast %broadcast_in_dim3A_1105 : vector<16x1xi32> to vector<16xi32>
    %gather3A_1107 = tpu.dynamic_gather %add3A_1104[%gather3A_1106] in [0] : vector<16xf32>, vector<16xi32> -> vector<16xf32>
    %lt3A_1108 = arith.constant 15 : i32
    %lt3A_1109 = vector.broadcast %lt3A_1108 : i32 to vector<16xi32>
    %lt3A_1110 = arith.cmpi slt, %iota3A, %lt3A_1109 : vector<16xi32>
    %add3A_1111 = arith.constant 1 : i32
    %add3A_1112 = vector.broadcast %add3A_1111 : i32 to vector<16xi32>
    %add3A_1113 = arith.addi %iota3A, %add3A_1112 : vector<16xi32>
    %and3A_1114 = arith.constant 15 : i32
    %and3A_1115 = vector.broadcast %and3A_1114 : i32 to vector<16xi32>
    %and3A_1116 = arith.andi %add3A_1113, %and3A_1115 : vector<16xi32>
    %broadcast_in_dim3A_1117 = vector.shape_cast %and3A_1116 : vector<16xi32> to vector<16x1xi32>
    %gather3A_1118 = vector.shape_cast %broadcast_in_dim3A_1117 : vector<16x1xi32> to vector<16xi32>
    %gather3A_1119 = tpu.dynamic_gather %scan3A_968#1[%gather3A_1118] in [0] : vector<16xf32>, vector<16xi32> -> vector<16xf32>
    %jit3A_1120 = arith.constant 0.000000e+00 : f32
    %broadcast_in_dim3A_1121 = vector.broadcast %jit3A_1120 : f32 to vector<16xf32>
    %select_n3A_1122 = arith.select %lt3A_1110, %gather3A_1119, %broadcast_in_dim3A_1121 : vector<16xi1>, vector<16xf32>
    %add3A_1123 = arith.addf %scan3A_968#1, %select_n3A_1122 : vector<16xf32>
    %lt3A_1124 = arith.constant 14 : i32
    %lt3A_1125 = vector.broadcast %lt3A_1124 : i32 to vector<16xi32>
    %lt3A_1126 = arith.cmpi slt, %iota3A, %lt3A_1125 : vector<16xi32>
    %add3A_1127 = arith.constant 2 : i32
    %add3A_1128 = vector.broadcast %add3A_1127 : i32 to vector<16xi32>
    %add3A_1129 = arith.addi %iota3A, %add3A_1128 : vector<16xi32>
    %and3A_1130 = arith.constant 15 : i32
    %and3A_1131 = vector.broadcast %and3A_1130 : i32 to vector<16xi32>
    %and3A_1132 = arith.andi %add3A_1129, %and3A_1131 : vector<16xi32>
    %broadcast_in_dim3A_1133 = vector.shape_cast %and3A_1132 : vector<16xi32> to vector<16x1xi32>
    %gather3A_1134 = vector.shape_cast %broadcast_in_dim3A_1133 : vector<16x1xi32> to vector<16xi32>
    %gather3A_1135 = tpu.dynamic_gather %add3A_1123[%gather3A_1134] in [0] : vector<16xf32>, vector<16xi32> -> vector<16xf32>
    %jit3A_1136 = arith.constant 0.000000e+00 : f32
    %broadcast_in_dim3A_1137 = vector.broadcast %jit3A_1136 : f32 to vector<16xf32>
    %select_n3A_1138 = arith.select %lt3A_1126, %gather3A_1135, %broadcast_in_dim3A_1137 : vector<16xi1>, vector<16xf32>
    %add3A_1139 = arith.addf %add3A_1123, %select_n3A_1138 : vector<16xf32>
    %lt3A_1140 = arith.constant 12 : i32
    %lt3A_1141 = vector.broadcast %lt3A_1140 : i32 to vector<16xi32>
    %lt3A_1142 = arith.cmpi slt, %iota3A, %lt3A_1141 : vector<16xi32>
    %add3A_1143 = arith.constant 4 : i32
    %add3A_1144 = vector.broadcast %add3A_1143 : i32 to vector<16xi32>
    %add3A_1145 = arith.addi %iota3A, %add3A_1144 : vector<16xi32>
    %and3A_1146 = arith.constant 15 : i32
    %and3A_1147 = vector.broadcast %and3A_1146 : i32 to vector<16xi32>
    %and3A_1148 = arith.andi %add3A_1145, %and3A_1147 : vector<16xi32>
    %broadcast_in_dim3A_1149 = vector.shape_cast %and3A_1148 : vector<16xi32> to vector<16x1xi32>
    %gather3A_1150 = vector.shape_cast %broadcast_in_dim3A_1149 : vector<16x1xi32> to vector<16xi32>
    %gather3A_1151 = tpu.dynamic_gather %add3A_1139[%gather3A_1150] in [0] : vector<16xf32>, vector<16xi32> -> vector<16xf32>
    %jit3A_1152 = arith.constant 0.000000e+00 : f32
    %broadcast_in_dim3A_1153 = vector.broadcast %jit3A_1152 : f32 to vector<16xf32>
    %select_n3A_1154 = arith.select %lt3A_1142, %gather3A_1151, %broadcast_in_dim3A_1153 : vector<16xi1>, vector<16xf32>
    %add3A_1155 = arith.addf %add3A_1139, %select_n3A_1154 : vector<16xf32>
    %lt3A_1156 = arith.constant 8 : i32
    %lt3A_1157 = vector.broadcast %lt3A_1156 : i32 to vector<16xi32>
    %lt3A_1158 = arith.cmpi slt, %iota3A, %lt3A_1157 : vector<16xi32>
    %add3A_1159 = arith.constant 8 : i32
    %add3A_1160 = vector.broadcast %add3A_1159 : i32 to vector<16xi32>
    %add3A_1161 = arith.addi %iota3A, %add3A_1160 : vector<16xi32>
    %and3A_1162 = arith.constant 15 : i32
    %and3A_1163 = vector.broadcast %and3A_1162 : i32 to vector<16xi32>
    %and3A_1164 = arith.andi %add3A_1161, %and3A_1163 : vector<16xi32>
    %broadcast_in_dim3A_1165 = vector.shape_cast %and3A_1164 : vector<16xi32> to vector<16x1xi32>
    %gather3A_1166 = vector.shape_cast %broadcast_in_dim3A_1165 : vector<16x1xi32> to vector<16xi32>
    %gather3A_1167 = tpu.dynamic_gather %add3A_1155[%gather3A_1166] in [0] : vector<16xf32>, vector<16xi32> -> vector<16xf32>
    %jit3A_1168 = arith.constant 0.000000e+00 : f32
    %broadcast_in_dim3A_1169 = vector.broadcast %jit3A_1168 : f32 to vector<16xf32>
    %select_n3A_1170 = arith.select %lt3A_1158, %gather3A_1167, %broadcast_in_dim3A_1169 : vector<16xi1>, vector<16xf32>
    %add3A_1171 = arith.addf %add3A_1155, %select_n3A_1170 : vector<16xf32>
    %add3A_1172 = arith.addf %add3A_1171, %gather3A_1107 : vector<16xf32>
    %broadcast_in_dim3A_1173 = vector.shape_cast %broadcast_in_dim3A_1 : vector<16xi32> to vector<16x1xi32>
    %gather3A_1174 = vector.shape_cast %broadcast_in_dim3A_1173 : vector<16x1xi32> to vector<16xi32>
    %gather3A_1175 = tpu.dynamic_gather %add3A_1172[%gather3A_1174] in [0] : vector<16xf32>, vector<16xi32> -> vector<16xf32>
    %lt3A_1176 = arith.constant 15 : i32
    %lt3A_1177 = vector.broadcast %lt3A_1176 : i32 to vector<16xi32>
    %lt3A_1178 = arith.cmpi slt, %iota3A, %lt3A_1177 : vector<16xi32>
    %add3A_1179 = arith.constant 1 : i32
    %add3A_1180 = vector.broadcast %add3A_1179 : i32 to vector<16xi32>
    %add3A_1181 = arith.addi %iota3A, %add3A_1180 : vector<16xi32>
    %and3A_1182 = arith.constant 15 : i32
    %and3A_1183 = vector.broadcast %and3A_1182 : i32 to vector<16xi32>
    %and3A_1184 = arith.andi %add3A_1181, %and3A_1183 : vector<16xi32>
    %broadcast_in_dim3A_1185 = vector.shape_cast %and3A_1184 : vector<16xi32> to vector<16x1xi32>
    %gather3A_1186 = vector.shape_cast %broadcast_in_dim3A_1185 : vector<16x1xi32> to vector<16xi32>
    %gather3A_1187 = tpu.dynamic_gather %scan3A_968#0[%gather3A_1186] in [0] : vector<16xf32>, vector<16xi32> -> vector<16xf32>
    %jit3A_1188 = arith.constant 0.000000e+00 : f32
    %broadcast_in_dim3A_1189 = vector.broadcast %jit3A_1188 : f32 to vector<16xf32>
    %select_n3A_1190 = arith.select %lt3A_1178, %gather3A_1187, %broadcast_in_dim3A_1189 : vector<16xi1>, vector<16xf32>
    %add3A_1191 = arith.addf %scan3A_968#0, %select_n3A_1190 : vector<16xf32>
    %lt3A_1192 = arith.constant 14 : i32
    %lt3A_1193 = vector.broadcast %lt3A_1192 : i32 to vector<16xi32>
    %lt3A_1194 = arith.cmpi slt, %iota3A, %lt3A_1193 : vector<16xi32>
    %add3A_1195 = arith.constant 2 : i32
    %add3A_1196 = vector.broadcast %add3A_1195 : i32 to vector<16xi32>
    %add3A_1197 = arith.addi %iota3A, %add3A_1196 : vector<16xi32>
    %and3A_1198 = arith.constant 15 : i32
    %and3A_1199 = vector.broadcast %and3A_1198 : i32 to vector<16xi32>
    %and3A_1200 = arith.andi %add3A_1197, %and3A_1199 : vector<16xi32>
    %broadcast_in_dim3A_1201 = vector.shape_cast %and3A_1200 : vector<16xi32> to vector<16x1xi32>
    %gather3A_1202 = vector.shape_cast %broadcast_in_dim3A_1201 : vector<16x1xi32> to vector<16xi32>
    %gather3A_1203 = tpu.dynamic_gather %add3A_1191[%gather3A_1202] in [0] : vector<16xf32>, vector<16xi32> -> vector<16xf32>
    %jit3A_1204 = arith.constant 0.000000e+00 : f32
    %broadcast_in_dim3A_1205 = vector.broadcast %jit3A_1204 : f32 to vector<16xf32>
    %select_n3A_1206 = arith.select %lt3A_1194, %gather3A_1203, %broadcast_in_dim3A_1205 : vector<16xi1>, vector<16xf32>
    %add3A_1207 = arith.addf %add3A_1191, %select_n3A_1206 : vector<16xf32>
    %lt3A_1208 = arith.constant 12 : i32
    %lt3A_1209 = vector.broadcast %lt3A_1208 : i32 to vector<16xi32>
    %lt3A_1210 = arith.cmpi slt, %iota3A, %lt3A_1209 : vector<16xi32>
    %add3A_1211 = arith.constant 4 : i32
    %add3A_1212 = vector.broadcast %add3A_1211 : i32 to vector<16xi32>
    %add3A_1213 = arith.addi %iota3A, %add3A_1212 : vector<16xi32>
    %and3A_1214 = arith.constant 15 : i32
    %and3A_1215 = vector.broadcast %and3A_1214 : i32 to vector<16xi32>
    %and3A_1216 = arith.andi %add3A_1213, %and3A_1215 : vector<16xi32>
    %broadcast_in_dim3A_1217 = vector.shape_cast %and3A_1216 : vector<16xi32> to vector<16x1xi32>
    %gather3A_1218 = vector.shape_cast %broadcast_in_dim3A_1217 : vector<16x1xi32> to vector<16xi32>
    %gather3A_1219 = tpu.dynamic_gather %add3A_1207[%gather3A_1218] in [0] : vector<16xf32>, vector<16xi32> -> vector<16xf32>
    %jit3A_1220 = arith.constant 0.000000e+00 : f32
    %broadcast_in_dim3A_1221 = vector.broadcast %jit3A_1220 : f32 to vector<16xf32>
    %select_n3A_1222 = arith.select %lt3A_1210, %gather3A_1219, %broadcast_in_dim3A_1221 : vector<16xi1>, vector<16xf32>
    %add3A_1223 = arith.addf %add3A_1207, %select_n3A_1222 : vector<16xf32>
    %lt3A_1224 = arith.constant 8 : i32
    %lt3A_1225 = vector.broadcast %lt3A_1224 : i32 to vector<16xi32>
    %lt3A_1226 = arith.cmpi slt, %iota3A, %lt3A_1225 : vector<16xi32>
    %add3A_1227 = arith.constant 8 : i32
    %add3A_1228 = vector.broadcast %add3A_1227 : i32 to vector<16xi32>
    %add3A_1229 = arith.addi %iota3A, %add3A_1228 : vector<16xi32>
    %and3A_1230 = arith.constant 15 : i32
    %and3A_1231 = vector.broadcast %and3A_1230 : i32 to vector<16xi32>
    %and3A_1232 = arith.andi %add3A_1229, %and3A_1231 : vector<16xi32>
    %broadcast_in_dim3A_1233 = vector.shape_cast %and3A_1232 : vector<16xi32> to vector<16x1xi32>
    %gather3A_1234 = vector.shape_cast %broadcast_in_dim3A_1233 : vector<16x1xi32> to vector<16xi32>
    %gather3A_1235 = tpu.dynamic_gather %add3A_1223[%gather3A_1234] in [0] : vector<16xf32>, vector<16xi32> -> vector<16xf32>
    %jit3A_1236 = arith.constant 0.000000e+00 : f32
    %broadcast_in_dim3A_1237 = vector.broadcast %jit3A_1236 : f32 to vector<16xf32>
    %select_n3A_1238 = arith.select %lt3A_1226, %gather3A_1235, %broadcast_in_dim3A_1237 : vector<16xi1>, vector<16xf32>
    %add3A_1239 = arith.addf %add3A_1223, %select_n3A_1238 : vector<16xf32>
    %add3A_1240 = arith.addf %add3A_1239, %gather3A_1175 : vector<16xf32>
    %broadcast_in_dim3A_1241 = vector.shape_cast %broadcast_in_dim3A_1 : vector<16xi32> to vector<16x1xi32>
    %gather3A_1242 = vector.shape_cast %broadcast_in_dim3A_1241 : vector<16x1xi32> to vector<16xi32>
    %gather3A_1243 = tpu.dynamic_gather %add3A_1240[%gather3A_1242] in [0] : vector<16xf32>, vector<16xi32> -> vector<16xf32>
    %sub3A_1244 = arith.constant 1.024000e+03 : f32
    %sub3A_1245 = vector.broadcast %sub3A_1244 : f32 to vector<16xf32>
    %sub3A_1246 = arith.subf %sub3A_1245, %add3A_928 : vector<16xf32>
    %broadcast_in_dim3A_1247 = arith.constant 0.000000e+00 : f32
    %broadcast_in_dim3A_1248 = vector.broadcast %broadcast_in_dim3A_1247 : f32 to vector<16xf32>
    %add3A_1249 = arith.constant 0 : i32
    %add3A_1250 = vector.broadcast %add3A_1249 : i32 to vector<16xi32>
    %add3A_1251 = arith.addi %iota3A, %add3A_1250 : vector<16xi32>
    %ge3A_1252 = arith.cmpf oge, %add3A_1240, %sub3A_1246 : vector<16xf32>
    %ge3A_1253 = arith.constant 1 : i32
    %ge3A_1254 = vector.broadcast %ge3A_1253 : i32 to vector<16xi32>
    %ge3A_1255 = arith.cmpi sge, %add3A_1251, %ge3A_1254 : vector<16xi32>
    %and3A_1256 = arith.andi %ge3A_1252, %ge3A_1255 : vector<16xi1>
    %jit3A_1257 = arith.constant 1.000000e+00 : f32
    %jit3A_1258 = arith.constant 0.000000e+00 : f32
    %broadcast_in_dim3A_1259 = vector.broadcast %jit3A_1257 : f32 to vector<16xf32>
    %broadcast_in_dim3A_1260 = vector.broadcast %jit3A_1258 : f32 to vector<16xf32>
    %select_n3A_1261 = arith.select %and3A_1256, %broadcast_in_dim3A_1259, %broadcast_in_dim3A_1260 : vector<16xi1>, vector<16xf32>
    %add3A_1262 = arith.addf %broadcast_in_dim3A_1248, %select_n3A_1261 : vector<16xf32>
    %add3A_1263 = arith.constant 16 : i32
    %add3A_1264 = vector.broadcast %add3A_1263 : i32 to vector<16xi32>
    %add3A_1265 = arith.addi %iota3A, %add3A_1264 : vector<16xi32>
    %ge3A_1266 = arith.cmpf oge, %add3A_1172, %sub3A_1246 : vector<16xf32>
    %ge3A_1267 = arith.constant 1 : i32
    %ge3A_1268 = vector.broadcast %ge3A_1267 : i32 to vector<16xi32>
    %ge3A_1269 = arith.cmpi sge, %add3A_1265, %ge3A_1268 : vector<16xi32>
    %and3A_1270 = arith.andi %ge3A_1266, %ge3A_1269 : vector<16xi1>
    %jit3A_1271 = arith.constant 1.000000e+00 : f32
    %jit3A_1272 = arith.constant 0.000000e+00 : f32
    %broadcast_in_dim3A_1273 = vector.broadcast %jit3A_1271 : f32 to vector<16xf32>
    %broadcast_in_dim3A_1274 = vector.broadcast %jit3A_1272 : f32 to vector<16xf32>
    %select_n3A_1275 = arith.select %and3A_1270, %broadcast_in_dim3A_1273, %broadcast_in_dim3A_1274 : vector<16xi1>, vector<16xf32>
    %add3A_1276 = arith.addf %add3A_1262, %select_n3A_1275 : vector<16xf32>
    %add3A_1277 = arith.constant 32 : i32
    %add3A_1278 = vector.broadcast %add3A_1277 : i32 to vector<16xi32>
    %add3A_1279 = arith.addi %iota3A, %add3A_1278 : vector<16xi32>
    %ge3A_1280 = arith.cmpf oge, %add3A_1104, %sub3A_1246 : vector<16xf32>
    %ge3A_1281 = arith.constant 1 : i32
    %ge3A_1282 = vector.broadcast %ge3A_1281 : i32 to vector<16xi32>
    %ge3A_1283 = arith.cmpi sge, %add3A_1279, %ge3A_1282 : vector<16xi32>
    %and3A_1284 = arith.andi %ge3A_1280, %ge3A_1283 : vector<16xi1>
    %jit3A_1285 = arith.constant 1.000000e+00 : f32
    %jit3A_1286 = arith.constant 0.000000e+00 : f32
    %broadcast_in_dim3A_1287 = vector.broadcast %jit3A_1285 : f32 to vector<16xf32>
    %broadcast_in_dim3A_1288 = vector.broadcast %jit3A_1286 : f32 to vector<16xf32>
    %select_n3A_1289 = arith.select %and3A_1284, %broadcast_in_dim3A_1287, %broadcast_in_dim3A_1288 : vector<16xi1>, vector<16xf32>
    %add3A_1290 = arith.addf %add3A_1276, %select_n3A_1289 : vector<16xf32>
    %add3A_1291 = arith.constant 48 : i32
    %add3A_1292 = vector.broadcast %add3A_1291 : i32 to vector<16xi32>
    %add3A_1293 = arith.addi %iota3A, %add3A_1292 : vector<16xi32>
    %ge3A_1294 = arith.cmpf oge, %add3A_1036, %sub3A_1246 : vector<16xf32>
    %ge3A_1295 = arith.constant 1 : i32
    %ge3A_1296 = vector.broadcast %ge3A_1295 : i32 to vector<16xi32>
    %ge3A_1297 = arith.cmpi sge, %add3A_1293, %ge3A_1296 : vector<16xi32>
    %and3A_1298 = arith.andi %ge3A_1294, %ge3A_1297 : vector<16xi1>
    %jit3A_1299 = arith.constant 1.000000e+00 : f32
    %jit3A_1300 = arith.constant 0.000000e+00 : f32
    %broadcast_in_dim3A_1301 = vector.broadcast %jit3A_1299 : f32 to vector<16xf32>
    %broadcast_in_dim3A_1302 = vector.broadcast %jit3A_1300 : f32 to vector<16xf32>
    %select_n3A_1303 = arith.select %and3A_1298, %broadcast_in_dim3A_1301, %broadcast_in_dim3A_1302 : vector<16xi1>, vector<16xf32>
    %add3A_1304 = arith.addf %add3A_1290, %select_n3A_1303 : vector<16xf32>
    %xor3A_1305 = arith.constant 8 : i32
    %xor3A_1306 = vector.broadcast %xor3A_1305 : i32 to vector<16xi32>
    %xor3A_1307 = arith.xori %iota3A, %xor3A_1306 : vector<16xi32>
    %broadcast_in_dim3A_1308 = vector.shape_cast %xor3A_1307 : vector<16xi32> to vector<16x1xi32>
    %gather3A_1309 = vector.shape_cast %broadcast_in_dim3A_1308 : vector<16x1xi32> to vector<16xi32>
    %gather3A_1310 = tpu.dynamic_gather %add3A_1304[%gather3A_1309] in [0] : vector<16xf32>, vector<16xi32> -> vector<16xf32>
    %add3A_1311 = arith.addf %add3A_1304, %gather3A_1310 : vector<16xf32>
    %xor3A_1312 = arith.constant 4 : i32
    %xor3A_1313 = vector.broadcast %xor3A_1312 : i32 to vector<16xi32>
    %xor3A_1314 = arith.xori %iota3A, %xor3A_1313 : vector<16xi32>
    %broadcast_in_dim3A_1315 = vector.shape_cast %xor3A_1314 : vector<16xi32> to vector<16x1xi32>
    %gather3A_1316 = vector.shape_cast %broadcast_in_dim3A_1315 : vector<16x1xi32> to vector<16xi32>
    %gather3A_1317 = tpu.dynamic_gather %add3A_1311[%gather3A_1316] in [0] : vector<16xf32>, vector<16xi32> -> vector<16xf32>
    %add3A_1318 = arith.addf %add3A_1311, %gather3A_1317 : vector<16xf32>
    %xor3A_1319 = arith.constant 2 : i32
    %xor3A_1320 = vector.broadcast %xor3A_1319 : i32 to vector<16xi32>
    %xor3A_1321 = arith.xori %iota3A, %xor3A_1320 : vector<16xi32>
    %broadcast_in_dim3A_1322 = vector.shape_cast %xor3A_1321 : vector<16xi32> to vector<16x1xi32>
    %gather3A_1323 = vector.shape_cast %broadcast_in_dim3A_1322 : vector<16x1xi32> to vector<16xi32>
    %gather3A_1324 = tpu.dynamic_gather %add3A_1318[%gather3A_1323] in [0] : vector<16xf32>, vector<16xi32> -> vector<16xf32>
    %add3A_1325 = arith.addf %add3A_1318, %gather3A_1324 : vector<16xf32>
    %xor3A_1326 = arith.constant 1 : i32
    %xor3A_1327 = vector.broadcast %xor3A_1326 : i32 to vector<16xi32>
    %xor3A_1328 = arith.xori %iota3A, %xor3A_1327 : vector<16xi32>
    %broadcast_in_dim3A_1329 = vector.shape_cast %xor3A_1328 : vector<16xi32> to vector<16x1xi32>
    %gather3A_1330 = vector.shape_cast %broadcast_in_dim3A_1329 : vector<16x1xi32> to vector<16xi32>
    %gather3A_1331 = tpu.dynamic_gather %add3A_1325[%gather3A_1330] in [0] : vector<16xf32>, vector<16xi32> -> vector<16xf32>
    %add3A_1332 = arith.addf %add3A_1325, %gather3A_1331 : vector<16xf32>
    %convert_element_type3A_1333 = arith.fptosi %add3A_1332 : vector<16xf32> to vector<16xi32>
    %broadcast_in_dim3A_1334 = arith.constant 0.000000e+00 : f32
    %broadcast_in_dim3A_1335 = vector.broadcast %broadcast_in_dim3A_1334 : f32 to vector<16xf32>
    %broadcast_in_dim3A_1336 = arith.constant 0.000000e+00 : f32
    %broadcast_in_dim3A_1337 = vector.broadcast %broadcast_in_dim3A_1336 : f32 to vector<16xf32>
    %add3A_1338 = arith.constant 1.000000e+00 : f32
    %add3A_1339 = vector.broadcast %add3A_1338 : f32 to vector<16xf32>
    %add3A_1340 = arith.addf %add3A_1332, %add3A_1339 : vector<16xf32>
    %add3A_1341 = arith.constant 0 : i32
    %add3A_1342 = vector.broadcast %add3A_1341 : i32 to vector<16xi32>
    %add3A_1343 = arith.addi %iota3A, %add3A_1342 : vector<16xi32>
    %convert_element_type3A_1344 = arith.sitofp %add3A_1343 : vector<16xi32> to vector<16xf32>
    %eq3A_1345 = arith.cmpf oeq, %convert_element_type3A_1344, %add3A_1340 : vector<16xf32>
    %jit3A_1346 = arith.constant 0.000000e+00 : f32
    %broadcast_in_dim3A_1347 = vector.broadcast %jit3A_1346 : f32 to vector<16xf32>
    %select_n3A_1348 = arith.select %eq3A_1345, %add3A_1240, %broadcast_in_dim3A_1347 : vector<16xi1>, vector<16xf32>
    %add3A_1349 = arith.addf %broadcast_in_dim3A_1335, %select_n3A_1348 : vector<16xf32>
    %ge3A_1350 = arith.cmpf oge, %convert_element_type3A_1344, %add3A_1340 : vector<16xf32>
    %jit3A_1351 = arith.constant 0.000000e+00 : f32
    %broadcast_in_dim3A_1352 = vector.broadcast %jit3A_1351 : f32 to vector<16xf32>
    %select_n3A_1353 = arith.select %ge3A_1350, %scan3A_968#4, %broadcast_in_dim3A_1352 : vector<16xi1>, vector<16xf32>
    %add3A_1354 = arith.addf %broadcast_in_dim3A_1337, %select_n3A_1353 : vector<16xf32>
    %add3A_1355 = arith.constant 16 : i32
    %add3A_1356 = vector.broadcast %add3A_1355 : i32 to vector<16xi32>
    %add3A_1357 = arith.addi %iota3A, %add3A_1356 : vector<16xi32>
    %convert_element_type3A_1358 = arith.sitofp %add3A_1357 : vector<16xi32> to vector<16xf32>
    %eq3A_1359 = arith.cmpf oeq, %convert_element_type3A_1358, %add3A_1340 : vector<16xf32>
    %jit3A_1360 = arith.constant 0.000000e+00 : f32
    %broadcast_in_dim3A_1361 = vector.broadcast %jit3A_1360 : f32 to vector<16xf32>
    %select_n3A_1362 = arith.select %eq3A_1359, %add3A_1172, %broadcast_in_dim3A_1361 : vector<16xi1>, vector<16xf32>
    %add3A_1363 = arith.addf %add3A_1349, %select_n3A_1362 : vector<16xf32>
    %ge3A_1364 = arith.cmpf oge, %convert_element_type3A_1358, %add3A_1340 : vector<16xf32>
    %jit3A_1365 = arith.constant 0.000000e+00 : f32
    %broadcast_in_dim3A_1366 = vector.broadcast %jit3A_1365 : f32 to vector<16xf32>
    %select_n3A_1367 = arith.select %ge3A_1364, %scan3A_968#5, %broadcast_in_dim3A_1366 : vector<16xi1>, vector<16xf32>
    %add3A_1368 = arith.addf %add3A_1354, %select_n3A_1367 : vector<16xf32>
    %add3A_1369 = arith.constant 32 : i32
    %add3A_1370 = vector.broadcast %add3A_1369 : i32 to vector<16xi32>
    %add3A_1371 = arith.addi %iota3A, %add3A_1370 : vector<16xi32>
    %convert_element_type3A_1372 = arith.sitofp %add3A_1371 : vector<16xi32> to vector<16xf32>
    %eq3A_1373 = arith.cmpf oeq, %convert_element_type3A_1372, %add3A_1340 : vector<16xf32>
    %jit3A_1374 = arith.constant 0.000000e+00 : f32
    %broadcast_in_dim3A_1375 = vector.broadcast %jit3A_1374 : f32 to vector<16xf32>
    %select_n3A_1376 = arith.select %eq3A_1373, %add3A_1104, %broadcast_in_dim3A_1375 : vector<16xi1>, vector<16xf32>
    %add3A_1377 = arith.addf %add3A_1363, %select_n3A_1376 : vector<16xf32>
    %ge3A_1378 = arith.cmpf oge, %convert_element_type3A_1372, %add3A_1340 : vector<16xf32>
    %jit3A_1379 = arith.constant 0.000000e+00 : f32
    %broadcast_in_dim3A_1380 = vector.broadcast %jit3A_1379 : f32 to vector<16xf32>
    %select_n3A_1381 = arith.select %ge3A_1378, %scan3A_968#6, %broadcast_in_dim3A_1380 : vector<16xi1>, vector<16xf32>
    %add3A_1382 = arith.addf %add3A_1368, %select_n3A_1381 : vector<16xf32>
    %add3A_1383 = arith.constant 48 : i32
    %add3A_1384 = vector.broadcast %add3A_1383 : i32 to vector<16xi32>
    %add3A_1385 = arith.addi %iota3A, %add3A_1384 : vector<16xi32>
    %convert_element_type3A_1386 = arith.sitofp %add3A_1385 : vector<16xi32> to vector<16xf32>
    %eq3A_1387 = arith.cmpf oeq, %convert_element_type3A_1386, %add3A_1340 : vector<16xf32>
    %jit3A_1388 = arith.constant 0.000000e+00 : f32
    %broadcast_in_dim3A_1389 = vector.broadcast %jit3A_1388 : f32 to vector<16xf32>
    %select_n3A_1390 = arith.select %eq3A_1387, %add3A_1036, %broadcast_in_dim3A_1389 : vector<16xi1>, vector<16xf32>
    %add3A_1391 = arith.addf %add3A_1377, %select_n3A_1390 : vector<16xf32>
    %ge3A_1392 = arith.cmpf oge, %convert_element_type3A_1386, %add3A_1340 : vector<16xf32>
    %jit3A_1393 = arith.constant 0.000000e+00 : f32
    %broadcast_in_dim3A_1394 = vector.broadcast %jit3A_1393 : f32 to vector<16xf32>
    %select_n3A_1395 = arith.select %ge3A_1392, %scan3A_968#7, %broadcast_in_dim3A_1394 : vector<16xi1>, vector<16xf32>
    %add3A_1396 = arith.addf %add3A_1382, %select_n3A_1395 : vector<16xf32>
    %xor3A_1397 = arith.constant 8 : i32
    %xor3A_1398 = vector.broadcast %xor3A_1397 : i32 to vector<16xi32>
    %xor3A_1399 = arith.xori %iota3A, %xor3A_1398 : vector<16xi32>
    %broadcast_in_dim3A_1400 = vector.shape_cast %xor3A_1399 : vector<16xi32> to vector<16x1xi32>
    %gather3A_1401 = vector.shape_cast %broadcast_in_dim3A_1400 : vector<16x1xi32> to vector<16xi32>
    %gather3A_1402 = tpu.dynamic_gather %add3A_1391[%gather3A_1401] in [0] : vector<16xf32>, vector<16xi32> -> vector<16xf32>
    %add3A_1403 = arith.addf %add3A_1391, %gather3A_1402 : vector<16xf32>
    %xor3A_1404 = arith.constant 4 : i32
    %xor3A_1405 = vector.broadcast %xor3A_1404 : i32 to vector<16xi32>
    %xor3A_1406 = arith.xori %iota3A, %xor3A_1405 : vector<16xi32>
    %broadcast_in_dim3A_1407 = vector.shape_cast %xor3A_1406 : vector<16xi32> to vector<16x1xi32>
    %gather3A_1408 = vector.shape_cast %broadcast_in_dim3A_1407 : vector<16x1xi32> to vector<16xi32>
    %gather3A_1409 = tpu.dynamic_gather %add3A_1403[%gather3A_1408] in [0] : vector<16xf32>, vector<16xi32> -> vector<16xf32>
    %add3A_1410 = arith.addf %add3A_1403, %gather3A_1409 : vector<16xf32>
    %xor3A_1411 = arith.constant 2 : i32
    %xor3A_1412 = vector.broadcast %xor3A_1411 : i32 to vector<16xi32>
    %xor3A_1413 = arith.xori %iota3A, %xor3A_1412 : vector<16xi32>
    %broadcast_in_dim3A_1414 = vector.shape_cast %xor3A_1413 : vector<16xi32> to vector<16x1xi32>
    %gather3A_1415 = vector.shape_cast %broadcast_in_dim3A_1414 : vector<16x1xi32> to vector<16xi32>
    %gather3A_1416 = tpu.dynamic_gather %add3A_1410[%gather3A_1415] in [0] : vector<16xf32>, vector<16xi32> -> vector<16xf32>
    %add3A_1417 = arith.addf %add3A_1410, %gather3A_1416 : vector<16xf32>
    %xor3A_1418 = arith.constant 1 : i32
    %xor3A_1419 = vector.broadcast %xor3A_1418 : i32 to vector<16xi32>
    %xor3A_1420 = arith.xori %iota3A, %xor3A_1419 : vector<16xi32>
    %broadcast_in_dim3A_1421 = vector.shape_cast %xor3A_1420 : vector<16xi32> to vector<16x1xi32>
    %gather3A_1422 = vector.shape_cast %broadcast_in_dim3A_1421 : vector<16x1xi32> to vector<16xi32>
    %gather3A_1423 = tpu.dynamic_gather %add3A_1417[%gather3A_1422] in [0] : vector<16xf32>, vector<16xi32> -> vector<16xf32>
    %add3A_1424 = arith.addf %add3A_1417, %gather3A_1423 : vector<16xf32>
    %xor3A_1425 = arith.constant 8 : i32
    %xor3A_1426 = vector.broadcast %xor3A_1425 : i32 to vector<16xi32>
    %xor3A_1427 = arith.xori %iota3A, %xor3A_1426 : vector<16xi32>
    %broadcast_in_dim3A_1428 = vector.shape_cast %xor3A_1427 : vector<16xi32> to vector<16x1xi32>
    %gather3A_1429 = vector.shape_cast %broadcast_in_dim3A_1428 : vector<16x1xi32> to vector<16xi32>
    %gather3A_1430 = tpu.dynamic_gather %add3A_1396[%gather3A_1429] in [0] : vector<16xf32>, vector<16xi32> -> vector<16xf32>
    %add3A_1431 = arith.addf %add3A_1396, %gather3A_1430 : vector<16xf32>
    %xor3A_1432 = arith.constant 4 : i32
    %xor3A_1433 = vector.broadcast %xor3A_1432 : i32 to vector<16xi32>
    %xor3A_1434 = arith.xori %iota3A, %xor3A_1433 : vector<16xi32>
    %broadcast_in_dim3A_1435 = vector.shape_cast %xor3A_1434 : vector<16xi32> to vector<16x1xi32>
    %gather3A_1436 = vector.shape_cast %broadcast_in_dim3A_1435 : vector<16x1xi32> to vector<16xi32>
    %gather3A_1437 = tpu.dynamic_gather %add3A_1431[%gather3A_1436] in [0] : vector<16xf32>, vector<16xi32> -> vector<16xf32>
    %add3A_1438 = arith.addf %add3A_1431, %gather3A_1437 : vector<16xf32>
    %xor3A_1439 = arith.constant 2 : i32
    %xor3A_1440 = vector.broadcast %xor3A_1439 : i32 to vector<16xi32>
    %xor3A_1441 = arith.xori %iota3A, %xor3A_1440 : vector<16xi32>
    %broadcast_in_dim3A_1442 = vector.shape_cast %xor3A_1441 : vector<16xi32> to vector<16x1xi32>
    %gather3A_1443 = vector.shape_cast %broadcast_in_dim3A_1442 : vector<16x1xi32> to vector<16xi32>
    %gather3A_1444 = tpu.dynamic_gather %add3A_1438[%gather3A_1443] in [0] : vector<16xf32>, vector<16xi32> -> vector<16xf32>
    %add3A_1445 = arith.addf %add3A_1438, %gather3A_1444 : vector<16xf32>
    %xor3A_1446 = arith.constant 1 : i32
    %xor3A_1447 = vector.broadcast %xor3A_1446 : i32 to vector<16xi32>
    %xor3A_1448 = arith.xori %iota3A, %xor3A_1447 : vector<16xi32>
    %broadcast_in_dim3A_1449 = vector.shape_cast %xor3A_1448 : vector<16xi32> to vector<16x1xi32>
    %gather3A_1450 = vector.shape_cast %broadcast_in_dim3A_1449 : vector<16x1xi32> to vector<16xi32>
    %gather3A_1451 = tpu.dynamic_gather %add3A_1445[%gather3A_1450] in [0] : vector<16xf32>, vector<16xi32> -> vector<16xf32>
    %add3A_1452 = arith.addf %add3A_1445, %gather3A_1451 : vector<16xf32>
    %shift_left3A_1453 = arith.constant 18 : i32
    %shift_left3A_1454 = vector.broadcast %shift_left3A_1453 : i32 to vector<16xi32>
    %shift_left3A_1455 = arith.shli %convert_element_type3A_1333, %shift_left3A_1454 : vector<16xi32>
    %add3A_1456 = arith.addi %add3A_927, %shift_left3A_1455 : vector<16xi32>
    %add3A_1457 = arith.addf %add3A_928, %add3A_1424 : vector<16xf32>
    %add3A_1458 = arith.addf %add3A_929, %add3A_1452 : vector<16xf32>
    %scan3A_1459 = arith.constant 0 : i32
    %scan3A_1460 = arith.constant 0 : i32
    %scan3A_1461 = arith.constant 8 : i32
    %scan3A_1462 = arith.addi %scan3A_1460, %scan3A_1461 : i32
    %scan3A_1463 = arith.constant 1 : i32
    scf.for %scan3A_3062 = %scan3A_1460 to %scan3A_1462 step %scan3A_1463  : i32 {
      %broadcast_in_dim3A_3063 = arith.constant 0.000000e+00 : f32
      %broadcast_in_dim3A_3064 = vector.broadcast %broadcast_in_dim3A_3063 : f32 to vector<16xf32>
      %mul3A_3065 = arith.constant 16 : i32
      %mul3A_3066 = arith.muli %scan3A_3062, %mul3A_3065 : i32
      %swap3A_3067 = arith.index_cast %mul3A_3066 : i32 to index
      %swap3A_3068 = tpu.vector_load %arg10[%swap3A_3067] {strides = array<i32>} : memref<256xf32, #tpu.memory_space<vmem>>, vector<16xf32>,
      tpu.vector_store %arg10[%swap3A_3067], %broadcast_in_dim3A_3064 {strides = array<i32>} : memref<256xf32, #tpu.memory_space<vmem>>, vector<16xf32>,
    }
    %scan3A_1464 = arith.constant 8 : i32
    %scan3A_1465 = arith.constant 0 : i32
    %scan3A_1466 = arith.constant 262144 : i32
    %scan3A_1467 = arith.constant 0 : i32
    %scan3A_1468 = arith.constant 64 : i32
    %scan3A_1469 = arith.addi %scan3A_1467, %scan3A_1468 : i32
    %scan3A_1470 = arith.constant 1 : i32
    scf.for %scan3A_3062 = %scan3A_1467 to %scan3A_1469 step %scan3A_1470  : i32 {
      %mul3A_3063 = arith.constant 16 : i32
      %mul3A_3064 = arith.muli %scan3A_3062, %mul3A_3063 : i32
      %get3A = arith.index_cast %mul3A_3064 : i32 to index
      %get3A_3065 = tpu.vector_load %arg9[%get3A] {strides = array<i32>} : memref<1024xi32, #tpu.memory_space<vmem>>, vector<16xi32>,
      %sub3A_3066 = arith.subi %get3A_3065, %add3A_1456 : vector<16xi32>
      %ge3A_3067 = arith.cmpi sge, %get3A_3065, %add3A_1456 : vector<16xi32>
      %lt3A_3068 = vector.broadcast %scan3A_1466 : i32 to vector<16xi32>
      %lt3A_3069 = arith.cmpi slt, %sub3A_3066, %lt3A_3068 : vector<16xi32>
      %and3A_3070 = arith.andi %ge3A_3067, %lt3A_3069 : vector<16xi1>
      %shift_right_arithmetic3A = arith.constant 12 : i32
      %shift_right_arithmetic3A_3071 = vector.broadcast %shift_right_arithmetic3A : i32 to vector<16xi32>
      %shift_right_arithmetic3A_3072 = arith.shrsi %sub3A_3066, %shift_right_arithmetic3A_3071 : vector<16xi32>
      %and3A_3073 = arith.constant 63 : i32
      %and3A_3074 = vector.broadcast %and3A_3073 : i32 to vector<16xi32>
      %and3A_3075 = arith.andi %shift_right_arithmetic3A_3072, %and3A_3074 : vector<16xi32>
      %bitcast_convert_type3A_3076 = tpu.bitcast %get3A_3065 : vector<16xi32> -> vector<16xf32>
      tpu.vector_store_idx %arg10[%and3A_3075], %add3A_5 masked %and3A_3070 {add = true} : memref<256xf32, #tpu.memory_space<vmem>>[vector<16xi32>], vector<16xf32>, vector<16xi1>
      %add3A_3077 = arith.constant 64 : i32
      %add3A_3078 = vector.broadcast %add3A_3077 : i32 to vector<16xi32>
      %add3A_3079 = arith.addi %and3A_3075, %add3A_3078 : vector<16xi32>
      tpu.vector_store_idx %arg10[%add3A_3079], %bitcast_convert_type3A_3076 masked %and3A_3070 {add = true} : memref<256xf32, #tpu.memory_space<vmem>>[vector<16xi32>], vector<16xf32>, vector<16xi1>
    }
    %scan3A_1471 = arith.constant 64 : i32
    %mul3A_1472 = arith.constant 128 : i32
    %mul3A_1473 = arith.muli %arg1, %mul3A_1472 : i32
    %run_scoped3A_1474 = arith.constant 0 : i32
    "tpu.region"() ({
      %run_scoped3A_3062 = tpu.sem_alloc : memref<!tpu.dma_semaphore, #tpu.memory_space<semaphore_mem>>
      %dma_start3A = arith.constant 0 : i32
      %dma_start3A_3063 = tpu.memref_slice %arg10[%dma_start3A] : memref<256xf32, #tpu.memory_space<vmem>> -> memref<128xf32, #tpu.memory_space<vmem>>
      %dma_start3A_3064 = tpu.memref_slice %arg13[%run_scoped3A_1474, %mul3A_1473] : memref<2x4096xf32, #tpu.memory_space<vmem_shared>> -> memref<1x128xf32, #tpu.memory_space<vmem_shared>>
      %dma_start3A_3065 = tpu.memref_squeeze %dma_start3A_3064 : memref<1x128xf32, #tpu.memory_space<vmem_shared>> -> memref<128xf32, #tpu.memory_space<vmem_shared>>
      %dma_start3A_3066 = tpu.memref_slice %arg13[%run_scoped3A_1474, %mul3A_1473] : memref<2x4096xf32, #tpu.memory_space<vmem_shared>> -> memref<1x128xf32, #tpu.memory_space<vmem_shared>>
      %dma_start3A_3067 = tpu.memref_squeeze %dma_start3A_3066 : memref<1x128xf32, #tpu.memory_space<vmem_shared>> -> memref<128xf32, #tpu.memory_space<vmem_shared>>
      %dma_start3A_3068 = arith.constant 0 : i32
      %dma_start3A_3069 = tpu.memref_slice %arg10[%dma_start3A_3068] : memref<256xf32, #tpu.memory_space<vmem>> -> memref<128xf32, #tpu.memory_space<vmem>>
      tpu.enqueue_dma source(%dma_start3A_3069 : memref<128xf32, #tpu.memory_space<vmem>>) target(%dma_start3A_3067 : memref<128xf32, #tpu.memory_space<vmem_shared>>) target_semaphore(%run_scoped3A_3062 : memref<!tpu.dma_semaphore, #tpu.memory_space<semaphore_mem>>)
      %dma_wait3A = arith.constant 0 : i32
      %dma_wait3A_3070 = tpu.memref_slice %arg10[%dma_wait3A] : memref<256xf32, #tpu.memory_space<vmem>> -> memref<128xf32, #tpu.memory_space<vmem>>
      %dma_wait3A_3071 = tpu.memref_slice %arg13[%run_scoped3A_1474, %mul3A_1473] : memref<2x4096xf32, #tpu.memory_space<vmem_shared>> -> memref<1x128xf32, #tpu.memory_space<vmem_shared>>
      %dma_wait3A_3072 = tpu.memref_squeeze %dma_wait3A_3071 : memref<1x128xf32, #tpu.memory_space<vmem_shared>> -> memref<128xf32, #tpu.memory_space<vmem_shared>>
      %dma_wait3A_3073 = tpu.memref_slice %arg13[%run_scoped3A_1474, %mul3A_1473] : memref<2x4096xf32, #tpu.memory_space<vmem_shared>> -> memref<1x128xf32, #tpu.memory_space<vmem_shared>>
      %dma_wait3A_3074 = tpu.memref_squeeze %dma_wait3A_3073 : memref<1x128xf32, #tpu.memory_space<vmem_shared>> -> memref<128xf32, #tpu.memory_space<vmem_shared>>
      %dma_wait3A_3075 = arith.constant 0 : i32
      %dma_wait3A_3076 = tpu.memref_slice %arg10[%dma_wait3A_3075] : memref<256xf32, #tpu.memory_space<vmem>> -> memref<128xf32, #tpu.memory_space<vmem>>
      tpu.wait_dma2 semaphore(%run_scoped3A_3062 : memref<!tpu.dma_semaphore, #tpu.memory_space<semaphore_mem>>) src(%dma_wait3A_3076 : memref<128xf32, #tpu.memory_space<vmem>>) dst(%dma_wait3A_3074 : memref<128xf32, #tpu.memory_space<vmem_shared>>)
      tpu.yield
    }) : () -> ()
    %barrier3A_1475 = arith.constant 0 : index
    tpu.barrier barrier_id(%barrier3A_1475)
    %run_scoped3A_1476 = arith.constant 0 : i32
    "tpu.region"() ({
      %run_scoped3A_3062 = tpu.sem_alloc : memref<!tpu.dma_semaphore, #tpu.memory_space<semaphore_mem>>
      %dma_start3A = arith.constant 0 : i32
      %dma_start3A_3063 = tpu.memref_slice %arg11[%dma_start3A] : memref<4096xf32, #tpu.memory_space<vmem>> -> memref<2048xf32, #tpu.memory_space<vmem>>
      %dma_start3A_3064 = arith.constant 0 : i32
      %dma_start3A_3065 = tpu.memref_slice %arg13[%run_scoped3A_1476, %dma_start3A_3064] : memref<2x4096xf32, #tpu.memory_space<vmem_shared>> -> memref<1x2048xf32, #tpu.memory_space<vmem_shared>>
      %dma_start3A_3066 = tpu.memref_squeeze %dma_start3A_3065 : memref<1x2048xf32, #tpu.memory_space<vmem_shared>> -> memref<2048xf32, #tpu.memory_space<vmem_shared>>
      %dma_start3A_3067 = arith.constant 0 : i32
      %dma_start3A_3068 = tpu.memref_slice %arg11[%dma_start3A_3067] : memref<4096xf32, #tpu.memory_space<vmem>> -> memref<2048xf32, #tpu.memory_space<vmem>>
      %dma_start3A_3069 = arith.constant 0 : i32
      %dma_start3A_3070 = tpu.memref_slice %arg13[%run_scoped3A_1476, %dma_start3A_3069] : memref<2x4096xf32, #tpu.memory_space<vmem_shared>> -> memref<1x2048xf32, #tpu.memory_space<vmem_shared>>
      %dma_start3A_3071 = tpu.memref_squeeze %dma_start3A_3070 : memref<1x2048xf32, #tpu.memory_space<vmem_shared>> -> memref<2048xf32, #tpu.memory_space<vmem_shared>>
      tpu.enqueue_dma source(%dma_start3A_3071 : memref<2048xf32, #tpu.memory_space<vmem_shared>>) target(%dma_start3A_3068 : memref<2048xf32, #tpu.memory_space<vmem>>) target_semaphore(%run_scoped3A_3062 : memref<!tpu.dma_semaphore, #tpu.memory_space<semaphore_mem>>)
      %dma_wait3A = arith.constant 0 : i32
      %dma_wait3A_3072 = tpu.memref_slice %arg11[%dma_wait3A] : memref<4096xf32, #tpu.memory_space<vmem>> -> memref<2048xf32, #tpu.memory_space<vmem>>
      %dma_wait3A_3073 = arith.constant 0 : i32
      %dma_wait3A_3074 = tpu.memref_slice %arg13[%run_scoped3A_1476, %dma_wait3A_3073] : memref<2x4096xf32, #tpu.memory_space<vmem_shared>> -> memref<1x2048xf32, #tpu.memory_space<vmem_shared>>
      %dma_wait3A_3075 = tpu.memref_squeeze %dma_wait3A_3074 : memref<1x2048xf32, #tpu.memory_space<vmem_shared>> -> memref<2048xf32, #tpu.memory_space<vmem_shared>>
      %dma_wait3A_3076 = arith.constant 0 : i32
      %dma_wait3A_3077 = tpu.memref_slice %arg11[%dma_wait3A_3076] : memref<4096xf32, #tpu.memory_space<vmem>> -> memref<2048xf32, #tpu.memory_space<vmem>>
      %dma_wait3A_3078 = arith.constant 0 : i32
      %dma_wait3A_3079 = tpu.memref_slice %arg13[%run_scoped3A_1476, %dma_wait3A_3078] : memref<2x4096xf32, #tpu.memory_space<vmem_shared>> -> memref<1x2048xf32, #tpu.memory_space<vmem_shared>>
      %dma_wait3A_3080 = tpu.memref_squeeze %dma_wait3A_3079 : memref<1x2048xf32, #tpu.memory_space<vmem_shared>> -> memref<2048xf32, #tpu.memory_space<vmem_shared>>
      tpu.wait_dma2 semaphore(%run_scoped3A_3062 : memref<!tpu.dma_semaphore, #tpu.memory_space<semaphore_mem>>) src(%dma_wait3A_3080 : memref<2048xf32, #tpu.memory_space<vmem_shared>>) dst(%dma_wait3A_3077 : memref<2048xf32, #tpu.memory_space<vmem>>)
      tpu.yield
    }) : () -> ()
    %broadcast_in_dim3A_1477 = arith.constant 0.000000e+00 : f32
    %broadcast_in_dim3A_1478 = vector.broadcast %broadcast_in_dim3A_1477 : f32 to vector<16xf32>
    %broadcast_in_dim3A_1479 = arith.constant 0.000000e+00 : f32
    %broadcast_in_dim3A_1480 = vector.broadcast %broadcast_in_dim3A_1479 : f32 to vector<16xf32>
    %broadcast_in_dim3A_1481 = arith.constant 0.000000e+00 : f32
    %broadcast_in_dim3A_1482 = vector.broadcast %broadcast_in_dim3A_1481 : f32 to vector<16xf32>
    %broadcast_in_dim3A_1483 = arith.constant 0.000000e+00 : f32
    %broadcast_in_dim3A_1484 = vector.broadcast %broadcast_in_dim3A_1483 : f32 to vector<16xf32>
    %broadcast_in_dim3A_1485 = arith.constant 0.000000e+00 : f32
    %broadcast_in_dim3A_1486 = vector.broadcast %broadcast_in_dim3A_1485 : f32 to vector<16xf32>
    %broadcast_in_dim3A_1487 = arith.constant 0.000000e+00 : f32
    %broadcast_in_dim3A_1488 = vector.broadcast %broadcast_in_dim3A_1487 : f32 to vector<16xf32>
    %broadcast_in_dim3A_1489 = arith.constant 0.000000e+00 : f32
    %broadcast_in_dim3A_1490 = vector.broadcast %broadcast_in_dim3A_1489 : f32 to vector<16xf32>
    %broadcast_in_dim3A_1491 = arith.constant 0.000000e+00 : f32
    %broadcast_in_dim3A_1492 = vector.broadcast %broadcast_in_dim3A_1491 : f32 to vector<16xf32>
    %scan3A_1493 = arith.constant 0 : i32
    %scan3A_1494 = arith.constant 16 : i32
    %scan3A_1495 = arith.addi %scan3A_1493, %scan3A_1494 : i32
    %scan3A_1496 = arith.constant 1 : i32
    %scan3A_1497:8 = scf.for %scan3A_3062 = %scan3A_1493 to %scan3A_1495 step %scan3A_1496 iter_args(%scan3A_3063 = %broadcast_in_dim3A_1478, %scan3A_3064 = %broadcast_in_dim3A_1480, %scan3A_3065 = %broadcast_in_dim3A_1482, %scan3A_3066 = %broadcast_in_dim3A_1484, %scan3A_3067 = %broadcast_in_dim3A_1486, %scan3A_3068 = %broadcast_in_dim3A_1488, %scan3A_3069 = %broadcast_in_dim3A_1490, %scan3A_3070 = %broadcast_in_dim3A_1492) -> (vector<16xf32>, vector<16xf32>, vector<16xf32>, vector<16xf32>, vector<16xf32>, vector<16xf32>, vector<16xf32>, vector<16xf32>)  : i32 {
      %mul3A_3071 = arith.constant 128 : i32
      %mul3A_3072 = arith.muli %scan3A_3062, %mul3A_3071 : i32
      %add3A_3073 = arith.constant 0 : i32
      %add3A_3074 = arith.addi %mul3A_3072, %add3A_3073 : i32
      %get3A = arith.index_cast %add3A_3074 : i32 to index
      %get3A_3075 = tpu.vector_load %arg11[%get3A] {strides = array<i32>} : memref<4096xf32, #tpu.memory_space<vmem>>, vector<16xf32>,
      %add3A_3076 = arith.addf %scan3A_3063, %get3A_3075 : vector<16xf32>
      %add3A_3077 = arith.constant 16 : i32
      %add3A_3078 = arith.addi %mul3A_3072, %add3A_3077 : i32
      %get3A_3079 = arith.index_cast %add3A_3078 : i32 to index
      %get3A_3080 = tpu.vector_load %arg11[%get3A_3079] {strides = array<i32>} : memref<4096xf32, #tpu.memory_space<vmem>>, vector<16xf32>,
      %add3A_3081 = arith.addf %scan3A_3064, %get3A_3080 : vector<16xf32>
      %add3A_3082 = arith.constant 32 : i32
      %add3A_3083 = arith.addi %mul3A_3072, %add3A_3082 : i32
      %get3A_3084 = arith.index_cast %add3A_3083 : i32 to index
      %get3A_3085 = tpu.vector_load %arg11[%get3A_3084] {strides = array<i32>} : memref<4096xf32, #tpu.memory_space<vmem>>, vector<16xf32>,
      %add3A_3086 = arith.addf %scan3A_3065, %get3A_3085 : vector<16xf32>
      %add3A_3087 = arith.constant 48 : i32
      %add3A_3088 = arith.addi %mul3A_3072, %add3A_3087 : i32
      %get3A_3089 = arith.index_cast %add3A_3088 : i32 to index
      %get3A_3090 = tpu.vector_load %arg11[%get3A_3089] {strides = array<i32>} : memref<4096xf32, #tpu.memory_space<vmem>>, vector<16xf32>,
      %add3A_3091 = arith.addf %scan3A_3066, %get3A_3090 : vector<16xf32>
      %add3A_3092 = arith.constant 64 : i32
      %add3A_3093 = arith.addi %mul3A_3072, %add3A_3092 : i32
      %add3A_3094 = arith.constant 0 : i32
      %add3A_3095 = arith.addi %add3A_3093, %add3A_3094 : i32
      %get3A_3096 = arith.index_cast %add3A_3095 : i32 to index
      %get3A_3097 = tpu.vector_load %arg11[%get3A_3096] {strides = array<i32>} : memref<4096xf32, #tpu.memory_space<vmem>>, vector<16xf32>,
      %add3A_3098 = arith.addf %scan3A_3067, %get3A_3097 : vector<16xf32>
      %add3A_3099 = arith.constant 64 : i32
      %add3A_3100 = arith.addi %mul3A_3072, %add3A_3099 : i32
      %add3A_3101 = arith.constant 16 : i32
      %add3A_3102 = arith.addi %add3A_3100, %add3A_3101 : i32
      %get3A_3103 = arith.index_cast %add3A_3102 : i32 to index
      %get3A_3104 = tpu.vector_load %arg11[%get3A_3103] {strides = array<i32>} : memref<4096xf32, #tpu.memory_space<vmem>>, vector<16xf32>,
      %add3A_3105 = arith.addf %scan3A_3068, %get3A_3104 : vector<16xf32>
      %add3A_3106 = arith.constant 64 : i32
      %add3A_3107 = arith.addi %mul3A_3072, %add3A_3106 : i32
      %add3A_3108 = arith.constant 32 : i32
      %add3A_3109 = arith.addi %add3A_3107, %add3A_3108 : i32
      %get3A_3110 = arith.index_cast %add3A_3109 : i32 to index
      %get3A_3111 = tpu.vector_load %arg11[%get3A_3110] {strides = array<i32>} : memref<4096xf32, #tpu.memory_space<vmem>>, vector<16xf32>,
      %add3A_3112 = arith.addf %scan3A_3069, %get3A_3111 : vector<16xf32>
      %add3A_3113 = arith.constant 64 : i32
      %add3A_3114 = arith.addi %mul3A_3072, %add3A_3113 : i32
      %add3A_3115 = arith.constant 48 : i32
      %add3A_3116 = arith.addi %add3A_3114, %add3A_3115 : i32
      %get3A_3117 = arith.index_cast %add3A_3116 : i32 to index
      %get3A_3118 = tpu.vector_load %arg11[%get3A_3117] {strides = array<i32>} : memref<4096xf32, #tpu.memory_space<vmem>>, vector<16xf32>,
      %add3A_3119 = arith.addf %scan3A_3070, %get3A_3118 : vector<16xf32>
      scf.yield %add3A_3076, %add3A_3081, %add3A_3086, %add3A_3091, %add3A_3098, %add3A_3105, %add3A_3112, %add3A_3119 : vector<16xf32>, vector<16xf32>, vector<16xf32>, vector<16xf32>, vector<16xf32>, vector<16xf32>, vector<16xf32>, vector<16xf32>
    }
    %scan3A_1498 = arith.constant 16 : i32
    %broadcast_in_dim3A_1499 = arith.constant 0.000000e+00 : f32
    %broadcast_in_dim3A_1500 = vector.broadcast %broadcast_in_dim3A_1499 : f32 to vector<16xf32>
    %lt3A_1501 = arith.constant 15 : i32
    %lt3A_1502 = vector.broadcast %lt3A_1501 : i32 to vector<16xi32>
    %lt3A_1503 = arith.cmpi slt, %iota3A, %lt3A_1502 : vector<16xi32>
    %add3A_1504 = arith.constant 1 : i32
    %add3A_1505 = vector.broadcast %add3A_1504 : i32 to vector<16xi32>
    %add3A_1506 = arith.addi %iota3A, %add3A_1505 : vector<16xi32>
    %and3A_1507 = arith.constant 15 : i32
    %and3A_1508 = vector.broadcast %and3A_1507 : i32 to vector<16xi32>
    %and3A_1509 = arith.andi %add3A_1506, %and3A_1508 : vector<16xi32>
    %broadcast_in_dim3A_1510 = vector.shape_cast %and3A_1509 : vector<16xi32> to vector<16x1xi32>
    %gather3A_1511 = vector.shape_cast %broadcast_in_dim3A_1510 : vector<16x1xi32> to vector<16xi32>
    %gather3A_1512 = tpu.dynamic_gather %scan3A_1497#3[%gather3A_1511] in [0] : vector<16xf32>, vector<16xi32> -> vector<16xf32>
    %jit3A_1513 = arith.constant 0.000000e+00 : f32
    %broadcast_in_dim3A_1514 = vector.broadcast %jit3A_1513 : f32 to vector<16xf32>
    %select_n3A_1515 = arith.select %lt3A_1503, %gather3A_1512, %broadcast_in_dim3A_1514 : vector<16xi1>, vector<16xf32>
    %add3A_1516 = arith.addf %scan3A_1497#3, %select_n3A_1515 : vector<16xf32>
    %lt3A_1517 = arith.constant 14 : i32
    %lt3A_1518 = vector.broadcast %lt3A_1517 : i32 to vector<16xi32>
    %lt3A_1519 = arith.cmpi slt, %iota3A, %lt3A_1518 : vector<16xi32>
    %add3A_1520 = arith.constant 2 : i32
    %add3A_1521 = vector.broadcast %add3A_1520 : i32 to vector<16xi32>
    %add3A_1522 = arith.addi %iota3A, %add3A_1521 : vector<16xi32>
    %and3A_1523 = arith.constant 15 : i32
    %and3A_1524 = vector.broadcast %and3A_1523 : i32 to vector<16xi32>
    %and3A_1525 = arith.andi %add3A_1522, %and3A_1524 : vector<16xi32>
    %broadcast_in_dim3A_1526 = vector.shape_cast %and3A_1525 : vector<16xi32> to vector<16x1xi32>
    %gather3A_1527 = vector.shape_cast %broadcast_in_dim3A_1526 : vector<16x1xi32> to vector<16xi32>
    %gather3A_1528 = tpu.dynamic_gather %add3A_1516[%gather3A_1527] in [0] : vector<16xf32>, vector<16xi32> -> vector<16xf32>
    %jit3A_1529 = arith.constant 0.000000e+00 : f32
    %broadcast_in_dim3A_1530 = vector.broadcast %jit3A_1529 : f32 to vector<16xf32>
    %select_n3A_1531 = arith.select %lt3A_1519, %gather3A_1528, %broadcast_in_dim3A_1530 : vector<16xi1>, vector<16xf32>
    %add3A_1532 = arith.addf %add3A_1516, %select_n3A_1531 : vector<16xf32>
    %lt3A_1533 = arith.constant 12 : i32
    %lt3A_1534 = vector.broadcast %lt3A_1533 : i32 to vector<16xi32>
    %lt3A_1535 = arith.cmpi slt, %iota3A, %lt3A_1534 : vector<16xi32>
    %add3A_1536 = arith.constant 4 : i32
    %add3A_1537 = vector.broadcast %add3A_1536 : i32 to vector<16xi32>
    %add3A_1538 = arith.addi %iota3A, %add3A_1537 : vector<16xi32>
    %and3A_1539 = arith.constant 15 : i32
    %and3A_1540 = vector.broadcast %and3A_1539 : i32 to vector<16xi32>
    %and3A_1541 = arith.andi %add3A_1538, %and3A_1540 : vector<16xi32>
    %broadcast_in_dim3A_1542 = vector.shape_cast %and3A_1541 : vector<16xi32> to vector<16x1xi32>
    %gather3A_1543 = vector.shape_cast %broadcast_in_dim3A_1542 : vector<16x1xi32> to vector<16xi32>
    %gather3A_1544 = tpu.dynamic_gather %add3A_1532[%gather3A_1543] in [0] : vector<16xf32>, vector<16xi32> -> vector<16xf32>
    %jit3A_1545 = arith.constant 0.000000e+00 : f32
    %broadcast_in_dim3A_1546 = vector.broadcast %jit3A_1545 : f32 to vector<16xf32>
    %select_n3A_1547 = arith.select %lt3A_1535, %gather3A_1544, %broadcast_in_dim3A_1546 : vector<16xi1>, vector<16xf32>
    %add3A_1548 = arith.addf %add3A_1532, %select_n3A_1547 : vector<16xf32>
    %lt3A_1549 = arith.constant 8 : i32
    %lt3A_1550 = vector.broadcast %lt3A_1549 : i32 to vector<16xi32>
    %lt3A_1551 = arith.cmpi slt, %iota3A, %lt3A_1550 : vector<16xi32>
    %add3A_1552 = arith.constant 8 : i32
    %add3A_1553 = vector.broadcast %add3A_1552 : i32 to vector<16xi32>
    %add3A_1554 = arith.addi %iota3A, %add3A_1553 : vector<16xi32>
    %and3A_1555 = arith.constant 15 : i32
    %and3A_1556 = vector.broadcast %and3A_1555 : i32 to vector<16xi32>
    %and3A_1557 = arith.andi %add3A_1554, %and3A_1556 : vector<16xi32>
    %broadcast_in_dim3A_1558 = vector.shape_cast %and3A_1557 : vector<16xi32> to vector<16x1xi32>
    %gather3A_1559 = vector.shape_cast %broadcast_in_dim3A_1558 : vector<16x1xi32> to vector<16xi32>
    %gather3A_1560 = tpu.dynamic_gather %add3A_1548[%gather3A_1559] in [0] : vector<16xf32>, vector<16xi32> -> vector<16xf32>
    %jit3A_1561 = arith.constant 0.000000e+00 : f32
    %broadcast_in_dim3A_1562 = vector.broadcast %jit3A_1561 : f32 to vector<16xf32>
    %select_n3A_1563 = arith.select %lt3A_1551, %gather3A_1560, %broadcast_in_dim3A_1562 : vector<16xi1>, vector<16xf32>
    %add3A_1564 = arith.addf %add3A_1548, %select_n3A_1563 : vector<16xf32>
    %add3A_1565 = arith.addf %add3A_1564, %broadcast_in_dim3A_1500 : vector<16xf32>
    %broadcast_in_dim3A_1566 = vector.shape_cast %broadcast_in_dim3A_1 : vector<16xi32> to vector<16x1xi32>
    %gather3A_1567 = vector.shape_cast %broadcast_in_dim3A_1566 : vector<16x1xi32> to vector<16xi32>
    %gather3A_1568 = tpu.dynamic_gather %add3A_1565[%gather3A_1567] in [0] : vector<16xf32>, vector<16xi32> -> vector<16xf32>
    %lt3A_1569 = arith.constant 15 : i32
    %lt3A_1570 = vector.broadcast %lt3A_1569 : i32 to vector<16xi32>
    %lt3A_1571 = arith.cmpi slt, %iota3A, %lt3A_1570 : vector<16xi32>
    %add3A_1572 = arith.constant 1 : i32
    %add3A_1573 = vector.broadcast %add3A_1572 : i32 to vector<16xi32>
    %add3A_1574 = arith.addi %iota3A, %add3A_1573 : vector<16xi32>
    %and3A_1575 = arith.constant 15 : i32
    %and3A_1576 = vector.broadcast %and3A_1575 : i32 to vector<16xi32>
    %and3A_1577 = arith.andi %add3A_1574, %and3A_1576 : vector<16xi32>
    %broadcast_in_dim3A_1578 = vector.shape_cast %and3A_1577 : vector<16xi32> to vector<16x1xi32>
    %gather3A_1579 = vector.shape_cast %broadcast_in_dim3A_1578 : vector<16x1xi32> to vector<16xi32>
    %gather3A_1580 = tpu.dynamic_gather %scan3A_1497#2[%gather3A_1579] in [0] : vector<16xf32>, vector<16xi32> -> vector<16xf32>
    %jit3A_1581 = arith.constant 0.000000e+00 : f32
    %broadcast_in_dim3A_1582 = vector.broadcast %jit3A_1581 : f32 to vector<16xf32>
    %select_n3A_1583 = arith.select %lt3A_1571, %gather3A_1580, %broadcast_in_dim3A_1582 : vector<16xi1>, vector<16xf32>
    %add3A_1584 = arith.addf %scan3A_1497#2, %select_n3A_1583 : vector<16xf32>
    %lt3A_1585 = arith.constant 14 : i32
    %lt3A_1586 = vector.broadcast %lt3A_1585 : i32 to vector<16xi32>
    %lt3A_1587 = arith.cmpi slt, %iota3A, %lt3A_1586 : vector<16xi32>
    %add3A_1588 = arith.constant 2 : i32
    %add3A_1589 = vector.broadcast %add3A_1588 : i32 to vector<16xi32>
    %add3A_1590 = arith.addi %iota3A, %add3A_1589 : vector<16xi32>
    %and3A_1591 = arith.constant 15 : i32
    %and3A_1592 = vector.broadcast %and3A_1591 : i32 to vector<16xi32>
    %and3A_1593 = arith.andi %add3A_1590, %and3A_1592 : vector<16xi32>
    %broadcast_in_dim3A_1594 = vector.shape_cast %and3A_1593 : vector<16xi32> to vector<16x1xi32>
    %gather3A_1595 = vector.shape_cast %broadcast_in_dim3A_1594 : vector<16x1xi32> to vector<16xi32>
    %gather3A_1596 = tpu.dynamic_gather %add3A_1584[%gather3A_1595] in [0] : vector<16xf32>, vector<16xi32> -> vector<16xf32>
    %jit3A_1597 = arith.constant 0.000000e+00 : f32
    %broadcast_in_dim3A_1598 = vector.broadcast %jit3A_1597 : f32 to vector<16xf32>
    %select_n3A_1599 = arith.select %lt3A_1587, %gather3A_1596, %broadcast_in_dim3A_1598 : vector<16xi1>, vector<16xf32>
    %add3A_1600 = arith.addf %add3A_1584, %select_n3A_1599 : vector<16xf32>
    %lt3A_1601 = arith.constant 12 : i32
    %lt3A_1602 = vector.broadcast %lt3A_1601 : i32 to vector<16xi32>
    %lt3A_1603 = arith.cmpi slt, %iota3A, %lt3A_1602 : vector<16xi32>
    %add3A_1604 = arith.constant 4 : i32
    %add3A_1605 = vector.broadcast %add3A_1604 : i32 to vector<16xi32>
    %add3A_1606 = arith.addi %iota3A, %add3A_1605 : vector<16xi32>
    %and3A_1607 = arith.constant 15 : i32
    %and3A_1608 = vector.broadcast %and3A_1607 : i32 to vector<16xi32>
    %and3A_1609 = arith.andi %add3A_1606, %and3A_1608 : vector<16xi32>
    %broadcast_in_dim3A_1610 = vector.shape_cast %and3A_1609 : vector<16xi32> to vector<16x1xi32>
    %gather3A_1611 = vector.shape_cast %broadcast_in_dim3A_1610 : vector<16x1xi32> to vector<16xi32>
    %gather3A_1612 = tpu.dynamic_gather %add3A_1600[%gather3A_1611] in [0] : vector<16xf32>, vector<16xi32> -> vector<16xf32>
    %jit3A_1613 = arith.constant 0.000000e+00 : f32
    %broadcast_in_dim3A_1614 = vector.broadcast %jit3A_1613 : f32 to vector<16xf32>
    %select_n3A_1615 = arith.select %lt3A_1603, %gather3A_1612, %broadcast_in_dim3A_1614 : vector<16xi1>, vector<16xf32>
    %add3A_1616 = arith.addf %add3A_1600, %select_n3A_1615 : vector<16xf32>
    %lt3A_1617 = arith.constant 8 : i32
    %lt3A_1618 = vector.broadcast %lt3A_1617 : i32 to vector<16xi32>
    %lt3A_1619 = arith.cmpi slt, %iota3A, %lt3A_1618 : vector<16xi32>
    %add3A_1620 = arith.constant 8 : i32
    %add3A_1621 = vector.broadcast %add3A_1620 : i32 to vector<16xi32>
    %add3A_1622 = arith.addi %iota3A, %add3A_1621 : vector<16xi32>
    %and3A_1623 = arith.constant 15 : i32
    %and3A_1624 = vector.broadcast %and3A_1623 : i32 to vector<16xi32>
    %and3A_1625 = arith.andi %add3A_1622, %and3A_1624 : vector<16xi32>
    %broadcast_in_dim3A_1626 = vector.shape_cast %and3A_1625 : vector<16xi32> to vector<16x1xi32>
    %gather3A_1627 = vector.shape_cast %broadcast_in_dim3A_1626 : vector<16x1xi32> to vector<16xi32>
    %gather3A_1628 = tpu.dynamic_gather %add3A_1616[%gather3A_1627] in [0] : vector<16xf32>, vector<16xi32> -> vector<16xf32>
    %jit3A_1629 = arith.constant 0.000000e+00 : f32
    %broadcast_in_dim3A_1630 = vector.broadcast %jit3A_1629 : f32 to vector<16xf32>
    %select_n3A_1631 = arith.select %lt3A_1619, %gather3A_1628, %broadcast_in_dim3A_1630 : vector<16xi1>, vector<16xf32>
    %add3A_1632 = arith.addf %add3A_1616, %select_n3A_1631 : vector<16xf32>
    %add3A_1633 = arith.addf %add3A_1632, %gather3A_1568 : vector<16xf32>
    %broadcast_in_dim3A_1634 = vector.shape_cast %broadcast_in_dim3A_1 : vector<16xi32> to vector<16x1xi32>
    %gather3A_1635 = vector.shape_cast %broadcast_in_dim3A_1634 : vector<16x1xi32> to vector<16xi32>
    %gather3A_1636 = tpu.dynamic_gather %add3A_1633[%gather3A_1635] in [0] : vector<16xf32>, vector<16xi32> -> vector<16xf32>
    %lt3A_1637 = arith.constant 15 : i32
    %lt3A_1638 = vector.broadcast %lt3A_1637 : i32 to vector<16xi32>
    %lt3A_1639 = arith.cmpi slt, %iota3A, %lt3A_1638 : vector<16xi32>
    %add3A_1640 = arith.constant 1 : i32
    %add3A_1641 = vector.broadcast %add3A_1640 : i32 to vector<16xi32>
    %add3A_1642 = arith.addi %iota3A, %add3A_1641 : vector<16xi32>
    %and3A_1643 = arith.constant 15 : i32
    %and3A_1644 = vector.broadcast %and3A_1643 : i32 to vector<16xi32>
    %and3A_1645 = arith.andi %add3A_1642, %and3A_1644 : vector<16xi32>
    %broadcast_in_dim3A_1646 = vector.shape_cast %and3A_1645 : vector<16xi32> to vector<16x1xi32>
    %gather3A_1647 = vector.shape_cast %broadcast_in_dim3A_1646 : vector<16x1xi32> to vector<16xi32>
    %gather3A_1648 = tpu.dynamic_gather %scan3A_1497#1[%gather3A_1647] in [0] : vector<16xf32>, vector<16xi32> -> vector<16xf32>
    %jit3A_1649 = arith.constant 0.000000e+00 : f32
    %broadcast_in_dim3A_1650 = vector.broadcast %jit3A_1649 : f32 to vector<16xf32>
    %select_n3A_1651 = arith.select %lt3A_1639, %gather3A_1648, %broadcast_in_dim3A_1650 : vector<16xi1>, vector<16xf32>
    %add3A_1652 = arith.addf %scan3A_1497#1, %select_n3A_1651 : vector<16xf32>
    %lt3A_1653 = arith.constant 14 : i32
    %lt3A_1654 = vector.broadcast %lt3A_1653 : i32 to vector<16xi32>
    %lt3A_1655 = arith.cmpi slt, %iota3A, %lt3A_1654 : vector<16xi32>
    %add3A_1656 = arith.constant 2 : i32
    %add3A_1657 = vector.broadcast %add3A_1656 : i32 to vector<16xi32>
    %add3A_1658 = arith.addi %iota3A, %add3A_1657 : vector<16xi32>
    %and3A_1659 = arith.constant 15 : i32
    %and3A_1660 = vector.broadcast %and3A_1659 : i32 to vector<16xi32>
    %and3A_1661 = arith.andi %add3A_1658, %and3A_1660 : vector<16xi32>
    %broadcast_in_dim3A_1662 = vector.shape_cast %and3A_1661 : vector<16xi32> to vector<16x1xi32>
    %gather3A_1663 = vector.shape_cast %broadcast_in_dim3A_1662 : vector<16x1xi32> to vector<16xi32>
    %gather3A_1664 = tpu.dynamic_gather %add3A_1652[%gather3A_1663] in [0] : vector<16xf32>, vector<16xi32> -> vector<16xf32>
    %jit3A_1665 = arith.constant 0.000000e+00 : f32
    %broadcast_in_dim3A_1666 = vector.broadcast %jit3A_1665 : f32 to vector<16xf32>
    %select_n3A_1667 = arith.select %lt3A_1655, %gather3A_1664, %broadcast_in_dim3A_1666 : vector<16xi1>, vector<16xf32>
    %add3A_1668 = arith.addf %add3A_1652, %select_n3A_1667 : vector<16xf32>
    %lt3A_1669 = arith.constant 12 : i32
    %lt3A_1670 = vector.broadcast %lt3A_1669 : i32 to vector<16xi32>
    %lt3A_1671 = arith.cmpi slt, %iota3A, %lt3A_1670 : vector<16xi32>
    %add3A_1672 = arith.constant 4 : i32
    %add3A_1673 = vector.broadcast %add3A_1672 : i32 to vector<16xi32>
    %add3A_1674 = arith.addi %iota3A, %add3A_1673 : vector<16xi32>
    %and3A_1675 = arith.constant 15 : i32
    %and3A_1676 = vector.broadcast %and3A_1675 : i32 to vector<16xi32>
    %and3A_1677 = arith.andi %add3A_1674, %and3A_1676 : vector<16xi32>
    %broadcast_in_dim3A_1678 = vector.shape_cast %and3A_1677 : vector<16xi32> to vector<16x1xi32>
    %gather3A_1679 = vector.shape_cast %broadcast_in_dim3A_1678 : vector<16x1xi32> to vector<16xi32>
    %gather3A_1680 = tpu.dynamic_gather %add3A_1668[%gather3A_1679] in [0] : vector<16xf32>, vector<16xi32> -> vector<16xf32>
    %jit3A_1681 = arith.constant 0.000000e+00 : f32
    %broadcast_in_dim3A_1682 = vector.broadcast %jit3A_1681 : f32 to vector<16xf32>
    %select_n3A_1683 = arith.select %lt3A_1671, %gather3A_1680, %broadcast_in_dim3A_1682 : vector<16xi1>, vector<16xf32>
    %add3A_1684 = arith.addf %add3A_1668, %select_n3A_1683 : vector<16xf32>
    %lt3A_1685 = arith.constant 8 : i32
    %lt3A_1686 = vector.broadcast %lt3A_1685 : i32 to vector<16xi32>
    %lt3A_1687 = arith.cmpi slt, %iota3A, %lt3A_1686 : vector<16xi32>
    %add3A_1688 = arith.constant 8 : i32
    %add3A_1689 = vector.broadcast %add3A_1688 : i32 to vector<16xi32>
    %add3A_1690 = arith.addi %iota3A, %add3A_1689 : vector<16xi32>
    %and3A_1691 = arith.constant 15 : i32
    %and3A_1692 = vector.broadcast %and3A_1691 : i32 to vector<16xi32>
    %and3A_1693 = arith.andi %add3A_1690, %and3A_1692 : vector<16xi32>
    %broadcast_in_dim3A_1694 = vector.shape_cast %and3A_1693 : vector<16xi32> to vector<16x1xi32>
    %gather3A_1695 = vector.shape_cast %broadcast_in_dim3A_1694 : vector<16x1xi32> to vector<16xi32>
    %gather3A_1696 = tpu.dynamic_gather %add3A_1684[%gather3A_1695] in [0] : vector<16xf32>, vector<16xi32> -> vector<16xf32>
    %jit3A_1697 = arith.constant 0.000000e+00 : f32
    %broadcast_in_dim3A_1698 = vector.broadcast %jit3A_1697 : f32 to vector<16xf32>
    %select_n3A_1699 = arith.select %lt3A_1687, %gather3A_1696, %broadcast_in_dim3A_1698 : vector<16xi1>, vector<16xf32>
    %add3A_1700 = arith.addf %add3A_1684, %select_n3A_1699 : vector<16xf32>
    %add3A_1701 = arith.addf %add3A_1700, %gather3A_1636 : vector<16xf32>
    %broadcast_in_dim3A_1702 = vector.shape_cast %broadcast_in_dim3A_1 : vector<16xi32> to vector<16x1xi32>
    %gather3A_1703 = vector.shape_cast %broadcast_in_dim3A_1702 : vector<16x1xi32> to vector<16xi32>
    %gather3A_1704 = tpu.dynamic_gather %add3A_1701[%gather3A_1703] in [0] : vector<16xf32>, vector<16xi32> -> vector<16xf32>
    %lt3A_1705 = arith.constant 15 : i32
    %lt3A_1706 = vector.broadcast %lt3A_1705 : i32 to vector<16xi32>
    %lt3A_1707 = arith.cmpi slt, %iota3A, %lt3A_1706 : vector<16xi32>
    %add3A_1708 = arith.constant 1 : i32
    %add3A_1709 = vector.broadcast %add3A_1708 : i32 to vector<16xi32>
    %add3A_1710 = arith.addi %iota3A, %add3A_1709 : vector<16xi32>
    %and3A_1711 = arith.constant 15 : i32
    %and3A_1712 = vector.broadcast %and3A_1711 : i32 to vector<16xi32>
    %and3A_1713 = arith.andi %add3A_1710, %and3A_1712 : vector<16xi32>
    %broadcast_in_dim3A_1714 = vector.shape_cast %and3A_1713 : vector<16xi32> to vector<16x1xi32>
    %gather3A_1715 = vector.shape_cast %broadcast_in_dim3A_1714 : vector<16x1xi32> to vector<16xi32>
    %gather3A_1716 = tpu.dynamic_gather %scan3A_1497#0[%gather3A_1715] in [0] : vector<16xf32>, vector<16xi32> -> vector<16xf32>
    %jit3A_1717 = arith.constant 0.000000e+00 : f32
    %broadcast_in_dim3A_1718 = vector.broadcast %jit3A_1717 : f32 to vector<16xf32>
    %select_n3A_1719 = arith.select %lt3A_1707, %gather3A_1716, %broadcast_in_dim3A_1718 : vector<16xi1>, vector<16xf32>
    %add3A_1720 = arith.addf %scan3A_1497#0, %select_n3A_1719 : vector<16xf32>
    %lt3A_1721 = arith.constant 14 : i32
    %lt3A_1722 = vector.broadcast %lt3A_1721 : i32 to vector<16xi32>
    %lt3A_1723 = arith.cmpi slt, %iota3A, %lt3A_1722 : vector<16xi32>
    %add3A_1724 = arith.constant 2 : i32
    %add3A_1725 = vector.broadcast %add3A_1724 : i32 to vector<16xi32>
    %add3A_1726 = arith.addi %iota3A, %add3A_1725 : vector<16xi32>
    %and3A_1727 = arith.constant 15 : i32
    %and3A_1728 = vector.broadcast %and3A_1727 : i32 to vector<16xi32>
    %and3A_1729 = arith.andi %add3A_1726, %and3A_1728 : vector<16xi32>
    %broadcast_in_dim3A_1730 = vector.shape_cast %and3A_1729 : vector<16xi32> to vector<16x1xi32>
    %gather3A_1731 = vector.shape_cast %broadcast_in_dim3A_1730 : vector<16x1xi32> to vector<16xi32>
    %gather3A_1732 = tpu.dynamic_gather %add3A_1720[%gather3A_1731] in [0] : vector<16xf32>, vector<16xi32> -> vector<16xf32>
    %jit3A_1733 = arith.constant 0.000000e+00 : f32
    %broadcast_in_dim3A_1734 = vector.broadcast %jit3A_1733 : f32 to vector<16xf32>
    %select_n3A_1735 = arith.select %lt3A_1723, %gather3A_1732, %broadcast_in_dim3A_1734 : vector<16xi1>, vector<16xf32>
    %add3A_1736 = arith.addf %add3A_1720, %select_n3A_1735 : vector<16xf32>
    %lt3A_1737 = arith.constant 12 : i32
    %lt3A_1738 = vector.broadcast %lt3A_1737 : i32 to vector<16xi32>
    %lt3A_1739 = arith.cmpi slt, %iota3A, %lt3A_1738 : vector<16xi32>
    %add3A_1740 = arith.constant 4 : i32
    %add3A_1741 = vector.broadcast %add3A_1740 : i32 to vector<16xi32>
    %add3A_1742 = arith.addi %iota3A, %add3A_1741 : vector<16xi32>
    %and3A_1743 = arith.constant 15 : i32
    %and3A_1744 = vector.broadcast %and3A_1743 : i32 to vector<16xi32>
    %and3A_1745 = arith.andi %add3A_1742, %and3A_1744 : vector<16xi32>
    %broadcast_in_dim3A_1746 = vector.shape_cast %and3A_1745 : vector<16xi32> to vector<16x1xi32>
    %gather3A_1747 = vector.shape_cast %broadcast_in_dim3A_1746 : vector<16x1xi32> to vector<16xi32>
    %gather3A_1748 = tpu.dynamic_gather %add3A_1736[%gather3A_1747] in [0] : vector<16xf32>, vector<16xi32> -> vector<16xf32>
    %jit3A_1749 = arith.constant 0.000000e+00 : f32
    %broadcast_in_dim3A_1750 = vector.broadcast %jit3A_1749 : f32 to vector<16xf32>
    %select_n3A_1751 = arith.select %lt3A_1739, %gather3A_1748, %broadcast_in_dim3A_1750 : vector<16xi1>, vector<16xf32>
    %add3A_1752 = arith.addf %add3A_1736, %select_n3A_1751 : vector<16xf32>
    %lt3A_1753 = arith.constant 8 : i32
    %lt3A_1754 = vector.broadcast %lt3A_1753 : i32 to vector<16xi32>
    %lt3A_1755 = arith.cmpi slt, %iota3A, %lt3A_1754 : vector<16xi32>
    %add3A_1756 = arith.constant 8 : i32
    %add3A_1757 = vector.broadcast %add3A_1756 : i32 to vector<16xi32>
    %add3A_1758 = arith.addi %iota3A, %add3A_1757 : vector<16xi32>
    %and3A_1759 = arith.constant 15 : i32
    %and3A_1760 = vector.broadcast %and3A_1759 : i32 to vector<16xi32>
    %and3A_1761 = arith.andi %add3A_1758, %and3A_1760 : vector<16xi32>
    %broadcast_in_dim3A_1762 = vector.shape_cast %and3A_1761 : vector<16xi32> to vector<16x1xi32>
    %gather3A_1763 = vector.shape_cast %broadcast_in_dim3A_1762 : vector<16x1xi32> to vector<16xi32>
    %gather3A_1764 = tpu.dynamic_gather %add3A_1752[%gather3A_1763] in [0] : vector<16xf32>, vector<16xi32> -> vector<16xf32>
    %jit3A_1765 = arith.constant 0.000000e+00 : f32
    %broadcast_in_dim3A_1766 = vector.broadcast %jit3A_1765 : f32 to vector<16xf32>
    %select_n3A_1767 = arith.select %lt3A_1755, %gather3A_1764, %broadcast_in_dim3A_1766 : vector<16xi1>, vector<16xf32>
    %add3A_1768 = arith.addf %add3A_1752, %select_n3A_1767 : vector<16xf32>
    %add3A_1769 = arith.addf %add3A_1768, %gather3A_1704 : vector<16xf32>
    %broadcast_in_dim3A_1770 = vector.shape_cast %broadcast_in_dim3A_1 : vector<16xi32> to vector<16x1xi32>
    %gather3A_1771 = vector.shape_cast %broadcast_in_dim3A_1770 : vector<16x1xi32> to vector<16xi32>
    %gather3A_1772 = tpu.dynamic_gather %add3A_1769[%gather3A_1771] in [0] : vector<16xf32>, vector<16xi32> -> vector<16xf32>
    %sub3A_1773 = arith.constant 1.024000e+03 : f32
    %sub3A_1774 = vector.broadcast %sub3A_1773 : f32 to vector<16xf32>
    %sub3A_1775 = arith.subf %sub3A_1774, %add3A_1457 : vector<16xf32>
    %broadcast_in_dim3A_1776 = arith.constant 0.000000e+00 : f32
    %broadcast_in_dim3A_1777 = vector.broadcast %broadcast_in_dim3A_1776 : f32 to vector<16xf32>
    %add3A_1778 = arith.constant 0 : i32
    %add3A_1779 = vector.broadcast %add3A_1778 : i32 to vector<16xi32>
    %add3A_1780 = arith.addi %iota3A, %add3A_1779 : vector<16xi32>
    %ge3A_1781 = arith.cmpf oge, %add3A_1769, %sub3A_1775 : vector<16xf32>
    %ge3A_1782 = arith.constant 1 : i32
    %ge3A_1783 = vector.broadcast %ge3A_1782 : i32 to vector<16xi32>
    %ge3A_1784 = arith.cmpi sge, %add3A_1780, %ge3A_1783 : vector<16xi32>
    %and3A_1785 = arith.andi %ge3A_1781, %ge3A_1784 : vector<16xi1>
    %jit3A_1786 = arith.constant 1.000000e+00 : f32
    %jit3A_1787 = arith.constant 0.000000e+00 : f32
    %broadcast_in_dim3A_1788 = vector.broadcast %jit3A_1786 : f32 to vector<16xf32>
    %broadcast_in_dim3A_1789 = vector.broadcast %jit3A_1787 : f32 to vector<16xf32>
    %select_n3A_1790 = arith.select %and3A_1785, %broadcast_in_dim3A_1788, %broadcast_in_dim3A_1789 : vector<16xi1>, vector<16xf32>
    %add3A_1791 = arith.addf %broadcast_in_dim3A_1777, %select_n3A_1790 : vector<16xf32>
    %add3A_1792 = arith.constant 16 : i32
    %add3A_1793 = vector.broadcast %add3A_1792 : i32 to vector<16xi32>
    %add3A_1794 = arith.addi %iota3A, %add3A_1793 : vector<16xi32>
    %ge3A_1795 = arith.cmpf oge, %add3A_1701, %sub3A_1775 : vector<16xf32>
    %ge3A_1796 = arith.constant 1 : i32
    %ge3A_1797 = vector.broadcast %ge3A_1796 : i32 to vector<16xi32>
    %ge3A_1798 = arith.cmpi sge, %add3A_1794, %ge3A_1797 : vector<16xi32>
    %and3A_1799 = arith.andi %ge3A_1795, %ge3A_1798 : vector<16xi1>
    %jit3A_1800 = arith.constant 1.000000e+00 : f32
    %jit3A_1801 = arith.constant 0.000000e+00 : f32
    %broadcast_in_dim3A_1802 = vector.broadcast %jit3A_1800 : f32 to vector<16xf32>
    %broadcast_in_dim3A_1803 = vector.broadcast %jit3A_1801 : f32 to vector<16xf32>
    %select_n3A_1804 = arith.select %and3A_1799, %broadcast_in_dim3A_1802, %broadcast_in_dim3A_1803 : vector<16xi1>, vector<16xf32>
    %add3A_1805 = arith.addf %add3A_1791, %select_n3A_1804 : vector<16xf32>
    %add3A_1806 = arith.constant 32 : i32
    %add3A_1807 = vector.broadcast %add3A_1806 : i32 to vector<16xi32>
    %add3A_1808 = arith.addi %iota3A, %add3A_1807 : vector<16xi32>
    %ge3A_1809 = arith.cmpf oge, %add3A_1633, %sub3A_1775 : vector<16xf32>
    %ge3A_1810 = arith.constant 1 : i32
    %ge3A_1811 = vector.broadcast %ge3A_1810 : i32 to vector<16xi32>
    %ge3A_1812 = arith.cmpi sge, %add3A_1808, %ge3A_1811 : vector<16xi32>
    %and3A_1813 = arith.andi %ge3A_1809, %ge3A_1812 : vector<16xi1>
    %jit3A_1814 = arith.constant 1.000000e+00 : f32
    %jit3A_1815 = arith.constant 0.000000e+00 : f32
    %broadcast_in_dim3A_1816 = vector.broadcast %jit3A_1814 : f32 to vector<16xf32>
    %broadcast_in_dim3A_1817 = vector.broadcast %jit3A_1815 : f32 to vector<16xf32>
    %select_n3A_1818 = arith.select %and3A_1813, %broadcast_in_dim3A_1816, %broadcast_in_dim3A_1817 : vector<16xi1>, vector<16xf32>
    %add3A_1819 = arith.addf %add3A_1805, %select_n3A_1818 : vector<16xf32>
    %add3A_1820 = arith.constant 48 : i32
    %add3A_1821 = vector.broadcast %add3A_1820 : i32 to vector<16xi32>
    %add3A_1822 = arith.addi %iota3A, %add3A_1821 : vector<16xi32>
    %ge3A_1823 = arith.cmpf oge, %add3A_1565, %sub3A_1775 : vector<16xf32>
    %ge3A_1824 = arith.constant 1 : i32
    %ge3A_1825 = vector.broadcast %ge3A_1824 : i32 to vector<16xi32>
    %ge3A_1826 = arith.cmpi sge, %add3A_1822, %ge3A_1825 : vector<16xi32>
    %and3A_1827 = arith.andi %ge3A_1823, %ge3A_1826 : vector<16xi1>
    %jit3A_1828 = arith.constant 1.000000e+00 : f32
    %jit3A_1829 = arith.constant 0.000000e+00 : f32
    %broadcast_in_dim3A_1830 = vector.broadcast %jit3A_1828 : f32 to vector<16xf32>
    %broadcast_in_dim3A_1831 = vector.broadcast %jit3A_1829 : f32 to vector<16xf32>
    %select_n3A_1832 = arith.select %and3A_1827, %broadcast_in_dim3A_1830, %broadcast_in_dim3A_1831 : vector<16xi1>, vector<16xf32>
    %add3A_1833 = arith.addf %add3A_1819, %select_n3A_1832 : vector<16xf32>
    %xor3A_1834 = arith.constant 8 : i32
    %xor3A_1835 = vector.broadcast %xor3A_1834 : i32 to vector<16xi32>
    %xor3A_1836 = arith.xori %iota3A, %xor3A_1835 : vector<16xi32>
    %broadcast_in_dim3A_1837 = vector.shape_cast %xor3A_1836 : vector<16xi32> to vector<16x1xi32>
    %gather3A_1838 = vector.shape_cast %broadcast_in_dim3A_1837 : vector<16x1xi32> to vector<16xi32>
    %gather3A_1839 = tpu.dynamic_gather %add3A_1833[%gather3A_1838] in [0] : vector<16xf32>, vector<16xi32> -> vector<16xf32>
    %add3A_1840 = arith.addf %add3A_1833, %gather3A_1839 : vector<16xf32>
    %xor3A_1841 = arith.constant 4 : i32
    %xor3A_1842 = vector.broadcast %xor3A_1841 : i32 to vector<16xi32>
    %xor3A_1843 = arith.xori %iota3A, %xor3A_1842 : vector<16xi32>
    %broadcast_in_dim3A_1844 = vector.shape_cast %xor3A_1843 : vector<16xi32> to vector<16x1xi32>
    %gather3A_1845 = vector.shape_cast %broadcast_in_dim3A_1844 : vector<16x1xi32> to vector<16xi32>
    %gather3A_1846 = tpu.dynamic_gather %add3A_1840[%gather3A_1845] in [0] : vector<16xf32>, vector<16xi32> -> vector<16xf32>
    %add3A_1847 = arith.addf %add3A_1840, %gather3A_1846 : vector<16xf32>
    %xor3A_1848 = arith.constant 2 : i32
    %xor3A_1849 = vector.broadcast %xor3A_1848 : i32 to vector<16xi32>
    %xor3A_1850 = arith.xori %iota3A, %xor3A_1849 : vector<16xi32>
    %broadcast_in_dim3A_1851 = vector.shape_cast %xor3A_1850 : vector<16xi32> to vector<16x1xi32>
    %gather3A_1852 = vector.shape_cast %broadcast_in_dim3A_1851 : vector<16x1xi32> to vector<16xi32>
    %gather3A_1853 = tpu.dynamic_gather %add3A_1847[%gather3A_1852] in [0] : vector<16xf32>, vector<16xi32> -> vector<16xf32>
    %add3A_1854 = arith.addf %add3A_1847, %gather3A_1853 : vector<16xf32>
    %xor3A_1855 = arith.constant 1 : i32
    %xor3A_1856 = vector.broadcast %xor3A_1855 : i32 to vector<16xi32>
    %xor3A_1857 = arith.xori %iota3A, %xor3A_1856 : vector<16xi32>
    %broadcast_in_dim3A_1858 = vector.shape_cast %xor3A_1857 : vector<16xi32> to vector<16x1xi32>
    %gather3A_1859 = vector.shape_cast %broadcast_in_dim3A_1858 : vector<16x1xi32> to vector<16xi32>
    %gather3A_1860 = tpu.dynamic_gather %add3A_1854[%gather3A_1859] in [0] : vector<16xf32>, vector<16xi32> -> vector<16xf32>
    %add3A_1861 = arith.addf %add3A_1854, %gather3A_1860 : vector<16xf32>
    %convert_element_type3A_1862 = arith.fptosi %add3A_1861 : vector<16xf32> to vector<16xi32>
    %broadcast_in_dim3A_1863 = arith.constant 0.000000e+00 : f32
    %broadcast_in_dim3A_1864 = vector.broadcast %broadcast_in_dim3A_1863 : f32 to vector<16xf32>
    %broadcast_in_dim3A_1865 = arith.constant 0.000000e+00 : f32
    %broadcast_in_dim3A_1866 = vector.broadcast %broadcast_in_dim3A_1865 : f32 to vector<16xf32>
    %add3A_1867 = arith.constant 1.000000e+00 : f32
    %add3A_1868 = vector.broadcast %add3A_1867 : f32 to vector<16xf32>
    %add3A_1869 = arith.addf %add3A_1861, %add3A_1868 : vector<16xf32>
    %add3A_1870 = arith.constant 0 : i32
    %add3A_1871 = vector.broadcast %add3A_1870 : i32 to vector<16xi32>
    %add3A_1872 = arith.addi %iota3A, %add3A_1871 : vector<16xi32>
    %convert_element_type3A_1873 = arith.sitofp %add3A_1872 : vector<16xi32> to vector<16xf32>
    %eq3A_1874 = arith.cmpf oeq, %convert_element_type3A_1873, %add3A_1869 : vector<16xf32>
    %jit3A_1875 = arith.constant 0.000000e+00 : f32
    %broadcast_in_dim3A_1876 = vector.broadcast %jit3A_1875 : f32 to vector<16xf32>
    %select_n3A_1877 = arith.select %eq3A_1874, %add3A_1769, %broadcast_in_dim3A_1876 : vector<16xi1>, vector<16xf32>
    %add3A_1878 = arith.addf %broadcast_in_dim3A_1864, %select_n3A_1877 : vector<16xf32>
    %ge3A_1879 = arith.cmpf oge, %convert_element_type3A_1873, %add3A_1869 : vector<16xf32>
    %jit3A_1880 = arith.constant 0.000000e+00 : f32
    %broadcast_in_dim3A_1881 = vector.broadcast %jit3A_1880 : f32 to vector<16xf32>
    %select_n3A_1882 = arith.select %ge3A_1879, %scan3A_1497#4, %broadcast_in_dim3A_1881 : vector<16xi1>, vector<16xf32>
    %add3A_1883 = arith.addf %broadcast_in_dim3A_1866, %select_n3A_1882 : vector<16xf32>
    %add3A_1884 = arith.constant 16 : i32
    %add3A_1885 = vector.broadcast %add3A_1884 : i32 to vector<16xi32>
    %add3A_1886 = arith.addi %iota3A, %add3A_1885 : vector<16xi32>
    %convert_element_type3A_1887 = arith.sitofp %add3A_1886 : vector<16xi32> to vector<16xf32>
    %eq3A_1888 = arith.cmpf oeq, %convert_element_type3A_1887, %add3A_1869 : vector<16xf32>
    %jit3A_1889 = arith.constant 0.000000e+00 : f32
    %broadcast_in_dim3A_1890 = vector.broadcast %jit3A_1889 : f32 to vector<16xf32>
    %select_n3A_1891 = arith.select %eq3A_1888, %add3A_1701, %broadcast_in_dim3A_1890 : vector<16xi1>, vector<16xf32>
    %add3A_1892 = arith.addf %add3A_1878, %select_n3A_1891 : vector<16xf32>
    %ge3A_1893 = arith.cmpf oge, %convert_element_type3A_1887, %add3A_1869 : vector<16xf32>
    %jit3A_1894 = arith.constant 0.000000e+00 : f32
    %broadcast_in_dim3A_1895 = vector.broadcast %jit3A_1894 : f32 to vector<16xf32>
    %select_n3A_1896 = arith.select %ge3A_1893, %scan3A_1497#5, %broadcast_in_dim3A_1895 : vector<16xi1>, vector<16xf32>
    %add3A_1897 = arith.addf %add3A_1883, %select_n3A_1896 : vector<16xf32>
    %add3A_1898 = arith.constant 32 : i32
    %add3A_1899 = vector.broadcast %add3A_1898 : i32 to vector<16xi32>
    %add3A_1900 = arith.addi %iota3A, %add3A_1899 : vector<16xi32>
    %convert_element_type3A_1901 = arith.sitofp %add3A_1900 : vector<16xi32> to vector<16xf32>
    %eq3A_1902 = arith.cmpf oeq, %convert_element_type3A_1901, %add3A_1869 : vector<16xf32>
    %jit3A_1903 = arith.constant 0.000000e+00 : f32
    %broadcast_in_dim3A_1904 = vector.broadcast %jit3A_1903 : f32 to vector<16xf32>
    %select_n3A_1905 = arith.select %eq3A_1902, %add3A_1633, %broadcast_in_dim3A_1904 : vector<16xi1>, vector<16xf32>
    %add3A_1906 = arith.addf %add3A_1892, %select_n3A_1905 : vector<16xf32>
    %ge3A_1907 = arith.cmpf oge, %convert_element_type3A_1901, %add3A_1869 : vector<16xf32>
    %jit3A_1908 = arith.constant 0.000000e+00 : f32
    %broadcast_in_dim3A_1909 = vector.broadcast %jit3A_1908 : f32 to vector<16xf32>
    %select_n3A_1910 = arith.select %ge3A_1907, %scan3A_1497#6, %broadcast_in_dim3A_1909 : vector<16xi1>, vector<16xf32>
    %add3A_1911 = arith.addf %add3A_1897, %select_n3A_1910 : vector<16xf32>
    %add3A_1912 = arith.constant 48 : i32
    %add3A_1913 = vector.broadcast %add3A_1912 : i32 to vector<16xi32>
    %add3A_1914 = arith.addi %iota3A, %add3A_1913 : vector<16xi32>
    %convert_element_type3A_1915 = arith.sitofp %add3A_1914 : vector<16xi32> to vector<16xf32>
    %eq3A_1916 = arith.cmpf oeq, %convert_element_type3A_1915, %add3A_1869 : vector<16xf32>
    %jit3A_1917 = arith.constant 0.000000e+00 : f32
    %broadcast_in_dim3A_1918 = vector.broadcast %jit3A_1917 : f32 to vector<16xf32>
    %select_n3A_1919 = arith.select %eq3A_1916, %add3A_1565, %broadcast_in_dim3A_1918 : vector<16xi1>, vector<16xf32>
    %add3A_1920 = arith.addf %add3A_1906, %select_n3A_1919 : vector<16xf32>
    %ge3A_1921 = arith.cmpf oge, %convert_element_type3A_1915, %add3A_1869 : vector<16xf32>
    %jit3A_1922 = arith.constant 0.000000e+00 : f32
    %broadcast_in_dim3A_1923 = vector.broadcast %jit3A_1922 : f32 to vector<16xf32>
    %select_n3A_1924 = arith.select %ge3A_1921, %scan3A_1497#7, %broadcast_in_dim3A_1923 : vector<16xi1>, vector<16xf32>
    %add3A_1925 = arith.addf %add3A_1911, %select_n3A_1924 : vector<16xf32>
    %xor3A_1926 = arith.constant 8 : i32
    %xor3A_1927 = vector.broadcast %xor3A_1926 : i32 to vector<16xi32>
    %xor3A_1928 = arith.xori %iota3A, %xor3A_1927 : vector<16xi32>
    %broadcast_in_dim3A_1929 = vector.shape_cast %xor3A_1928 : vector<16xi32> to vector<16x1xi32>
    %gather3A_1930 = vector.shape_cast %broadcast_in_dim3A_1929 : vector<16x1xi32> to vector<16xi32>
    %gather3A_1931 = tpu.dynamic_gather %add3A_1920[%gather3A_1930] in [0] : vector<16xf32>, vector<16xi32> -> vector<16xf32>
    %add3A_1932 = arith.addf %add3A_1920, %gather3A_1931 : vector<16xf32>
    %xor3A_1933 = arith.constant 4 : i32
    %xor3A_1934 = vector.broadcast %xor3A_1933 : i32 to vector<16xi32>
    %xor3A_1935 = arith.xori %iota3A, %xor3A_1934 : vector<16xi32>
    %broadcast_in_dim3A_1936 = vector.shape_cast %xor3A_1935 : vector<16xi32> to vector<16x1xi32>
    %gather3A_1937 = vector.shape_cast %broadcast_in_dim3A_1936 : vector<16x1xi32> to vector<16xi32>
    %gather3A_1938 = tpu.dynamic_gather %add3A_1932[%gather3A_1937] in [0] : vector<16xf32>, vector<16xi32> -> vector<16xf32>
    %add3A_1939 = arith.addf %add3A_1932, %gather3A_1938 : vector<16xf32>
    %xor3A_1940 = arith.constant 2 : i32
    %xor3A_1941 = vector.broadcast %xor3A_1940 : i32 to vector<16xi32>
    %xor3A_1942 = arith.xori %iota3A, %xor3A_1941 : vector<16xi32>
    %broadcast_in_dim3A_1943 = vector.shape_cast %xor3A_1942 : vector<16xi32> to vector<16x1xi32>
    %gather3A_1944 = vector.shape_cast %broadcast_in_dim3A_1943 : vector<16x1xi32> to vector<16xi32>
    %gather3A_1945 = tpu.dynamic_gather %add3A_1939[%gather3A_1944] in [0] : vector<16xf32>, vector<16xi32> -> vector<16xf32>
    %add3A_1946 = arith.addf %add3A_1939, %gather3A_1945 : vector<16xf32>
    %xor3A_1947 = arith.constant 1 : i32
    %xor3A_1948 = vector.broadcast %xor3A_1947 : i32 to vector<16xi32>
    %xor3A_1949 = arith.xori %iota3A, %xor3A_1948 : vector<16xi32>
    %broadcast_in_dim3A_1950 = vector.shape_cast %xor3A_1949 : vector<16xi32> to vector<16x1xi32>
    %gather3A_1951 = vector.shape_cast %broadcast_in_dim3A_1950 : vector<16x1xi32> to vector<16xi32>
    %gather3A_1952 = tpu.dynamic_gather %add3A_1946[%gather3A_1951] in [0] : vector<16xf32>, vector<16xi32> -> vector<16xf32>
    %add3A_1953 = arith.addf %add3A_1946, %gather3A_1952 : vector<16xf32>
    %xor3A_1954 = arith.constant 8 : i32
    %xor3A_1955 = vector.broadcast %xor3A_1954 : i32 to vector<16xi32>
    %xor3A_1956 = arith.xori %iota3A, %xor3A_1955 : vector<16xi32>
    %broadcast_in_dim3A_1957 = vector.shape_cast %xor3A_1956 : vector<16xi32> to vector<16x1xi32>
    %gather3A_1958 = vector.shape_cast %broadcast_in_dim3A_1957 : vector<16x1xi32> to vector<16xi32>
    %gather3A_1959 = tpu.dynamic_gather %add3A_1925[%gather3A_1958] in [0] : vector<16xf32>, vector<16xi32> -> vector<16xf32>
    %add3A_1960 = arith.addf %add3A_1925, %gather3A_1959 : vector<16xf32>
    %xor3A_1961 = arith.constant 4 : i32
    %xor3A_1962 = vector.broadcast %xor3A_1961 : i32 to vector<16xi32>
    %xor3A_1963 = arith.xori %iota3A, %xor3A_1962 : vector<16xi32>
    %broadcast_in_dim3A_1964 = vector.shape_cast %xor3A_1963 : vector<16xi32> to vector<16x1xi32>
    %gather3A_1965 = vector.shape_cast %broadcast_in_dim3A_1964 : vector<16x1xi32> to vector<16xi32>
    %gather3A_1966 = tpu.dynamic_gather %add3A_1960[%gather3A_1965] in [0] : vector<16xf32>, vector<16xi32> -> vector<16xf32>
    %add3A_1967 = arith.addf %add3A_1960, %gather3A_1966 : vector<16xf32>
    %xor3A_1968 = arith.constant 2 : i32
    %xor3A_1969 = vector.broadcast %xor3A_1968 : i32 to vector<16xi32>
    %xor3A_1970 = arith.xori %iota3A, %xor3A_1969 : vector<16xi32>
    %broadcast_in_dim3A_1971 = vector.shape_cast %xor3A_1970 : vector<16xi32> to vector<16x1xi32>
    %gather3A_1972 = vector.shape_cast %broadcast_in_dim3A_1971 : vector<16x1xi32> to vector<16xi32>
    %gather3A_1973 = tpu.dynamic_gather %add3A_1967[%gather3A_1972] in [0] : vector<16xf32>, vector<16xi32> -> vector<16xf32>
    %add3A_1974 = arith.addf %add3A_1967, %gather3A_1973 : vector<16xf32>
    %xor3A_1975 = arith.constant 1 : i32
    %xor3A_1976 = vector.broadcast %xor3A_1975 : i32 to vector<16xi32>
    %xor3A_1977 = arith.xori %iota3A, %xor3A_1976 : vector<16xi32>
    %broadcast_in_dim3A_1978 = vector.shape_cast %xor3A_1977 : vector<16xi32> to vector<16x1xi32>
    %gather3A_1979 = vector.shape_cast %broadcast_in_dim3A_1978 : vector<16x1xi32> to vector<16xi32>
    %gather3A_1980 = tpu.dynamic_gather %add3A_1974[%gather3A_1979] in [0] : vector<16xf32>, vector<16xi32> -> vector<16xf32>
    %add3A_1981 = arith.addf %add3A_1974, %gather3A_1980 : vector<16xf32>
    %shift_left3A_1982 = arith.constant 12 : i32
    %shift_left3A_1983 = vector.broadcast %shift_left3A_1982 : i32 to vector<16xi32>
    %shift_left3A_1984 = arith.shli %convert_element_type3A_1862, %shift_left3A_1983 : vector<16xi32>
    %add3A_1985 = arith.addi %add3A_1456, %shift_left3A_1984 : vector<16xi32>
    %add3A_1986 = arith.addf %add3A_1457, %add3A_1953 : vector<16xf32>
    %add3A_1987 = arith.addf %add3A_1458, %add3A_1981 : vector<16xf32>
    %scan3A_1988 = arith.constant 0 : i32
    %scan3A_1989 = arith.constant 0 : i32
    %scan3A_1990 = arith.constant 8 : i32
    %scan3A_1991 = arith.addi %scan3A_1989, %scan3A_1990 : i32
    %scan3A_1992 = arith.constant 1 : i32
    scf.for %scan3A_3062 = %scan3A_1989 to %scan3A_1991 step %scan3A_1992  : i32 {
      %broadcast_in_dim3A_3063 = arith.constant 0.000000e+00 : f32
      %broadcast_in_dim3A_3064 = vector.broadcast %broadcast_in_dim3A_3063 : f32 to vector<16xf32>
      %mul3A_3065 = arith.constant 16 : i32
      %mul3A_3066 = arith.muli %scan3A_3062, %mul3A_3065 : i32
      %swap3A_3067 = arith.index_cast %mul3A_3066 : i32 to index
      %swap3A_3068 = tpu.vector_load %arg10[%swap3A_3067] {strides = array<i32>} : memref<256xf32, #tpu.memory_space<vmem>>, vector<16xf32>,
      tpu.vector_store %arg10[%swap3A_3067], %broadcast_in_dim3A_3064 {strides = array<i32>} : memref<256xf32, #tpu.memory_space<vmem>>, vector<16xf32>,
    }
    %scan3A_1993 = arith.constant 8 : i32
    %scan3A_1994 = arith.constant 0 : i32
    %scan3A_1995 = arith.constant 4096 : i32
    %scan3A_1996 = arith.constant 0 : i32
    %scan3A_1997 = arith.constant 64 : i32
    %scan3A_1998 = arith.addi %scan3A_1996, %scan3A_1997 : i32
    %scan3A_1999 = arith.constant 1 : i32
    scf.for %scan3A_3062 = %scan3A_1996 to %scan3A_1998 step %scan3A_1999  : i32 {
      %mul3A_3063 = arith.constant 16 : i32
      %mul3A_3064 = arith.muli %scan3A_3062, %mul3A_3063 : i32
      %get3A = arith.index_cast %mul3A_3064 : i32 to index
      %get3A_3065 = tpu.vector_load %arg9[%get3A] {strides = array<i32>} : memref<1024xi32, #tpu.memory_space<vmem>>, vector<16xi32>,
      %sub3A_3066 = arith.subi %get3A_3065, %add3A_1985 : vector<16xi32>
      %ge3A_3067 = arith.cmpi sge, %get3A_3065, %add3A_1985 : vector<16xi32>
      %lt3A_3068 = vector.broadcast %scan3A_1995 : i32 to vector<16xi32>
      %lt3A_3069 = arith.cmpi slt, %sub3A_3066, %lt3A_3068 : vector<16xi32>
      %and3A_3070 = arith.andi %ge3A_3067, %lt3A_3069 : vector<16xi1>
      %shift_right_arithmetic3A = arith.constant 6 : i32
      %shift_right_arithmetic3A_3071 = vector.broadcast %shift_right_arithmetic3A : i32 to vector<16xi32>
      %shift_right_arithmetic3A_3072 = arith.shrsi %sub3A_3066, %shift_right_arithmetic3A_3071 : vector<16xi32>
      %and3A_3073 = arith.constant 63 : i32
      %and3A_3074 = vector.broadcast %and3A_3073 : i32 to vector<16xi32>
      %and3A_3075 = arith.andi %shift_right_arithmetic3A_3072, %and3A_3074 : vector<16xi32>
      %bitcast_convert_type3A_3076 = tpu.bitcast %get3A_3065 : vector<16xi32> -> vector<16xf32>
      tpu.vector_store_idx %arg10[%and3A_3075], %add3A_5 masked %and3A_3070 {add = true} : memref<256xf32, #tpu.memory_space<vmem>>[vector<16xi32>], vector<16xf32>, vector<16xi1>
      %add3A_3077 = arith.constant 64 : i32
      %add3A_3078 = vector.broadcast %add3A_3077 : i32 to vector<16xi32>
      %add3A_3079 = arith.addi %and3A_3075, %add3A_3078 : vector<16xi32>
      tpu.vector_store_idx %arg10[%add3A_3079], %bitcast_convert_type3A_3076 masked %and3A_3070 {add = true} : memref<256xf32, #tpu.memory_space<vmem>>[vector<16xi32>], vector<16xf32>, vector<16xi1>
    }
    %scan3A_2000 = arith.constant 64 : i32
    %mul3A_2001 = arith.constant 128 : i32
    %mul3A_2002 = arith.muli %arg1, %mul3A_2001 : i32
    %run_scoped3A_2003 = arith.constant 1 : i32
    "tpu.region"() ({
      %run_scoped3A_3062 = tpu.sem_alloc : memref<!tpu.dma_semaphore, #tpu.memory_space<semaphore_mem>>
      %dma_start3A = arith.constant 0 : i32
      %dma_start3A_3063 = tpu.memref_slice %arg10[%dma_start3A] : memref<256xf32, #tpu.memory_space<vmem>> -> memref<128xf32, #tpu.memory_space<vmem>>
      %dma_start3A_3064 = tpu.memref_slice %arg13[%run_scoped3A_2003, %mul3A_2002] : memref<2x4096xf32, #tpu.memory_space<vmem_shared>> -> memref<1x128xf32, #tpu.memory_space<vmem_shared>>
      %dma_start3A_3065 = tpu.memref_squeeze %dma_start3A_3064 : memref<1x128xf32, #tpu.memory_space<vmem_shared>> -> memref<128xf32, #tpu.memory_space<vmem_shared>>
      %dma_start3A_3066 = tpu.memref_slice %arg13[%run_scoped3A_2003, %mul3A_2002] : memref<2x4096xf32, #tpu.memory_space<vmem_shared>> -> memref<1x128xf32, #tpu.memory_space<vmem_shared>>
      %dma_start3A_3067 = tpu.memref_squeeze %dma_start3A_3066 : memref<1x128xf32, #tpu.memory_space<vmem_shared>> -> memref<128xf32, #tpu.memory_space<vmem_shared>>
      %dma_start3A_3068 = arith.constant 0 : i32
      %dma_start3A_3069 = tpu.memref_slice %arg10[%dma_start3A_3068] : memref<256xf32, #tpu.memory_space<vmem>> -> memref<128xf32, #tpu.memory_space<vmem>>
      tpu.enqueue_dma source(%dma_start3A_3069 : memref<128xf32, #tpu.memory_space<vmem>>) target(%dma_start3A_3067 : memref<128xf32, #tpu.memory_space<vmem_shared>>) target_semaphore(%run_scoped3A_3062 : memref<!tpu.dma_semaphore, #tpu.memory_space<semaphore_mem>>)
      %dma_wait3A = arith.constant 0 : i32
      %dma_wait3A_3070 = tpu.memref_slice %arg10[%dma_wait3A] : memref<256xf32, #tpu.memory_space<vmem>> -> memref<128xf32, #tpu.memory_space<vmem>>
      %dma_wait3A_3071 = tpu.memref_slice %arg13[%run_scoped3A_2003, %mul3A_2002] : memref<2x4096xf32, #tpu.memory_space<vmem_shared>> -> memref<1x128xf32, #tpu.memory_space<vmem_shared>>
      %dma_wait3A_3072 = tpu.memref_squeeze %dma_wait3A_3071 : memref<1x128xf32, #tpu.memory_space<vmem_shared>> -> memref<128xf32, #tpu.memory_space<vmem_shared>>
      %dma_wait3A_3073 = tpu.memref_slice %arg13[%run_scoped3A_2003, %mul3A_2002] : memref<2x4096xf32, #tpu.memory_space<vmem_shared>> -> memref<1x128xf32, #tpu.memory_space<vmem_shared>>
      %dma_wait3A_3074 = tpu.memref_squeeze %dma_wait3A_3073 : memref<1x128xf32, #tpu.memory_space<vmem_shared>> -> memref<128xf32, #tpu.memory_space<vmem_shared>>
      %dma_wait3A_3075 = arith.constant 0 : i32
      %dma_wait3A_3076 = tpu.memref_slice %arg10[%dma_wait3A_3075] : memref<256xf32, #tpu.memory_space<vmem>> -> memref<128xf32, #tpu.memory_space<vmem>>
      tpu.wait_dma2 semaphore(%run_scoped3A_3062 : memref<!tpu.dma_semaphore, #tpu.memory_space<semaphore_mem>>) src(%dma_wait3A_3076 : memref<128xf32, #tpu.memory_space<vmem>>) dst(%dma_wait3A_3074 : memref<128xf32, #tpu.memory_space<vmem_shared>>)
      tpu.yield
    }) : () -> ()
    %barrier3A_2004 = arith.constant 0 : index
    tpu.barrier barrier_id(%barrier3A_2004)
    %run_scoped3A_2005 = arith.constant 1 : i32
    "tpu.region"() ({
      %run_scoped3A_3062 = tpu.sem_alloc : memref<!tpu.dma_semaphore, #tpu.memory_space<semaphore_mem>>
      %dma_start3A = arith.constant 0 : i32
      %dma_start3A_3063 = tpu.memref_slice %arg11[%dma_start3A] : memref<4096xf32, #tpu.memory_space<vmem>> -> memref<2048xf32, #tpu.memory_space<vmem>>
      %dma_start3A_3064 = arith.constant 0 : i32
      %dma_start3A_3065 = tpu.memref_slice %arg13[%run_scoped3A_2005, %dma_start3A_3064] : memref<2x4096xf32, #tpu.memory_space<vmem_shared>> -> memref<1x2048xf32, #tpu.memory_space<vmem_shared>>
      %dma_start3A_3066 = tpu.memref_squeeze %dma_start3A_3065 : memref<1x2048xf32, #tpu.memory_space<vmem_shared>> -> memref<2048xf32, #tpu.memory_space<vmem_shared>>
      %dma_start3A_3067 = arith.constant 0 : i32
      %dma_start3A_3068 = tpu.memref_slice %arg11[%dma_start3A_3067] : memref<4096xf32, #tpu.memory_space<vmem>> -> memref<2048xf32, #tpu.memory_space<vmem>>
      %dma_start3A_3069 = arith.constant 0 : i32
      %dma_start3A_3070 = tpu.memref_slice %arg13[%run_scoped3A_2005, %dma_start3A_3069] : memref<2x4096xf32, #tpu.memory_space<vmem_shared>> -> memref<1x2048xf32, #tpu.memory_space<vmem_shared>>
      %dma_start3A_3071 = tpu.memref_squeeze %dma_start3A_3070 : memref<1x2048xf32, #tpu.memory_space<vmem_shared>> -> memref<2048xf32, #tpu.memory_space<vmem_shared>>
      tpu.enqueue_dma source(%dma_start3A_3071 : memref<2048xf32, #tpu.memory_space<vmem_shared>>) target(%dma_start3A_3068 : memref<2048xf32, #tpu.memory_space<vmem>>) target_semaphore(%run_scoped3A_3062 : memref<!tpu.dma_semaphore, #tpu.memory_space<semaphore_mem>>)
      %dma_wait3A = arith.constant 0 : i32
      %dma_wait3A_3072 = tpu.memref_slice %arg11[%dma_wait3A] : memref<4096xf32, #tpu.memory_space<vmem>> -> memref<2048xf32, #tpu.memory_space<vmem>>
      %dma_wait3A_3073 = arith.constant 0 : i32
      %dma_wait3A_3074 = tpu.memref_slice %arg13[%run_scoped3A_2005, %dma_wait3A_3073] : memref<2x4096xf32, #tpu.memory_space<vmem_shared>> -> memref<1x2048xf32, #tpu.memory_space<vmem_shared>>
      %dma_wait3A_3075 = tpu.memref_squeeze %dma_wait3A_3074 : memref<1x2048xf32, #tpu.memory_space<vmem_shared>> -> memref<2048xf32, #tpu.memory_space<vmem_shared>>
      %dma_wait3A_3076 = arith.constant 0 : i32
      %dma_wait3A_3077 = tpu.memref_slice %arg11[%dma_wait3A_3076] : memref<4096xf32, #tpu.memory_space<vmem>> -> memref<2048xf32, #tpu.memory_space<vmem>>
      %dma_wait3A_3078 = arith.constant 0 : i32
      %dma_wait3A_3079 = tpu.memref_slice %arg13[%run_scoped3A_2005, %dma_wait3A_3078] : memref<2x4096xf32, #tpu.memory_space<vmem_shared>> -> memref<1x2048xf32, #tpu.memory_space<vmem_shared>>
      %dma_wait3A_3080 = tpu.memref_squeeze %dma_wait3A_3079 : memref<1x2048xf32, #tpu.memory_space<vmem_shared>> -> memref<2048xf32, #tpu.memory_space<vmem_shared>>
      tpu.wait_dma2 semaphore(%run_scoped3A_3062 : memref<!tpu.dma_semaphore, #tpu.memory_space<semaphore_mem>>) src(%dma_wait3A_3080 : memref<2048xf32, #tpu.memory_space<vmem_shared>>) dst(%dma_wait3A_3077 : memref<2048xf32, #tpu.memory_space<vmem>>)
      tpu.yield
    }) : () -> ()
    %broadcast_in_dim3A_2006 = arith.constant 0.000000e+00 : f32
    %broadcast_in_dim3A_2007 = vector.broadcast %broadcast_in_dim3A_2006 : f32 to vector<16xf32>
    %broadcast_in_dim3A_2008 = arith.constant 0.000000e+00 : f32
    %broadcast_in_dim3A_2009 = vector.broadcast %broadcast_in_dim3A_2008 : f32 to vector<16xf32>
    %broadcast_in_dim3A_2010 = arith.constant 0.000000e+00 : f32
    %broadcast_in_dim3A_2011 = vector.broadcast %broadcast_in_dim3A_2010 : f32 to vector<16xf32>
    %broadcast_in_dim3A_2012 = arith.constant 0.000000e+00 : f32
    %broadcast_in_dim3A_2013 = vector.broadcast %broadcast_in_dim3A_2012 : f32 to vector<16xf32>
    %broadcast_in_dim3A_2014 = arith.constant 0.000000e+00 : f32
    %broadcast_in_dim3A_2015 = vector.broadcast %broadcast_in_dim3A_2014 : f32 to vector<16xf32>
    %broadcast_in_dim3A_2016 = arith.constant 0.000000e+00 : f32
    %broadcast_in_dim3A_2017 = vector.broadcast %broadcast_in_dim3A_2016 : f32 to vector<16xf32>
    %broadcast_in_dim3A_2018 = arith.constant 0.000000e+00 : f32
    %broadcast_in_dim3A_2019 = vector.broadcast %broadcast_in_dim3A_2018 : f32 to vector<16xf32>
    %broadcast_in_dim3A_2020 = arith.constant 0.000000e+00 : f32
    %broadcast_in_dim3A_2021 = vector.broadcast %broadcast_in_dim3A_2020 : f32 to vector<16xf32>
    %scan3A_2022 = arith.constant 0 : i32
    %scan3A_2023 = arith.constant 16 : i32
    %scan3A_2024 = arith.addi %scan3A_2022, %scan3A_2023 : i32
    %scan3A_2025 = arith.constant 1 : i32
    %scan3A_2026:8 = scf.for %scan3A_3062 = %scan3A_2022 to %scan3A_2024 step %scan3A_2025 iter_args(%scan3A_3063 = %broadcast_in_dim3A_2007, %scan3A_3064 = %broadcast_in_dim3A_2009, %scan3A_3065 = %broadcast_in_dim3A_2011, %scan3A_3066 = %broadcast_in_dim3A_2013, %scan3A_3067 = %broadcast_in_dim3A_2015, %scan3A_3068 = %broadcast_in_dim3A_2017, %scan3A_3069 = %broadcast_in_dim3A_2019, %scan3A_3070 = %broadcast_in_dim3A_2021) -> (vector<16xf32>, vector<16xf32>, vector<16xf32>, vector<16xf32>, vector<16xf32>, vector<16xf32>, vector<16xf32>, vector<16xf32>)  : i32 {
      %mul3A_3071 = arith.constant 128 : i32
      %mul3A_3072 = arith.muli %scan3A_3062, %mul3A_3071 : i32
      %add3A_3073 = arith.constant 0 : i32
      %add3A_3074 = arith.addi %mul3A_3072, %add3A_3073 : i32
      %get3A = arith.index_cast %add3A_3074 : i32 to index
      %get3A_3075 = tpu.vector_load %arg11[%get3A] {strides = array<i32>} : memref<4096xf32, #tpu.memory_space<vmem>>, vector<16xf32>,
      %add3A_3076 = arith.addf %scan3A_3063, %get3A_3075 : vector<16xf32>
      %add3A_3077 = arith.constant 16 : i32
      %add3A_3078 = arith.addi %mul3A_3072, %add3A_3077 : i32
      %get3A_3079 = arith.index_cast %add3A_3078 : i32 to index
      %get3A_3080 = tpu.vector_load %arg11[%get3A_3079] {strides = array<i32>} : memref<4096xf32, #tpu.memory_space<vmem>>, vector<16xf32>,
      %add3A_3081 = arith.addf %scan3A_3064, %get3A_3080 : vector<16xf32>
      %add3A_3082 = arith.constant 32 : i32
      %add3A_3083 = arith.addi %mul3A_3072, %add3A_3082 : i32
      %get3A_3084 = arith.index_cast %add3A_3083 : i32 to index
      %get3A_3085 = tpu.vector_load %arg11[%get3A_3084] {strides = array<i32>} : memref<4096xf32, #tpu.memory_space<vmem>>, vector<16xf32>,
      %add3A_3086 = arith.addf %scan3A_3065, %get3A_3085 : vector<16xf32>
      %add3A_3087 = arith.constant 48 : i32
      %add3A_3088 = arith.addi %mul3A_3072, %add3A_3087 : i32
      %get3A_3089 = arith.index_cast %add3A_3088 : i32 to index
      %get3A_3090 = tpu.vector_load %arg11[%get3A_3089] {strides = array<i32>} : memref<4096xf32, #tpu.memory_space<vmem>>, vector<16xf32>,
      %add3A_3091 = arith.addf %scan3A_3066, %get3A_3090 : vector<16xf32>
      %add3A_3092 = arith.constant 64 : i32
      %add3A_3093 = arith.addi %mul3A_3072, %add3A_3092 : i32
      %add3A_3094 = arith.constant 0 : i32
      %add3A_3095 = arith.addi %add3A_3093, %add3A_3094 : i32
      %get3A_3096 = arith.index_cast %add3A_3095 : i32 to index
      %get3A_3097 = tpu.vector_load %arg11[%get3A_3096] {strides = array<i32>} : memref<4096xf32, #tpu.memory_space<vmem>>, vector<16xf32>,
      %add3A_3098 = arith.addf %scan3A_3067, %get3A_3097 : vector<16xf32>
      %add3A_3099 = arith.constant 64 : i32
      %add3A_3100 = arith.addi %mul3A_3072, %add3A_3099 : i32
      %add3A_3101 = arith.constant 16 : i32
      %add3A_3102 = arith.addi %add3A_3100, %add3A_3101 : i32
      %get3A_3103 = arith.index_cast %add3A_3102 : i32 to index
      %get3A_3104 = tpu.vector_load %arg11[%get3A_3103] {strides = array<i32>} : memref<4096xf32, #tpu.memory_space<vmem>>, vector<16xf32>,
      %add3A_3105 = arith.addf %scan3A_3068, %get3A_3104 : vector<16xf32>
      %add3A_3106 = arith.constant 64 : i32
      %add3A_3107 = arith.addi %mul3A_3072, %add3A_3106 : i32
      %add3A_3108 = arith.constant 32 : i32
      %add3A_3109 = arith.addi %add3A_3107, %add3A_3108 : i32
      %get3A_3110 = arith.index_cast %add3A_3109 : i32 to index
      %get3A_3111 = tpu.vector_load %arg11[%get3A_3110] {strides = array<i32>} : memref<4096xf32, #tpu.memory_space<vmem>>, vector<16xf32>,
      %add3A_3112 = arith.addf %scan3A_3069, %get3A_3111 : vector<16xf32>
      %add3A_3113 = arith.constant 64 : i32
      %add3A_3114 = arith.addi %mul3A_3072, %add3A_3113 : i32
      %add3A_3115 = arith.constant 48 : i32
      %add3A_3116 = arith.addi %add3A_3114, %add3A_3115 : i32
      %get3A_3117 = arith.index_cast %add3A_3116 : i32 to index
      %get3A_3118 = tpu.vector_load %arg11[%get3A_3117] {strides = array<i32>} : memref<4096xf32, #tpu.memory_space<vmem>>, vector<16xf32>,
      %add3A_3119 = arith.addf %scan3A_3070, %get3A_3118 : vector<16xf32>
      scf.yield %add3A_3076, %add3A_3081, %add3A_3086, %add3A_3091, %add3A_3098, %add3A_3105, %add3A_3112, %add3A_3119 : vector<16xf32>, vector<16xf32>, vector<16xf32>, vector<16xf32>, vector<16xf32>, vector<16xf32>, vector<16xf32>, vector<16xf32>
    }
    %scan3A_2027 = arith.constant 16 : i32
    %broadcast_in_dim3A_2028 = arith.constant 0.000000e+00 : f32
    %broadcast_in_dim3A_2029 = vector.broadcast %broadcast_in_dim3A_2028 : f32 to vector<16xf32>
    %lt3A_2030 = arith.constant 15 : i32
    %lt3A_2031 = vector.broadcast %lt3A_2030 : i32 to vector<16xi32>
    %lt3A_2032 = arith.cmpi slt, %iota3A, %lt3A_2031 : vector<16xi32>
    %add3A_2033 = arith.constant 1 : i32
    %add3A_2034 = vector.broadcast %add3A_2033 : i32 to vector<16xi32>
    %add3A_2035 = arith.addi %iota3A, %add3A_2034 : vector<16xi32>
    %and3A_2036 = arith.constant 15 : i32
    %and3A_2037 = vector.broadcast %and3A_2036 : i32 to vector<16xi32>
    %and3A_2038 = arith.andi %add3A_2035, %and3A_2037 : vector<16xi32>
    %broadcast_in_dim3A_2039 = vector.shape_cast %and3A_2038 : vector<16xi32> to vector<16x1xi32>
    %gather3A_2040 = vector.shape_cast %broadcast_in_dim3A_2039 : vector<16x1xi32> to vector<16xi32>
    %gather3A_2041 = tpu.dynamic_gather %scan3A_2026#3[%gather3A_2040] in [0] : vector<16xf32>, vector<16xi32> -> vector<16xf32>
    %jit3A_2042 = arith.constant 0.000000e+00 : f32
    %broadcast_in_dim3A_2043 = vector.broadcast %jit3A_2042 : f32 to vector<16xf32>
    %select_n3A_2044 = arith.select %lt3A_2032, %gather3A_2041, %broadcast_in_dim3A_2043 : vector<16xi1>, vector<16xf32>
    %add3A_2045 = arith.addf %scan3A_2026#3, %select_n3A_2044 : vector<16xf32>
    %lt3A_2046 = arith.constant 14 : i32
    %lt3A_2047 = vector.broadcast %lt3A_2046 : i32 to vector<16xi32>
    %lt3A_2048 = arith.cmpi slt, %iota3A, %lt3A_2047 : vector<16xi32>
    %add3A_2049 = arith.constant 2 : i32
    %add3A_2050 = vector.broadcast %add3A_2049 : i32 to vector<16xi32>
    %add3A_2051 = arith.addi %iota3A, %add3A_2050 : vector<16xi32>
    %and3A_2052 = arith.constant 15 : i32
    %and3A_2053 = vector.broadcast %and3A_2052 : i32 to vector<16xi32>
    %and3A_2054 = arith.andi %add3A_2051, %and3A_2053 : vector<16xi32>
    %broadcast_in_dim3A_2055 = vector.shape_cast %and3A_2054 : vector<16xi32> to vector<16x1xi32>
    %gather3A_2056 = vector.shape_cast %broadcast_in_dim3A_2055 : vector<16x1xi32> to vector<16xi32>
    %gather3A_2057 = tpu.dynamic_gather %add3A_2045[%gather3A_2056] in [0] : vector<16xf32>, vector<16xi32> -> vector<16xf32>
    %jit3A_2058 = arith.constant 0.000000e+00 : f32
    %broadcast_in_dim3A_2059 = vector.broadcast %jit3A_2058 : f32 to vector<16xf32>
    %select_n3A_2060 = arith.select %lt3A_2048, %gather3A_2057, %broadcast_in_dim3A_2059 : vector<16xi1>, vector<16xf32>
    %add3A_2061 = arith.addf %add3A_2045, %select_n3A_2060 : vector<16xf32>
    %lt3A_2062 = arith.constant 12 : i32
    %lt3A_2063 = vector.broadcast %lt3A_2062 : i32 to vector<16xi32>
    %lt3A_2064 = arith.cmpi slt, %iota3A, %lt3A_2063 : vector<16xi32>
    %add3A_2065 = arith.constant 4 : i32
    %add3A_2066 = vector.broadcast %add3A_2065 : i32 to vector<16xi32>
    %add3A_2067 = arith.addi %iota3A, %add3A_2066 : vector<16xi32>
    %and3A_2068 = arith.constant 15 : i32
    %and3A_2069 = vector.broadcast %and3A_2068 : i32 to vector<16xi32>
    %and3A_2070 = arith.andi %add3A_2067, %and3A_2069 : vector<16xi32>
    %broadcast_in_dim3A_2071 = vector.shape_cast %and3A_2070 : vector<16xi32> to vector<16x1xi32>
    %gather3A_2072 = vector.shape_cast %broadcast_in_dim3A_2071 : vector<16x1xi32> to vector<16xi32>
    %gather3A_2073 = tpu.dynamic_gather %add3A_2061[%gather3A_2072] in [0] : vector<16xf32>, vector<16xi32> -> vector<16xf32>
    %jit3A_2074 = arith.constant 0.000000e+00 : f32
    %broadcast_in_dim3A_2075 = vector.broadcast %jit3A_2074 : f32 to vector<16xf32>
    %select_n3A_2076 = arith.select %lt3A_2064, %gather3A_2073, %broadcast_in_dim3A_2075 : vector<16xi1>, vector<16xf32>
    %add3A_2077 = arith.addf %add3A_2061, %select_n3A_2076 : vector<16xf32>
    %lt3A_2078 = arith.constant 8 : i32
    %lt3A_2079 = vector.broadcast %lt3A_2078 : i32 to vector<16xi32>
    %lt3A_2080 = arith.cmpi slt, %iota3A, %lt3A_2079 : vector<16xi32>
    %add3A_2081 = arith.constant 8 : i32
    %add3A_2082 = vector.broadcast %add3A_2081 : i32 to vector<16xi32>
    %add3A_2083 = arith.addi %iota3A, %add3A_2082 : vector<16xi32>
    %and3A_2084 = arith.constant 15 : i32
    %and3A_2085 = vector.broadcast %and3A_2084 : i32 to vector<16xi32>
    %and3A_2086 = arith.andi %add3A_2083, %and3A_2085 : vector<16xi32>
    %broadcast_in_dim3A_2087 = vector.shape_cast %and3A_2086 : vector<16xi32> to vector<16x1xi32>
    %gather3A_2088 = vector.shape_cast %broadcast_in_dim3A_2087 : vector<16x1xi32> to vector<16xi32>
    %gather3A_2089 = tpu.dynamic_gather %add3A_2077[%gather3A_2088] in [0] : vector<16xf32>, vector<16xi32> -> vector<16xf32>
    %jit3A_2090 = arith.constant 0.000000e+00 : f32
    %broadcast_in_dim3A_2091 = vector.broadcast %jit3A_2090 : f32 to vector<16xf32>
    %select_n3A_2092 = arith.select %lt3A_2080, %gather3A_2089, %broadcast_in_dim3A_2091 : vector<16xi1>, vector<16xf32>
    %add3A_2093 = arith.addf %add3A_2077, %select_n3A_2092 : vector<16xf32>
    %add3A_2094 = arith.addf %add3A_2093, %broadcast_in_dim3A_2029 : vector<16xf32>
    %broadcast_in_dim3A_2095 = vector.shape_cast %broadcast_in_dim3A_1 : vector<16xi32> to vector<16x1xi32>
    %gather3A_2096 = vector.shape_cast %broadcast_in_dim3A_2095 : vector<16x1xi32> to vector<16xi32>
    %gather3A_2097 = tpu.dynamic_gather %add3A_2094[%gather3A_2096] in [0] : vector<16xf32>, vector<16xi32> -> vector<16xf32>
    %lt3A_2098 = arith.constant 15 : i32
    %lt3A_2099 = vector.broadcast %lt3A_2098 : i32 to vector<16xi32>
    %lt3A_2100 = arith.cmpi slt, %iota3A, %lt3A_2099 : vector<16xi32>
    %add3A_2101 = arith.constant 1 : i32
    %add3A_2102 = vector.broadcast %add3A_2101 : i32 to vector<16xi32>
    %add3A_2103 = arith.addi %iota3A, %add3A_2102 : vector<16xi32>
    %and3A_2104 = arith.constant 15 : i32
    %and3A_2105 = vector.broadcast %and3A_2104 : i32 to vector<16xi32>
    %and3A_2106 = arith.andi %add3A_2103, %and3A_2105 : vector<16xi32>
    %broadcast_in_dim3A_2107 = vector.shape_cast %and3A_2106 : vector<16xi32> to vector<16x1xi32>
    %gather3A_2108 = vector.shape_cast %broadcast_in_dim3A_2107 : vector<16x1xi32> to vector<16xi32>
    %gather3A_2109 = tpu.dynamic_gather %scan3A_2026#2[%gather3A_2108] in [0] : vector<16xf32>, vector<16xi32> -> vector<16xf32>
    %jit3A_2110 = arith.constant 0.000000e+00 : f32
    %broadcast_in_dim3A_2111 = vector.broadcast %jit3A_2110 : f32 to vector<16xf32>
    %select_n3A_2112 = arith.select %lt3A_2100, %gather3A_2109, %broadcast_in_dim3A_2111 : vector<16xi1>, vector<16xf32>
    %add3A_2113 = arith.addf %scan3A_2026#2, %select_n3A_2112 : vector<16xf32>
    %lt3A_2114 = arith.constant 14 : i32
    %lt3A_2115 = vector.broadcast %lt3A_2114 : i32 to vector<16xi32>
    %lt3A_2116 = arith.cmpi slt, %iota3A, %lt3A_2115 : vector<16xi32>
    %add3A_2117 = arith.constant 2 : i32
    %add3A_2118 = vector.broadcast %add3A_2117 : i32 to vector<16xi32>
    %add3A_2119 = arith.addi %iota3A, %add3A_2118 : vector<16xi32>
    %and3A_2120 = arith.constant 15 : i32
    %and3A_2121 = vector.broadcast %and3A_2120 : i32 to vector<16xi32>
    %and3A_2122 = arith.andi %add3A_2119, %and3A_2121 : vector<16xi32>
    %broadcast_in_dim3A_2123 = vector.shape_cast %and3A_2122 : vector<16xi32> to vector<16x1xi32>
    %gather3A_2124 = vector.shape_cast %broadcast_in_dim3A_2123 : vector<16x1xi32> to vector<16xi32>
    %gather3A_2125 = tpu.dynamic_gather %add3A_2113[%gather3A_2124] in [0] : vector<16xf32>, vector<16xi32> -> vector<16xf32>
    %jit3A_2126 = arith.constant 0.000000e+00 : f32
    %broadcast_in_dim3A_2127 = vector.broadcast %jit3A_2126 : f32 to vector<16xf32>
    %select_n3A_2128 = arith.select %lt3A_2116, %gather3A_2125, %broadcast_in_dim3A_2127 : vector<16xi1>, vector<16xf32>
    %add3A_2129 = arith.addf %add3A_2113, %select_n3A_2128 : vector<16xf32>
    %lt3A_2130 = arith.constant 12 : i32
    %lt3A_2131 = vector.broadcast %lt3A_2130 : i32 to vector<16xi32>
    %lt3A_2132 = arith.cmpi slt, %iota3A, %lt3A_2131 : vector<16xi32>
    %add3A_2133 = arith.constant 4 : i32
    %add3A_2134 = vector.broadcast %add3A_2133 : i32 to vector<16xi32>
    %add3A_2135 = arith.addi %iota3A, %add3A_2134 : vector<16xi32>
    %and3A_2136 = arith.constant 15 : i32
    %and3A_2137 = vector.broadcast %and3A_2136 : i32 to vector<16xi32>
    %and3A_2138 = arith.andi %add3A_2135, %and3A_2137 : vector<16xi32>
    %broadcast_in_dim3A_2139 = vector.shape_cast %and3A_2138 : vector<16xi32> to vector<16x1xi32>
    %gather3A_2140 = vector.shape_cast %broadcast_in_dim3A_2139 : vector<16x1xi32> to vector<16xi32>
    %gather3A_2141 = tpu.dynamic_gather %add3A_2129[%gather3A_2140] in [0] : vector<16xf32>, vector<16xi32> -> vector<16xf32>
    %jit3A_2142 = arith.constant 0.000000e+00 : f32
    %broadcast_in_dim3A_2143 = vector.broadcast %jit3A_2142 : f32 to vector<16xf32>
    %select_n3A_2144 = arith.select %lt3A_2132, %gather3A_2141, %broadcast_in_dim3A_2143 : vector<16xi1>, vector<16xf32>
    %add3A_2145 = arith.addf %add3A_2129, %select_n3A_2144 : vector<16xf32>
    %lt3A_2146 = arith.constant 8 : i32
    %lt3A_2147 = vector.broadcast %lt3A_2146 : i32 to vector<16xi32>
    %lt3A_2148 = arith.cmpi slt, %iota3A, %lt3A_2147 : vector<16xi32>
    %add3A_2149 = arith.constant 8 : i32
    %add3A_2150 = vector.broadcast %add3A_2149 : i32 to vector<16xi32>
    %add3A_2151 = arith.addi %iota3A, %add3A_2150 : vector<16xi32>
    %and3A_2152 = arith.constant 15 : i32
    %and3A_2153 = vector.broadcast %and3A_2152 : i32 to vector<16xi32>
    %and3A_2154 = arith.andi %add3A_2151, %and3A_2153 : vector<16xi32>
    %broadcast_in_dim3A_2155 = vector.shape_cast %and3A_2154 : vector<16xi32> to vector<16x1xi32>
    %gather3A_2156 = vector.shape_cast %broadcast_in_dim3A_2155 : vector<16x1xi32> to vector<16xi32>
    %gather3A_2157 = tpu.dynamic_gather %add3A_2145[%gather3A_2156] in [0] : vector<16xf32>, vector<16xi32> -> vector<16xf32>
    %jit3A_2158 = arith.constant 0.000000e+00 : f32
    %broadcast_in_dim3A_2159 = vector.broadcast %jit3A_2158 : f32 to vector<16xf32>
    %select_n3A_2160 = arith.select %lt3A_2148, %gather3A_2157, %broadcast_in_dim3A_2159 : vector<16xi1>, vector<16xf32>
    %add3A_2161 = arith.addf %add3A_2145, %select_n3A_2160 : vector<16xf32>
    %add3A_2162 = arith.addf %add3A_2161, %gather3A_2097 : vector<16xf32>
    %broadcast_in_dim3A_2163 = vector.shape_cast %broadcast_in_dim3A_1 : vector<16xi32> to vector<16x1xi32>
    %gather3A_2164 = vector.shape_cast %broadcast_in_dim3A_2163 : vector<16x1xi32> to vector<16xi32>
    %gather3A_2165 = tpu.dynamic_gather %add3A_2162[%gather3A_2164] in [0] : vector<16xf32>, vector<16xi32> -> vector<16xf32>
    %lt3A_2166 = arith.constant 15 : i32
    %lt3A_2167 = vector.broadcast %lt3A_2166 : i32 to vector<16xi32>
    %lt3A_2168 = arith.cmpi slt, %iota3A, %lt3A_2167 : vector<16xi32>
    %add3A_2169 = arith.constant 1 : i32
    %add3A_2170 = vector.broadcast %add3A_2169 : i32 to vector<16xi32>
    %add3A_2171 = arith.addi %iota3A, %add3A_2170 : vector<16xi32>
    %and3A_2172 = arith.constant 15 : i32
    %and3A_2173 = vector.broadcast %and3A_2172 : i32 to vector<16xi32>
    %and3A_2174 = arith.andi %add3A_2171, %and3A_2173 : vector<16xi32>
    %broadcast_in_dim3A_2175 = vector.shape_cast %and3A_2174 : vector<16xi32> to vector<16x1xi32>
    %gather3A_2176 = vector.shape_cast %broadcast_in_dim3A_2175 : vector<16x1xi32> to vector<16xi32>
    %gather3A_2177 = tpu.dynamic_gather %scan3A_2026#1[%gather3A_2176] in [0] : vector<16xf32>, vector<16xi32> -> vector<16xf32>
    %jit3A_2178 = arith.constant 0.000000e+00 : f32
    %broadcast_in_dim3A_2179 = vector.broadcast %jit3A_2178 : f32 to vector<16xf32>
    %select_n3A_2180 = arith.select %lt3A_2168, %gather3A_2177, %broadcast_in_dim3A_2179 : vector<16xi1>, vector<16xf32>
    %add3A_2181 = arith.addf %scan3A_2026#1, %select_n3A_2180 : vector<16xf32>
    %lt3A_2182 = arith.constant 14 : i32
    %lt3A_2183 = vector.broadcast %lt3A_2182 : i32 to vector<16xi32>
    %lt3A_2184 = arith.cmpi slt, %iota3A, %lt3A_2183 : vector<16xi32>
    %add3A_2185 = arith.constant 2 : i32
    %add3A_2186 = vector.broadcast %add3A_2185 : i32 to vector<16xi32>
    %add3A_2187 = arith.addi %iota3A, %add3A_2186 : vector<16xi32>
    %and3A_2188 = arith.constant 15 : i32
    %and3A_2189 = vector.broadcast %and3A_2188 : i32 to vector<16xi32>
    %and3A_2190 = arith.andi %add3A_2187, %and3A_2189 : vector<16xi32>
    %broadcast_in_dim3A_2191 = vector.shape_cast %and3A_2190 : vector<16xi32> to vector<16x1xi32>
    %gather3A_2192 = vector.shape_cast %broadcast_in_dim3A_2191 : vector<16x1xi32> to vector<16xi32>
    %gather3A_2193 = tpu.dynamic_gather %add3A_2181[%gather3A_2192] in [0] : vector<16xf32>, vector<16xi32> -> vector<16xf32>
    %jit3A_2194 = arith.constant 0.000000e+00 : f32
    %broadcast_in_dim3A_2195 = vector.broadcast %jit3A_2194 : f32 to vector<16xf32>
    %select_n3A_2196 = arith.select %lt3A_2184, %gather3A_2193, %broadcast_in_dim3A_2195 : vector<16xi1>, vector<16xf32>
    %add3A_2197 = arith.addf %add3A_2181, %select_n3A_2196 : vector<16xf32>
    %lt3A_2198 = arith.constant 12 : i32
    %lt3A_2199 = vector.broadcast %lt3A_2198 : i32 to vector<16xi32>
    %lt3A_2200 = arith.cmpi slt, %iota3A, %lt3A_2199 : vector<16xi32>
    %add3A_2201 = arith.constant 4 : i32
    %add3A_2202 = vector.broadcast %add3A_2201 : i32 to vector<16xi32>
    %add3A_2203 = arith.addi %iota3A, %add3A_2202 : vector<16xi32>
    %and3A_2204 = arith.constant 15 : i32
    %and3A_2205 = vector.broadcast %and3A_2204 : i32 to vector<16xi32>
    %and3A_2206 = arith.andi %add3A_2203, %and3A_2205 : vector<16xi32>
    %broadcast_in_dim3A_2207 = vector.shape_cast %and3A_2206 : vector<16xi32> to vector<16x1xi32>
    %gather3A_2208 = vector.shape_cast %broadcast_in_dim3A_2207 : vector<16x1xi32> to vector<16xi32>
    %gather3A_2209 = tpu.dynamic_gather %add3A_2197[%gather3A_2208] in [0] : vector<16xf32>, vector<16xi32> -> vector<16xf32>
    %jit3A_2210 = arith.constant 0.000000e+00 : f32
    %broadcast_in_dim3A_2211 = vector.broadcast %jit3A_2210 : f32 to vector<16xf32>
    %select_n3A_2212 = arith.select %lt3A_2200, %gather3A_2209, %broadcast_in_dim3A_2211 : vector<16xi1>, vector<16xf32>
    %add3A_2213 = arith.addf %add3A_2197, %select_n3A_2212 : vector<16xf32>
    %lt3A_2214 = arith.constant 8 : i32
    %lt3A_2215 = vector.broadcast %lt3A_2214 : i32 to vector<16xi32>
    %lt3A_2216 = arith.cmpi slt, %iota3A, %lt3A_2215 : vector<16xi32>
    %add3A_2217 = arith.constant 8 : i32
    %add3A_2218 = vector.broadcast %add3A_2217 : i32 to vector<16xi32>
    %add3A_2219 = arith.addi %iota3A, %add3A_2218 : vector<16xi32>
    %and3A_2220 = arith.constant 15 : i32
    %and3A_2221 = vector.broadcast %and3A_2220 : i32 to vector<16xi32>
    %and3A_2222 = arith.andi %add3A_2219, %and3A_2221 : vector<16xi32>
    %broadcast_in_dim3A_2223 = vector.shape_cast %and3A_2222 : vector<16xi32> to vector<16x1xi32>
    %gather3A_2224 = vector.shape_cast %broadcast_in_dim3A_2223 : vector<16x1xi32> to vector<16xi32>
    %gather3A_2225 = tpu.dynamic_gather %add3A_2213[%gather3A_2224] in [0] : vector<16xf32>, vector<16xi32> -> vector<16xf32>
    %jit3A_2226 = arith.constant 0.000000e+00 : f32
    %broadcast_in_dim3A_2227 = vector.broadcast %jit3A_2226 : f32 to vector<16xf32>
    %select_n3A_2228 = arith.select %lt3A_2216, %gather3A_2225, %broadcast_in_dim3A_2227 : vector<16xi1>, vector<16xf32>
    %add3A_2229 = arith.addf %add3A_2213, %select_n3A_2228 : vector<16xf32>
    %add3A_2230 = arith.addf %add3A_2229, %gather3A_2165 : vector<16xf32>
    %broadcast_in_dim3A_2231 = vector.shape_cast %broadcast_in_dim3A_1 : vector<16xi32> to vector<16x1xi32>
    %gather3A_2232 = vector.shape_cast %broadcast_in_dim3A_2231 : vector<16x1xi32> to vector<16xi32>
    %gather3A_2233 = tpu.dynamic_gather %add3A_2230[%gather3A_2232] in [0] : vector<16xf32>, vector<16xi32> -> vector<16xf32>
    %lt3A_2234 = arith.constant 15 : i32
    %lt3A_2235 = vector.broadcast %lt3A_2234 : i32 to vector<16xi32>
    %lt3A_2236 = arith.cmpi slt, %iota3A, %lt3A_2235 : vector<16xi32>
    %add3A_2237 = arith.constant 1 : i32
    %add3A_2238 = vector.broadcast %add3A_2237 : i32 to vector<16xi32>
    %add3A_2239 = arith.addi %iota3A, %add3A_2238 : vector<16xi32>
    %and3A_2240 = arith.constant 15 : i32
    %and3A_2241 = vector.broadcast %and3A_2240 : i32 to vector<16xi32>
    %and3A_2242 = arith.andi %add3A_2239, %and3A_2241 : vector<16xi32>
    %broadcast_in_dim3A_2243 = vector.shape_cast %and3A_2242 : vector<16xi32> to vector<16x1xi32>
    %gather3A_2244 = vector.shape_cast %broadcast_in_dim3A_2243 : vector<16x1xi32> to vector<16xi32>
    %gather3A_2245 = tpu.dynamic_gather %scan3A_2026#0[%gather3A_2244] in [0] : vector<16xf32>, vector<16xi32> -> vector<16xf32>
    %jit3A_2246 = arith.constant 0.000000e+00 : f32
    %broadcast_in_dim3A_2247 = vector.broadcast %jit3A_2246 : f32 to vector<16xf32>
    %select_n3A_2248 = arith.select %lt3A_2236, %gather3A_2245, %broadcast_in_dim3A_2247 : vector<16xi1>, vector<16xf32>
    %add3A_2249 = arith.addf %scan3A_2026#0, %select_n3A_2248 : vector<16xf32>
    %lt3A_2250 = arith.constant 14 : i32
    %lt3A_2251 = vector.broadcast %lt3A_2250 : i32 to vector<16xi32>
    %lt3A_2252 = arith.cmpi slt, %iota3A, %lt3A_2251 : vector<16xi32>
    %add3A_2253 = arith.constant 2 : i32
    %add3A_2254 = vector.broadcast %add3A_2253 : i32 to vector<16xi32>
    %add3A_2255 = arith.addi %iota3A, %add3A_2254 : vector<16xi32>
    %and3A_2256 = arith.constant 15 : i32
    %and3A_2257 = vector.broadcast %and3A_2256 : i32 to vector<16xi32>
    %and3A_2258 = arith.andi %add3A_2255, %and3A_2257 : vector<16xi32>
    %broadcast_in_dim3A_2259 = vector.shape_cast %and3A_2258 : vector<16xi32> to vector<16x1xi32>
    %gather3A_2260 = vector.shape_cast %broadcast_in_dim3A_2259 : vector<16x1xi32> to vector<16xi32>
    %gather3A_2261 = tpu.dynamic_gather %add3A_2249[%gather3A_2260] in [0] : vector<16xf32>, vector<16xi32> -> vector<16xf32>
    %jit3A_2262 = arith.constant 0.000000e+00 : f32
    %broadcast_in_dim3A_2263 = vector.broadcast %jit3A_2262 : f32 to vector<16xf32>
    %select_n3A_2264 = arith.select %lt3A_2252, %gather3A_2261, %broadcast_in_dim3A_2263 : vector<16xi1>, vector<16xf32>
    %add3A_2265 = arith.addf %add3A_2249, %select_n3A_2264 : vector<16xf32>
    %lt3A_2266 = arith.constant 12 : i32
    %lt3A_2267 = vector.broadcast %lt3A_2266 : i32 to vector<16xi32>
    %lt3A_2268 = arith.cmpi slt, %iota3A, %lt3A_2267 : vector<16xi32>
    %add3A_2269 = arith.constant 4 : i32
    %add3A_2270 = vector.broadcast %add3A_2269 : i32 to vector<16xi32>
    %add3A_2271 = arith.addi %iota3A, %add3A_2270 : vector<16xi32>
    %and3A_2272 = arith.constant 15 : i32
    %and3A_2273 = vector.broadcast %and3A_2272 : i32 to vector<16xi32>
    %and3A_2274 = arith.andi %add3A_2271, %and3A_2273 : vector<16xi32>
    %broadcast_in_dim3A_2275 = vector.shape_cast %and3A_2274 : vector<16xi32> to vector<16x1xi32>
    %gather3A_2276 = vector.shape_cast %broadcast_in_dim3A_2275 : vector<16x1xi32> to vector<16xi32>
    %gather3A_2277 = tpu.dynamic_gather %add3A_2265[%gather3A_2276] in [0] : vector<16xf32>, vector<16xi32> -> vector<16xf32>
    %jit3A_2278 = arith.constant 0.000000e+00 : f32
    %broadcast_in_dim3A_2279 = vector.broadcast %jit3A_2278 : f32 to vector<16xf32>
    %select_n3A_2280 = arith.select %lt3A_2268, %gather3A_2277, %broadcast_in_dim3A_2279 : vector<16xi1>, vector<16xf32>
    %add3A_2281 = arith.addf %add3A_2265, %select_n3A_2280 : vector<16xf32>
    %lt3A_2282 = arith.constant 8 : i32
    %lt3A_2283 = vector.broadcast %lt3A_2282 : i32 to vector<16xi32>
    %lt3A_2284 = arith.cmpi slt, %iota3A, %lt3A_2283 : vector<16xi32>
    %add3A_2285 = arith.constant 8 : i32
    %add3A_2286 = vector.broadcast %add3A_2285 : i32 to vector<16xi32>
    %add3A_2287 = arith.addi %iota3A, %add3A_2286 : vector<16xi32>
    %and3A_2288 = arith.constant 15 : i32
    %and3A_2289 = vector.broadcast %and3A_2288 : i32 to vector<16xi32>
    %and3A_2290 = arith.andi %add3A_2287, %and3A_2289 : vector<16xi32>
    %broadcast_in_dim3A_2291 = vector.shape_cast %and3A_2290 : vector<16xi32> to vector<16x1xi32>
    %gather3A_2292 = vector.shape_cast %broadcast_in_dim3A_2291 : vector<16x1xi32> to vector<16xi32>
    %gather3A_2293 = tpu.dynamic_gather %add3A_2281[%gather3A_2292] in [0] : vector<16xf32>, vector<16xi32> -> vector<16xf32>
    %jit3A_2294 = arith.constant 0.000000e+00 : f32
    %broadcast_in_dim3A_2295 = vector.broadcast %jit3A_2294 : f32 to vector<16xf32>
    %select_n3A_2296 = arith.select %lt3A_2284, %gather3A_2293, %broadcast_in_dim3A_2295 : vector<16xi1>, vector<16xf32>
    %add3A_2297 = arith.addf %add3A_2281, %select_n3A_2296 : vector<16xf32>
    %add3A_2298 = arith.addf %add3A_2297, %gather3A_2233 : vector<16xf32>
    %broadcast_in_dim3A_2299 = vector.shape_cast %broadcast_in_dim3A_1 : vector<16xi32> to vector<16x1xi32>
    %gather3A_2300 = vector.shape_cast %broadcast_in_dim3A_2299 : vector<16x1xi32> to vector<16xi32>
    %gather3A_2301 = tpu.dynamic_gather %add3A_2298[%gather3A_2300] in [0] : vector<16xf32>, vector<16xi32> -> vector<16xf32>
    %sub3A_2302 = arith.constant 1.024000e+03 : f32
    %sub3A_2303 = vector.broadcast %sub3A_2302 : f32 to vector<16xf32>
    %sub3A_2304 = arith.subf %sub3A_2303, %add3A_1986 : vector<16xf32>
    %broadcast_in_dim3A_2305 = arith.constant 0.000000e+00 : f32
    %broadcast_in_dim3A_2306 = vector.broadcast %broadcast_in_dim3A_2305 : f32 to vector<16xf32>
    %add3A_2307 = arith.constant 0 : i32
    %add3A_2308 = vector.broadcast %add3A_2307 : i32 to vector<16xi32>
    %add3A_2309 = arith.addi %iota3A, %add3A_2308 : vector<16xi32>
    %ge3A_2310 = arith.cmpf oge, %add3A_2298, %sub3A_2304 : vector<16xf32>
    %ge3A_2311 = arith.constant 1 : i32
    %ge3A_2312 = vector.broadcast %ge3A_2311 : i32 to vector<16xi32>
    %ge3A_2313 = arith.cmpi sge, %add3A_2309, %ge3A_2312 : vector<16xi32>
    %and3A_2314 = arith.andi %ge3A_2310, %ge3A_2313 : vector<16xi1>
    %jit3A_2315 = arith.constant 1.000000e+00 : f32
    %jit3A_2316 = arith.constant 0.000000e+00 : f32
    %broadcast_in_dim3A_2317 = vector.broadcast %jit3A_2315 : f32 to vector<16xf32>
    %broadcast_in_dim3A_2318 = vector.broadcast %jit3A_2316 : f32 to vector<16xf32>
    %select_n3A_2319 = arith.select %and3A_2314, %broadcast_in_dim3A_2317, %broadcast_in_dim3A_2318 : vector<16xi1>, vector<16xf32>
    %add3A_2320 = arith.addf %broadcast_in_dim3A_2306, %select_n3A_2319 : vector<16xf32>
    %add3A_2321 = arith.constant 16 : i32
    %add3A_2322 = vector.broadcast %add3A_2321 : i32 to vector<16xi32>
    %add3A_2323 = arith.addi %iota3A, %add3A_2322 : vector<16xi32>
    %ge3A_2324 = arith.cmpf oge, %add3A_2230, %sub3A_2304 : vector<16xf32>
    %ge3A_2325 = arith.constant 1 : i32
    %ge3A_2326 = vector.broadcast %ge3A_2325 : i32 to vector<16xi32>
    %ge3A_2327 = arith.cmpi sge, %add3A_2323, %ge3A_2326 : vector<16xi32>
    %and3A_2328 = arith.andi %ge3A_2324, %ge3A_2327 : vector<16xi1>
    %jit3A_2329 = arith.constant 1.000000e+00 : f32
    %jit3A_2330 = arith.constant 0.000000e+00 : f32
    %broadcast_in_dim3A_2331 = vector.broadcast %jit3A_2329 : f32 to vector<16xf32>
    %broadcast_in_dim3A_2332 = vector.broadcast %jit3A_2330 : f32 to vector<16xf32>
    %select_n3A_2333 = arith.select %and3A_2328, %broadcast_in_dim3A_2331, %broadcast_in_dim3A_2332 : vector<16xi1>, vector<16xf32>
    %add3A_2334 = arith.addf %add3A_2320, %select_n3A_2333 : vector<16xf32>
    %add3A_2335 = arith.constant 32 : i32
    %add3A_2336 = vector.broadcast %add3A_2335 : i32 to vector<16xi32>
    %add3A_2337 = arith.addi %iota3A, %add3A_2336 : vector<16xi32>
    %ge3A_2338 = arith.cmpf oge, %add3A_2162, %sub3A_2304 : vector<16xf32>
    %ge3A_2339 = arith.constant 1 : i32
    %ge3A_2340 = vector.broadcast %ge3A_2339 : i32 to vector<16xi32>
    %ge3A_2341 = arith.cmpi sge, %add3A_2337, %ge3A_2340 : vector<16xi32>
    %and3A_2342 = arith.andi %ge3A_2338, %ge3A_2341 : vector<16xi1>
    %jit3A_2343 = arith.constant 1.000000e+00 : f32
    %jit3A_2344 = arith.constant 0.000000e+00 : f32
    %broadcast_in_dim3A_2345 = vector.broadcast %jit3A_2343 : f32 to vector<16xf32>
    %broadcast_in_dim3A_2346 = vector.broadcast %jit3A_2344 : f32 to vector<16xf32>
    %select_n3A_2347 = arith.select %and3A_2342, %broadcast_in_dim3A_2345, %broadcast_in_dim3A_2346 : vector<16xi1>, vector<16xf32>
    %add3A_2348 = arith.addf %add3A_2334, %select_n3A_2347 : vector<16xf32>
    %add3A_2349 = arith.constant 48 : i32
    %add3A_2350 = vector.broadcast %add3A_2349 : i32 to vector<16xi32>
    %add3A_2351 = arith.addi %iota3A, %add3A_2350 : vector<16xi32>
    %ge3A_2352 = arith.cmpf oge, %add3A_2094, %sub3A_2304 : vector<16xf32>
    %ge3A_2353 = arith.constant 1 : i32
    %ge3A_2354 = vector.broadcast %ge3A_2353 : i32 to vector<16xi32>
    %ge3A_2355 = arith.cmpi sge, %add3A_2351, %ge3A_2354 : vector<16xi32>
    %and3A_2356 = arith.andi %ge3A_2352, %ge3A_2355 : vector<16xi1>
    %jit3A_2357 = arith.constant 1.000000e+00 : f32
    %jit3A_2358 = arith.constant 0.000000e+00 : f32
    %broadcast_in_dim3A_2359 = vector.broadcast %jit3A_2357 : f32 to vector<16xf32>
    %broadcast_in_dim3A_2360 = vector.broadcast %jit3A_2358 : f32 to vector<16xf32>
    %select_n3A_2361 = arith.select %and3A_2356, %broadcast_in_dim3A_2359, %broadcast_in_dim3A_2360 : vector<16xi1>, vector<16xf32>
    %add3A_2362 = arith.addf %add3A_2348, %select_n3A_2361 : vector<16xf32>
    %xor3A_2363 = arith.constant 8 : i32
    %xor3A_2364 = vector.broadcast %xor3A_2363 : i32 to vector<16xi32>
    %xor3A_2365 = arith.xori %iota3A, %xor3A_2364 : vector<16xi32>
    %broadcast_in_dim3A_2366 = vector.shape_cast %xor3A_2365 : vector<16xi32> to vector<16x1xi32>
    %gather3A_2367 = vector.shape_cast %broadcast_in_dim3A_2366 : vector<16x1xi32> to vector<16xi32>
    %gather3A_2368 = tpu.dynamic_gather %add3A_2362[%gather3A_2367] in [0] : vector<16xf32>, vector<16xi32> -> vector<16xf32>
    %add3A_2369 = arith.addf %add3A_2362, %gather3A_2368 : vector<16xf32>
    %xor3A_2370 = arith.constant 4 : i32
    %xor3A_2371 = vector.broadcast %xor3A_2370 : i32 to vector<16xi32>
    %xor3A_2372 = arith.xori %iota3A, %xor3A_2371 : vector<16xi32>
    %broadcast_in_dim3A_2373 = vector.shape_cast %xor3A_2372 : vector<16xi32> to vector<16x1xi32>
    %gather3A_2374 = vector.shape_cast %broadcast_in_dim3A_2373 : vector<16x1xi32> to vector<16xi32>
    %gather3A_2375 = tpu.dynamic_gather %add3A_2369[%gather3A_2374] in [0] : vector<16xf32>, vector<16xi32> -> vector<16xf32>
    %add3A_2376 = arith.addf %add3A_2369, %gather3A_2375 : vector<16xf32>
    %xor3A_2377 = arith.constant 2 : i32
    %xor3A_2378 = vector.broadcast %xor3A_2377 : i32 to vector<16xi32>
    %xor3A_2379 = arith.xori %iota3A, %xor3A_2378 : vector<16xi32>
    %broadcast_in_dim3A_2380 = vector.shape_cast %xor3A_2379 : vector<16xi32> to vector<16x1xi32>
    %gather3A_2381 = vector.shape_cast %broadcast_in_dim3A_2380 : vector<16x1xi32> to vector<16xi32>
    %gather3A_2382 = tpu.dynamic_gather %add3A_2376[%gather3A_2381] in [0] : vector<16xf32>, vector<16xi32> -> vector<16xf32>
    %add3A_2383 = arith.addf %add3A_2376, %gather3A_2382 : vector<16xf32>
    %xor3A_2384 = arith.constant 1 : i32
    %xor3A_2385 = vector.broadcast %xor3A_2384 : i32 to vector<16xi32>
    %xor3A_2386 = arith.xori %iota3A, %xor3A_2385 : vector<16xi32>
    %broadcast_in_dim3A_2387 = vector.shape_cast %xor3A_2386 : vector<16xi32> to vector<16x1xi32>
    %gather3A_2388 = vector.shape_cast %broadcast_in_dim3A_2387 : vector<16x1xi32> to vector<16xi32>
    %gather3A_2389 = tpu.dynamic_gather %add3A_2383[%gather3A_2388] in [0] : vector<16xf32>, vector<16xi32> -> vector<16xf32>
    %add3A_2390 = arith.addf %add3A_2383, %gather3A_2389 : vector<16xf32>
    %convert_element_type3A_2391 = arith.fptosi %add3A_2390 : vector<16xf32> to vector<16xi32>
    %broadcast_in_dim3A_2392 = arith.constant 0.000000e+00 : f32
    %broadcast_in_dim3A_2393 = vector.broadcast %broadcast_in_dim3A_2392 : f32 to vector<16xf32>
    %broadcast_in_dim3A_2394 = arith.constant 0.000000e+00 : f32
    %broadcast_in_dim3A_2395 = vector.broadcast %broadcast_in_dim3A_2394 : f32 to vector<16xf32>
    %add3A_2396 = arith.constant 1.000000e+00 : f32
    %add3A_2397 = vector.broadcast %add3A_2396 : f32 to vector<16xf32>
    %add3A_2398 = arith.addf %add3A_2390, %add3A_2397 : vector<16xf32>
    %add3A_2399 = arith.constant 0 : i32
    %add3A_2400 = vector.broadcast %add3A_2399 : i32 to vector<16xi32>
    %add3A_2401 = arith.addi %iota3A, %add3A_2400 : vector<16xi32>
    %convert_element_type3A_2402 = arith.sitofp %add3A_2401 : vector<16xi32> to vector<16xf32>
    %eq3A_2403 = arith.cmpf oeq, %convert_element_type3A_2402, %add3A_2398 : vector<16xf32>
    %jit3A_2404 = arith.constant 0.000000e+00 : f32
    %broadcast_in_dim3A_2405 = vector.broadcast %jit3A_2404 : f32 to vector<16xf32>
    %select_n3A_2406 = arith.select %eq3A_2403, %add3A_2298, %broadcast_in_dim3A_2405 : vector<16xi1>, vector<16xf32>
    %add3A_2407 = arith.addf %broadcast_in_dim3A_2393, %select_n3A_2406 : vector<16xf32>
    %ge3A_2408 = arith.cmpf oge, %convert_element_type3A_2402, %add3A_2398 : vector<16xf32>
    %jit3A_2409 = arith.constant 0.000000e+00 : f32
    %broadcast_in_dim3A_2410 = vector.broadcast %jit3A_2409 : f32 to vector<16xf32>
    %select_n3A_2411 = arith.select %ge3A_2408, %scan3A_2026#4, %broadcast_in_dim3A_2410 : vector<16xi1>, vector<16xf32>
    %add3A_2412 = arith.addf %broadcast_in_dim3A_2395, %select_n3A_2411 : vector<16xf32>
    %add3A_2413 = arith.constant 16 : i32
    %add3A_2414 = vector.broadcast %add3A_2413 : i32 to vector<16xi32>
    %add3A_2415 = arith.addi %iota3A, %add3A_2414 : vector<16xi32>
    %convert_element_type3A_2416 = arith.sitofp %add3A_2415 : vector<16xi32> to vector<16xf32>
    %eq3A_2417 = arith.cmpf oeq, %convert_element_type3A_2416, %add3A_2398 : vector<16xf32>
    %jit3A_2418 = arith.constant 0.000000e+00 : f32
    %broadcast_in_dim3A_2419 = vector.broadcast %jit3A_2418 : f32 to vector<16xf32>
    %select_n3A_2420 = arith.select %eq3A_2417, %add3A_2230, %broadcast_in_dim3A_2419 : vector<16xi1>, vector<16xf32>
    %add3A_2421 = arith.addf %add3A_2407, %select_n3A_2420 : vector<16xf32>
    %ge3A_2422 = arith.cmpf oge, %convert_element_type3A_2416, %add3A_2398 : vector<16xf32>
    %jit3A_2423 = arith.constant 0.000000e+00 : f32
    %broadcast_in_dim3A_2424 = vector.broadcast %jit3A_2423 : f32 to vector<16xf32>
    %select_n3A_2425 = arith.select %ge3A_2422, %scan3A_2026#5, %broadcast_in_dim3A_2424 : vector<16xi1>, vector<16xf32>
    %add3A_2426 = arith.addf %add3A_2412, %select_n3A_2425 : vector<16xf32>
    %add3A_2427 = arith.constant 32 : i32
    %add3A_2428 = vector.broadcast %add3A_2427 : i32 to vector<16xi32>
    %add3A_2429 = arith.addi %iota3A, %add3A_2428 : vector<16xi32>
    %convert_element_type3A_2430 = arith.sitofp %add3A_2429 : vector<16xi32> to vector<16xf32>
    %eq3A_2431 = arith.cmpf oeq, %convert_element_type3A_2430, %add3A_2398 : vector<16xf32>
    %jit3A_2432 = arith.constant 0.000000e+00 : f32
    %broadcast_in_dim3A_2433 = vector.broadcast %jit3A_2432 : f32 to vector<16xf32>
    %select_n3A_2434 = arith.select %eq3A_2431, %add3A_2162, %broadcast_in_dim3A_2433 : vector<16xi1>, vector<16xf32>
    %add3A_2435 = arith.addf %add3A_2421, %select_n3A_2434 : vector<16xf32>
    %ge3A_2436 = arith.cmpf oge, %convert_element_type3A_2430, %add3A_2398 : vector<16xf32>
    %jit3A_2437 = arith.constant 0.000000e+00 : f32
    %broadcast_in_dim3A_2438 = vector.broadcast %jit3A_2437 : f32 to vector<16xf32>
    %select_n3A_2439 = arith.select %ge3A_2436, %scan3A_2026#6, %broadcast_in_dim3A_2438 : vector<16xi1>, vector<16xf32>
    %add3A_2440 = arith.addf %add3A_2426, %select_n3A_2439 : vector<16xf32>
    %add3A_2441 = arith.constant 48 : i32
    %add3A_2442 = vector.broadcast %add3A_2441 : i32 to vector<16xi32>
    %add3A_2443 = arith.addi %iota3A, %add3A_2442 : vector<16xi32>
    %convert_element_type3A_2444 = arith.sitofp %add3A_2443 : vector<16xi32> to vector<16xf32>
    %eq3A_2445 = arith.cmpf oeq, %convert_element_type3A_2444, %add3A_2398 : vector<16xf32>
    %jit3A_2446 = arith.constant 0.000000e+00 : f32
    %broadcast_in_dim3A_2447 = vector.broadcast %jit3A_2446 : f32 to vector<16xf32>
    %select_n3A_2448 = arith.select %eq3A_2445, %add3A_2094, %broadcast_in_dim3A_2447 : vector<16xi1>, vector<16xf32>
    %add3A_2449 = arith.addf %add3A_2435, %select_n3A_2448 : vector<16xf32>
    %ge3A_2450 = arith.cmpf oge, %convert_element_type3A_2444, %add3A_2398 : vector<16xf32>
    %jit3A_2451 = arith.constant 0.000000e+00 : f32
    %broadcast_in_dim3A_2452 = vector.broadcast %jit3A_2451 : f32 to vector<16xf32>
    %select_n3A_2453 = arith.select %ge3A_2450, %scan3A_2026#7, %broadcast_in_dim3A_2452 : vector<16xi1>, vector<16xf32>
    %add3A_2454 = arith.addf %add3A_2440, %select_n3A_2453 : vector<16xf32>
    %xor3A_2455 = arith.constant 8 : i32
    %xor3A_2456 = vector.broadcast %xor3A_2455 : i32 to vector<16xi32>
    %xor3A_2457 = arith.xori %iota3A, %xor3A_2456 : vector<16xi32>
    %broadcast_in_dim3A_2458 = vector.shape_cast %xor3A_2457 : vector<16xi32> to vector<16x1xi32>
    %gather3A_2459 = vector.shape_cast %broadcast_in_dim3A_2458 : vector<16x1xi32> to vector<16xi32>
    %gather3A_2460 = tpu.dynamic_gather %add3A_2449[%gather3A_2459] in [0] : vector<16xf32>, vector<16xi32> -> vector<16xf32>
    %add3A_2461 = arith.addf %add3A_2449, %gather3A_2460 : vector<16xf32>
    %xor3A_2462 = arith.constant 4 : i32
    %xor3A_2463 = vector.broadcast %xor3A_2462 : i32 to vector<16xi32>
    %xor3A_2464 = arith.xori %iota3A, %xor3A_2463 : vector<16xi32>
    %broadcast_in_dim3A_2465 = vector.shape_cast %xor3A_2464 : vector<16xi32> to vector<16x1xi32>
    %gather3A_2466 = vector.shape_cast %broadcast_in_dim3A_2465 : vector<16x1xi32> to vector<16xi32>
    %gather3A_2467 = tpu.dynamic_gather %add3A_2461[%gather3A_2466] in [0] : vector<16xf32>, vector<16xi32> -> vector<16xf32>
    %add3A_2468 = arith.addf %add3A_2461, %gather3A_2467 : vector<16xf32>
    %xor3A_2469 = arith.constant 2 : i32
    %xor3A_2470 = vector.broadcast %xor3A_2469 : i32 to vector<16xi32>
    %xor3A_2471 = arith.xori %iota3A, %xor3A_2470 : vector<16xi32>
    %broadcast_in_dim3A_2472 = vector.shape_cast %xor3A_2471 : vector<16xi32> to vector<16x1xi32>
    %gather3A_2473 = vector.shape_cast %broadcast_in_dim3A_2472 : vector<16x1xi32> to vector<16xi32>
    %gather3A_2474 = tpu.dynamic_gather %add3A_2468[%gather3A_2473] in [0] : vector<16xf32>, vector<16xi32> -> vector<16xf32>
    %add3A_2475 = arith.addf %add3A_2468, %gather3A_2474 : vector<16xf32>
    %xor3A_2476 = arith.constant 1 : i32
    %xor3A_2477 = vector.broadcast %xor3A_2476 : i32 to vector<16xi32>
    %xor3A_2478 = arith.xori %iota3A, %xor3A_2477 : vector<16xi32>
    %broadcast_in_dim3A_2479 = vector.shape_cast %xor3A_2478 : vector<16xi32> to vector<16x1xi32>
    %gather3A_2480 = vector.shape_cast %broadcast_in_dim3A_2479 : vector<16x1xi32> to vector<16xi32>
    %gather3A_2481 = tpu.dynamic_gather %add3A_2475[%gather3A_2480] in [0] : vector<16xf32>, vector<16xi32> -> vector<16xf32>
    %add3A_2482 = arith.addf %add3A_2475, %gather3A_2481 : vector<16xf32>
    %xor3A_2483 = arith.constant 8 : i32
    %xor3A_2484 = vector.broadcast %xor3A_2483 : i32 to vector<16xi32>
    %xor3A_2485 = arith.xori %iota3A, %xor3A_2484 : vector<16xi32>
    %broadcast_in_dim3A_2486 = vector.shape_cast %xor3A_2485 : vector<16xi32> to vector<16x1xi32>
    %gather3A_2487 = vector.shape_cast %broadcast_in_dim3A_2486 : vector<16x1xi32> to vector<16xi32>
    %gather3A_2488 = tpu.dynamic_gather %add3A_2454[%gather3A_2487] in [0] : vector<16xf32>, vector<16xi32> -> vector<16xf32>
    %add3A_2489 = arith.addf %add3A_2454, %gather3A_2488 : vector<16xf32>
    %xor3A_2490 = arith.constant 4 : i32
    %xor3A_2491 = vector.broadcast %xor3A_2490 : i32 to vector<16xi32>
    %xor3A_2492 = arith.xori %iota3A, %xor3A_2491 : vector<16xi32>
    %broadcast_in_dim3A_2493 = vector.shape_cast %xor3A_2492 : vector<16xi32> to vector<16x1xi32>
    %gather3A_2494 = vector.shape_cast %broadcast_in_dim3A_2493 : vector<16x1xi32> to vector<16xi32>
    %gather3A_2495 = tpu.dynamic_gather %add3A_2489[%gather3A_2494] in [0] : vector<16xf32>, vector<16xi32> -> vector<16xf32>
    %add3A_2496 = arith.addf %add3A_2489, %gather3A_2495 : vector<16xf32>
    %xor3A_2497 = arith.constant 2 : i32
    %xor3A_2498 = vector.broadcast %xor3A_2497 : i32 to vector<16xi32>
    %xor3A_2499 = arith.xori %iota3A, %xor3A_2498 : vector<16xi32>
    %broadcast_in_dim3A_2500 = vector.shape_cast %xor3A_2499 : vector<16xi32> to vector<16x1xi32>
    %gather3A_2501 = vector.shape_cast %broadcast_in_dim3A_2500 : vector<16x1xi32> to vector<16xi32>
    %gather3A_2502 = tpu.dynamic_gather %add3A_2496[%gather3A_2501] in [0] : vector<16xf32>, vector<16xi32> -> vector<16xf32>
    %add3A_2503 = arith.addf %add3A_2496, %gather3A_2502 : vector<16xf32>
    %xor3A_2504 = arith.constant 1 : i32
    %xor3A_2505 = vector.broadcast %xor3A_2504 : i32 to vector<16xi32>
    %xor3A_2506 = arith.xori %iota3A, %xor3A_2505 : vector<16xi32>
    %broadcast_in_dim3A_2507 = vector.shape_cast %xor3A_2506 : vector<16xi32> to vector<16x1xi32>
    %gather3A_2508 = vector.shape_cast %broadcast_in_dim3A_2507 : vector<16x1xi32> to vector<16xi32>
    %gather3A_2509 = tpu.dynamic_gather %add3A_2503[%gather3A_2508] in [0] : vector<16xf32>, vector<16xi32> -> vector<16xf32>
    %add3A_2510 = arith.addf %add3A_2503, %gather3A_2509 : vector<16xf32>
    %shift_left3A_2511 = arith.constant 6 : i32
    %shift_left3A_2512 = vector.broadcast %shift_left3A_2511 : i32 to vector<16xi32>
    %shift_left3A_2513 = arith.shli %convert_element_type3A_2391, %shift_left3A_2512 : vector<16xi32>
    %add3A_2514 = arith.addi %add3A_1985, %shift_left3A_2513 : vector<16xi32>
    %add3A_2515 = arith.addf %add3A_1986, %add3A_2482 : vector<16xf32>
    %add3A_2516 = arith.addf %add3A_1987, %add3A_2510 : vector<16xf32>
    %scan3A_2517 = arith.constant 0 : i32
    %scan3A_2518 = arith.constant 0 : i32
    %scan3A_2519 = arith.constant 8 : i32
    %scan3A_2520 = arith.addi %scan3A_2518, %scan3A_2519 : i32
    %scan3A_2521 = arith.constant 1 : i32
    scf.for %scan3A_3062 = %scan3A_2518 to %scan3A_2520 step %scan3A_2521  : i32 {
      %broadcast_in_dim3A_3063 = arith.constant 0.000000e+00 : f32
      %broadcast_in_dim3A_3064 = vector.broadcast %broadcast_in_dim3A_3063 : f32 to vector<16xf32>
      %mul3A_3065 = arith.constant 16 : i32
      %mul3A_3066 = arith.muli %scan3A_3062, %mul3A_3065 : i32
      %swap3A_3067 = arith.index_cast %mul3A_3066 : i32 to index
      %swap3A_3068 = tpu.vector_load %arg10[%swap3A_3067] {strides = array<i32>} : memref<256xf32, #tpu.memory_space<vmem>>, vector<16xf32>,
      tpu.vector_store %arg10[%swap3A_3067], %broadcast_in_dim3A_3064 {strides = array<i32>} : memref<256xf32, #tpu.memory_space<vmem>>, vector<16xf32>,
    }
    %scan3A_2522 = arith.constant 8 : i32
    %scan3A_2523 = arith.constant 0 : i32
    %scan3A_2524 = arith.constant 64 : i32
    %scan3A_2525 = arith.constant 0 : i32
    %scan3A_2526 = arith.constant 64 : i32
    %scan3A_2527 = arith.addi %scan3A_2525, %scan3A_2526 : i32
    %scan3A_2528 = arith.constant 1 : i32
    scf.for %scan3A_3062 = %scan3A_2525 to %scan3A_2527 step %scan3A_2528  : i32 {
      %mul3A_3063 = arith.constant 16 : i32
      %mul3A_3064 = arith.muli %scan3A_3062, %mul3A_3063 : i32
      %get3A = arith.index_cast %mul3A_3064 : i32 to index
      %get3A_3065 = tpu.vector_load %arg9[%get3A] {strides = array<i32>} : memref<1024xi32, #tpu.memory_space<vmem>>, vector<16xi32>,
      %sub3A_3066 = arith.subi %get3A_3065, %add3A_2514 : vector<16xi32>
      %ge3A_3067 = arith.cmpi sge, %get3A_3065, %add3A_2514 : vector<16xi32>
      %lt3A_3068 = vector.broadcast %scan3A_2524 : i32 to vector<16xi32>
      %lt3A_3069 = arith.cmpi slt, %sub3A_3066, %lt3A_3068 : vector<16xi32>
      %and3A_3070 = arith.andi %ge3A_3067, %lt3A_3069 : vector<16xi1>
      %shift_right_arithmetic3A = arith.constant 0 : i32
      %shift_right_arithmetic3A_3071 = vector.broadcast %shift_right_arithmetic3A : i32 to vector<16xi32>
      %shift_right_arithmetic3A_3072 = arith.shrsi %sub3A_3066, %shift_right_arithmetic3A_3071 : vector<16xi32>
      %and3A_3073 = arith.constant 63 : i32
      %and3A_3074 = vector.broadcast %and3A_3073 : i32 to vector<16xi32>
      %and3A_3075 = arith.andi %shift_right_arithmetic3A_3072, %and3A_3074 : vector<16xi32>
      %bitcast_convert_type3A_3076 = tpu.bitcast %get3A_3065 : vector<16xi32> -> vector<16xf32>
      tpu.vector_store_idx %arg10[%and3A_3075], %add3A_5 masked %and3A_3070 {add = true} : memref<256xf32, #tpu.memory_space<vmem>>[vector<16xi32>], vector<16xf32>, vector<16xi1>
      %add3A_3077 = arith.constant 64 : i32
      %add3A_3078 = vector.broadcast %add3A_3077 : i32 to vector<16xi32>
      %add3A_3079 = arith.addi %and3A_3075, %add3A_3078 : vector<16xi32>
      tpu.vector_store_idx %arg10[%add3A_3079], %bitcast_convert_type3A_3076 masked %and3A_3070 {add = true} : memref<256xf32, #tpu.memory_space<vmem>>[vector<16xi32>], vector<16xf32>, vector<16xi1>
    }
    %scan3A_2529 = arith.constant 64 : i32
    %mul3A_2530 = arith.constant 128 : i32
    %mul3A_2531 = arith.muli %arg1, %mul3A_2530 : i32
    %run_scoped3A_2532 = arith.constant 0 : i32
    "tpu.region"() ({
      %run_scoped3A_3062 = tpu.sem_alloc : memref<!tpu.dma_semaphore, #tpu.memory_space<semaphore_mem>>
      %dma_start3A = arith.constant 0 : i32
      %dma_start3A_3063 = tpu.memref_slice %arg10[%dma_start3A] : memref<256xf32, #tpu.memory_space<vmem>> -> memref<128xf32, #tpu.memory_space<vmem>>
      %dma_start3A_3064 = tpu.memref_slice %arg13[%run_scoped3A_2532, %mul3A_2531] : memref<2x4096xf32, #tpu.memory_space<vmem_shared>> -> memref<1x128xf32, #tpu.memory_space<vmem_shared>>
      %dma_start3A_3065 = tpu.memref_squeeze %dma_start3A_3064 : memref<1x128xf32, #tpu.memory_space<vmem_shared>> -> memref<128xf32, #tpu.memory_space<vmem_shared>>
      %dma_start3A_3066 = tpu.memref_slice %arg13[%run_scoped3A_2532, %mul3A_2531] : memref<2x4096xf32, #tpu.memory_space<vmem_shared>> -> memref<1x128xf32, #tpu.memory_space<vmem_shared>>
      %dma_start3A_3067 = tpu.memref_squeeze %dma_start3A_3066 : memref<1x128xf32, #tpu.memory_space<vmem_shared>> -> memref<128xf32, #tpu.memory_space<vmem_shared>>
      %dma_start3A_3068 = arith.constant 0 : i32
      %dma_start3A_3069 = tpu.memref_slice %arg10[%dma_start3A_3068] : memref<256xf32, #tpu.memory_space<vmem>> -> memref<128xf32, #tpu.memory_space<vmem>>
      tpu.enqueue_dma source(%dma_start3A_3069 : memref<128xf32, #tpu.memory_space<vmem>>) target(%dma_start3A_3067 : memref<128xf32, #tpu.memory_space<vmem_shared>>) target_semaphore(%run_scoped3A_3062 : memref<!tpu.dma_semaphore, #tpu.memory_space<semaphore_mem>>)
      %dma_wait3A = arith.constant 0 : i32
      %dma_wait3A_3070 = tpu.memref_slice %arg10[%dma_wait3A] : memref<256xf32, #tpu.memory_space<vmem>> -> memref<128xf32, #tpu.memory_space<vmem>>
      %dma_wait3A_3071 = tpu.memref_slice %arg13[%run_scoped3A_2532, %mul3A_2531] : memref<2x4096xf32, #tpu.memory_space<vmem_shared>> -> memref<1x128xf32, #tpu.memory_space<vmem_shared>>
      %dma_wait3A_3072 = tpu.memref_squeeze %dma_wait3A_3071 : memref<1x128xf32, #tpu.memory_space<vmem_shared>> -> memref<128xf32, #tpu.memory_space<vmem_shared>>
      %dma_wait3A_3073 = tpu.memref_slice %arg13[%run_scoped3A_2532, %mul3A_2531] : memref<2x4096xf32, #tpu.memory_space<vmem_shared>> -> memref<1x128xf32, #tpu.memory_space<vmem_shared>>
      %dma_wait3A_3074 = tpu.memref_squeeze %dma_wait3A_3073 : memref<1x128xf32, #tpu.memory_space<vmem_shared>> -> memref<128xf32, #tpu.memory_space<vmem_shared>>
      %dma_wait3A_3075 = arith.constant 0 : i32
      %dma_wait3A_3076 = tpu.memref_slice %arg10[%dma_wait3A_3075] : memref<256xf32, #tpu.memory_space<vmem>> -> memref<128xf32, #tpu.memory_space<vmem>>
      tpu.wait_dma2 semaphore(%run_scoped3A_3062 : memref<!tpu.dma_semaphore, #tpu.memory_space<semaphore_mem>>) src(%dma_wait3A_3076 : memref<128xf32, #tpu.memory_space<vmem>>) dst(%dma_wait3A_3074 : memref<128xf32, #tpu.memory_space<vmem_shared>>)
      tpu.yield
    }) : () -> ()
    %barrier3A_2533 = arith.constant 0 : index
    tpu.barrier barrier_id(%barrier3A_2533)
    %run_scoped3A_2534 = arith.constant 0 : i32
    "tpu.region"() ({
      %run_scoped3A_3062 = tpu.sem_alloc : memref<!tpu.dma_semaphore, #tpu.memory_space<semaphore_mem>>
      %dma_start3A = arith.constant 0 : i32
      %dma_start3A_3063 = tpu.memref_slice %arg11[%dma_start3A] : memref<4096xf32, #tpu.memory_space<vmem>> -> memref<2048xf32, #tpu.memory_space<vmem>>
      %dma_start3A_3064 = arith.constant 0 : i32
      %dma_start3A_3065 = tpu.memref_slice %arg13[%run_scoped3A_2534, %dma_start3A_3064] : memref<2x4096xf32, #tpu.memory_space<vmem_shared>> -> memref<1x2048xf32, #tpu.memory_space<vmem_shared>>
      %dma_start3A_3066 = tpu.memref_squeeze %dma_start3A_3065 : memref<1x2048xf32, #tpu.memory_space<vmem_shared>> -> memref<2048xf32, #tpu.memory_space<vmem_shared>>
      %dma_start3A_3067 = arith.constant 0 : i32
      %dma_start3A_3068 = tpu.memref_slice %arg11[%dma_start3A_3067] : memref<4096xf32, #tpu.memory_space<vmem>> -> memref<2048xf32, #tpu.memory_space<vmem>>
      %dma_start3A_3069 = arith.constant 0 : i32
      %dma_start3A_3070 = tpu.memref_slice %arg13[%run_scoped3A_2534, %dma_start3A_3069] : memref<2x4096xf32, #tpu.memory_space<vmem_shared>> -> memref<1x2048xf32, #tpu.memory_space<vmem_shared>>
      %dma_start3A_3071 = tpu.memref_squeeze %dma_start3A_3070 : memref<1x2048xf32, #tpu.memory_space<vmem_shared>> -> memref<2048xf32, #tpu.memory_space<vmem_shared>>
      tpu.enqueue_dma source(%dma_start3A_3071 : memref<2048xf32, #tpu.memory_space<vmem_shared>>) target(%dma_start3A_3068 : memref<2048xf32, #tpu.memory_space<vmem>>) target_semaphore(%run_scoped3A_3062 : memref<!tpu.dma_semaphore, #tpu.memory_space<semaphore_mem>>)
      %dma_wait3A = arith.constant 0 : i32
      %dma_wait3A_3072 = tpu.memref_slice %arg11[%dma_wait3A] : memref<4096xf32, #tpu.memory_space<vmem>> -> memref<2048xf32, #tpu.memory_space<vmem>>
      %dma_wait3A_3073 = arith.constant 0 : i32
      %dma_wait3A_3074 = tpu.memref_slice %arg13[%run_scoped3A_2534, %dma_wait3A_3073] : memref<2x4096xf32, #tpu.memory_space<vmem_shared>> -> memref<1x2048xf32, #tpu.memory_space<vmem_shared>>
      %dma_wait3A_3075 = tpu.memref_squeeze %dma_wait3A_3074 : memref<1x2048xf32, #tpu.memory_space<vmem_shared>> -> memref<2048xf32, #tpu.memory_space<vmem_shared>>
      %dma_wait3A_3076 = arith.constant 0 : i32
      %dma_wait3A_3077 = tpu.memref_slice %arg11[%dma_wait3A_3076] : memref<4096xf32, #tpu.memory_space<vmem>> -> memref<2048xf32, #tpu.memory_space<vmem>>
      %dma_wait3A_3078 = arith.constant 0 : i32
      %dma_wait3A_3079 = tpu.memref_slice %arg13[%run_scoped3A_2534, %dma_wait3A_3078] : memref<2x4096xf32, #tpu.memory_space<vmem_shared>> -> memref<1x2048xf32, #tpu.memory_space<vmem_shared>>
      %dma_wait3A_3080 = tpu.memref_squeeze %dma_wait3A_3079 : memref<1x2048xf32, #tpu.memory_space<vmem_shared>> -> memref<2048xf32, #tpu.memory_space<vmem_shared>>
      tpu.wait_dma2 semaphore(%run_scoped3A_3062 : memref<!tpu.dma_semaphore, #tpu.memory_space<semaphore_mem>>) src(%dma_wait3A_3080 : memref<2048xf32, #tpu.memory_space<vmem_shared>>) dst(%dma_wait3A_3077 : memref<2048xf32, #tpu.memory_space<vmem>>)
      tpu.yield
    }) : () -> ()
    %broadcast_in_dim3A_2535 = arith.constant 0.000000e+00 : f32
    %broadcast_in_dim3A_2536 = vector.broadcast %broadcast_in_dim3A_2535 : f32 to vector<16xf32>
    %broadcast_in_dim3A_2537 = arith.constant 0.000000e+00 : f32
    %broadcast_in_dim3A_2538 = vector.broadcast %broadcast_in_dim3A_2537 : f32 to vector<16xf32>
    %broadcast_in_dim3A_2539 = arith.constant 0.000000e+00 : f32
    %broadcast_in_dim3A_2540 = vector.broadcast %broadcast_in_dim3A_2539 : f32 to vector<16xf32>
    %broadcast_in_dim3A_2541 = arith.constant 0.000000e+00 : f32
    %broadcast_in_dim3A_2542 = vector.broadcast %broadcast_in_dim3A_2541 : f32 to vector<16xf32>
    %broadcast_in_dim3A_2543 = arith.constant 0.000000e+00 : f32
    %broadcast_in_dim3A_2544 = vector.broadcast %broadcast_in_dim3A_2543 : f32 to vector<16xf32>
    %broadcast_in_dim3A_2545 = arith.constant 0.000000e+00 : f32
    %broadcast_in_dim3A_2546 = vector.broadcast %broadcast_in_dim3A_2545 : f32 to vector<16xf32>
    %broadcast_in_dim3A_2547 = arith.constant 0.000000e+00 : f32
    %broadcast_in_dim3A_2548 = vector.broadcast %broadcast_in_dim3A_2547 : f32 to vector<16xf32>
    %broadcast_in_dim3A_2549 = arith.constant 0.000000e+00 : f32
    %broadcast_in_dim3A_2550 = vector.broadcast %broadcast_in_dim3A_2549 : f32 to vector<16xf32>
    %scan3A_2551 = arith.constant 0 : i32
    %scan3A_2552 = arith.constant 16 : i32
    %scan3A_2553 = arith.addi %scan3A_2551, %scan3A_2552 : i32
    %scan3A_2554 = arith.constant 1 : i32
    %scan3A_2555:8 = scf.for %scan3A_3062 = %scan3A_2551 to %scan3A_2553 step %scan3A_2554 iter_args(%scan3A_3063 = %broadcast_in_dim3A_2536, %scan3A_3064 = %broadcast_in_dim3A_2538, %scan3A_3065 = %broadcast_in_dim3A_2540, %scan3A_3066 = %broadcast_in_dim3A_2542, %scan3A_3067 = %broadcast_in_dim3A_2544, %scan3A_3068 = %broadcast_in_dim3A_2546, %scan3A_3069 = %broadcast_in_dim3A_2548, %scan3A_3070 = %broadcast_in_dim3A_2550) -> (vector<16xf32>, vector<16xf32>, vector<16xf32>, vector<16xf32>, vector<16xf32>, vector<16xf32>, vector<16xf32>, vector<16xf32>)  : i32 {
      %mul3A_3071 = arith.constant 128 : i32
      %mul3A_3072 = arith.muli %scan3A_3062, %mul3A_3071 : i32
      %add3A_3073 = arith.constant 0 : i32
      %add3A_3074 = arith.addi %mul3A_3072, %add3A_3073 : i32
      %get3A = arith.index_cast %add3A_3074 : i32 to index
      %get3A_3075 = tpu.vector_load %arg11[%get3A] {strides = array<i32>} : memref<4096xf32, #tpu.memory_space<vmem>>, vector<16xf32>,
      %add3A_3076 = arith.addf %scan3A_3063, %get3A_3075 : vector<16xf32>
      %add3A_3077 = arith.constant 16 : i32
      %add3A_3078 = arith.addi %mul3A_3072, %add3A_3077 : i32
      %get3A_3079 = arith.index_cast %add3A_3078 : i32 to index
      %get3A_3080 = tpu.vector_load %arg11[%get3A_3079] {strides = array<i32>} : memref<4096xf32, #tpu.memory_space<vmem>>, vector<16xf32>,
      %add3A_3081 = arith.addf %scan3A_3064, %get3A_3080 : vector<16xf32>
      %add3A_3082 = arith.constant 32 : i32
      %add3A_3083 = arith.addi %mul3A_3072, %add3A_3082 : i32
      %get3A_3084 = arith.index_cast %add3A_3083 : i32 to index
      %get3A_3085 = tpu.vector_load %arg11[%get3A_3084] {strides = array<i32>} : memref<4096xf32, #tpu.memory_space<vmem>>, vector<16xf32>,
      %add3A_3086 = arith.addf %scan3A_3065, %get3A_3085 : vector<16xf32>
      %add3A_3087 = arith.constant 48 : i32
      %add3A_3088 = arith.addi %mul3A_3072, %add3A_3087 : i32
      %get3A_3089 = arith.index_cast %add3A_3088 : i32 to index
      %get3A_3090 = tpu.vector_load %arg11[%get3A_3089] {strides = array<i32>} : memref<4096xf32, #tpu.memory_space<vmem>>, vector<16xf32>,
      %add3A_3091 = arith.addf %scan3A_3066, %get3A_3090 : vector<16xf32>
      %add3A_3092 = arith.constant 64 : i32
      %add3A_3093 = arith.addi %mul3A_3072, %add3A_3092 : i32
      %add3A_3094 = arith.constant 0 : i32
      %add3A_3095 = arith.addi %add3A_3093, %add3A_3094 : i32
      %get3A_3096 = arith.index_cast %add3A_3095 : i32 to index
      %get3A_3097 = tpu.vector_load %arg11[%get3A_3096] {strides = array<i32>} : memref<4096xf32, #tpu.memory_space<vmem>>, vector<16xf32>,
      %add3A_3098 = arith.addf %scan3A_3067, %get3A_3097 : vector<16xf32>
      %add3A_3099 = arith.constant 64 : i32
      %add3A_3100 = arith.addi %mul3A_3072, %add3A_3099 : i32
      %add3A_3101 = arith.constant 16 : i32
      %add3A_3102 = arith.addi %add3A_3100, %add3A_3101 : i32
      %get3A_3103 = arith.index_cast %add3A_3102 : i32 to index
      %get3A_3104 = tpu.vector_load %arg11[%get3A_3103] {strides = array<i32>} : memref<4096xf32, #tpu.memory_space<vmem>>, vector<16xf32>,
      %add3A_3105 = arith.addf %scan3A_3068, %get3A_3104 : vector<16xf32>
      %add3A_3106 = arith.constant 64 : i32
      %add3A_3107 = arith.addi %mul3A_3072, %add3A_3106 : i32
      %add3A_3108 = arith.constant 32 : i32
      %add3A_3109 = arith.addi %add3A_3107, %add3A_3108 : i32
      %get3A_3110 = arith.index_cast %add3A_3109 : i32 to index
      %get3A_3111 = tpu.vector_load %arg11[%get3A_3110] {strides = array<i32>} : memref<4096xf32, #tpu.memory_space<vmem>>, vector<16xf32>,
      %add3A_3112 = arith.addf %scan3A_3069, %get3A_3111 : vector<16xf32>
      %add3A_3113 = arith.constant 64 : i32
      %add3A_3114 = arith.addi %mul3A_3072, %add3A_3113 : i32
      %add3A_3115 = arith.constant 48 : i32
      %add3A_3116 = arith.addi %add3A_3114, %add3A_3115 : i32
      %get3A_3117 = arith.index_cast %add3A_3116 : i32 to index
      %get3A_3118 = tpu.vector_load %arg11[%get3A_3117] {strides = array<i32>} : memref<4096xf32, #tpu.memory_space<vmem>>, vector<16xf32>,
      %add3A_3119 = arith.addf %scan3A_3070, %get3A_3118 : vector<16xf32>
      scf.yield %add3A_3076, %add3A_3081, %add3A_3086, %add3A_3091, %add3A_3098, %add3A_3105, %add3A_3112, %add3A_3119 : vector<16xf32>, vector<16xf32>, vector<16xf32>, vector<16xf32>, vector<16xf32>, vector<16xf32>, vector<16xf32>, vector<16xf32>
    }
    %scan3A_2556 = arith.constant 16 : i32
    %broadcast_in_dim3A_2557 = arith.constant 0.000000e+00 : f32
    %broadcast_in_dim3A_2558 = vector.broadcast %broadcast_in_dim3A_2557 : f32 to vector<16xf32>
    %lt3A_2559 = arith.constant 15 : i32
    %lt3A_2560 = vector.broadcast %lt3A_2559 : i32 to vector<16xi32>
    %lt3A_2561 = arith.cmpi slt, %iota3A, %lt3A_2560 : vector<16xi32>
    %add3A_2562 = arith.constant 1 : i32
    %add3A_2563 = vector.broadcast %add3A_2562 : i32 to vector<16xi32>
    %add3A_2564 = arith.addi %iota3A, %add3A_2563 : vector<16xi32>
    %and3A_2565 = arith.constant 15 : i32
    %and3A_2566 = vector.broadcast %and3A_2565 : i32 to vector<16xi32>
    %and3A_2567 = arith.andi %add3A_2564, %and3A_2566 : vector<16xi32>
    %broadcast_in_dim3A_2568 = vector.shape_cast %and3A_2567 : vector<16xi32> to vector<16x1xi32>
    %gather3A_2569 = vector.shape_cast %broadcast_in_dim3A_2568 : vector<16x1xi32> to vector<16xi32>
    %gather3A_2570 = tpu.dynamic_gather %scan3A_2555#3[%gather3A_2569] in [0] : vector<16xf32>, vector<16xi32> -> vector<16xf32>
    %jit3A_2571 = arith.constant 0.000000e+00 : f32
    %broadcast_in_dim3A_2572 = vector.broadcast %jit3A_2571 : f32 to vector<16xf32>
    %select_n3A_2573 = arith.select %lt3A_2561, %gather3A_2570, %broadcast_in_dim3A_2572 : vector<16xi1>, vector<16xf32>
    %add3A_2574 = arith.addf %scan3A_2555#3, %select_n3A_2573 : vector<16xf32>
    %lt3A_2575 = arith.constant 14 : i32
    %lt3A_2576 = vector.broadcast %lt3A_2575 : i32 to vector<16xi32>
    %lt3A_2577 = arith.cmpi slt, %iota3A, %lt3A_2576 : vector<16xi32>
    %add3A_2578 = arith.constant 2 : i32
    %add3A_2579 = vector.broadcast %add3A_2578 : i32 to vector<16xi32>
    %add3A_2580 = arith.addi %iota3A, %add3A_2579 : vector<16xi32>
    %and3A_2581 = arith.constant 15 : i32
    %and3A_2582 = vector.broadcast %and3A_2581 : i32 to vector<16xi32>
    %and3A_2583 = arith.andi %add3A_2580, %and3A_2582 : vector<16xi32>
    %broadcast_in_dim3A_2584 = vector.shape_cast %and3A_2583 : vector<16xi32> to vector<16x1xi32>
    %gather3A_2585 = vector.shape_cast %broadcast_in_dim3A_2584 : vector<16x1xi32> to vector<16xi32>
    %gather3A_2586 = tpu.dynamic_gather %add3A_2574[%gather3A_2585] in [0] : vector<16xf32>, vector<16xi32> -> vector<16xf32>
    %jit3A_2587 = arith.constant 0.000000e+00 : f32
    %broadcast_in_dim3A_2588 = vector.broadcast %jit3A_2587 : f32 to vector<16xf32>
    %select_n3A_2589 = arith.select %lt3A_2577, %gather3A_2586, %broadcast_in_dim3A_2588 : vector<16xi1>, vector<16xf32>
    %add3A_2590 = arith.addf %add3A_2574, %select_n3A_2589 : vector<16xf32>
    %lt3A_2591 = arith.constant 12 : i32
    %lt3A_2592 = vector.broadcast %lt3A_2591 : i32 to vector<16xi32>
    %lt3A_2593 = arith.cmpi slt, %iota3A, %lt3A_2592 : vector<16xi32>
    %add3A_2594 = arith.constant 4 : i32
    %add3A_2595 = vector.broadcast %add3A_2594 : i32 to vector<16xi32>
    %add3A_2596 = arith.addi %iota3A, %add3A_2595 : vector<16xi32>
    %and3A_2597 = arith.constant 15 : i32
    %and3A_2598 = vector.broadcast %and3A_2597 : i32 to vector<16xi32>
    %and3A_2599 = arith.andi %add3A_2596, %and3A_2598 : vector<16xi32>
    %broadcast_in_dim3A_2600 = vector.shape_cast %and3A_2599 : vector<16xi32> to vector<16x1xi32>
    %gather3A_2601 = vector.shape_cast %broadcast_in_dim3A_2600 : vector<16x1xi32> to vector<16xi32>
    %gather3A_2602 = tpu.dynamic_gather %add3A_2590[%gather3A_2601] in [0] : vector<16xf32>, vector<16xi32> -> vector<16xf32>
    %jit3A_2603 = arith.constant 0.000000e+00 : f32
    %broadcast_in_dim3A_2604 = vector.broadcast %jit3A_2603 : f32 to vector<16xf32>
    %select_n3A_2605 = arith.select %lt3A_2593, %gather3A_2602, %broadcast_in_dim3A_2604 : vector<16xi1>, vector<16xf32>
    %add3A_2606 = arith.addf %add3A_2590, %select_n3A_2605 : vector<16xf32>
    %lt3A_2607 = arith.constant 8 : i32
    %lt3A_2608 = vector.broadcast %lt3A_2607 : i32 to vector<16xi32>
    %lt3A_2609 = arith.cmpi slt, %iota3A, %lt3A_2608 : vector<16xi32>
    %add3A_2610 = arith.constant 8 : i32
    %add3A_2611 = vector.broadcast %add3A_2610 : i32 to vector<16xi32>
    %add3A_2612 = arith.addi %iota3A, %add3A_2611 : vector<16xi32>
    %and3A_2613 = arith.constant 15 : i32
    %and3A_2614 = vector.broadcast %and3A_2613 : i32 to vector<16xi32>
    %and3A_2615 = arith.andi %add3A_2612, %and3A_2614 : vector<16xi32>
    %broadcast_in_dim3A_2616 = vector.shape_cast %and3A_2615 : vector<16xi32> to vector<16x1xi32>
    %gather3A_2617 = vector.shape_cast %broadcast_in_dim3A_2616 : vector<16x1xi32> to vector<16xi32>
    %gather3A_2618 = tpu.dynamic_gather %add3A_2606[%gather3A_2617] in [0] : vector<16xf32>, vector<16xi32> -> vector<16xf32>
    %jit3A_2619 = arith.constant 0.000000e+00 : f32
    %broadcast_in_dim3A_2620 = vector.broadcast %jit3A_2619 : f32 to vector<16xf32>
    %select_n3A_2621 = arith.select %lt3A_2609, %gather3A_2618, %broadcast_in_dim3A_2620 : vector<16xi1>, vector<16xf32>
    %add3A_2622 = arith.addf %add3A_2606, %select_n3A_2621 : vector<16xf32>
    %add3A_2623 = arith.addf %add3A_2622, %broadcast_in_dim3A_2558 : vector<16xf32>
    %broadcast_in_dim3A_2624 = vector.shape_cast %broadcast_in_dim3A_1 : vector<16xi32> to vector<16x1xi32>
    %gather3A_2625 = vector.shape_cast %broadcast_in_dim3A_2624 : vector<16x1xi32> to vector<16xi32>
    %gather3A_2626 = tpu.dynamic_gather %add3A_2623[%gather3A_2625] in [0] : vector<16xf32>, vector<16xi32> -> vector<16xf32>
    %lt3A_2627 = arith.constant 15 : i32
    %lt3A_2628 = vector.broadcast %lt3A_2627 : i32 to vector<16xi32>
    %lt3A_2629 = arith.cmpi slt, %iota3A, %lt3A_2628 : vector<16xi32>
    %add3A_2630 = arith.constant 1 : i32
    %add3A_2631 = vector.broadcast %add3A_2630 : i32 to vector<16xi32>
    %add3A_2632 = arith.addi %iota3A, %add3A_2631 : vector<16xi32>
    %and3A_2633 = arith.constant 15 : i32
    %and3A_2634 = vector.broadcast %and3A_2633 : i32 to vector<16xi32>
    %and3A_2635 = arith.andi %add3A_2632, %and3A_2634 : vector<16xi32>
    %broadcast_in_dim3A_2636 = vector.shape_cast %and3A_2635 : vector<16xi32> to vector<16x1xi32>
    %gather3A_2637 = vector.shape_cast %broadcast_in_dim3A_2636 : vector<16x1xi32> to vector<16xi32>
    %gather3A_2638 = tpu.dynamic_gather %scan3A_2555#2[%gather3A_2637] in [0] : vector<16xf32>, vector<16xi32> -> vector<16xf32>
    %jit3A_2639 = arith.constant 0.000000e+00 : f32
    %broadcast_in_dim3A_2640 = vector.broadcast %jit3A_2639 : f32 to vector<16xf32>
    %select_n3A_2641 = arith.select %lt3A_2629, %gather3A_2638, %broadcast_in_dim3A_2640 : vector<16xi1>, vector<16xf32>
    %add3A_2642 = arith.addf %scan3A_2555#2, %select_n3A_2641 : vector<16xf32>
    %lt3A_2643 = arith.constant 14 : i32
    %lt3A_2644 = vector.broadcast %lt3A_2643 : i32 to vector<16xi32>
    %lt3A_2645 = arith.cmpi slt, %iota3A, %lt3A_2644 : vector<16xi32>
    %add3A_2646 = arith.constant 2 : i32
    %add3A_2647 = vector.broadcast %add3A_2646 : i32 to vector<16xi32>
    %add3A_2648 = arith.addi %iota3A, %add3A_2647 : vector<16xi32>
    %and3A_2649 = arith.constant 15 : i32
    %and3A_2650 = vector.broadcast %and3A_2649 : i32 to vector<16xi32>
    %and3A_2651 = arith.andi %add3A_2648, %and3A_2650 : vector<16xi32>
    %broadcast_in_dim3A_2652 = vector.shape_cast %and3A_2651 : vector<16xi32> to vector<16x1xi32>
    %gather3A_2653 = vector.shape_cast %broadcast_in_dim3A_2652 : vector<16x1xi32> to vector<16xi32>
    %gather3A_2654 = tpu.dynamic_gather %add3A_2642[%gather3A_2653] in [0] : vector<16xf32>, vector<16xi32> -> vector<16xf32>
    %jit3A_2655 = arith.constant 0.000000e+00 : f32
    %broadcast_in_dim3A_2656 = vector.broadcast %jit3A_2655 : f32 to vector<16xf32>
    %select_n3A_2657 = arith.select %lt3A_2645, %gather3A_2654, %broadcast_in_dim3A_2656 : vector<16xi1>, vector<16xf32>
    %add3A_2658 = arith.addf %add3A_2642, %select_n3A_2657 : vector<16xf32>
    %lt3A_2659 = arith.constant 12 : i32
    %lt3A_2660 = vector.broadcast %lt3A_2659 : i32 to vector<16xi32>
    %lt3A_2661 = arith.cmpi slt, %iota3A, %lt3A_2660 : vector<16xi32>
    %add3A_2662 = arith.constant 4 : i32
    %add3A_2663 = vector.broadcast %add3A_2662 : i32 to vector<16xi32>
    %add3A_2664 = arith.addi %iota3A, %add3A_2663 : vector<16xi32>
    %and3A_2665 = arith.constant 15 : i32
    %and3A_2666 = vector.broadcast %and3A_2665 : i32 to vector<16xi32>
    %and3A_2667 = arith.andi %add3A_2664, %and3A_2666 : vector<16xi32>
    %broadcast_in_dim3A_2668 = vector.shape_cast %and3A_2667 : vector<16xi32> to vector<16x1xi32>
    %gather3A_2669 = vector.shape_cast %broadcast_in_dim3A_2668 : vector<16x1xi32> to vector<16xi32>
    %gather3A_2670 = tpu.dynamic_gather %add3A_2658[%gather3A_2669] in [0] : vector<16xf32>, vector<16xi32> -> vector<16xf32>
    %jit3A_2671 = arith.constant 0.000000e+00 : f32
    %broadcast_in_dim3A_2672 = vector.broadcast %jit3A_2671 : f32 to vector<16xf32>
    %select_n3A_2673 = arith.select %lt3A_2661, %gather3A_2670, %broadcast_in_dim3A_2672 : vector<16xi1>, vector<16xf32>
    %add3A_2674 = arith.addf %add3A_2658, %select_n3A_2673 : vector<16xf32>
    %lt3A_2675 = arith.constant 8 : i32
    %lt3A_2676 = vector.broadcast %lt3A_2675 : i32 to vector<16xi32>
    %lt3A_2677 = arith.cmpi slt, %iota3A, %lt3A_2676 : vector<16xi32>
    %add3A_2678 = arith.constant 8 : i32
    %add3A_2679 = vector.broadcast %add3A_2678 : i32 to vector<16xi32>
    %add3A_2680 = arith.addi %iota3A, %add3A_2679 : vector<16xi32>
    %and3A_2681 = arith.constant 15 : i32
    %and3A_2682 = vector.broadcast %and3A_2681 : i32 to vector<16xi32>
    %and3A_2683 = arith.andi %add3A_2680, %and3A_2682 : vector<16xi32>
    %broadcast_in_dim3A_2684 = vector.shape_cast %and3A_2683 : vector<16xi32> to vector<16x1xi32>
    %gather3A_2685 = vector.shape_cast %broadcast_in_dim3A_2684 : vector<16x1xi32> to vector<16xi32>
    %gather3A_2686 = tpu.dynamic_gather %add3A_2674[%gather3A_2685] in [0] : vector<16xf32>, vector<16xi32> -> vector<16xf32>
    %jit3A_2687 = arith.constant 0.000000e+00 : f32
    %broadcast_in_dim3A_2688 = vector.broadcast %jit3A_2687 : f32 to vector<16xf32>
    %select_n3A_2689 = arith.select %lt3A_2677, %gather3A_2686, %broadcast_in_dim3A_2688 : vector<16xi1>, vector<16xf32>
    %add3A_2690 = arith.addf %add3A_2674, %select_n3A_2689 : vector<16xf32>
    %add3A_2691 = arith.addf %add3A_2690, %gather3A_2626 : vector<16xf32>
    %broadcast_in_dim3A_2692 = vector.shape_cast %broadcast_in_dim3A_1 : vector<16xi32> to vector<16x1xi32>
    %gather3A_2693 = vector.shape_cast %broadcast_in_dim3A_2692 : vector<16x1xi32> to vector<16xi32>
    %gather3A_2694 = tpu.dynamic_gather %add3A_2691[%gather3A_2693] in [0] : vector<16xf32>, vector<16xi32> -> vector<16xf32>
    %lt3A_2695 = arith.constant 15 : i32
    %lt3A_2696 = vector.broadcast %lt3A_2695 : i32 to vector<16xi32>
    %lt3A_2697 = arith.cmpi slt, %iota3A, %lt3A_2696 : vector<16xi32>
    %add3A_2698 = arith.constant 1 : i32
    %add3A_2699 = vector.broadcast %add3A_2698 : i32 to vector<16xi32>
    %add3A_2700 = arith.addi %iota3A, %add3A_2699 : vector<16xi32>
    %and3A_2701 = arith.constant 15 : i32
    %and3A_2702 = vector.broadcast %and3A_2701 : i32 to vector<16xi32>
    %and3A_2703 = arith.andi %add3A_2700, %and3A_2702 : vector<16xi32>
    %broadcast_in_dim3A_2704 = vector.shape_cast %and3A_2703 : vector<16xi32> to vector<16x1xi32>
    %gather3A_2705 = vector.shape_cast %broadcast_in_dim3A_2704 : vector<16x1xi32> to vector<16xi32>
    %gather3A_2706 = tpu.dynamic_gather %scan3A_2555#1[%gather3A_2705] in [0] : vector<16xf32>, vector<16xi32> -> vector<16xf32>
    %jit3A_2707 = arith.constant 0.000000e+00 : f32
    %broadcast_in_dim3A_2708 = vector.broadcast %jit3A_2707 : f32 to vector<16xf32>
    %select_n3A_2709 = arith.select %lt3A_2697, %gather3A_2706, %broadcast_in_dim3A_2708 : vector<16xi1>, vector<16xf32>
    %add3A_2710 = arith.addf %scan3A_2555#1, %select_n3A_2709 : vector<16xf32>
    %lt3A_2711 = arith.constant 14 : i32
    %lt3A_2712 = vector.broadcast %lt3A_2711 : i32 to vector<16xi32>
    %lt3A_2713 = arith.cmpi slt, %iota3A, %lt3A_2712 : vector<16xi32>
    %add3A_2714 = arith.constant 2 : i32
    %add3A_2715 = vector.broadcast %add3A_2714 : i32 to vector<16xi32>
    %add3A_2716 = arith.addi %iota3A, %add3A_2715 : vector<16xi32>
    %and3A_2717 = arith.constant 15 : i32
    %and3A_2718 = vector.broadcast %and3A_2717 : i32 to vector<16xi32>
    %and3A_2719 = arith.andi %add3A_2716, %and3A_2718 : vector<16xi32>
    %broadcast_in_dim3A_2720 = vector.shape_cast %and3A_2719 : vector<16xi32> to vector<16x1xi32>
    %gather3A_2721 = vector.shape_cast %broadcast_in_dim3A_2720 : vector<16x1xi32> to vector<16xi32>
    %gather3A_2722 = tpu.dynamic_gather %add3A_2710[%gather3A_2721] in [0] : vector<16xf32>, vector<16xi32> -> vector<16xf32>
    %jit3A_2723 = arith.constant 0.000000e+00 : f32
    %broadcast_in_dim3A_2724 = vector.broadcast %jit3A_2723 : f32 to vector<16xf32>
    %select_n3A_2725 = arith.select %lt3A_2713, %gather3A_2722, %broadcast_in_dim3A_2724 : vector<16xi1>, vector<16xf32>
    %add3A_2726 = arith.addf %add3A_2710, %select_n3A_2725 : vector<16xf32>
    %lt3A_2727 = arith.constant 12 : i32
    %lt3A_2728 = vector.broadcast %lt3A_2727 : i32 to vector<16xi32>
    %lt3A_2729 = arith.cmpi slt, %iota3A, %lt3A_2728 : vector<16xi32>
    %add3A_2730 = arith.constant 4 : i32
    %add3A_2731 = vector.broadcast %add3A_2730 : i32 to vector<16xi32>
    %add3A_2732 = arith.addi %iota3A, %add3A_2731 : vector<16xi32>
    %and3A_2733 = arith.constant 15 : i32
    %and3A_2734 = vector.broadcast %and3A_2733 : i32 to vector<16xi32>
    %and3A_2735 = arith.andi %add3A_2732, %and3A_2734 : vector<16xi32>
    %broadcast_in_dim3A_2736 = vector.shape_cast %and3A_2735 : vector<16xi32> to vector<16x1xi32>
    %gather3A_2737 = vector.shape_cast %broadcast_in_dim3A_2736 : vector<16x1xi32> to vector<16xi32>
    %gather3A_2738 = tpu.dynamic_gather %add3A_2726[%gather3A_2737] in [0] : vector<16xf32>, vector<16xi32> -> vector<16xf32>
    %jit3A_2739 = arith.constant 0.000000e+00 : f32
    %broadcast_in_dim3A_2740 = vector.broadcast %jit3A_2739 : f32 to vector<16xf32>
    %select_n3A_2741 = arith.select %lt3A_2729, %gather3A_2738, %broadcast_in_dim3A_2740 : vector<16xi1>, vector<16xf32>
    %add3A_2742 = arith.addf %add3A_2726, %select_n3A_2741 : vector<16xf32>
    %lt3A_2743 = arith.constant 8 : i32
    %lt3A_2744 = vector.broadcast %lt3A_2743 : i32 to vector<16xi32>
    %lt3A_2745 = arith.cmpi slt, %iota3A, %lt3A_2744 : vector<16xi32>
    %add3A_2746 = arith.constant 8 : i32
    %add3A_2747 = vector.broadcast %add3A_2746 : i32 to vector<16xi32>
    %add3A_2748 = arith.addi %iota3A, %add3A_2747 : vector<16xi32>
    %and3A_2749 = arith.constant 15 : i32
    %and3A_2750 = vector.broadcast %and3A_2749 : i32 to vector<16xi32>
    %and3A_2751 = arith.andi %add3A_2748, %and3A_2750 : vector<16xi32>
    %broadcast_in_dim3A_2752 = vector.shape_cast %and3A_2751 : vector<16xi32> to vector<16x1xi32>
    %gather3A_2753 = vector.shape_cast %broadcast_in_dim3A_2752 : vector<16x1xi32> to vector<16xi32>
    %gather3A_2754 = tpu.dynamic_gather %add3A_2742[%gather3A_2753] in [0] : vector<16xf32>, vector<16xi32> -> vector<16xf32>
    %jit3A_2755 = arith.constant 0.000000e+00 : f32
    %broadcast_in_dim3A_2756 = vector.broadcast %jit3A_2755 : f32 to vector<16xf32>
    %select_n3A_2757 = arith.select %lt3A_2745, %gather3A_2754, %broadcast_in_dim3A_2756 : vector<16xi1>, vector<16xf32>
    %add3A_2758 = arith.addf %add3A_2742, %select_n3A_2757 : vector<16xf32>
    %add3A_2759 = arith.addf %add3A_2758, %gather3A_2694 : vector<16xf32>
    %broadcast_in_dim3A_2760 = vector.shape_cast %broadcast_in_dim3A_1 : vector<16xi32> to vector<16x1xi32>
    %gather3A_2761 = vector.shape_cast %broadcast_in_dim3A_2760 : vector<16x1xi32> to vector<16xi32>
    %gather3A_2762 = tpu.dynamic_gather %add3A_2759[%gather3A_2761] in [0] : vector<16xf32>, vector<16xi32> -> vector<16xf32>
    %lt3A_2763 = arith.constant 15 : i32
    %lt3A_2764 = vector.broadcast %lt3A_2763 : i32 to vector<16xi32>
    %lt3A_2765 = arith.cmpi slt, %iota3A, %lt3A_2764 : vector<16xi32>
    %add3A_2766 = arith.constant 1 : i32
    %add3A_2767 = vector.broadcast %add3A_2766 : i32 to vector<16xi32>
    %add3A_2768 = arith.addi %iota3A, %add3A_2767 : vector<16xi32>
    %and3A_2769 = arith.constant 15 : i32
    %and3A_2770 = vector.broadcast %and3A_2769 : i32 to vector<16xi32>
    %and3A_2771 = arith.andi %add3A_2768, %and3A_2770 : vector<16xi32>
    %broadcast_in_dim3A_2772 = vector.shape_cast %and3A_2771 : vector<16xi32> to vector<16x1xi32>
    %gather3A_2773 = vector.shape_cast %broadcast_in_dim3A_2772 : vector<16x1xi32> to vector<16xi32>
    %gather3A_2774 = tpu.dynamic_gather %scan3A_2555#0[%gather3A_2773] in [0] : vector<16xf32>, vector<16xi32> -> vector<16xf32>
    %jit3A_2775 = arith.constant 0.000000e+00 : f32
    %broadcast_in_dim3A_2776 = vector.broadcast %jit3A_2775 : f32 to vector<16xf32>
    %select_n3A_2777 = arith.select %lt3A_2765, %gather3A_2774, %broadcast_in_dim3A_2776 : vector<16xi1>, vector<16xf32>
    %add3A_2778 = arith.addf %scan3A_2555#0, %select_n3A_2777 : vector<16xf32>
    %lt3A_2779 = arith.constant 14 : i32
    %lt3A_2780 = vector.broadcast %lt3A_2779 : i32 to vector<16xi32>
    %lt3A_2781 = arith.cmpi slt, %iota3A, %lt3A_2780 : vector<16xi32>
    %add3A_2782 = arith.constant 2 : i32
    %add3A_2783 = vector.broadcast %add3A_2782 : i32 to vector<16xi32>
    %add3A_2784 = arith.addi %iota3A, %add3A_2783 : vector<16xi32>
    %and3A_2785 = arith.constant 15 : i32
    %and3A_2786 = vector.broadcast %and3A_2785 : i32 to vector<16xi32>
    %and3A_2787 = arith.andi %add3A_2784, %and3A_2786 : vector<16xi32>
    %broadcast_in_dim3A_2788 = vector.shape_cast %and3A_2787 : vector<16xi32> to vector<16x1xi32>
    %gather3A_2789 = vector.shape_cast %broadcast_in_dim3A_2788 : vector<16x1xi32> to vector<16xi32>
    %gather3A_2790 = tpu.dynamic_gather %add3A_2778[%gather3A_2789] in [0] : vector<16xf32>, vector<16xi32> -> vector<16xf32>
    %jit3A_2791 = arith.constant 0.000000e+00 : f32
    %broadcast_in_dim3A_2792 = vector.broadcast %jit3A_2791 : f32 to vector<16xf32>
    %select_n3A_2793 = arith.select %lt3A_2781, %gather3A_2790, %broadcast_in_dim3A_2792 : vector<16xi1>, vector<16xf32>
    %add3A_2794 = arith.addf %add3A_2778, %select_n3A_2793 : vector<16xf32>
    %lt3A_2795 = arith.constant 12 : i32
    %lt3A_2796 = vector.broadcast %lt3A_2795 : i32 to vector<16xi32>
    %lt3A_2797 = arith.cmpi slt, %iota3A, %lt3A_2796 : vector<16xi32>
    %add3A_2798 = arith.constant 4 : i32
    %add3A_2799 = vector.broadcast %add3A_2798 : i32 to vector<16xi32>
    %add3A_2800 = arith.addi %iota3A, %add3A_2799 : vector<16xi32>
    %and3A_2801 = arith.constant 15 : i32
    %and3A_2802 = vector.broadcast %and3A_2801 : i32 to vector<16xi32>
    %and3A_2803 = arith.andi %add3A_2800, %and3A_2802 : vector<16xi32>
    %broadcast_in_dim3A_2804 = vector.shape_cast %and3A_2803 : vector<16xi32> to vector<16x1xi32>
    %gather3A_2805 = vector.shape_cast %broadcast_in_dim3A_2804 : vector<16x1xi32> to vector<16xi32>
    %gather3A_2806 = tpu.dynamic_gather %add3A_2794[%gather3A_2805] in [0] : vector<16xf32>, vector<16xi32> -> vector<16xf32>
    %jit3A_2807 = arith.constant 0.000000e+00 : f32
    %broadcast_in_dim3A_2808 = vector.broadcast %jit3A_2807 : f32 to vector<16xf32>
    %select_n3A_2809 = arith.select %lt3A_2797, %gather3A_2806, %broadcast_in_dim3A_2808 : vector<16xi1>, vector<16xf32>
    %add3A_2810 = arith.addf %add3A_2794, %select_n3A_2809 : vector<16xf32>
    %lt3A_2811 = arith.constant 8 : i32
    %lt3A_2812 = vector.broadcast %lt3A_2811 : i32 to vector<16xi32>
    %lt3A_2813 = arith.cmpi slt, %iota3A, %lt3A_2812 : vector<16xi32>
    %add3A_2814 = arith.constant 8 : i32
    %add3A_2815 = vector.broadcast %add3A_2814 : i32 to vector<16xi32>
    %add3A_2816 = arith.addi %iota3A, %add3A_2815 : vector<16xi32>
    %and3A_2817 = arith.constant 15 : i32
    %and3A_2818 = vector.broadcast %and3A_2817 : i32 to vector<16xi32>
    %and3A_2819 = arith.andi %add3A_2816, %and3A_2818 : vector<16xi32>
    %broadcast_in_dim3A_2820 = vector.shape_cast %and3A_2819 : vector<16xi32> to vector<16x1xi32>
    %gather3A_2821 = vector.shape_cast %broadcast_in_dim3A_2820 : vector<16x1xi32> to vector<16xi32>
    %gather3A_2822 = tpu.dynamic_gather %add3A_2810[%gather3A_2821] in [0] : vector<16xf32>, vector<16xi32> -> vector<16xf32>
    %jit3A_2823 = arith.constant 0.000000e+00 : f32
    %broadcast_in_dim3A_2824 = vector.broadcast %jit3A_2823 : f32 to vector<16xf32>
    %select_n3A_2825 = arith.select %lt3A_2813, %gather3A_2822, %broadcast_in_dim3A_2824 : vector<16xi1>, vector<16xf32>
    %add3A_2826 = arith.addf %add3A_2810, %select_n3A_2825 : vector<16xf32>
    %add3A_2827 = arith.addf %add3A_2826, %gather3A_2762 : vector<16xf32>
    %broadcast_in_dim3A_2828 = vector.shape_cast %broadcast_in_dim3A_1 : vector<16xi32> to vector<16x1xi32>
    %gather3A_2829 = vector.shape_cast %broadcast_in_dim3A_2828 : vector<16x1xi32> to vector<16xi32>
    %gather3A_2830 = tpu.dynamic_gather %add3A_2827[%gather3A_2829] in [0] : vector<16xf32>, vector<16xi32> -> vector<16xf32>
    %sub3A_2831 = arith.constant 1.024000e+03 : f32
    %sub3A_2832 = vector.broadcast %sub3A_2831 : f32 to vector<16xf32>
    %sub3A_2833 = arith.subf %sub3A_2832, %add3A_2515 : vector<16xf32>
    %broadcast_in_dim3A_2834 = arith.constant 0.000000e+00 : f32
    %broadcast_in_dim3A_2835 = vector.broadcast %broadcast_in_dim3A_2834 : f32 to vector<16xf32>
    %add3A_2836 = arith.constant 0 : i32
    %add3A_2837 = vector.broadcast %add3A_2836 : i32 to vector<16xi32>
    %add3A_2838 = arith.addi %iota3A, %add3A_2837 : vector<16xi32>
    %ge3A_2839 = arith.cmpf oge, %add3A_2827, %sub3A_2833 : vector<16xf32>
    %ge3A_2840 = arith.constant 1 : i32
    %ge3A_2841 = vector.broadcast %ge3A_2840 : i32 to vector<16xi32>
    %ge3A_2842 = arith.cmpi sge, %add3A_2838, %ge3A_2841 : vector<16xi32>
    %and3A_2843 = arith.andi %ge3A_2839, %ge3A_2842 : vector<16xi1>
    %jit3A_2844 = arith.constant 1.000000e+00 : f32
    %jit3A_2845 = arith.constant 0.000000e+00 : f32
    %broadcast_in_dim3A_2846 = vector.broadcast %jit3A_2844 : f32 to vector<16xf32>
    %broadcast_in_dim3A_2847 = vector.broadcast %jit3A_2845 : f32 to vector<16xf32>
    %select_n3A_2848 = arith.select %and3A_2843, %broadcast_in_dim3A_2846, %broadcast_in_dim3A_2847 : vector<16xi1>, vector<16xf32>
    %add3A_2849 = arith.addf %broadcast_in_dim3A_2835, %select_n3A_2848 : vector<16xf32>
    %add3A_2850 = arith.constant 16 : i32
    %add3A_2851 = vector.broadcast %add3A_2850 : i32 to vector<16xi32>
    %add3A_2852 = arith.addi %iota3A, %add3A_2851 : vector<16xi32>
    %ge3A_2853 = arith.cmpf oge, %add3A_2759, %sub3A_2833 : vector<16xf32>
    %ge3A_2854 = arith.constant 1 : i32
    %ge3A_2855 = vector.broadcast %ge3A_2854 : i32 to vector<16xi32>
    %ge3A_2856 = arith.cmpi sge, %add3A_2852, %ge3A_2855 : vector<16xi32>
    %and3A_2857 = arith.andi %ge3A_2853, %ge3A_2856 : vector<16xi1>
    %jit3A_2858 = arith.constant 1.000000e+00 : f32
    %jit3A_2859 = arith.constant 0.000000e+00 : f32
    %broadcast_in_dim3A_2860 = vector.broadcast %jit3A_2858 : f32 to vector<16xf32>
    %broadcast_in_dim3A_2861 = vector.broadcast %jit3A_2859 : f32 to vector<16xf32>
    %select_n3A_2862 = arith.select %and3A_2857, %broadcast_in_dim3A_2860, %broadcast_in_dim3A_2861 : vector<16xi1>, vector<16xf32>
    %add3A_2863 = arith.addf %add3A_2849, %select_n3A_2862 : vector<16xf32>
    %add3A_2864 = arith.constant 32 : i32
    %add3A_2865 = vector.broadcast %add3A_2864 : i32 to vector<16xi32>
    %add3A_2866 = arith.addi %iota3A, %add3A_2865 : vector<16xi32>
    %ge3A_2867 = arith.cmpf oge, %add3A_2691, %sub3A_2833 : vector<16xf32>
    %ge3A_2868 = arith.constant 1 : i32
    %ge3A_2869 = vector.broadcast %ge3A_2868 : i32 to vector<16xi32>
    %ge3A_2870 = arith.cmpi sge, %add3A_2866, %ge3A_2869 : vector<16xi32>
    %and3A_2871 = arith.andi %ge3A_2867, %ge3A_2870 : vector<16xi1>
    %jit3A_2872 = arith.constant 1.000000e+00 : f32
    %jit3A_2873 = arith.constant 0.000000e+00 : f32
    %broadcast_in_dim3A_2874 = vector.broadcast %jit3A_2872 : f32 to vector<16xf32>
    %broadcast_in_dim3A_2875 = vector.broadcast %jit3A_2873 : f32 to vector<16xf32>
    %select_n3A_2876 = arith.select %and3A_2871, %broadcast_in_dim3A_2874, %broadcast_in_dim3A_2875 : vector<16xi1>, vector<16xf32>
    %add3A_2877 = arith.addf %add3A_2863, %select_n3A_2876 : vector<16xf32>
    %add3A_2878 = arith.constant 48 : i32
    %add3A_2879 = vector.broadcast %add3A_2878 : i32 to vector<16xi32>
    %add3A_2880 = arith.addi %iota3A, %add3A_2879 : vector<16xi32>
    %ge3A_2881 = arith.cmpf oge, %add3A_2623, %sub3A_2833 : vector<16xf32>
    %ge3A_2882 = arith.constant 1 : i32
    %ge3A_2883 = vector.broadcast %ge3A_2882 : i32 to vector<16xi32>
    %ge3A_2884 = arith.cmpi sge, %add3A_2880, %ge3A_2883 : vector<16xi32>
    %and3A_2885 = arith.andi %ge3A_2881, %ge3A_2884 : vector<16xi1>
    %jit3A_2886 = arith.constant 1.000000e+00 : f32
    %jit3A_2887 = arith.constant 0.000000e+00 : f32
    %broadcast_in_dim3A_2888 = vector.broadcast %jit3A_2886 : f32 to vector<16xf32>
    %broadcast_in_dim3A_2889 = vector.broadcast %jit3A_2887 : f32 to vector<16xf32>
    %select_n3A_2890 = arith.select %and3A_2885, %broadcast_in_dim3A_2888, %broadcast_in_dim3A_2889 : vector<16xi1>, vector<16xf32>
    %add3A_2891 = arith.addf %add3A_2877, %select_n3A_2890 : vector<16xf32>
    %xor3A_2892 = arith.constant 8 : i32
    %xor3A_2893 = vector.broadcast %xor3A_2892 : i32 to vector<16xi32>
    %xor3A_2894 = arith.xori %iota3A, %xor3A_2893 : vector<16xi32>
    %broadcast_in_dim3A_2895 = vector.shape_cast %xor3A_2894 : vector<16xi32> to vector<16x1xi32>
    %gather3A_2896 = vector.shape_cast %broadcast_in_dim3A_2895 : vector<16x1xi32> to vector<16xi32>
    %gather3A_2897 = tpu.dynamic_gather %add3A_2891[%gather3A_2896] in [0] : vector<16xf32>, vector<16xi32> -> vector<16xf32>
    %add3A_2898 = arith.addf %add3A_2891, %gather3A_2897 : vector<16xf32>
    %xor3A_2899 = arith.constant 4 : i32
    %xor3A_2900 = vector.broadcast %xor3A_2899 : i32 to vector<16xi32>
    %xor3A_2901 = arith.xori %iota3A, %xor3A_2900 : vector<16xi32>
    %broadcast_in_dim3A_2902 = vector.shape_cast %xor3A_2901 : vector<16xi32> to vector<16x1xi32>
    %gather3A_2903 = vector.shape_cast %broadcast_in_dim3A_2902 : vector<16x1xi32> to vector<16xi32>
    %gather3A_2904 = tpu.dynamic_gather %add3A_2898[%gather3A_2903] in [0] : vector<16xf32>, vector<16xi32> -> vector<16xf32>
    %add3A_2905 = arith.addf %add3A_2898, %gather3A_2904 : vector<16xf32>
    %xor3A_2906 = arith.constant 2 : i32
    %xor3A_2907 = vector.broadcast %xor3A_2906 : i32 to vector<16xi32>
    %xor3A_2908 = arith.xori %iota3A, %xor3A_2907 : vector<16xi32>
    %broadcast_in_dim3A_2909 = vector.shape_cast %xor3A_2908 : vector<16xi32> to vector<16x1xi32>
    %gather3A_2910 = vector.shape_cast %broadcast_in_dim3A_2909 : vector<16x1xi32> to vector<16xi32>
    %gather3A_2911 = tpu.dynamic_gather %add3A_2905[%gather3A_2910] in [0] : vector<16xf32>, vector<16xi32> -> vector<16xf32>
    %add3A_2912 = arith.addf %add3A_2905, %gather3A_2911 : vector<16xf32>
    %xor3A_2913 = arith.constant 1 : i32
    %xor3A_2914 = vector.broadcast %xor3A_2913 : i32 to vector<16xi32>
    %xor3A_2915 = arith.xori %iota3A, %xor3A_2914 : vector<16xi32>
    %broadcast_in_dim3A_2916 = vector.shape_cast %xor3A_2915 : vector<16xi32> to vector<16x1xi32>
    %gather3A_2917 = vector.shape_cast %broadcast_in_dim3A_2916 : vector<16x1xi32> to vector<16xi32>
    %gather3A_2918 = tpu.dynamic_gather %add3A_2912[%gather3A_2917] in [0] : vector<16xf32>, vector<16xi32> -> vector<16xf32>
    %add3A_2919 = arith.addf %add3A_2912, %gather3A_2918 : vector<16xf32>
    %convert_element_type3A_2920 = arith.fptosi %add3A_2919 : vector<16xf32> to vector<16xi32>
    %broadcast_in_dim3A_2921 = arith.constant 0.000000e+00 : f32
    %broadcast_in_dim3A_2922 = vector.broadcast %broadcast_in_dim3A_2921 : f32 to vector<16xf32>
    %broadcast_in_dim3A_2923 = arith.constant 0.000000e+00 : f32
    %broadcast_in_dim3A_2924 = vector.broadcast %broadcast_in_dim3A_2923 : f32 to vector<16xf32>
    %add3A_2925 = arith.constant 1.000000e+00 : f32
    %add3A_2926 = vector.broadcast %add3A_2925 : f32 to vector<16xf32>
    %add3A_2927 = arith.addf %add3A_2919, %add3A_2926 : vector<16xf32>
    %add3A_2928 = arith.constant 0 : i32
    %add3A_2929 = vector.broadcast %add3A_2928 : i32 to vector<16xi32>
    %add3A_2930 = arith.addi %iota3A, %add3A_2929 : vector<16xi32>
    %convert_element_type3A_2931 = arith.sitofp %add3A_2930 : vector<16xi32> to vector<16xf32>
    %eq3A_2932 = arith.cmpf oeq, %convert_element_type3A_2931, %add3A_2927 : vector<16xf32>
    %jit3A_2933 = arith.constant 0.000000e+00 : f32
    %broadcast_in_dim3A_2934 = vector.broadcast %jit3A_2933 : f32 to vector<16xf32>
    %select_n3A_2935 = arith.select %eq3A_2932, %add3A_2827, %broadcast_in_dim3A_2934 : vector<16xi1>, vector<16xf32>
    %add3A_2936 = arith.addf %broadcast_in_dim3A_2922, %select_n3A_2935 : vector<16xf32>
    %ge3A_2937 = arith.cmpf oge, %convert_element_type3A_2931, %add3A_2927 : vector<16xf32>
    %jit3A_2938 = arith.constant 0.000000e+00 : f32
    %broadcast_in_dim3A_2939 = vector.broadcast %jit3A_2938 : f32 to vector<16xf32>
    %select_n3A_2940 = arith.select %ge3A_2937, %scan3A_2555#4, %broadcast_in_dim3A_2939 : vector<16xi1>, vector<16xf32>
    %add3A_2941 = arith.addf %broadcast_in_dim3A_2924, %select_n3A_2940 : vector<16xf32>
    %add3A_2942 = arith.constant 16 : i32
    %add3A_2943 = vector.broadcast %add3A_2942 : i32 to vector<16xi32>
    %add3A_2944 = arith.addi %iota3A, %add3A_2943 : vector<16xi32>
    %convert_element_type3A_2945 = arith.sitofp %add3A_2944 : vector<16xi32> to vector<16xf32>
    %eq3A_2946 = arith.cmpf oeq, %convert_element_type3A_2945, %add3A_2927 : vector<16xf32>
    %jit3A_2947 = arith.constant 0.000000e+00 : f32
    %broadcast_in_dim3A_2948 = vector.broadcast %jit3A_2947 : f32 to vector<16xf32>
    %select_n3A_2949 = arith.select %eq3A_2946, %add3A_2759, %broadcast_in_dim3A_2948 : vector<16xi1>, vector<16xf32>
    %add3A_2950 = arith.addf %add3A_2936, %select_n3A_2949 : vector<16xf32>
    %ge3A_2951 = arith.cmpf oge, %convert_element_type3A_2945, %add3A_2927 : vector<16xf32>
    %jit3A_2952 = arith.constant 0.000000e+00 : f32
    %broadcast_in_dim3A_2953 = vector.broadcast %jit3A_2952 : f32 to vector<16xf32>
    %select_n3A_2954 = arith.select %ge3A_2951, %scan3A_2555#5, %broadcast_in_dim3A_2953 : vector<16xi1>, vector<16xf32>
    %add3A_2955 = arith.addf %add3A_2941, %select_n3A_2954 : vector<16xf32>
    %add3A_2956 = arith.constant 32 : i32
    %add3A_2957 = vector.broadcast %add3A_2956 : i32 to vector<16xi32>
    %add3A_2958 = arith.addi %iota3A, %add3A_2957 : vector<16xi32>
    %convert_element_type3A_2959 = arith.sitofp %add3A_2958 : vector<16xi32> to vector<16xf32>
    %eq3A_2960 = arith.cmpf oeq, %convert_element_type3A_2959, %add3A_2927 : vector<16xf32>
    %jit3A_2961 = arith.constant 0.000000e+00 : f32
    %broadcast_in_dim3A_2962 = vector.broadcast %jit3A_2961 : f32 to vector<16xf32>
    %select_n3A_2963 = arith.select %eq3A_2960, %add3A_2691, %broadcast_in_dim3A_2962 : vector<16xi1>, vector<16xf32>
    %add3A_2964 = arith.addf %add3A_2950, %select_n3A_2963 : vector<16xf32>
    %ge3A_2965 = arith.cmpf oge, %convert_element_type3A_2959, %add3A_2927 : vector<16xf32>
    %jit3A_2966 = arith.constant 0.000000e+00 : f32
    %broadcast_in_dim3A_2967 = vector.broadcast %jit3A_2966 : f32 to vector<16xf32>
    %select_n3A_2968 = arith.select %ge3A_2965, %scan3A_2555#6, %broadcast_in_dim3A_2967 : vector<16xi1>, vector<16xf32>
    %add3A_2969 = arith.addf %add3A_2955, %select_n3A_2968 : vector<16xf32>
    %add3A_2970 = arith.constant 48 : i32
    %add3A_2971 = vector.broadcast %add3A_2970 : i32 to vector<16xi32>
    %add3A_2972 = arith.addi %iota3A, %add3A_2971 : vector<16xi32>
    %convert_element_type3A_2973 = arith.sitofp %add3A_2972 : vector<16xi32> to vector<16xf32>
    %eq3A_2974 = arith.cmpf oeq, %convert_element_type3A_2973, %add3A_2927 : vector<16xf32>
    %jit3A_2975 = arith.constant 0.000000e+00 : f32
    %broadcast_in_dim3A_2976 = vector.broadcast %jit3A_2975 : f32 to vector<16xf32>
    %select_n3A_2977 = arith.select %eq3A_2974, %add3A_2623, %broadcast_in_dim3A_2976 : vector<16xi1>, vector<16xf32>
    %add3A_2978 = arith.addf %add3A_2964, %select_n3A_2977 : vector<16xf32>
    %ge3A_2979 = arith.cmpf oge, %convert_element_type3A_2973, %add3A_2927 : vector<16xf32>
    %jit3A_2980 = arith.constant 0.000000e+00 : f32
    %broadcast_in_dim3A_2981 = vector.broadcast %jit3A_2980 : f32 to vector<16xf32>
    %select_n3A_2982 = arith.select %ge3A_2979, %scan3A_2555#7, %broadcast_in_dim3A_2981 : vector<16xi1>, vector<16xf32>
    %add3A_2983 = arith.addf %add3A_2969, %select_n3A_2982 : vector<16xf32>
    %xor3A_2984 = arith.constant 8 : i32
    %xor3A_2985 = vector.broadcast %xor3A_2984 : i32 to vector<16xi32>
    %xor3A_2986 = arith.xori %iota3A, %xor3A_2985 : vector<16xi32>
    %broadcast_in_dim3A_2987 = vector.shape_cast %xor3A_2986 : vector<16xi32> to vector<16x1xi32>
    %gather3A_2988 = vector.shape_cast %broadcast_in_dim3A_2987 : vector<16x1xi32> to vector<16xi32>
    %gather3A_2989 = tpu.dynamic_gather %add3A_2978[%gather3A_2988] in [0] : vector<16xf32>, vector<16xi32> -> vector<16xf32>
    %add3A_2990 = arith.addf %add3A_2978, %gather3A_2989 : vector<16xf32>
    %xor3A_2991 = arith.constant 4 : i32
    %xor3A_2992 = vector.broadcast %xor3A_2991 : i32 to vector<16xi32>
    %xor3A_2993 = arith.xori %iota3A, %xor3A_2992 : vector<16xi32>
    %broadcast_in_dim3A_2994 = vector.shape_cast %xor3A_2993 : vector<16xi32> to vector<16x1xi32>
    %gather3A_2995 = vector.shape_cast %broadcast_in_dim3A_2994 : vector<16x1xi32> to vector<16xi32>
    %gather3A_2996 = tpu.dynamic_gather %add3A_2990[%gather3A_2995] in [0] : vector<16xf32>, vector<16xi32> -> vector<16xf32>
    %add3A_2997 = arith.addf %add3A_2990, %gather3A_2996 : vector<16xf32>
    %xor3A_2998 = arith.constant 2 : i32
    %xor3A_2999 = vector.broadcast %xor3A_2998 : i32 to vector<16xi32>
    %xor3A_3000 = arith.xori %iota3A, %xor3A_2999 : vector<16xi32>
    %broadcast_in_dim3A_3001 = vector.shape_cast %xor3A_3000 : vector<16xi32> to vector<16x1xi32>
    %gather3A_3002 = vector.shape_cast %broadcast_in_dim3A_3001 : vector<16x1xi32> to vector<16xi32>
    %gather3A_3003 = tpu.dynamic_gather %add3A_2997[%gather3A_3002] in [0] : vector<16xf32>, vector<16xi32> -> vector<16xf32>
    %add3A_3004 = arith.addf %add3A_2997, %gather3A_3003 : vector<16xf32>
    %xor3A_3005 = arith.constant 1 : i32
    %xor3A_3006 = vector.broadcast %xor3A_3005 : i32 to vector<16xi32>
    %xor3A_3007 = arith.xori %iota3A, %xor3A_3006 : vector<16xi32>
    %broadcast_in_dim3A_3008 = vector.shape_cast %xor3A_3007 : vector<16xi32> to vector<16x1xi32>
    %gather3A_3009 = vector.shape_cast %broadcast_in_dim3A_3008 : vector<16x1xi32> to vector<16xi32>
    %gather3A_3010 = tpu.dynamic_gather %add3A_3004[%gather3A_3009] in [0] : vector<16xf32>, vector<16xi32> -> vector<16xf32>
    %add3A_3011 = arith.addf %add3A_3004, %gather3A_3010 : vector<16xf32>
    %xor3A_3012 = arith.constant 8 : i32
    %xor3A_3013 = vector.broadcast %xor3A_3012 : i32 to vector<16xi32>
    %xor3A_3014 = arith.xori %iota3A, %xor3A_3013 : vector<16xi32>
    %broadcast_in_dim3A_3015 = vector.shape_cast %xor3A_3014 : vector<16xi32> to vector<16x1xi32>
    %gather3A_3016 = vector.shape_cast %broadcast_in_dim3A_3015 : vector<16x1xi32> to vector<16xi32>
    %gather3A_3017 = tpu.dynamic_gather %add3A_2983[%gather3A_3016] in [0] : vector<16xf32>, vector<16xi32> -> vector<16xf32>
    %add3A_3018 = arith.addf %add3A_2983, %gather3A_3017 : vector<16xf32>
    %xor3A_3019 = arith.constant 4 : i32
    %xor3A_3020 = vector.broadcast %xor3A_3019 : i32 to vector<16xi32>
    %xor3A_3021 = arith.xori %iota3A, %xor3A_3020 : vector<16xi32>
    %broadcast_in_dim3A_3022 = vector.shape_cast %xor3A_3021 : vector<16xi32> to vector<16x1xi32>
    %gather3A_3023 = vector.shape_cast %broadcast_in_dim3A_3022 : vector<16x1xi32> to vector<16xi32>
    %gather3A_3024 = tpu.dynamic_gather %add3A_3018[%gather3A_3023] in [0] : vector<16xf32>, vector<16xi32> -> vector<16xf32>
    %add3A_3025 = arith.addf %add3A_3018, %gather3A_3024 : vector<16xf32>
    %xor3A_3026 = arith.constant 2 : i32
    %xor3A_3027 = vector.broadcast %xor3A_3026 : i32 to vector<16xi32>
    %xor3A_3028 = arith.xori %iota3A, %xor3A_3027 : vector<16xi32>
    %broadcast_in_dim3A_3029 = vector.shape_cast %xor3A_3028 : vector<16xi32> to vector<16x1xi32>
    %gather3A_3030 = vector.shape_cast %broadcast_in_dim3A_3029 : vector<16x1xi32> to vector<16xi32>
    %gather3A_3031 = tpu.dynamic_gather %add3A_3025[%gather3A_3030] in [0] : vector<16xf32>, vector<16xi32> -> vector<16xf32>
    %add3A_3032 = arith.addf %add3A_3025, %gather3A_3031 : vector<16xf32>
    %xor3A_3033 = arith.constant 1 : i32
    %xor3A_3034 = vector.broadcast %xor3A_3033 : i32 to vector<16xi32>
    %xor3A_3035 = arith.xori %iota3A, %xor3A_3034 : vector<16xi32>
    %broadcast_in_dim3A_3036 = vector.shape_cast %xor3A_3035 : vector<16xi32> to vector<16x1xi32>
    %gather3A_3037 = vector.shape_cast %broadcast_in_dim3A_3036 : vector<16x1xi32> to vector<16xi32>
    %gather3A_3038 = tpu.dynamic_gather %add3A_3032[%gather3A_3037] in [0] : vector<16xf32>, vector<16xi32> -> vector<16xf32>
    %add3A_3039 = arith.addf %add3A_3032, %gather3A_3038 : vector<16xf32>
    %shift_left3A_3040 = arith.constant 0 : i32
    %shift_left3A_3041 = vector.broadcast %shift_left3A_3040 : i32 to vector<16xi32>
    %shift_left3A_3042 = arith.shli %convert_element_type3A_2920, %shift_left3A_3041 : vector<16xi32>
    %add3A_3043 = arith.addi %add3A_2514, %shift_left3A_3042 : vector<16xi32>
    %add3A_3044 = arith.addf %add3A_2515, %add3A_3011 : vector<16xf32>
    %add3A_3045 = arith.addf %add3A_2516, %add3A_3039 : vector<16xf32>
    %bitcast_convert_type3A = tpu.bitcast %add3A_3043 : vector<16xi32> -> vector<16xf32>
    %sub3A_3046 = arith.constant 1.024000e+03 : f32
    %sub3A_3047 = vector.broadcast %sub3A_3046 : f32 to vector<16xf32>
    %sub3A_3048 = arith.subf %sub3A_3047, %add3A_3044 : vector<16xf32>
    %mul3A_3049 = arith.mulf %sub3A_3048, %bitcast_convert_type3A : vector<16xf32>
    %add3A_3050 = arith.addf %add3A_3045, %mul3A_3049 : vector<16xf32>
    %mul3A_3051 = arith.constant 9.765625E-4 : f32
    %mul3A_3052 = vector.broadcast %mul3A_3051 : f32 to vector<16xf32>
    %mul3A_3053 = arith.mulf %add3A_3050, %mul3A_3052 : vector<16xf32>
    %swap3A = arith.constant 0 : index
    %swap3A_3054 = tpu.vector_load %arg12[%swap3A] {strides = array<i32>} : memref<16xf32, #tpu.memory_space<vmem>>, vector<16xf32>,
    tpu.vector_store %arg12[%swap3A], %mul3A_3053 {strides = array<i32>} : memref<16xf32, #tpu.memory_space<vmem>>, vector<16xf32>,
    %eq3A_3055 = arith.constant 0 : i32
    %eq3A_3056 = arith.cmpi eq, %arg0, %eq3A_3055 : i32
    %eq3A_3057 = arith.constant 0 : i32
    %eq3A_3058 = arith.cmpi eq, %arg1, %eq3A_3057 : i32
    %and3A_3059 = arith.andi %eq3A_3056, %eq3A_3058 : i1
    %convert_element_type3A_3060 = arith.extui %and3A_3059 : i1 to i32
    %cond3A = arith.constant 0 : i32
    %cond3A_3061 = arith.cmpi ne, %convert_element_type3A_3060, %cond3A : i32
    scf.if %cond3A_3061 {
      "tpu.region"() ({
        %run_scoped3A_3062 = tpu.sem_alloc : memref<!tpu.dma_semaphore, #tpu.memory_space<semaphore_mem>>
        tpu.enqueue_dma source(%arg12 : memref<16xf32, #tpu.memory_space<vmem>>) target(%arg5 : memref<16xf32, #tpu.memory_space<hbm>>) target_semaphore(%run_scoped3A_3062 : memref<!tpu.dma_semaphore, #tpu.memory_space<semaphore_mem>>)
        tpu.wait_dma2 semaphore(%run_scoped3A_3062 : memref<!tpu.dma_semaphore, #tpu.memory_space<semaphore_mem>>) src(%arg12 : memref<16xf32, #tpu.memory_space<vmem>>) dst(%arg5 : memref<16xf32, #tpu.memory_space<hbm>>)
        tpu.yield
      }) : () -> ()
    } else {
    }
    return
  }
}

</mosaic_0001>

<sc_bundles>
// kernel: kernel.3.cloned.1.call-start
scs
__scs_entry_jumppad:
0x0: {  	(pc) =	sbr.rel $0x88, $3  }
0x1: {  	(tag) =	ssettag $0x0;
	lr =	simm.s32 $0x1  }
0x2: {  	[smem:$0x3F9F] =	sst lr;
	_ =	strace $0xD0000000  }
0x3: {  	_ = 	snop  }
0x4: {  	_ = 	snop  }
0x5: {  	_ = 	snop  }
0x6: {  	_ = 	snop  }
0x7: {  	_ = 	snop  }
__scs_overlays_trampoline_lowered:
0x8: {  	[smem:$0x3FAE] =	sst s0  }
0x9: {  	[smem:$0x3FAF] =	sst s1  }
0xa: {  	[smem:$0x3FB0] =	sst s2  }
0xb: {  	[smem:$0x3FB1] =	sst s3  }
0xc: {  	[smem:$0x3FB2] =	sst s4  }
0xd: {  	[smem:$0x3FB3] =	sst s5  }
0xe: {  	[smem:$0x3FB4] =	sst s6  }
0xf: {  	[smem:$0x3FB5] =	sst s7  }
0x10: {  	[smem:$0x3FB6] =	sst s8  }
0x11: {  	[smem:$0x3FB7] =	sst s9;
	s0 =	simm.s32 @!p0 $0x0  }
0x12: {  	s1 =	sld [smem:$0x3F9D];
	s0 =	simm.s32 @p0 $0x1  }
0x13: {  	[smem:$0x3FB8] =	sst s0;
	s0 =	simm.s32 @!p1 $0x0  }
0x14: {  	s2 =	sld [smem:$0x3F9C];
	s0 =	simm.s32 @p1 $0x1  }
0x15: {  	[smem:$0x3FB9] =	sst s0;
	s0 =	simm.s32 @!p2 $0x0  }
0x16: {  	s3 =	sld [smem:$0x3FDB];
	s0 =	simm.s32 @p2 $0x1  }
0x17: {  	s4 =	simm.s32 $0x1BF5;
	[smem:$0x3FBB] =	sst s0  }
0x18: {  	s0 =	sld [smem:$0x3F9E];
	_ =	swait.ge [sflag:s4], $0x0  }
0x19: {  	s7 =	sld [smem:$0x3F9F]  }
0x1a: {  	s8 =	sadd.s32 $0xFFFFE003, lr  }
0x1b: {  	s9 =	sadd.s32 $0xFFFFFEF7, lr;
	s5 =	simm.s32 $0xFFFFFFFF;
	p2 =	slt.u32 s8, $0xFFFFF086  }
0x1c: {  	p1 =	slt.u32 s9, $0xF7A;
	s5 =	simm.s32 @!p2 $0x0  }
0x1d: {  	s5 =	simm.s32 @p1 $0x1;
	p0 =	seq.s32 s7, s2  }
0x1e: {  	s7 =	smul.u32 @!p0 $0xF7A, s2;
	p2 =	seq.s32 @!p0 s5, $0x0  }
0x1f: {  	s9 =	smul.u32 $0xF7A, s1;
	s8 =	simm.s32 @!p0 $0x1BF5;
	p2 =	por !p2, p0  }
0x20: {  	[sflag:s8] =	ssyncset.s32 @!p0 $0xFFFFF086;
	s6 =	sadd.s32 @!p0 s3, s7;
	s7 =	simm.s32 @!p0 $0x108  }
0x21: {  	s3 =	sadd.s32 s3, s9;
	s6 =	sadd.s32 @!p0 $0x88, s6;
	s7 =	simm.s32 @p2 $0x1082  }
0x22: {  	[simem:s7], [sflag:s8] =	dma.local @!p0 [hbm:s6], $0xF7A  }
0x23: {  	s9 =	sor.u32 $0xD0000000, s2;
	s6 =	simm.s32 $0x108;
	_ =	swait.ge @!p0 [sflag:s8], $0x0  }
0x24: {  	s3 =	sadd.s32 $0x88, s3;
	s6 =	simm.s32 @!p1 $0x1082;
	[sflag:s4] =	ssyncset.s32 $0xFFFFF086  }
0x25: {  	[simem:s6], [sflag:s4] =	dma.local [hbm:s3], $0xF7A  }
0x26: {  	[smem:$0x3F9F] =	sst s1;
	(tag) =	ssettag s2;
	_ =	strace s9  }
0x27: {  	s1 =	sld [smem:$0x3FAF]  }
0x28: {  	s2 =	sld [smem:$0x3FB0]  }
0x29: {  	s4 =	sld [smem:$0x3FB2]  }
0x2a: {  	p0 =	seq.s32 s5, $0x0;
	s5 =	sld [smem:$0x3FB3]  }
0x2b: {  	s6 =	sld [smem:$0x3FB4]  }
0x2c: {  	s7 =	sld [smem:$0x3FB5]  }
0x2d: {  	s3 =	simm.s32 $0x108;
	s8 =	sld [smem:$0x3FB6]  }
0x2e: {  	s3 =	simm.s32 @!p0 $0x1082;
	s9 =	sld [smem:$0x3FB7]  }
0x2f: {  	lr =	sadd.s32 s0, s3;
	s0 =	sld [smem:$0x3FAE]  }
0x30: {  	s3 =	sld [smem:$0x3FB1]  }
0x31: {  	[smem:$0x3FBA] =	sst s10  }
0x32: {  	s10 =	sld [smem:$0x3FB8];
	_ =	sdelay $0x3  }
0x33: {  	p0 =	seq.s32 s10, $0x1;
	s10 =	sld [smem:$0x3FBA];
	_ =	sdelay $0x3  }
0x34: {  	[smem:$0x3FBA] =	sst s10  }
0x35: {  	s10 =	sld [smem:$0x3FB9];
	_ =	sdelay $0x3  }
0x36: {  	p1 =	seq.s32 s10, $0x1;
	s10 =	sld [smem:$0x3FBA];
	_ =	sdelay $0x3  }
0x37: {  	[smem:$0x3FBA] =	sst s10  }
0x38: {  	s10 =	sld [smem:$0x3FBB]  }
0x39: {  	_ = 	snop;
	(pc) =	sbr.ind lr, $3  }
0x3a: {  	_ = 	snop  }
0x3b: {  	_ = 	snop  }
0x3c: {  	p2 =	seq.s32 s10, $0x1;
	s10 =	sld [smem:$0x3FBA]  }
0x3d: {  	_ =	shalt  }
0x3e: {  	_ =	shalt  }
0x3f: {  	_ =	shalt  }
0x40: {  	_ =	shalt  }
0x41: {  	_ =	shalt  }
0x42: {  	_ =	shalt  }
0x43: {  	_ =	shalt  }
0x44: {  	_ =	shalt  }
0x45: {  	_ =	shalt  }
0x46: {  	_ =	shalt  }
0x47: {  	_ =	shalt  }
0x48: {  	_ =	shalt  }
0x49: {  	_ =	shalt  }
0x4a: {  	_ =	shalt  }
0x4b: {  	_ =	shalt  }
0x4c: {  	_ =	shalt  }
0x4d: {  	_ =	shalt  }
0x4e: {  	_ =	shalt  }
0x4f: {  	_ =	shalt  }
0x50: {  	_ =	shalt  }
0x51: {  	_ =	shalt  }
0x52: {  	_ =	shalt  }
0x53: {  	_ =	shalt  }
0x54: {  	_ =	shalt  }
0x55: {  	_ =	shalt  }
0x56: {  	_ =	shalt  }
0x57: {  	_ =	shalt  }
0x58: {  	_ =	shalt  }
0x59: {  	_ =	shalt  }
0x5a: {  	_ =	shalt  }
0x5b: {  	_ =	shalt  }
0x5c: {  	_ =	shalt  }
0x5d: {  	_ =	shalt  }
0x5e: {  	_ =	shalt  }
0x5f: {  	_ =	shalt  }
0x60: {  	_ =	shalt  }
0x61: {  	_ =	shalt  }
0x62: {  	_ =	shalt  }
0x63: {  	_ =	shalt  }
0x64: {  	_ =	shalt  }
0x65: {  	_ =	shalt  }
0x66: {  	_ =	shalt  }
0x67: {  	_ =	shalt  }
0x68: {  	_ =	shalt  }
0x69: {  	_ =	shalt  }
0x6a: {  	_ =	shalt  }
0x6b: {  	_ =	shalt  }
0x6c: {  	_ =	shalt  }
0x6d: {  	_ =	shalt  }
0x6e: {  	_ =	shalt  }
0x6f: {  	_ =	shalt  }
0x70: {  	_ =	shalt  }
0x71: {  	_ =	shalt  }
0x72: {  	_ =	shalt  }
0x73: {  	_ =	shalt  }
0x74: {  	_ =	shalt  }
0x75: {  	_ =	shalt  }
0x76: {  	_ =	shalt  }
0x77: {  	_ =	shalt  }
0x78: {  	_ =	shalt  }
0x79: {  	_ =	shalt  }
0x7a: {  	_ =	shalt  }
0x7b: {  	_ =	shalt  }
0x7c: {  	_ =	shalt  }
0x7d: {  	_ =	shalt  }
0x7e: {  	_ =	shalt  }
0x7f: {  	_ =	shalt  }
0x80: {  	_ =	shalt  }
0x81: {  	_ =	shalt  }
0x82: {  	_ =	shalt  }
0x83: {  	_ =	shalt  }
0x84: {  	_ =	shalt  }
0x85: {  	_ =	shalt  }
0x86: {  	_ =	shalt  }
0x87: {  	_ =	shalt  }
.Lfunc_end0:
.L_simem_size_0:
called_computation_lowered:
.L_overlay_start_0:
0x88: {  	s0 =	sld [smem:$0x3FD9]  }
0x89: {  	s1 =	sld [smem:$0x3FFE];
	_ =	sdelay $0x3  }
0x8a: {  	s0 =	sadd.s32 s1, s0  }
0x8b: {  	[smem:$0x3FC6] =	sst s0  }
0x8c: {  	_ = 	snop  }
0x8d: {  	s0 =	sld [smem:$0x3FC9]  }
0x8e: {  	s16 =	sld [smem:$0x3FD0];
	(tm) =	ssettm $0x1  }
0x8f: {  	s2 =	sld [smem:$0x3FFB];
	_ =	sdelay $0x3  }
0x90: {  	_ =	strace s2  }
0x91: {  	s2 =	sld [smem:$0x3FFC];
	_ =	sdelay $0x3  }
0x92: {  	_ =	strace s2  }
0x93: {  	s2 =	sld [smem:$0x3FFD];
	_ =	sdelay $0x3  }
0x94: {  	_ =	strace s2  }
0x95: {  	_ =	strace $0x8FFFFFFF  }
0x96: {  	s17 =	sld [smem:$0x3FDB];
	_ =	sdelay $0x1  }
0x97: {  	s3 =	simm.s32 $_scs_section_size  }
0x98: {  	s4 =	simm.s32 $_size__tile_overlayer_lowered;
	s5 =	simm.s32 $_tile_overlayer_lowered  }
0x99: {  	s20 =	simm.s32 $0x1BFF;
	s19 =	sshll.u32 s5, $0x1;
	s2 =	sadd.s32 s3, s17  }
0x9a: {  	s6 =	simm.s32 $0x0;
	s18 =	sshll.u32 s4, $0x1;
	s4 =	sadd.s32 s19, s2  }
0x9b: {  	[timem:s6], [sflag:s20] =	dma.local [hbm:s4], s18  }
0x9c: {  	_ =	swait.ge [sflag:s20], s18  }
0x9d: {  	s3 =	ssub.s32 $0x0, s18;
	[sflag:s20] =	ssyncset.done $0x0  }
0x9e: {  	[sflag:s20] =	ssyncadd.s32 s3;
	_ =	sdelay $0x1  }
0x9f: {  	s21 =	simm.s32 $0x1B8B  }
0xa0: {  	_ =	swait.ge [sflag:s21], $0x1  }
0xa1: {  	[sflag:s21] =	ssyncset.done $0x0  }
0xa2: {  	s23 =	simm.s32 $0x1B8E;
	s22 =	sld [smem:$0x3FFE];
	[sflag:s21] =	ssyncadd.s32 $0xFFFFFFFF  }
0xa3: {  	s24 =	simm.s32 $execute0_lowered;
	[smem:$0x3FD2] =	sst s23  }
0xa4: {  	s4 =	sshll.u32 s24, $0x1;
	_ =	strace $0x80000046;
	[dreg:$0x1] =	wrdreg $0xFFFFFFFF  }
0xa5: {  	s25 =	simm.s32 $_size_execute0_lowered;
	s2 =	sadd.s32 s2, s4;
	[dreg:$0x0] =	wrdreg $0x0  }
0xa6: {  	s4 =	sshll.u32 s25, $0x1;
	[dreg:$0x2] =	wrdreg s2  }
0xa7: {  	[dreg:$0x3] =	wrdreg s4  }
0xa8: {  	[dreg:$0x4] =	wrdreg $0xC0  }
0xa9: {  	_ =	task [dreg:s6], $0x5FFFF  }
0xaa: {  	[dreg:$0x1] =	wrdreg $0xFFFFFFFF  }
0xab: {  	[dreg:$0x0] =	wrdreg $0x60  }
0xac: {  	[dreg:$0x2] =	wrdreg s0  }
0xad: {  	[dreg:$0x3] =	wrdreg s22  }
0xae: {  	[dreg:$0x4] =	wrdreg s16  }
0xaf: {  	[dreg:$0x5] =	wrdreg $0x21800  }
0xb0: {  	[dreg:$0x6] =	wrdreg $0x9  }
0xb1: {  	_ =	task.clear_ibuf [dreg:s6], $0x7FFFF;
	_ =	strace $0x90000046  }
0xb2: {  	s26 =	simm.s32 $0x9;
	_ =	strace $0x80000048  }
0xb3: {  	_ =	swait.ge [sflag:s26], $0x1  }
0xb4: {  	[sflag:s26] =	ssyncadd.s32 $0xFFFFFFFF  }
0xb5: {  	_ =	strace $0x90000048  }
0xb6: {  	_ =	sfence  }
0xb7: {  	s28 =	sld [smem:$0x0];
	_ =	sdelay $0x1  }
0xb8: {  	s29 =	srdreg.scid  }
0xb9: {  	s30 =	sshll.u32 s29, $0xD;
	s31 =	sshrl.u32 s29, $0x2  }
0xba: {  	s1 =	sand.u32 $0x1, s29;
	s2 =	sand.u32 $0x4000, s30;
	s0 =	sadd.s32 s31, s28  }
0xbb: {  	s1 =	sor.u32 s2, s1;
	s0 =	sshll.u32 s0, $0x11  }
0xbc: {  	s0 =	sor.u32 s0, s1  }
0xbd: {  	s0 =	sadd.s32 $0x8F2B, s0  }
0xbe: {  	[sflag:s0] =	ssyncadd.remote.s32 $0x1  }
0xbf: {  	_ =	sfence.sel $0xFFFF  }
0xc0: {  	[dreg:$0x0] =	wrdreg $0xFFFFFFFF;
	(pc) =	sbr.abs _section_cstart, $3  }
0xc1: {  	[dreg:$0x1] =	wrdreg $0xFFFFFFFF  }
0xc2: {  	_ =	task.clear_ibuf [dreg:s6], $0x2FFFF;
	_ =	strace $0x9FFFFFFF  }
0xc3: {  	(tm) =	ssettm $0x7FFFFFFF  }
tec
execute0_lowered:
.L_overlay_start_1:
0x0: {  	(tag) =	ssettag $0x1  }
0x1: {  	s4 =	rddreg [dreg:$0x0]  }
0x2: {  	s5 =	rddreg [dreg:$0x1]  }
0x3: {  	s1 =	rddreg [dreg:$0x2]  }
0x4: {  	s3 =	rddreg [dreg:$0x3]  }
0x5: {  	s0 =	rddreg [dreg:$0x4];
	s6 =	simm.s32 $0x0;
	s2 =	stileid.u32  }
0x6: {  	[smem:$0x7FF] =	sst s6;
	s7 =	sshll.u32 s2, $0x7  }
0x7: {  	s30 =	simm.s32 $0x1;
	_ =	strace $0x80000047;
	s4 =	sadd.s32 s4, s7  }
0x8: {  	[tilespmem:s6], [sflag:$0x1] =	stream.linear.gather [hbm4b:s4+s6], $0x400, $0x38;
	[tilespmem:$0x2380] =	vst v63  }
0x9: {  	_ =	swait.ge [sflag:s30], $0x400  }
0xa: {  	s5 =	sadd.s32 s7, s5;
	[sflag:s30] =	ssyncset.done $0x0  }
0xb: {  	s8 =	simm.s32 $0x400;
	s7 =	sadd.s32 $0xE00, s5;
	[sflag:s30] =	ssyncadd.s32 $0xFFFFFC00  }
0xc: {  	[tilespmem:s8], [sflag:$0x1] =	stream.linear.gather [hbm4b:s7+s6], $0x400, $0x38;
	[tilespmem:$0x2380] =	vst v63  }
0xd: {  	_ =	swait.ge [sflag:s30], $0x400  }
0xe: {  	[sflag:s30] =	ssyncset.done $0x0  }
0xf: {  	s31 =	simm.s32 $0x800;
	s5 =	sadd.s32 $0x600, s5;
	[sflag:s30] =	ssyncadd.s32 $0xFFFFFC00  }
0x10: {  	[tilespmem:s31], [sflag:$0x1] =	stream.linear.gather [hbm4b:s5+s6], $0x400, $0x38;
	[tilespmem:$0x2380] =	vst v63  }
0x11: {  	_ =	swait.ge [sflag:s30], $0x400  }
0x12: {  	[sflag:s30] =	ssyncset.done $0x0  }
0x13: {  	s4 =	simm.s32 $0x0;
	[sflag:s30] =	ssyncadd.s32 $0xFFFFFC00  }
0x14: {  	v0 =	vld [tilespmem:s4+$0x0]  }
0x15: {  	v1 =	vld [tilespmem:s4+$0x800];
	_ =	sdelay $0x1  }
0x16: {  	v2 =	vld [tilespmem:s4+$0x400];
	_ =	sdelay $0x2  }
0x17: {  	s5 =	simm.s32 $0x10;
	v3 =	vsub.f32 v0, v1  }
0x18: {  	v0 =	vld [tilespmem:s5+$0x0]  }
0x19: {  	v4 =	vmul.f32 v3, v2;
	v2 =	vld [tilespmem:s5+$0x800];
	_ =	sdelay $0x1  }
0x1a: {  	v1 =	vld [tilespmem:s5+$0x400]  }
0x1b: {  	s6 =	simm.s32 $0x80;
	v3 =	vmul.f32 v4, v3  }
.LBB2_1:
0x1c: {  	s7 =	sshra.s32 s6, $0x2;
	p0 =	sne.s32 s6, $0xFC0  }
.Ltmp0:
0x1d: {  	s6 =	sadd.s32 $0x40, s6;
	v4 =	vsub.f32 v0, v2;
	v0 =	vld [tilespmem:s7+$0x0];
	[tilespmem:s4+$0xC00] =	vst v3;
	(pc) =	sbr.rel @p0 .LBB2_1-.Ltmp0, $4  }
0x1e: {  	s4 =	smov.u32 s5;
	s5 =	smov.u32 s7;
	v2 =	vld [tilespmem:s7+$0x800]  }
0x1f: {  	v3 =	vmul.f32 v4, v1  }
0x20: {  	v1 =	vld [tilespmem:s5+$0x400]  }
0x21: {  	v3 =	vmul.f32 v3, v4  }
0x22: {  	_ = 	snop  }
0x23: {  	v0 =	vsub.f32 v0, v2;
	_ =	sdelay $0x1  }
0x24: {  	v1 =	vmul.f32 v0, v1;
	_ =	sdelay $0x1  }
0x25: {  	v0 =	vmul.f32 v1, v0  }
0x26: {  	[tilespmem:s4+$0xC00] =	vst v3  }
0x27: {  	[tilespmem:s5+$0xC00] =	vst v0;
	v0 =	vimm.f32 $0.0e+00  }
0x28: {  	[tilespmem:$0x1000] =	vst v0  }
0x29: {  	[tilespmem:$0x1010] =	vst v0  }
0x2a: {  	[tilespmem:$0x1020] =	vst v0  }
0x2b: {  	[tilespmem:$0x1030] =	vst v0  }
0x2c: {  	[tilespmem:$0x1040] =	vst v0  }
0x2d: {  	[tilespmem:$0x1050] =	vst v0  }
0x2e: {  	[tilespmem:$0x1060] =	vst v0  }
0x2f: {  	[tilespmem:$0x1070] =	vst v0  }
0x30: {  	[tilespmem:$0x1080] =	vst v0  }
0x31: {  	[tilespmem:$0x1090] =	vst v0  }
0x32: {  	[tilespmem:$0x10A0] =	vst v0  }
0x33: {  	[tilespmem:$0x10B0] =	vst v0  }
0x34: {  	[tilespmem:$0x10C0] =	vst v0  }
0x35: {  	[tilespmem:$0x10D0] =	vst v0  }
0x36: {  	[tilespmem:$0x10E0] =	vst v0  }
0x37: {  	s31 =	simm.s32 $0x0;
	[tilespmem:$0x10F0] =	vst v0  }
0x38: {  	s4 =	simm.s32 $0x1000;
	s5 =	simm.s32 $0x40;
	v0 =	vimm.f32 $1.000000000e+00;
	v1 =	vld [tilespmem:s31+$0xC00]  }
.LBB2_3:
0x39: {  	p0 =	sne.s32 s5, $0xFC0;
	_ =	sdelay $0x3  }
0x3a: {  	vm0 =	vgt.s32 v1, $0xFFFFFFFF;
	v2 =	vshrl.u32 v1, $0x18  }
0x3b: {  	v3 =	vand.u32 $0x7F, v2;
	v2 =	vor.u32 $0x80, v2;
	_ =	sdelay $0x2  }
.Ltmp1:
0x3c: {  	(pc) =	sbr.rel @p0 .LBB2_3-.Ltmp1, $4  }
0x3d: {  	_ = 	snop  }
0x3e: {  	[tilespmem:v3+s4+$0x0] =	vst.idx.add.f32.msk vm0, v0  }
0x3f: {  	s6 =	sshra.s32 s5, $0x2;
	[tilespmem:v2+s4+$0x0] =	vst.idx.add.f32.msk vm0, v1  }
0x40: {  	s5 =	sadd.s32 $0x40, s5;
	v1 =	vld [tilespmem:s6+$0xC00]  }
0x41: {  	_ =	sdelay $0x3  }
0x42: {  	vm0 =	vgt.s32 v1, $0xFFFFFFFF;
	v2 =	vshrl.u32 v1, $0x18  }
0x43: {  	v3 =	vand.u32 $0x7F, v2  }
0x44: {  	v2 =	vor.u32 $0x80, v2;
	_ =	sdelay $0x3  }
0x45: {  	s5 =	sshll.u32 s2, $0x9;
	s28 =	simm.s32 $0x80;
	s6 =	simm.s32 $0x100;
	[tilespmem:v3+s4+$0x0] =	vst.idx.add.f32.msk vm0, v0  }
0x46: {  	s7 =	simm.s32 $0x1000;
	s29 =	simm.s32 $0x1;
	s5 =	sadd.s32 s5, s3;
	[tilespmem:v2+s4+$0x0] =	vst.idx.add.f32.msk vm0, v1  }
0x47: {  	[spmem:s5] =	stream.strided.scatter [tilespmem:s7], [sflag:$0x1], $0x100, s6, s28, $0x38;
	[tilespmem:$0x2380] =	vst v63  }
0x48: {  	_ =	swait.ge [sflag:s29], $0x100  }
0x49: {  	[sflag:s29] =	ssyncset.done $0x0  }
0x4a: {  	[sflag:s29] =	ssyncadd.s32 $0xFFFFFF00  }
0x4b: {  	s30 =	simm.s32 $0x1100;
	[bflag:$0x0] =	sbarrier.arrive $0xFFFF  }
0x4c: {  	[tilespmem:s30], [sflag:$0x1] =	stream.strided.gather [spmem:s3], $0x1000, s6, s28, $0x38;
	[tilespmem:$0x2380] =	vst v63  }
0x4d: {  	_ =	swait.ge [sflag:s29], $0x1000  }
0x4e: {  	[sflag:s29] =	ssyncset.done $0x0  }
0x4f: {  	s31 =	simm.s32 $0x0;
	[sflag:s29] =	ssyncadd.s32 $0xFFFFF000  }
0x50: {  	v0 =	vld [tilespmem:s31+$0x11F0]  }
0x51: {  	v1 =	vld [tilespmem:s31+$0x1100]  }
0x52: {  	v2 =	vld [tilespmem:s31+$0x1110]  }
0x53: {  	v3 =	vld [tilespmem:s31+$0x1120]  }
0x54: {  	v4 =	vld [tilespmem:s31+$0x1130]  }
0x55: {  	v5 =	vld [tilespmem:s31+$0x1140]  }
0x56: {  	v6 =	vld [tilespmem:s31+$0x1150]  }
0x57: {  	v8 =	vld [tilespmem:s31+$0x1160]  }
0x58: {  	v10 =	vld [tilespmem:s31+$0x1170]  }
0x59: {  	v7 =	vimm.f32 $0.0e+00;
	v16 =	vld [tilespmem:s31+$0x1180]  }
0x5a: {  	v21 =	vld [tilespmem:s31+$0x1190];
	v0 =	vadd.f32 v0, v7  }
0x5b: {  	v14 =	vadd.f32 v1, v7;
	v17 =	vadd.f32 v2, v7  }
0x5c: {  	v13 =	vld [tilespmem:s31+$0x11A0];
	v15 =	vadd.f32 v3, v7;
	v12 =	vadd.f32 v4, v7  }
0x5d: {  	v11 =	vld [tilespmem:s31+$0x11B0];
	v18 =	vadd.f32 v5, v7;
	v9 =	vadd.f32 v6, v7  }
0x5e: {  	v19 =	vadd.f32 v8, v7;
	v20 =	vadd.f32 v10, v7;
	v6 =	vld [tilespmem:s31+$0x11C0]  }
0x5f: {  	v16 =	vadd.f32 v16, v7;
	v5 =	vld [tilespmem:s31+$0x11D0];
	v10 =	vadd.f32 v21, v7;
	v8 =	vimm.f32 $0.0e+00  }
0x60: {  	s4 =	simm.s32 $0x100;
	s5 =	simm.s32 $0x800;
	v3 =	vld [tilespmem:s31+$0x11E0];
	v4 =	vimm.f32 $0.0e+00;
	v2 =	vimm.f32 $0.0e+00;
	v1 =	vimm.f32 $0.0e+00  }
.LBB2_5:
0x61: {  	p0 =	sne.s32 s5, $0x3C00;
	v21 =	vld [tilespmem:s4+$0x11F0];
	v7 =	vadd.f32 v13, v7  }
0x62: {  	v13 =	vld [tilespmem:s4+$0x1100];
	v8 =	vadd.f32 v11, v8  }
0x63: {  	v11 =	vld [tilespmem:s4+$0x1110];
	v4 =	vadd.f32 v6, v4  }
0x64: {  	v6 =	vld [tilespmem:s4+$0x1120];
	v2 =	vadd.f32 v5, v2  }
0x65: {  	v5 =	vld [tilespmem:s4+$0x1130];
	v1 =	vadd.f32 v3, v1  }
0x66: {  	v3 =	vld [tilespmem:s4+$0x1140];
	v0 =	vadd.f32 v21, v0  }
0x67: {  	v14 =	vadd.f32 v13, v14;
	v13 =	vld [tilespmem:s4+$0x1150]  }
0x68: {  	v17 =	vadd.f32 v11, v17;
	v11 =	vld [tilespmem:s4+$0x1160]  }
0x69: {  	v15 =	vadd.f32 v6, v15;
	v6 =	vld [tilespmem:s4+$0x1170]  }
0x6a: {  	v12 =	vadd.f32 v5, v12;
	v5 =	vld [tilespmem:s4+$0x1180]  }
0x6b: {  	v18 =	vadd.f32 v3, v18;
	v3 =	vld [tilespmem:s4+$0x1190]  }
.Ltmp2:
0x6c: {  	v9 =	vadd.f32 v13, v9;
	v13 =	vld [tilespmem:s4+$0x11A0];
	(pc) =	sbr.rel @p0 .LBB2_5-.Ltmp2, $4  }
0x6d: {  	v19 =	vadd.f32 v11, v19;
	v11 =	vld [tilespmem:s4+$0x11B0]  }
0x6e: {  	v20 =	vadd.f32 v6, v20;
	v6 =	vld [tilespmem:s4+$0x11C0]  }
0x6f: {  	v16 =	vadd.f32 v5, v16;
	v5 =	vld [tilespmem:s4+$0x11D0]  }
0x70: {  	v10 =	vadd.f32 v3, v10;
	v3 =	vld [tilespmem:s4+$0x11E0];
	s4 =	sshra.s32 s5, $0x2;
	s5 =	sadd.s32 $0x400, s5  }
0x71: {  	v21 =	vimm.s32 $0xFEDCBA9;
	v22 =	vimm.s32 $0x87654321  }
0x72: {  	v53 =	vimm.s32 $0x10FEDCBA;
	v54 =	vimm.s32 $0x98765432;
	v26 =	vlaneseq.u32  }
0x73: {  	v55 =	vimm.s32 $0x3210FEDC;
	v56 =	vimm.s32 $0xBA987654;
	vm0 =	vmmov $0x3fff  }
0x74: {  	v23 =	vld [tilespmem:s4+$0x1170];
	v59 =	vimm.s32 $0xFEDCBA98;
	v21 =	vunpack.c.l.s4.s8 v21;
	v22 =	vunpack.c.l.s4.s8 v22  }
0x75: {  	v60 =	vimm.s32 $0x76543210;
	vm1 =	vmmov $0xfff;
	vm2 =	vmmov $0xff  }
0x76: {  	v30 =	vimm.s32 $0x0;
	v21 =	vunpack.c.0.s8.s32 v21;
	v22 =	vunpack.c.0.s8.s32 v22  }
0x77: {  	v24 =	vld [tilespmem:s4+$0x1160];
	vm7 =	vcmask $0x2320;
	vm8 =	vcmask $0x2B28;
	vm9 =	vcmask $0x2F2C  }
0x78: {  	v7 =	vadd.f32 v13, v7;
	vm3 =	veq.s32 v26, $0xF;
	v21 =	vcombine.low v22, v21  }
0x79: {  	v27 =	vld [tilespmem:s4+$0x1150];
	v20 =	vadd.f32 v23, v20;
	v22 =	vunpack.c.l.s4.s8 v53;
	v23 =	vunpack.c.l.s4.s8 v54  }
0x7a: {  	v57 =	vunpack.c.l.s4.s8 v56;
	v8 =	vadd.f32 v11, v8;
	v21 =	vand.u32 $0xF, v21  }
0x7b: {  	v22 =	vunpack.c.0.s8.s32 v22;
	v23 =	vunpack.c.0.s8.s32 v23;
	v25 =	vperm.xlane v20, v21  }
0x7c: {  	v26 =	vunpack.c.l.s4.s8 v60;
	v4 =	vadd.f32 v6, v4;
	v19 =	vadd.f32 v24, v19  }
0x7d: {  	v22 =	vcombine.low v23, v22;
	v23 =	vunpack.c.l.s4.s8 v55;
	v25 =	vsel vm3, $0x0, v25  }
0x7e: {  	v29 =	vld [tilespmem:s4+$0x1140];
	v9 =	vadd.f32 v27, v9;
	v58 =	vperm.xlane v19, v21;
	v20 =	vadd.f32 v25, v20  }
0x7f: {  	v24 =	vand.u32 $0xF, v22;
	v23 =	vunpack.c.0.s8.s32 v23;
	v25 =	vunpack.c.0.s8.s32 v57  }
0x80: {  	v38 =	vld [tilespmem:s4+$0x1110];
	v26 =	vunpack.c.0.s8.s32 v26;
	v2 =	vadd.f32 v5, v2;
	v22 =	vperm.xlane v20, v24  }
0x81: {  	v41 =	vld [tilespmem:s4+$0x1100];
	v27 =	vperm.xlane v9, v21;
	v23 =	vcombine.low v25, v23;
	v25 =	vsel vm3, $0x0, v58  }
0x82: {  	v1 =	vadd.f32 v3, v1;
	v19 =	vadd.f32 v25, v19;
	v22 =	vnsel vm0, $0x0, v22  }
0x83: {  	v18 =	vadd.f32 v29, v18;
	v27 =	vsel vm3, $0x0, v27;
	v20 =	vadd.f32 v22, v20  }
0x84: {  	v23 =	vand.u32 $0xF, v23;
	v22 =	vunpack.c.l.s4.s8 v59;
	v28 =	vperm.xlane v19, v24  }
0x85: {  	v62 =	vld [tilespmem:s4+$0x1130];
	v17 =	vadd.f32 v38, v17;
	v27 =	vadd.f32 v27, v9;
	v61 =	vperm.xlane v20, v23  }
0x86: {  	v33 =	vld [tilespmem:s4+$0x1120];
	v14 =	vadd.f32 v41, v14;
	v22 =	vunpack.c.0.s8.s32 v22;
	v28 =	vnsel vm0, $0x0, v28  }
0x87: {  	v63 =	vperm.xlane v27, v24;
	v19 =	vadd.f32 v28, v19;
	v25 =	vnsel vm1, $0x0, v61  }
0x88: {  	v32 =	vperm.xlane v18, v21;
	v22 =	vand.u32 $0xF, v22;
	v20 =	vadd.f32 v25, v20  }
0x89: {  	v9 =	vcombine.low v22, v26;
	v28 =	vperm.xlane v19, v23;
	v25 =	vnsel vm0, $0x0, v63  }
0x8a: {  	v49 =	vperm.xlane v17, v21;
	v22 =	vadd.f32 v62, v12;
	v25 =	vadd.f32 v25, v27  }
0x8b: {  	v27 =	vadd.f32 v33, v15;
	v26 =	vperm.xlane v20, v9;
	v28 =	vnsel vm1, $0x0, v28  }
0x8c: {  	v33 =	vimm.s32 $0x0;
	v37 =	vperm.xlane v22, v21;
	v19 =	vadd.f32 v28, v19  }
0x8d: {  	v34 =	vperm.xlane v25, v23;
	v43 =	vperm.xlane v27, v21;
	v26 =	vnsel vm2, $0x0, v26  }
0x8e: {  	v21 =	vperm.xlane v14, v21;
	v20 =	vadd.f32 v26, v20;
	v35 =	vperm.xlane v19, v9  }
0x8f: {  	v26 =	vsel vm3, $0x0, v32;
	v28 =	vnsel vm1, $0x0, v34;
	v46 =	vsel vm3, $0x0, v43  }
0x90: {  	v21 =	vsel vm3, $0x0, v21;
	v18 =	vadd.f32 v26, v18;
	v25 =	vadd.f32 v28, v25  }
0x91: {  	v28 =	vsel vm3, $0x0, v37;
	v27 =	vadd.f32 v46, v27;
	v14 =	vadd.f32 v21, v14  }
0x92: {  	v12 =	vadd.f32 $0.0e+00, v20;
	v36 =	vnsel vm2, $0x0, v35;
	v22 =	vadd.f32 v28, v22  }
0x93: {  	v28 =	vsel vm0, $0xFFFFFFFF, v33;
	vm15 =	vge.f32 v20, $1.024000000e+03;
	v33 =	vimm.s32 $0xEFCDAB89  }
0x94: {  	v19 =	vadd.f32 v36, v19;
	v39 =	vperm.xlane v18, v24;
	v32 =	vperm.xlane v25, v9  }
0x95: {  	v50 =	vperm.xlane v27, v24;
	v29 =	vunpack.c.l.s4.s8 v33;
	v31 =	vperm.xlane v12, v30  }
0x96: {  	v44 =	vperm.xlane v22, v24;
	v40 =	vnsel vm0, $0x0, v39;
	v42 =	vnsel vm2, $0x0, v32  }
0x97: {  	v26 =	vnsel vm0, $0x0, v50;
	v39 =	vimm.s32 $0x0;
	v15 =	vadd.f32 v19, v31  }
0x98: {  	v19 =	vadd.f32 v40, v18;
	v47 =	vnsel vm0, $0x0, v44;
	v26 =	vadd.f32 v26, v27  }
0x99: {  	v25 =	vadd.f32 v42, v25;
	v22 =	vadd.f32 v47, v22;
	v31 =	vperm.xlane v15, v30  }
0x9a: {  	v44 =	vimm.s32 $0x0;
	v45 =	vperm.xlane v19, v23;
	v57 =	vperm.xlane v26, v23  }
0x9b: {  	vm14 =	vge.f32 v15, $1.024000000e+03;
	v52 =	vperm.xlane v22, v23;
	v18 =	vadd.f32 v25, v31  }
0x9c: {  	v48 =	vnsel vm1, $0x0, v45;
	v25 =	vsel vm3, $0x0, v49;
	v60 =	vnsel vm1, $0x0, v57  }
0x9d: {  	v57 =	vimm.s32 $0xDCFE98BA;
	vm3 =	vcmask $0xB08;
	v19 =	vadd.f32 v48, v19  }
0x9e: {  	v17 =	vadd.f32 v25, v17;
	v54 =	vnsel vm1, $0x0, v52;
	v51 =	vperm.xlane v18, v30  }
0x9f: {  	v25 =	vadd.f32 v54, v22;
	vm13 =	vge.f32 v18, $1.024000000e+03;
	v53 =	vperm.xlane v19, v9  }
0xa0: {  	v54 =	vimm.s32 $0xBA98FEDC;
	v56 =	vperm.xlane v17, v24;
	v24 =	vperm.xlane v14, v24  }
0xa1: {  	v20 =	vunpack.c.l.s4.s8 v54;
	v54 =	vimm.f32 $9.500000000e+01;
	v58 =	vperm.xlane v25, v9  }
0xa2: {  	v55 =	vnsel vm2, $0x0, v53;
	v59 =	vnsel vm0, $0x0, v56;
	v34 =	vnsel vm0, $0x0, v24  }
0xa3: {  	vm0 =	vcmask $0x300;
	v20 =	vunpack.c.0.s8.s32 v20;
	v19 =	vadd.f32 v55, v19  }
0xa4: {  	v17 =	vadd.f32 v59, v17;
	v61 =	vnsel vm2, $0x0, v58;
	v14 =	vadd.f32 v34, v14  }
0xa5: {  	v55 =	vimm.s32 $0x32107654;
	v58 =	vimm.s32 $0x54761032;
	v59 =	vunpack.c.l.s4.s8 v57  }
0xa6: {  	v34 =	vimm.s32 $0x67452301;
	v21 =	vadd.f32 v61, v25;
	v22 =	vadd.f32 v19, v51  }
0xa7: {  	v19 =	vadd.f32 v60, v26;
	v63 =	vperm.xlane v17, v23;
	v23 =	vperm.xlane v14, v23  }
0xa8: {  	v60 =	vunpack.c.l.s4.s8 v58;
	v61 =	vunpack.c.0.s8.s32 v59;
	v62 =	vperm.xlane v22, v30  }
0xa9: {  	v32 =	vperm.xlane v19, v9;
	v35 =	vnsel vm1, $0x0, v63;
	v40 =	vnsel vm1, $0x0, v23  }
0xaa: {  	vm12 =	vge.f32 v22, $1.024000000e+03;
	v17 =	vadd.f32 v35, v17;
	v14 =	vadd.f32 v40, v14  }
0xab: {  	v35 =	vunpack.c.0.s8.s32 v29;
	v24 =	vadd.f32 v21, v62;
	v36 =	vnsel vm2, $0x0, v32  }
0xac: {  	v21 =	vunpack.c.l.s4.s8 v55;
	v62 =	vunpack.c.0.s8.s32 v60;
	v38 =	vperm.xlane v17, v9  }
0xad: {  	v19 =	vadd.f32 v36, v19;
	v43 =	vperm.xlane v14, v9;
	v37 =	vperm.xlane v24, v30  }
0xae: {  	v55 =	vld [tilespmem:s4+$0x11B0];
	vm11 =	vge.f32 v24, $1.024000000e+03;
	v21 =	vunpack.c.0.s8.s32 v21;
	v41 =	vnsel vm2, $0x0, v38  }
0xaf: {  	v45 =	vnsel vm2, $0x0, v43;
	v38 =	vimm.f32 $1.500000000e+01;
	v25 =	vadd.f32 v19, v37  }
0xb0: {  	v43 =	vimm.f32 $4.700000000e+01;
	v19 =	vsel vm1, $0xFFFFFFFF, v39;
	v17 =	vadd.f32 v41, v17;
	v39 =	vld [tilespmem:s4+$0x1180]  }
0xb1: {  	v14 =	vadd.f32 v45, v14;
	v20 =	vcombine.low v21, v20;
	v42 =	vperm.xlane v25, v30  }
0xb2: {  	[tilespmem:$0x1FFD0] =	vst v28;
	v28 =	vsel vm0, $0x0, v38;
	vm1 =	vcmask $0xF0C;
	v31 =	vsel vm0, $0x42000000, v43  }
0xb3: {  	v8 =	vadd.f32 v55, v8;
	vm10 =	vge.f32 v25, $1.024000000e+03;
	v26 =	vadd.f32 v17, v42  }
0xb4: {  	[tilespmem:$0x1FFE0] =	vst v19;
	v17 =	vsel vm2, $0xFFFFFFFF, v44;
	v42 =	vimm.f32 $3.100000000e+01;
	vm2 =	vcmask $0x3B38  }
0xb5: {  	[tilespmem:$0x1FFF0] =	vst v17;
	v17 =	vimm.f32 $0.0e+00;
	v40 =	vadd.f32 v39, v16;
	v19 =	vperm.xlane v26, v30  }
0xb6: {  	vm5 =	vge.f32 v26, $1.024000000e+03;
	v49 =	vsel vm10, $0x3F800000, v17;
	v50 =	vsel vm11, $0x3F800000, v17  }
0xb7: {  	v51 =	vsel vm12, $0x3F800000, v17;
	v52 =	vsel vm13, $0x3F800000, v17;
	v53 =	vsel vm14, $0x3F800000, v17  }
0xb8: {  	v56 =	vsel vm15, $0x3F800000, v17;
	v30 =	vunpack.c.l.s4.s8 v34;
	v46 =	vadd.f32 v14, v19  }
0xb9: {  	vm15 =	vcmask $0x704;
	vm14 =	vcmask $0x1B18;
	v14 =	vimm.f32 $1.000000000e+00  }
0xba: {  	vm13 =	vcmask $0x1F1C;
	v47 =	vsel vm0, $0x0, v14;
	vm4 =	vge.f32 v46, $1.024000000e+03  }
0xbb: {  	vm11 =	vcmask $0x2724;
	v48 =	vsel vm5, $0x3F800000, v17;
	v19 =	vnsel vm4, $0x0, v47  }
0xbc: {  	v44 =	vld [tilespmem:s4+$0x1190];
	vm10 =	vcmask $0x3330;
	vm12 =	vcmask $0x3734;
	v19 =	vadd.f32 v19, v48  }
0xbd: {  	v28 =	vsel vm15, $0x3F800000, v28;
	vm5 =	vcmask $0x1714;
	v31 =	vsel vm15, $0x42040000, v31  }
0xbe: {  	v36 =	vunpack.c.0.s8.s32 v30;
	v28 =	vsel vm3, $0x40000000, v28;
	v19 =	vadd.f32 v19, v49  }
0xbf: {  	v30 =	vsel vm0, $0x41800000, v42;
	v31 =	vsel vm3, $0x42080000, v31;
	v28 =	vsel vm1, $0x40400000, v28  }
0xc0: {  	v30 =	vsel vm15, $0x41880000, v30;
	v31 =	vsel vm1, $0x420C0000, v31;
	v19 =	vadd.f32 v19, v50  }
0xc1: {  	v10 =	vadd.f32 v44, v10;
	v30 =	vsel vm3, $0x41900000, v30;
	v27 =	vadd.f32 $0.0e+00, v46  }
0xc2: {  	vm4 =	vcmask $0x1310;
	v30 =	vsel vm1, $0x41980000, v30;
	v19 =	vadd.f32 v19, v51  }
0xc3: {  	v47 =	vimm.f32 $6.300000000e+01;
	v28 =	vsel vm4, $0x40800000, v28;
	v30 =	vsel vm4, $0x41A00000, v30  }
0xc4: {  	v31 =	vsel vm4, $0x42100000, v31;
	v28 =	vsel vm5, $0x40A00000, v28;
	v19 =	vadd.f32 v19, v52  }
0xc5: {  	v30 =	vsel vm5, $0x41A80000, v30;
	v31 =	vsel vm5, $0x42140000, v31;
	v28 =	vsel vm14, $0x40C00000, v28  }
0xc6: {  	v48 =	vld [tilespmem:s4+$0x11A0];
	v30 =	vsel vm14, $0x41B00000, v30;
	v31 =	vsel vm14, $0x42180000, v31;
	v19 =	vadd.f32 v19, v53  }
0xc7: {  	v28 =	vsel vm13, $0x40E00000, v28;
	v30 =	vsel vm13, $0x41B80000, v30;
	v31 =	vsel vm13, $0x421C0000, v31  }
0xc8: {  	v28 =	vsel vm7, $0x41000000, v28;
	v30 =	vsel vm7, $0x41C00000, v30;
	v19 =	vadd.f32 v19, v56  }
0xc9: {  	v31 =	vsel vm7, $0x42200000, v31;
	v28 =	vsel vm11, $0x41100000, v28;
	v30 =	vsel vm11, $0x41C80000, v30  }
0xca: {  	v46 =	vsel vm11, $0x42240000, v31;
	v31 =	vsel vm0, $0x42400000, v47;
	v23 =	vperm.xlane v19, v9  }
0xcb: {  	v7 =	vadd.f32 v48, v7;
	v28 =	vsel vm8, $0x41200000, v28;
	v30 =	vsel vm8, $0x41D00000, v30  }
0xcc: {  	v31 =	vsel vm15, $0x42440000, v31;
	v51 =	vimm.f32 $7.900000000e+01;
	v23 =	vadd.f32 v19, v23  }
0xcd: {  	v28 =	vsel vm9, $0x41300000, v28;
	v30 =	vsel vm9, $0x41D80000, v30;
	v19 =	vand.u32 $0xF, v20  }
0xce: {  	v31 =	vsel vm3, $0x42480000, v31;
	v30 =	vsel vm10, $0x41E00000, v30;
	v63 =	vperm.xlane v23, v19  }
0xcf: {  	v50 =	vsel vm1, $0x424C0000, v31;
	v30 =	vsel vm12, $0x41E80000, v30;
	v20 =	vcombine.low v62, v61  }
0xd0: {  	v45 =	vsel vm2, $0x41F00000, v30;
	v30 =	vsel vm8, $0x42280000, v46;
	v23 =	vadd.f32 v23, v63  }
0xd1: {  	v13 =	vsel vm4, $0x42500000, v50;
	v30 =	vsel vm9, $0x422C0000, v30;
	v21 =	vand.u32 $0xF, v20  }
0xd2: {  	v13 =	vsel vm5, $0x42540000, v13;
	v30 =	vsel vm10, $0x42300000, v30;
	v37 =	vperm.xlane v23, v21  }
0xd3: {  	v13 =	vsel vm14, $0x42580000, v13;
	v30 =	vsel vm12, $0x42340000, v30;
	v20 =	vcombine.low v36, v35  }
0xd4: {  	v49 =	vsel vm2, $0x42380000, v30;
	v30 =	vsel vm0, $0x42800000, v51;
	v23 =	vadd.f32 v23, v37  }
0xd5: {  	v13 =	vsel vm13, $0x425C0000, v13;
	v30 =	vsel vm15, $0x42820000, v30;
	v20 =	vand.u32 $0xF, v20  }
0xd6: {  	v56 =	vld [tilespmem:s4+$0x11C0];
	v13 =	vsel vm7, $0x42600000, v13;
	v52 =	vsel vm3, $0x42840000, v30;
	v29 =	vperm.xlane v23, v20  }
0xd7: {  	v28 =	vsel vm10, $0x41400000, v28;
	v53 =	vsel vm11, $0x42640000, v13;
	v13 =	vsel vm1, $0x42860000, v52  }
0xd8: {  	v28 =	vsel vm12, $0x41500000, v28;
	v13 =	vsel vm4, $0x42880000, v13;
	v23 =	vadd.f32 v23, v29  }
0xd9: {  	v28 =	vsel vm2, $0x41600000, v28;
	v11 =	vsel vm8, $0x42680000, v53;
	v13 =	vsel vm5, $0x428A0000, v13  }
0xda: {  	v11 =	vsel vm9, $0x426C0000, v11;
	v13 =	vsel vm14, $0x428C0000, v13;
	v41 =	vadd.f32 $1.000000000e+00, v23  }
0xdb: {  	v11 =	vsel vm10, $0x42700000, v11;
	v4 =	vadd.f32 v56, v4;
	v13 =	vsel vm13, $0x428E0000, v13  }
0xdc: {  	v13 =	vsel vm7, $0x42900000, v13;
	v29 =	vadd.f32 $0.0e+00, v40;
	vm6 =	veq.f32 v41, v28  }
0xdd: {  	v13 =	vsel vm11, $0x42920000, v13;
	v27 =	vnsel vm6, $0x0, v27;
	vm6 =	vle.f32 v41, v28  }
0xde: {  	v13 =	vsel vm8, $0x42940000, v13;
	v28 =	vnsel vm6, $0x0, v29;
	v29 =	vsel vm0, $0x42A00000, v54  }
0xdf: {  	v11 =	vsel vm12, $0x42740000, v11;
	v13 =	vsel vm9, $0x42960000, v13;
	v29 =	vsel vm15, $0x42A20000, v29  }
0xe0: {  	v11 =	vsel vm2, $0x42780000, v11;
	v13 =	vsel vm10, $0x42980000, v13;
	v29 =	vsel vm3, $0x42A40000, v29  }
0xe1: {  	v57 =	vsel vm12, $0x429A0000, v13;
	vm6 =	veq.f32 v41, v45;
	v29 =	vsel vm1, $0x42A60000, v29  }
0xe2: {  	v26 =	vnsel vm6, $0x0, v26;
	vm6 =	vle.f32 v41, v45;
	v29 =	vsel vm4, $0x42A80000, v29  }
0xe3: {  	v10 =	vnsel vm6, $0x0, v10;
	vm6 =	veq.f32 v41, v49;
	v29 =	vsel vm5, $0x42AA0000, v29  }
0xe4: {  	v6 =	vsel vm2, $0x429C0000, v57;
	v25 =	vnsel vm6, $0x0, v25;
	v29 =	vsel vm14, $0x42AC0000, v29  }
0xe5: {  	vm6 =	vle.f32 v41, v49;
	v10 =	vadd.f32 v10, v28;
	v29 =	vsel vm13, $0x42AE0000, v29  }
0xe6: {  	v7 =	vnsel vm6, $0x0, v7;
	vm6 =	veq.f32 v41, v11;
	v13 =	vsel vm7, $0x42B00000, v29  }
0xe7: {  	v24 =	vnsel vm6, $0x0, v24;
	v58 =	vsel vm11, $0x42B20000, v13;
	v13 =	vimm.f32 $1.110000000e+02  }
0xe8: {  	vm6 =	vle.f32 v41, v11;
	v7 =	vadd.f32 v10, v7;
	v13 =	vsel vm0, $0x42C00000, v13  }
0xe9: {  	v8 =	vnsel vm6, $0x0, v8;
	vm6 =	veq.f32 v41, v6;
	v13 =	vsel vm15, $0x42C20000, v13  }
0xea: {  	v22 =	vnsel vm6, $0x0, v22;
	v11 =	vsel vm8, $0x42B40000, v58;
	v13 =	vsel vm3, $0x42C40000, v13  }
0xeb: {  	vm6 =	vle.f32 v41, v6;
	v11 =	vsel vm9, $0x42B60000, v11;
	v60 =	vsel vm1, $0x42C60000, v13  }
0xec: {  	v59 =	vld [tilespmem:s4+$0x11D0];
	v4 =	vnsel vm6, $0x0, v4;
	v11 =	vsel vm10, $0x42B80000, v11;
	v5 =	vsel vm4, $0x42C80000, v60  }
0xed: {  	v62 =	vld [tilespmem:s4+$0x11F0];
	v11 =	vsel vm12, $0x42BA0000, v11;
	v13 =	vimm.f32 $1.270000000e+02;
	v5 =	vsel vm5, $0x42CA0000, v5  }
0xee: {  	v6 =	vsel vm2, $0x42BC0000, v11;
	v13 =	vsel vm0, $0x42E00000, v13;
	v5 =	vsel vm14, $0x42CC0000, v5  }
0xef: {  	vm6 =	veq.f32 v41, v6;
	v13 =	vsel vm15, $0x42E20000, v13;
	v5 =	vsel vm13, $0x42CE0000, v5  }
0xf0: {  	vm0 =	vle.f32 v41, v6;
	v6 =	vsel vm3, $0x42E40000, v13;
	v5 =	vsel vm7, $0x42D00000, v5  }
0xf1: {  	v7 =	vadd.f32 v7, v8;
	v3 =	vsel vm11, $0x42D20000, v5;
	v5 =	vsel vm1, $0x42E60000, v6  }
0xf2: {  	v2 =	vadd.f32 v59, v2;
	v0 =	vadd.f32 v62, v0;
	v5 =	vsel vm4, $0x42E80000, v5  }
0xf3: {  	v4 =	vadd.f32 v7, v4;
	v13 =	vld [tilespmem:s4+$0x11E0];
	v6 =	vadd.f32 v26, v27;
	v5 =	vsel vm5, $0x42EA0000, v5  }
0xf4: {  	v61 =	vnsel vm6, $0x0, v18;
	v2 =	vnsel vm0, $0x0, v2;
	v5 =	vsel vm14, $0x42EC0000, v5  }
0xf5: {  	v3 =	vsel vm8, $0x42D40000, v3;
	v6 =	vadd.f32 v6, v25;
	v5 =	vsel vm13, $0x42EE0000, v5  }
0xf6: {  	v2 =	vadd.f32 v4, v2;
	v3 =	vsel vm9, $0x42D60000, v3;
	v5 =	vsel vm7, $0x42F00000, v5  }
0xf7: {  	v3 =	vsel vm10, $0x42D80000, v3;
	v6 =	vadd.f32 v6, v24;
	v5 =	vsel vm11, $0x42F20000, v5  }
0xf8: {  	v1 =	vadd.f32 v13, v1;
	v3 =	vsel vm12, $0x42DA0000, v3;
	v5 =	vsel vm8, $0x42F40000, v5  }
0xf9: {  	v3 =	vsel vm2, $0x42DC0000, v3;
	v6 =	vadd.f32 v6, v22;
	v5 =	vsel vm9, $0x42F60000, v5  }
0xfa: {  	vm11 =	veq.f32 v41, v3;
	vm13 =	vle.f32 v41, v3;
	v5 =	vsel vm10, $0x42F80000, v5  }
0xfb: {  	v1 =	vnsel vm13, $0x0, v1;
	v6 =	vadd.f32 v6, v61;
	v3 =	vsel vm12, $0x42FA0000, v5  }
0xfc: {  	v63 =	vnsel vm11, $0x0, v15;
	v1 =	vadd.f32 v2, v1;
	v3 =	vsel vm2, $0x42FC0000, v3  }
0xfd: {  	v4 =	vadd.f32 v6, v63;
	vm14 =	veq.f32 v41, v3;
	vm15 =	vle.f32 v41, v3  }
0xfe: {  	v2 =	vnsel vm14, $0x0, v12;
	v0 =	vnsel vm15, $0x0, v0  }
0xff: {  	v2 =	vadd.f32 v4, v2;
	v0 =	vadd.f32 v1, v0;
	_ =	sdelay $0x1  }
0x100: {  	v1 =	vperm.xlane v2, v9;
	v3 =	vperm.xlane v0, v9;
	_ =	sdelay $0x1  }
0x101: {  	v1 =	vadd.f32 v2, v1;
	v0 =	vadd.f32 v0, v3;
	_ =	sdelay $0x1  }
0x102: {  	[tilespmem:$0x1000] =	vst v17;
	v2 =	vperm.xlane v1, v19;
	v3 =	vperm.xlane v0, v19  }
0x103: {  	[tilespmem:$0x1010] =	vst v17  }
0x104: {  	[tilespmem:$0x1020] =	vst v17;
	v1 =	vadd.f32 v1, v2;
	v0 =	vadd.f32 v0, v3  }
0x105: {  	[tilespmem:$0x1030] =	vst v17  }
0x106: {  	[tilespmem:$0x1040] =	vst v17;
	v2 =	vperm.xlane v1, v21;
	v3 =	vperm.xlane v0, v21  }
0x107: {  	[tilespmem:$0x1050] =	vst v17;
	v4 =	vtrunc.f32 v23  }
0x108: {  	[tilespmem:$0x1060] =	vst v17;
	v4 =	vcvt.f32.s32 v4;
	v2 =	vadd.f32 v1, v2;
	v0 =	vadd.f32 v0, v3  }
0x109: {  	s31 =	simm.s32 $0x0;
	[tilespmem:$0x1070] =	vst v17  }
0x10a: {  	s5 =	simm.s32 $0x1000;
	s4 =	simm.s32 $0x40;
	v5 =	vld [tilespmem:s31+$0xC00];
	v4 =	vshll.u32 v4, $0x18;
	v3 =	vperm.xlane v2, v20;
	v1 =	vperm.xlane v0, v20  }
.LBB2_7:
0x10b: {  	p0 =	sne.s32 s4, $0xFC0;
	_ =	sdelay $0x3  }
0x10c: {  	v6 =	vsub.s32 v5, v4  }
0x10d: {  	vm6 =	vge.s32 v5, v4;
	vm7 =	vlt.s32 v6, $0x1000000  }
0x10e: {  	v6 =	vshrl.u32 v5, $0x12;
	vm6 =	vmand vm6, vm7  }
0x10f: {  	v6 =	vand.u32 $0x3F, v6  }
0x110: {  	v7 =	vor.u32 $0x40, v6;
	_ =	sdelay $0x1  }
.Ltmp3:
0x111: {  	(pc) =	sbr.rel @p0 .LBB2_7-.Ltmp3, $4  }
0x112: {  	_ = 	snop  }
0x113: {  	[tilespmem:v6+s5+$0x0] =	vst.idx.add.f32.msk vm6, v14  }
0x114: {  	s6 =	sshra.s32 s4, $0x2;
	[tilespmem:v7+s5+$0x0] =	vst.idx.add.f32.msk vm6, v5  }
0x115: {  	s4 =	sadd.s32 $0x40, s4;
	v5 =	vld [tilespmem:s6+$0xC00]  }
0x116: {  	_ =	sdelay $0x3  }
0x117: {  	v6 =	vsub.s32 v5, v4  }
0x118: {  	vm6 =	vge.s32 v5, v4;
	vm7 =	vlt.s32 v6, $0x1000000  }
0x119: {  	v6 =	vshrl.u32 v5, $0x12;
	vm6 =	vmand vm6, vm7  }
0x11a: {  	v6 =	vand.u32 $0x3F, v6  }
0x11b: {  	v7 =	vor.u32 $0x40, v6;
	_ =	sdelay $0x2  }
0x11c: {  	s4 =	sshll.u32 s2, $0x8  }
0x11d: {  	s4 =	sadd.s32 s4, s3;
	[tilespmem:v6+s5+$0x0] =	vst.idx.add.f32.msk vm6, v14  }
0x11e: {  	s30 =	simm.s32 $0x1000;
	s7 =	simm.s32 $0x1;
	s6 =	sadd.s32 $0x80, s4;
	[tilespmem:v7+s5+$0x0] =	vst.idx.add.f32.msk vm6, v5  }
0x11f: {  	[spmem:s6] =	stream.linear.scatter [tilespmem:s30], [sflag:$0x1], $0x80, $0x38;
	[tilespmem:$0x2380] =	vst v63  }
0x120: {  	_ =	swait.ge [sflag:s7], $0x80  }
0x121: {  	[sflag:s7] =	ssyncset.done $0x0  }
0x122: {  	s8 =	simm.s32 $0x80;
	s9 =	simm.s32 $0x100;
	[sflag:s7] =	ssyncadd.s32 $0xFFFFFF80  }
0x123: {  	s10 =	simm.s32 $0x1100;
	s5 =	sadd.s32 $0x80, s3;
	[bflag:$0x0] =	sbarrier.arrive $0xFFFF  }
0x124: {  	[tilespmem:s10], [sflag:$0x1] =	stream.strided.gather [spmem:s5], $0x800, s9, s8, $0x38;
	[tilespmem:$0x2380] =	vst v63  }
0x125: {  	_ =	swait.ge [sflag:s7], $0x800  }
0x126: {  	[sflag:s7] =	ssyncset.done $0x0  }
0x127: {  	s31 =	simm.s32 $0x0;
	[sflag:s7] =	ssyncadd.s32 $0xFFFFF800  }
0x128: {  	v5 =	vld [tilespmem:s31+$0x1170]  }
0x129: {  	v7 =	vld [tilespmem:s31+$0x1100]  }
0x12a: {  	v10 =	vld [tilespmem:s31+$0x1110]  }
0x12b: {  	v9 =	vld [tilespmem:s31+$0x1120]  }
0x12c: {  	v17 =	vld [tilespmem:s31+$0x1130]  }
0x12d: {  	v8 =	vimm.f32 $0.0e+00;
	v16 =	vimm.f32 $0.0e+00;
	v11 =	vld [tilespmem:s31+$0x1140]  }
0x12e: {  	v12 =	vimm.f32 $0.0e+00;
	v13 =	vimm.f32 $0.0e+00;
	v14 =	vld [tilespmem:s31+$0x1150];
	v6 =	vadd.f32 v5, v8  }
0x12f: {  	s8 =	simm.s32 $0x400;
	s7 =	simm.s32 $0x80;
	v15 =	vld [tilespmem:s31+$0x1160];
	v5 =	vadd.f32 v7, v8;
	v7 =	vadd.f32 v10, v8;
	v10 =	vimm.f32 $0.0e+00  }
.LBB2_9:
0x130: {  	p0 =	sne.s32 s8, $0x1E00;
	v18 =	vld [tilespmem:s7+$0x1170];
	v8 =	vadd.f32 v9, v8  }
0x131: {  	v19 =	vld [tilespmem:s7+$0x1100];
	v16 =	vadd.f32 v17, v16  }
0x132: {  	v20 =	vld [tilespmem:s7+$0x1110];
	v12 =	vadd.f32 v11, v12  }
.Ltmp4:
0x133: {  	v9 =	vld [tilespmem:s7+$0x1120];
	v13 =	vadd.f32 v14, v13;
	(pc) =	sbr.rel @p0 .LBB2_9-.Ltmp4, $4  }
0x134: {  	v17 =	vld [tilespmem:s7+$0x1130];
	v10 =	vadd.f32 v15, v10  }
0x135: {  	v11 =	vld [tilespmem:s7+$0x1140];
	v6 =	vadd.f32 v18, v6  }
0x136: {  	v5 =	vadd.f32 v19, v5;
	v14 =	vld [tilespmem:s7+$0x1150]  }
0x137: {  	v7 =	vadd.f32 v20, v7;
	v15 =	vld [tilespmem:s7+$0x1160];
	s7 =	sshra.s32 s8, $0x2;
	s8 =	sadd.s32 $0x200, s8  }
0x138: {  	v18 =	vimm.s32 $0xFEDCBA9;
	v19 =	vimm.s32 $0x87654321;
	v37 =	vimm.s32 $0x10FEDCBA  }
0x139: {  	v38 =	vimm.s32 $0x98765432;
	v22 =	vlaneseq.u32;
	v8 =	vadd.f32 v9, v8  }
0x13a: {  	v40 =	vimm.s32 $0x3210FEDC;
	v41 =	vimm.s32 $0xBA987654;
	v48 =	vimm.s32 $0xFEDCBA98  }
0x13b: {  	v49 =	vimm.s32 $0x76543210;
	v58 =	vimm.s32 $0x0;
	v2 =	vadd.f32 v2, v3  }
0x13c: {  	v30 =	vimm.s32 $0xBA98FEDC;
	v32 =	vimm.s32 $0x32107654;
	v34 =	vimm.s32 $0xDCFE98BA  }
0x13d: {  	v35 =	vimm.s32 $0x54761032;
	vm3 =	vcmask $0xB08;
	vm4 =	vcmask $0x1310  }
0x13e: {  	v20 =	vld [tilespmem:s7+$0x1130];
	vm5 =	vcmask $0x1714;
	v18 =	vunpack.c.l.s4.s8 v18;
	v19 =	vunpack.c.l.s4.s8 v19  }
0x13f: {  	vm11 =	vcmask $0x2724;
	vm8 =	vcmask $0x2B28;
	vm9 =	vcmask $0x2F2C  }
0x140: {  	v39 =	vld [tilespmem:s7+$0x1120];
	vm10 =	vcmask $0x3330;
	v18 =	vunpack.c.0.s8.s32 v18;
	v19 =	vunpack.c.0.s8.s32 v19  }
0x141: {  	v23 =	vld [tilespmem:$0x1FFD0];
	vm12 =	vcmask $0x3734;
	v16 =	vadd.f32 v17, v16;
	vm6 =	veq.s32 v22, $0xF  }
0x142: {  	v44 =	vld [tilespmem:s7+$0x1110];
	v42 =	vunpack.c.l.s4.s8 v40;
	v43 =	vunpack.c.l.s4.s8 v41;
	v36 =	vcombine.low v19, v18  }
0x143: {  	v46 =	vld [tilespmem:s7+$0x1100];
	v16 =	vadd.f32 v20, v16;
	v18 =	vunpack.c.l.s4.s8 v37;
	v19 =	vunpack.c.l.s4.s8 v38  }
0x144: {  	v24 =	vld [tilespmem:$0x1FFE0];
	v31 =	vunpack.c.l.s4.s8 v30;
	v11 =	vadd.f32 v11, v12;
	v17 =	vand.u32 $0xF, v36  }
0x145: {  	v55 =	vld [tilespmem:$0x1FFF0];
	v18 =	vunpack.c.0.s8.s32 v18;
	v19 =	vunpack.c.0.s8.s32 v19;
	v21 =	vperm.xlane v16, v17  }
0x146: {  	v10 =	vadd.f32 v15, v10;
	v8 =	vadd.f32 v39, v8;
	vm0 =	vnez.u8 v23  }
0x147: {  	v7 =	vadd.f32 v44, v7;
	v18 =	vcombine.low v19, v18;
	v9 =	vsel vm6, $0x0, v21  }
0x148: {  	v5 =	vadd.f32 v46, v5;
	v47 =	vperm.xlane v8, v17;
	v9 =	vadd.f32 v9, v16  }
0x149: {  	v19 =	vunpack.c.0.s8.s32 v43;
	v18 =	vand.u32 $0xF, v18;
	v16 =	vunpack.c.0.s8.s32 v42  }
0x14a: {  	vm1 =	vnez.u8 v24;
	vm2 =	vnez.u8 v55;
	v45 =	vperm.xlane v9, v18  }
0x14b: {  	v37 =	vadd.f32 v14, v13;
	v16 =	vcombine.low v19, v16;
	v19 =	vsel vm6, $0x0, v47  }
0x14c: {  	v50 =	vperm.xlane v7, v17;
	v8 =	vadd.f32 v19, v8;
	v20 =	vnsel vm0, $0x0, v45  }
0x14d: {  	v17 =	vperm.xlane v5, v17;
	v21 =	vunpack.c.l.s4.s8 v48;
	v9 =	vadd.f32 v20, v9  }
0x14e: {  	v19 =	vunpack.c.l.s4.s8 v49;
	v16 =	vand.u32 $0xF, v16;
	v51 =	vperm.xlane v8, v18  }
0x14f: {  	v23 =	vsel vm6, $0x0, v50;
	v21 =	vunpack.c.0.s8.s32 v21;
	v20 =	vperm.xlane v9, v16  }
0x150: {  	v7 =	vadd.f32 v23, v7;
	v19 =	vunpack.c.0.s8.s32 v19;
	v22 =	vnsel vm0, $0x0, v51  }
0x151: {  	v21 =	vand.u32 $0xF, v21;
	v22 =	vadd.f32 v22, v8;
	v20 =	vnsel vm1, $0x0, v20  }
0x152: {  	v52 =	vperm.xlane v7, v18;
	v8 =	vcombine.low v21, v19;
	v9 =	vadd.f32 v20, v9  }
0x153: {  	v46 =	vimm.s32 $0xEFCDAB89;
	v17 =	vsel vm6, $0x0, v17;
	v53 =	vperm.xlane v22, v16  }
0x154: {  	v5 =	vadd.f32 v17, v5;
	v19 =	vnsel vm0, $0x0, v52;
	v21 =	vperm.xlane v9, v8  }
0x155: {  	v43 =	vld [tilespmem:s7+$0x1170];
	v42 =	vimm.f32 $1.500000000e+01;
	v7 =	vadd.f32 v19, v7;
	v54 =	vnsel vm1, $0x0, v53  }
0x156: {  	v18 =	vperm.xlane v5, v18;
	v17 =	vadd.f32 v54, v22;
	v19 =	vnsel vm2, $0x0, v21  }
0x157: {  	v50 =	vld [tilespmem:s7+$0x1150];
	v47 =	vimm.s32 $0x67452301;
	v56 =	vperm.xlane v7, v16;
	v19 =	vadd.f32 v19, v9  }
0x158: {  	v23 =	vunpack.c.l.s4.s8 v47;
	v18 =	vnsel vm0, $0x0, v18;
	v57 =	vperm.xlane v17, v8  }
0x159: {  	v45 =	vld [tilespmem:s7+$0x1140];
	v5 =	vadd.f32 v18, v5;
	v20 =	vnsel vm1, $0x0, v56;
	v9 =	vadd.f32 $0.0e+00, v19  }
0x15a: {  	v6 =	vadd.f32 v43, v6;
	v7 =	vadd.f32 v20, v7;
	v21 =	vnsel vm2, $0x0, v57  }
0x15b: {  	v60 =	vperm.xlane v5, v16;
	v17 =	vadd.f32 v21, v17;
	v59 =	vperm.xlane v9, v58  }
0x15c: {  	v12 =	vadd.f32 v50, v37;
	v49 =	vunpack.c.0.s8.s32 v23;
	v61 =	vperm.xlane v7, v8  }
0x15d: {  	vm0 =	vcmask $0x300;
	v62 =	vnsel vm1, $0x0, v60;
	v16 =	vadd.f32 v17, v59  }
0x15e: {  	v11 =	vadd.f32 v45, v11;
	v63 =	vnsel vm2, $0x0, v61;
	v17 =	vadd.f32 v62, v5  }
0x15f: {  	v15 =	vsel vm0, $0x0, v42;
	v7 =	vadd.f32 v63, v7;
	v5 =	vperm.xlane v16, v58  }
0x160: {  	v11 =	vadd.f32 $0.0e+00, v11;
	v22 =	vunpack.c.l.s4.s8 v35;
	v24 =	vperm.xlane v17, v8  }
0x161: {  	v53 =	vld [tilespmem:s7+$0x1160];
	vm1 =	vcmask $0xF0C;
	v20 =	vunpack.c.l.s4.s8 v34;
	v25 =	vadd.f32 v7, v5  }
0x162: {  	v41 =	vunpack.c.0.s8.s32 v22;
	v22 =	vunpack.c.l.s4.s8 v46;
	v3 =	vnsel vm2, $0x0, v24  }
0x163: {  	v5 =	vadd.f32 $0.0e+00, v2;
	v3 =	vadd.f32 v3, v17;
	v2 =	vperm.xlane v25, v58  }
0x164: {  	v54 =	vimm.f32 $3.100000000e+01;
	v40 =	vunpack.c.0.s8.s32 v20;
	v48 =	vunpack.c.0.s8.s32 v22  }
0x165: {  	v7 =	vimm.f32 $1.000000000e+00;
	v26 =	vsub.f32 $1.024000000e+03, v5;
	v2 =	vadd.f32 v3, v2  }
0x166: {  	v22 =	vsel vm0, $0x41800000, v54;
	v10 =	vadd.f32 v53, v10;
	v27 =	vsel vm0, $0x0, v7  }
0x167: {  	vm7 =	vge.f32 v25, v26;
	v3 =	vimm.f32 $0.0e+00;
	vm13 =	vge.f32 v2, v26  }
0x168: {  	v57 =	vimm.f32 $4.700000000e+01;
	v28 =	vsel vm7, $0x3F800000, v3;
	v18 =	vnsel vm13, $0x0, v27  }
0x169: {  	v52 =	vcombine.low v49, v48;
	vm14 =	vge.f32 v16, v26;
	v18 =	vadd.f32 v18, v28  }
0x16a: {  	vm2 =	vcmask $0x3B38;
	v17 =	vunpack.c.0.s8.s32 v31;
	v29 =	vsel vm14, $0x3F800000, v3  }
0x16b: {  	v58 =	vimm.f32 $6.300000000e+01;
	vm15 =	vge.f32 v19, v26;
	v18 =	vadd.f32 v18, v29  }
0x16c: {  	v19 =	vunpack.c.l.s4.s8 v32;
	v33 =	vsel vm15, $0x3F800000, v3;
	vm15 =	vcmask $0x704  }
0x16d: {  	vm14 =	vcmask $0x1B18;
	vm7 =	vcmask $0x2320;
	v18 =	vadd.f32 v18, v33  }
0x16e: {  	v19 =	vunpack.c.0.s8.s32 v19;
	v15 =	vsel vm15, $0x3F800000, v15;
	v22 =	vsel vm15, $0x41880000, v22  }
0x16f: {  	v2 =	vadd.f32 $0.0e+00, v2;
	v15 =	vsel vm3, $0x40000000, v15;
	v36 =	vperm.xlane v18, v8  }
0x170: {  	vm13 =	vcmask $0x1F1C;
	v55 =	vsel vm3, $0x41900000, v22;
	v38 =	vcombine.low v19, v17  }
0x171: {  	v22 =	vsel vm0, $0x42000000, v57;
	v17 =	vcombine.low v41, v40;
	v39 =	vadd.f32 v18, v36  }
0x172: {  	v15 =	vsel vm1, $0x40400000, v15;
	v19 =	vsel vm1, $0x41980000, v55;
	v13 =	vand.u32 $0xF, v38  }
0x173: {  	v22 =	vsel vm15, $0x42040000, v22;
	v15 =	vsel vm4, $0x40800000, v15;
	v44 =	vperm.xlane v39, v13  }
0x174: {  	v19 =	vsel vm4, $0x41A00000, v19;
	v22 =	vsel vm3, $0x42080000, v22;
	v17 =	vand.u32 $0xF, v17  }
0x175: {  	v15 =	vsel vm5, $0x40A00000, v15;
	v19 =	vsel vm5, $0x41A80000, v19;
	v14 =	vadd.f32 v39, v44  }
0x176: {  	v22 =	vsel vm1, $0x420C0000, v22;
	v15 =	vsel vm14, $0x40C00000, v15;
	v19 =	vsel vm14, $0x41B00000, v19  }
0x177: {  	v22 =	vsel vm4, $0x42100000, v22;
	v15 =	vsel vm13, $0x40E00000, v15;
	v51 =	vperm.xlane v14, v17  }
0x178: {  	v19 =	vsel vm13, $0x41B80000, v19;
	v22 =	vsel vm5, $0x42140000, v22;
	v15 =	vsel vm7, $0x41000000, v15  }
0x179: {  	v19 =	vsel vm7, $0x41C00000, v19;
	v22 =	vsel vm14, $0x42180000, v22;
	v14 =	vadd.f32 v14, v51  }
0x17a: {  	v15 =	vsel vm11, $0x41100000, v15;
	v19 =	vsel vm11, $0x41C80000, v19;
	v18 =	vand.u32 $0xF, v52  }
0x17b: {  	v22 =	vsel vm13, $0x421C0000, v22;
	v15 =	vsel vm8, $0x41200000, v15;
	v23 =	vperm.xlane v14, v18  }
0x17c: {  	v19 =	vsel vm8, $0x41D00000, v19;
	v22 =	vsel vm7, $0x42200000, v22;
	v15 =	vsel vm9, $0x41300000, v15  }
0x17d: {  	v19 =	vsel vm9, $0x41D80000, v19;
	v14 =	vadd.f32 v14, v23;
	v23 =	vsel vm0, $0x42400000, v58  }
0x17e: {  	v59 =	vsel vm11, $0x42240000, v22;
	v15 =	vsel vm10, $0x41400000, v15;
	v23 =	vsel vm15, $0x42440000, v23  }
0x17f: {  	v19 =	vsel vm10, $0x41E00000, v19;
	v15 =	vsel vm12, $0x41500000, v15;
	v23 =	vsel vm3, $0x42480000, v23  }
0x180: {  	v19 =	vsel vm12, $0x41E80000, v19;
	v56 =	vadd.f32 $1.000000000e+00, v14;
	v23 =	vsel vm1, $0x424C0000, v23  }
0x181: {  	v15 =	vsel vm2, $0x41600000, v15;
	v19 =	vsel vm2, $0x41F00000, v19;
	v23 =	vsel vm4, $0x42500000, v23  }
0x182: {  	vm6 =	veq.f32 v56, v15;
	vm0 =	veq.f32 v56, v19;
	v23 =	vsel vm5, $0x42540000, v23  }
0x183: {  	vm1 =	vle.f32 v56, v15;
	v15 =	vsel vm8, $0x42280000, v59;
	v23 =	vsel vm14, $0x42580000, v23  }
0x184: {  	vm3 =	vle.f32 v56, v19;
	v2 =	vnsel vm6, $0x0, v2;
	v60 =	vsel vm13, $0x425C0000, v23  }
0x185: {  	v21 =	vnsel vm0, $0x0, v25;
	v15 =	vsel vm9, $0x422C0000, v15;
	v22 =	vsel vm7, $0x42600000, v60  }
0x186: {  	v11 =	vnsel vm1, $0x0, v11;
	v15 =	vsel vm10, $0x42300000, v15;
	v61 =	vsel vm11, $0x42640000, v22  }
0x187: {  	v2 =	vadd.f32 v21, v2;
	v15 =	vsel vm12, $0x42340000, v15;
	v21 =	vsel vm8, $0x42680000, v61  }
0x188: {  	v12 =	vnsel vm3, $0x0, v12;
	v15 =	vsel vm2, $0x42380000, v15;
	v62 =	vsel vm9, $0x426C0000, v21  }
0x189: {  	v11 =	vadd.f32 v12, v11;
	vm11 =	veq.f32 v56, v15;
	v19 =	vsel vm10, $0x42700000, v62  }
0x18a: {  	vm13 =	vle.f32 v56, v15;
	v16 =	vnsel vm11, $0x0, v16;
	v63 =	vsel vm12, $0x42740000, v19  }
0x18b: {  	v10 =	vnsel vm13, $0x0, v10;
	v2 =	vadd.f32 v2, v16;
	v12 =	vsel vm2, $0x42780000, v63  }
0x18c: {  	v10 =	vadd.f32 v11, v10;
	vm14 =	veq.f32 v56, v12;
	vm15 =	vle.f32 v56, v12  }
0x18d: {  	v9 =	vnsel vm14, $0x0, v9;
	v6 =	vnsel vm15, $0x0, v6  }
0x18e: {  	v2 =	vadd.f32 v2, v9;
	v6 =	vadd.f32 v10, v6;
	_ =	sdelay $0x1  }
0x18f: {  	v9 =	vperm.xlane v2, v8;
	v8 =	vperm.xlane v6, v8;
	_ =	sdelay $0x1  }
0x190: {  	v2 =	vadd.f32 v2, v9;
	v6 =	vadd.f32 v6, v8;
	_ =	sdelay $0x1  }
0x191: {  	[tilespmem:$0x1000] =	vst v3;
	v8 =	vperm.xlane v2, v13;
	v9 =	vperm.xlane v6, v13  }
0x192: {  	[tilespmem:$0x1010] =	vst v3  }
0x193: {  	[tilespmem:$0x1020] =	vst v3;
	v2 =	vadd.f32 v2, v8;
	v6 =	vadd.f32 v6, v9  }
0x194: {  	[tilespmem:$0x1030] =	vst v3;
	v10 =	vtrunc.f32 v14  }
0x195: {  	[tilespmem:$0x1040] =	vst v3;
	v8 =	vperm.xlane v2, v17;
	v9 =	vperm.xlane v6, v17  }
0x196: {  	[tilespmem:$0x1050] =	vst v3;
	v10 =	vcvt.f32.s32 v10  }
0x197: {  	[tilespmem:$0x1060] =	vst v3;
	v8 =	vadd.f32 v2, v8;
	v2 =	vadd.f32 v6, v9  }
0x198: {  	s8 =	simm.s32 $0x0;
	[tilespmem:$0x1070] =	vst v3;
	v6 =	vshll.u32 v10, $0x12  }
0x199: {  	s7 =	simm.s32 $0x1000;
	v6 =	vadd.s32 v4, v6;
	v4 =	vld [tilespmem:s8+$0xC00];
	s8 =	simm.s32 $0x40;
	v9 =	vperm.xlane v8, v18;
	v3 =	vperm.xlane v2, v18  }
.LBB2_11:
0x19a: {  	p0 =	sne.s32 s8, $0xFC0;
	_ =	sdelay $0x3  }
0x19b: {  	v10 =	vsub.s32 v4, v6  }
0x19c: {  	vm6 =	vge.s32 v4, v6;
	vm7 =	vlt.s32 v10, $0x40000  }
0x19d: {  	v10 =	vshrl.u32 v4, $0xC;
	vm6 =	vmand vm6, vm7  }
0x19e: {  	v10 =	vand.u32 $0x3F, v10  }
0x19f: {  	v11 =	vor.u32 $0x40, v10;
	_ =	sdelay $0x1  }
.Ltmp5:
0x1a0: {  	(pc) =	sbr.rel @p0 .LBB2_11-.Ltmp5, $4  }
0x1a1: {  	_ = 	snop  }
0x1a2: {  	[tilespmem:v10+s7+$0x0] =	vst.idx.add.f32.msk vm6, v7  }
0x1a3: {  	s9 =	sshra.s32 s8, $0x2;
	[tilespmem:v11+s7+$0x0] =	vst.idx.add.f32.msk vm6, v4  }
0x1a4: {  	s8 =	sadd.s32 $0x40, s8;
	v4 =	vld [tilespmem:s9+$0xC00]  }
0x1a5: {  	_ =	sdelay $0x3  }
0x1a6: {  	v10 =	vsub.s32 v4, v6  }
0x1a7: {  	vm6 =	vge.s32 v4, v6;
	vm7 =	vlt.s32 v10, $0x40000  }
0x1a8: {  	v10 =	vshrl.u32 v4, $0xC;
	vm6 =	vmand vm6, vm7  }
0x1a9: {  	v10 =	vand.u32 $0x3F, v10  }
0x1aa: {  	v11 =	vor.u32 $0x40, v10;
	_ =	sdelay $0x3  }
0x1ab: {  	[tilespmem:v10+s7+$0x0] =	vst.idx.add.f32.msk vm6, v7  }
0x1ac: {  	s29 =	simm.s32 $0x1000;
	s30 =	simm.s32 $0x1;
	[tilespmem:v11+s7+$0x0] =	vst.idx.add.f32.msk vm6, v4  }
0x1ad: {  	[spmem:s4] =	stream.linear.scatter [tilespmem:s29], [sflag:$0x1], $0x80, $0x38;
	[tilespmem:$0x2380] =	vst v63  }
0x1ae: {  	_ =	swait.ge [sflag:s30], $0x80  }
0x1af: {  	[sflag:s30] =	ssyncset.done $0x0  }
0x1b0: {  	s8 =	simm.s32 $0x80;
	[sflag:s30] =	ssyncadd.s32 $0xFFFFFF80  }
0x1b1: {  	s9 =	simm.s32 $0x100;
	s10 =	simm.s32 $0x1100;
	[bflag:$0x0] =	sbarrier.arrive $0xFFFF  }
0x1b2: {  	[tilespmem:s10], [sflag:$0x1] =	stream.strided.gather [spmem:s3], $0x800, s9, s8, $0x38;
	[tilespmem:$0x2380] =	vst v63  }
0x1b3: {  	_ =	swait.ge [sflag:s30], $0x800  }
0x1b4: {  	[sflag:s30] =	ssyncset.done $0x0  }
0x1b5: {  	s31 =	simm.s32 $0x0;
	[sflag:s30] =	ssyncadd.s32 $0xFFFFF800  }
0x1b6: {  	v4 =	vld [tilespmem:s31+$0x1170]  }
0x1b7: {  	v7 =	vld [tilespmem:s31+$0x1100]  }
0x1b8: {  	v10 =	vld [tilespmem:s31+$0x1110]  }
0x1b9: {  	v18 =	vld [tilespmem:s31+$0x1120]  }
0x1ba: {  	v20 =	vld [tilespmem:s31+$0x1130]  }
0x1bb: {  	v19 =	vimm.f32 $0.0e+00;
	v11 =	vimm.f32 $0.0e+00;
	v13 =	vld [tilespmem:s31+$0x1140]  }
0x1bc: {  	v14 =	vimm.f32 $0.0e+00;
	v15 =	vimm.f32 $0.0e+00;
	v16 =	vld [tilespmem:s31+$0x1150];
	v4 =	vadd.f32 v4, v11  }
0x1bd: {  	v12 =	vimm.f32 $0.0e+00;
	s7 =	simm.s32 $0x80;
	s8 =	simm.s32 $0x400;
	v17 =	vld [tilespmem:s31+$0x1160];
	v7 =	vadd.f32 v7, v11;
	v10 =	vadd.f32 v10, v11  }
.LBB2_13:
0x1be: {  	p0 =	sne.s32 s8, $0x1E00;
	v21 =	vld [tilespmem:s7+$0x1170];
	v11 =	vadd.f32 v18, v11  }
0x1bf: {  	v22 =	vld [tilespmem:s7+$0x1100];
	v19 =	vadd.f32 v20, v19  }
0x1c0: {  	v23 =	vld [tilespmem:s7+$0x1110];
	v14 =	vadd.f32 v13, v14  }
.Ltmp6:
0x1c1: {  	v18 =	vld [tilespmem:s7+$0x1120];
	v15 =	vadd.f32 v16, v15;
	(pc) =	sbr.rel @p0 .LBB2_13-.Ltmp6, $4  }
0x1c2: {  	v20 =	vld [tilespmem:s7+$0x1130];
	v12 =	vadd.f32 v17, v12  }
0x1c3: {  	v13 =	vld [tilespmem:s7+$0x1140];
	v4 =	vadd.f32 v21, v4  }
0x1c4: {  	v7 =	vadd.f32 v22, v7;
	v16 =	vld [tilespmem:s7+$0x1150]  }
0x1c5: {  	v10 =	vadd.f32 v23, v10;
	v17 =	vld [tilespmem:s7+$0x1160];
	s7 =	sshra.s32 s8, $0x2;
	s8 =	sadd.s32 $0x200, s8  }
0x1c6: {  	v21 =	vimm.s32 $0xFEDCBA9;
	v22 =	vimm.s32 $0x87654321;
	v28 =	vimm.s32 $0x10FEDCBA  }
0x1c7: {  	v29 =	vimm.s32 $0x98765432;
	v25 =	vlaneseq.u32;
	v11 =	vadd.f32 v18, v11  }
0x1c8: {  	v34 =	vimm.s32 $0x3210FEDC;
	v35 =	vimm.s32 $0xBA987654;
	v43 =	vimm.s32 $0xFEDCBA98  }
0x1c9: {  	v46 =	vimm.s32 $0x76543210;
	v58 =	vimm.s32 $0x0;
	v8 =	vadd.f32 v8, v9  }
0x1ca: {  	vm3 =	vcmask $0xB08;
	vm4 =	vcmask $0x1310;
	vm5 =	vcmask $0x1714  }
0x1cb: {  	vm11 =	vcmask $0x2724;
	vm8 =	vcmask $0x2B28;
	vm9 =	vcmask $0x2F2C  }
0x1cc: {  	v23 =	vld [tilespmem:s7+$0x1130];
	vm10 =	vcmask $0x3330;
	v21 =	vunpack.c.l.s4.s8 v21;
	v22 =	vunpack.c.l.s4.s8 v22  }
0x1cd: {  	v30 =	vld [tilespmem:s7+$0x1120];
	vm12 =	vcmask $0x3734;
	v19 =	vadd.f32 v20, v19;
	vm6 =	veq.s32 v25, $0xF  }
0x1ce: {  	v26 =	vld [tilespmem:s7+$0x1110];
	v37 =	vunpack.c.l.s4.s8 v35;
	v21 =	vunpack.c.0.s8.s32 v21;
	v22 =	vunpack.c.0.s8.s32 v22  }
0x1cf: {  	v42 =	vld [tilespmem:$0x1FFD0];
	v36 =	vunpack.c.l.s4.s8 v34;
	v34 =	vimm.s32 $0xDCFE98BA;
	v35 =	vimm.s32 $0x54761032  }
0x1d0: {  	v41 =	vld [tilespmem:s7+$0x1100];
	v13 =	vadd.f32 v13, v14;
	v38 =	vunpack.c.0.s8.s32 v37;
	v27 =	vcombine.low v22, v21  }
0x1d1: {  	v47 =	vld [tilespmem:$0x1FFE0];
	v19 =	vadd.f32 v23, v19;
	v21 =	vunpack.c.l.s4.s8 v28;
	v22 =	vunpack.c.l.s4.s8 v29  }
0x1d2: {  	v54 =	vld [tilespmem:$0x1FFF0];
	v37 =	vadd.f32 v16, v15;
	v12 =	vadd.f32 v17, v12;
	v20 =	vand.u32 $0xF, v27  }
0x1d3: {  	v31 =	vunpack.c.0.s8.s32 v21;
	v32 =	vunpack.c.0.s8.s32 v22;
	v24 =	vperm.xlane v19, v20  }
0x1d4: {  	v11 =	vadd.f32 v30, v11;
	v10 =	vadd.f32 v26, v10;
	vm0 =	vnez.u8 v42  }
0x1d5: {  	v26 =	vunpack.c.l.s4.s8 v46;
	v18 =	vcombine.low v32, v31;
	v33 =	vsel vm6, $0x0, v24  }
0x1d6: {  	v7 =	vadd.f32 v41, v7;
	vm1 =	vnez.u8 v47;
	v19 =	vadd.f32 v33, v19  }
0x1d7: {  	vm2 =	vnez.u8 v54;
	v40 =	vperm.xlane v11, v20;
	v18 =	vand.u32 $0xF, v18  }
0x1d8: {  	v30 =	vimm.s32 $0xBA98FEDC;
	v21 =	vunpack.c.0.s8.s32 v36;
	v39 =	vperm.xlane v19, v18  }
0x1d9: {  	v42 =	vimm.f32 $1.500000000e+01;
	v44 =	vperm.xlane v10, v20;
	v22 =	vsel vm6, $0x0, v40  }
0x1da: {  	v21 =	vcombine.low v38, v21;
	v11 =	vadd.f32 v22, v11;
	v23 =	vnsel vm0, $0x0, v39  }
0x1db: {  	v46 =	vimm.s32 $0xEFCDAB89;
	v19 =	vadd.f32 v23, v19;
	v23 =	vunpack.c.l.s4.s8 v43  }
0x1dc: {  	v21 =	vand.u32 $0xF, v21;
	v22 =	vsel vm6, $0x0, v44;
	v27 =	vperm.xlane v11, v18  }
0x1dd: {  	v22 =	vadd.f32 v22, v10;
	v45 =	vperm.xlane v19, v21;
	v10 =	vunpack.c.0.s8.s32 v23  }
0x1de: {  	v48 =	vunpack.c.0.s8.s32 v26;
	v20 =	vperm.xlane v7, v20;
	v49 =	vnsel vm0, $0x0, v27  }
0x1df: {  	v11 =	vadd.f32 v49, v11;
	v23 =	vnsel vm1, $0x0, v45;
	v10 =	vand.u32 $0xF, v10  }
0x1e0: {  	v50 =	vperm.xlane v22, v18;
	v19 =	vadd.f32 v23, v19;
	v10 =	vcombine.low v10, v48  }
0x1e1: {  	v47 =	vimm.s32 $0x67452301;
	v20 =	vsel vm6, $0x0, v20;
	v51 =	vperm.xlane v11, v21  }
0x1e2: {  	v7 =	vadd.f32 v20, v7;
	v23 =	vnsel vm0, $0x0, v50;
	v52 =	vperm.xlane v19, v10  }
0x1e3: {  	v24 =	vunpack.c.l.s4.s8 v35;
	v53 =	vnsel vm1, $0x0, v51;
	v22 =	vadd.f32 v23, v22  }
0x1e4: {  	v20 =	vadd.f32 v53, v11;
	v11 =	vperm.xlane v7, v18;
	v23 =	vnsel vm2, $0x0, v52  }
0x1e5: {  	v54 =	vimm.f32 $3.100000000e+01;
	v55 =	vperm.xlane v22, v21;
	v19 =	vadd.f32 v23, v19  }
0x1e6: {  	v41 =	vunpack.c.0.s8.s32 v24;
	v56 =	vperm.xlane v20, v10;
	v57 =	vnsel vm0, $0x0, v11  }
0x1e7: {  	v43 =	vld [tilespmem:s7+$0x1170];
	v7 =	vadd.f32 v57, v7;
	v18 =	vnsel vm1, $0x0, v55;
	v11 =	vadd.f32 $0.0e+00, v19  }
0x1e8: {  	v24 =	vunpack.c.l.s4.s8 v46;
	v23 =	vnsel vm2, $0x0, v56;
	v22 =	vadd.f32 v18, v22  }
0x1e9: {  	v45 =	vld [tilespmem:s7+$0x1140];
	v21 =	vperm.xlane v7, v21;
	v20 =	vadd.f32 v23, v20;
	v59 =	vperm.xlane v11, v58  }
0x1ea: {  	v31 =	vunpack.c.l.s4.s8 v30;
	v32 =	vimm.s32 $0x32107654;
	v50 =	vld [tilespmem:s7+$0x1150];
	v60 =	vperm.xlane v22, v10  }
0x1eb: {  	v48 =	vunpack.c.0.s8.s32 v24;
	v53 =	vld [tilespmem:s7+$0x1160];
	v61 =	vnsel vm1, $0x0, v21;
	v18 =	vadd.f32 v20, v59  }
0x1ec: {  	v4 =	vadd.f32 v43, v4;
	v62 =	vnsel vm2, $0x0, v60;
	v20 =	vadd.f32 v61, v7  }
0x1ed: {  	vm0 =	vcmask $0x300;
	v21 =	vadd.f32 v62, v22;
	v7 =	vperm.xlane v18, v58  }
0x1ee: {  	v17 =	vsel vm0, $0x0, v42;
	v13 =	vadd.f32 v45, v13;
	v63 =	vperm.xlane v20, v10  }
0x1ef: {  	v24 =	vsel vm0, $0x41800000, v54;
	v14 =	vadd.f32 v50, v37;
	v9 =	vadd.f32 v21, v7  }
0x1f0: {  	v12 =	vadd.f32 v53, v12;
	v25 =	vnsel vm2, $0x0, v63;
	v7 =	vadd.f32 v8, v5  }
0x1f1: {  	v23 =	vunpack.c.l.s4.s8 v34;
	v8 =	vadd.f32 v25, v20;
	v5 =	vperm.xlane v9, v58  }
0x1f2: {  	v57 =	vimm.f32 $4.700000000e+01;
	v13 =	vadd.f32 $0.0e+00, v13;
	v26 =	vsub.f32 $1.024000000e+03, v7  }
0x1f3: {  	vm1 =	vcmask $0xF0C;
	v40 =	vunpack.c.0.s8.s32 v23;
	v20 =	vadd.f32 v8, v5  }
0x1f4: {  	v21 =	vunpack.c.l.s4.s8 v32;
	v8 =	vimm.f32 $1.000000000e+00;
	vm7 =	vge.f32 v9, v26  }
0x1f5: {  	v5 =	vimm.f32 $0.0e+00;
	v27 =	vsel vm0, $0x0, v8;
	vm13 =	vge.f32 v20, v26  }
0x1f6: {  	vm2 =	vcmask $0x3B38;
	v28 =	vsel vm7, $0x3F800000, v5;
	v22 =	vnsel vm13, $0x0, v27  }
0x1f7: {  	v25 =	vunpack.c.l.s4.s8 v47;
	vm14 =	vge.f32 v18, v26;
	v22 =	vadd.f32 v22, v28  }
0x1f8: {  	v21 =	vunpack.c.0.s8.s32 v21;
	v58 =	vimm.f32 $6.300000000e+01;
	v29 =	vsel vm14, $0x3F800000, v5  }
0x1f9: {  	v49 =	vunpack.c.0.s8.s32 v25;
	vm15 =	vge.f32 v19, v26;
	v22 =	vadd.f32 v22, v29  }
0x1fa: {  	v19 =	vunpack.c.0.s8.s32 v31;
	v33 =	vsel vm15, $0x3F800000, v5;
	vm15 =	vcmask $0x704  }
0x1fb: {  	v52 =	vcombine.low v49, v48;
	vm14 =	vcmask $0x1B18;
	v22 =	vadd.f32 v22, v33  }
0x1fc: {  	vm7 =	vcmask $0x2320;
	v38 =	vcombine.low v21, v19;
	v19 =	vcombine.low v41, v40  }
0x1fd: {  	v17 =	vsel vm15, $0x3F800000, v17;
	v24 =	vsel vm15, $0x41880000, v24;
	v36 =	vperm.xlane v22, v10  }
0x1fe: {  	v20 =	vadd.f32 $0.0e+00, v20;
	v17 =	vsel vm3, $0x40000000, v17;
	vm13 =	vcmask $0x1F1C  }
0x1ff: {  	v21 =	vand.u32 $0xF, v52;
	v55 =	vsel vm3, $0x41900000, v24;
	v39 =	vadd.f32 v22, v36  }
0x200: {  	v24 =	vsel vm0, $0x42000000, v57;
	v15 =	vand.u32 $0xF, v38;
	v17 =	vsel vm1, $0x40400000, v17  }
0x201: {  	v24 =	vsel vm15, $0x42040000, v24;
	v17 =	vsel vm4, $0x40800000, v17;
	v44 =	vperm.xlane v39, v15  }
0x202: {  	v19 =	vand.u32 $0xF, v19;
	v24 =	vsel vm3, $0x42080000, v24;
	v17 =	vsel vm5, $0x40A00000, v17  }
0x203: {  	v24 =	vsel vm1, $0x420C0000, v24;
	v17 =	vsel vm14, $0x40C00000, v17;
	v16 =	vadd.f32 v39, v44  }
0x204: {  	v24 =	vsel vm4, $0x42100000, v24;
	v17 =	vsel vm13, $0x40E00000, v17;
	v22 =	vsel vm1, $0x41980000, v55  }
0x205: {  	v24 =	vsel vm5, $0x42140000, v24;
	v22 =	vsel vm4, $0x41A00000, v22;
	v51 =	vperm.xlane v16, v19  }
0x206: {  	v17 =	vsel vm7, $0x41000000, v17;
	v24 =	vsel vm14, $0x42180000, v24;
	v22 =	vsel vm5, $0x41A80000, v22  }
0x207: {  	v17 =	vsel vm11, $0x41100000, v17;
	v22 =	vsel vm14, $0x41B00000, v22;
	v16 =	vadd.f32 v16, v51  }
0x208: {  	v24 =	vsel vm13, $0x421C0000, v24;
	v17 =	vsel vm8, $0x41200000, v17;
	v22 =	vsel vm13, $0x41B80000, v22  }
0x209: {  	v24 =	vsel vm7, $0x42200000, v24;
	v22 =	vsel vm7, $0x41C00000, v22;
	v25 =	vperm.xlane v16, v21  }
0x20a: {  	v17 =	vsel vm9, $0x41300000, v17;
	v59 =	vsel vm11, $0x42240000, v24;
	v22 =	vsel vm11, $0x41C80000, v22  }
0x20b: {  	v22 =	vsel vm8, $0x41D00000, v22;
	v16 =	vadd.f32 v16, v25;
	v25 =	vsel vm0, $0x42400000, v58  }
0x20c: {  	v17 =	vsel vm10, $0x41400000, v17;
	v22 =	vsel vm9, $0x41D80000, v22;
	v25 =	vsel vm15, $0x42440000, v25  }
0x20d: {  	v17 =	vsel vm12, $0x41500000, v17;
	v22 =	vsel vm10, $0x41E00000, v22;
	v25 =	vsel vm3, $0x42480000, v25  }
0x20e: {  	v22 =	vsel vm12, $0x41E80000, v22;
	v56 =	vadd.f32 $1.000000000e+00, v16;
	v25 =	vsel vm1, $0x424C0000, v25  }
0x20f: {  	v17 =	vsel vm2, $0x41600000, v17;
	v22 =	vsel vm2, $0x41F00000, v22;
	v25 =	vsel vm4, $0x42500000, v25  }
0x210: {  	vm6 =	veq.f32 v56, v17;
	vm0 =	veq.f32 v56, v22;
	v25 =	vsel vm5, $0x42540000, v25  }
0x211: {  	vm1 =	vle.f32 v56, v17;
	v17 =	vsel vm8, $0x42280000, v59;
	v25 =	vsel vm14, $0x42580000, v25  }
0x212: {  	vm3 =	vle.f32 v56, v22;
	v20 =	vnsel vm6, $0x0, v20;
	v60 =	vsel vm13, $0x425C0000, v25  }
0x213: {  	v9 =	vnsel vm0, $0x0, v9;
	v17 =	vsel vm9, $0x422C0000, v17;
	v24 =	vsel vm7, $0x42600000, v60  }
0x214: {  	v13 =	vnsel vm1, $0x0, v13;
	v17 =	vsel vm10, $0x42300000, v17;
	v61 =	vsel vm11, $0x42640000, v24  }
0x215: {  	v9 =	vadd.f32 v9, v20;
	v17 =	vsel vm12, $0x42340000, v17;
	v20 =	vsel vm8, $0x42680000, v61  }
0x216: {  	v14 =	vnsel vm3, $0x0, v14;
	v17 =	vsel vm2, $0x42380000, v17;
	v20 =	vsel vm9, $0x426C0000, v20  }
0x217: {  	v13 =	vadd.f32 v14, v13;
	vm11 =	veq.f32 v56, v17;
	v20 =	vsel vm10, $0x42700000, v20  }
0x218: {  	vm13 =	vle.f32 v56, v17;
	v18 =	vnsel vm11, $0x0, v18;
	v62 =	vsel vm12, $0x42740000, v20  }
0x219: {  	v12 =	vnsel vm13, $0x0, v12;
	v9 =	vadd.f32 v9, v18;
	v14 =	vsel vm2, $0x42780000, v62  }
0x21a: {  	v12 =	vadd.f32 v13, v12;
	vm14 =	veq.f32 v56, v14;
	vm15 =	vle.f32 v56, v14  }
0x21b: {  	v11 =	vnsel vm14, $0x0, v11;
	v4 =	vnsel vm15, $0x0, v4  }
0x21c: {  	v9 =	vadd.f32 v9, v11;
	v4 =	vadd.f32 v12, v4;
	_ =	sdelay $0x1  }
0x21d: {  	v11 =	vperm.xlane v9, v10;
	v10 =	vperm.xlane v4, v10;
	_ =	sdelay $0x1  }
0x21e: {  	v9 =	vadd.f32 v9, v11;
	v4 =	vadd.f32 v4, v10;
	_ =	sdelay $0x1  }
0x21f: {  	[tilespmem:$0x1000] =	vst v5;
	v10 =	vperm.xlane v9, v15;
	v11 =	vperm.xlane v4, v15  }
0x220: {  	[tilespmem:$0x1010] =	vst v5  }
0x221: {  	[tilespmem:$0x1020] =	vst v5;
	v9 =	vadd.f32 v9, v10;
	v4 =	vadd.f32 v4, v11  }
0x222: {  	[tilespmem:$0x1030] =	vst v5;
	v63 =	vtrunc.f32 v16  }
0x223: {  	[tilespmem:$0x1040] =	vst v5;
	v10 =	vperm.xlane v9, v19;
	v11 =	vperm.xlane v4, v19  }
0x224: {  	[tilespmem:$0x1050] =	vst v5;
	v12 =	vcvt.f32.s32 v63  }
0x225: {  	[tilespmem:$0x1060] =	vst v5;
	v9 =	vadd.f32 v9, v10;
	v4 =	vadd.f32 v4, v11  }
0x226: {  	s8 =	simm.s32 $0x0;
	[tilespmem:$0x1070] =	vst v5;
	v11 =	vshll.u32 v12, $0xC  }
0x227: {  	s7 =	simm.s32 $0x1000;
	v6 =	vadd.s32 v6, v11;
	v11 =	vld [tilespmem:s8+$0xC00];
	s8 =	simm.s32 $0x40;
	v10 =	vperm.xlane v9, v21;
	v5 =	vperm.xlane v4, v21  }
.LBB2_15:
0x228: {  	p0 =	sne.s32 s8, $0xFC0;
	_ =	sdelay $0x3  }
0x229: {  	v12 =	vsub.s32 v11, v6  }
0x22a: {  	vm6 =	vge.s32 v11, v6;
	vm7 =	vlt.s32 v12, $0x1000  }
0x22b: {  	v12 =	vshrl.u32 v11, $0x6;
	vm6 =	vmand vm6, vm7  }
0x22c: {  	v12 =	vand.u32 $0x3F, v12  }
0x22d: {  	v13 =	vor.u32 $0x40, v12;
	_ =	sdelay $0x1  }
.Ltmp7:
0x22e: {  	(pc) =	sbr.rel @p0 .LBB2_15-.Ltmp7, $4  }
0x22f: {  	_ = 	snop  }
0x230: {  	[tilespmem:v12+s7+$0x0] =	vst.idx.add.f32.msk vm6, v8  }
0x231: {  	s9 =	sshra.s32 s8, $0x2;
	[tilespmem:v13+s7+$0x0] =	vst.idx.add.f32.msk vm6, v11  }
0x232: {  	s8 =	sadd.s32 $0x40, s8;
	v11 =	vld [tilespmem:s9+$0xC00]  }
0x233: {  	_ =	sdelay $0x3  }
0x234: {  	v12 =	vsub.s32 v11, v6  }
0x235: {  	vm6 =	vge.s32 v11, v6;
	vm7 =	vlt.s32 v12, $0x1000  }
0x236: {  	v12 =	vshrl.u32 v11, $0x6;
	vm6 =	vmand vm6, vm7  }
0x237: {  	v12 =	vand.u32 $0x3F, v12  }
0x238: {  	v13 =	vor.u32 $0x40, v12;
	_ =	sdelay $0x3  }
0x239: {  	[tilespmem:v12+s7+$0x0] =	vst.idx.add.f32.msk vm6, v8  }
0x23a: {  	s28 =	simm.s32 $0x1000;
	s29 =	simm.s32 $0x1;
	[tilespmem:v13+s7+$0x0] =	vst.idx.add.f32.msk vm6, v11  }
0x23b: {  	[spmem:s6] =	stream.linear.scatter [tilespmem:s28], [sflag:$0x1], $0x80, $0x38;
	[tilespmem:$0x2380] =	vst v63  }
0x23c: {  	_ =	swait.ge [sflag:s29], $0x80  }
0x23d: {  	[sflag:s29] =	ssyncset.done $0x0  }
0x23e: {  	s30 =	simm.s32 $0x80;
	[sflag:s29] =	ssyncadd.s32 $0xFFFFFF80  }
0x23f: {  	s8 =	simm.s32 $0x100;
	s9 =	simm.s32 $0x1100;
	[bflag:$0x0] =	sbarrier.arrive $0xFFFF  }
0x240: {  	[tilespmem:s9], [sflag:$0x1] =	stream.strided.gather [spmem:s5], $0x800, s8, s30, $0x38;
	[tilespmem:$0x2380] =	vst v63  }
0x241: {  	_ =	swait.ge [sflag:s29], $0x800  }
0x242: {  	[sflag:s29] =	ssyncset.done $0x0  }
0x243: {  	s31 =	simm.s32 $0x0;
	[sflag:s29] =	ssyncadd.s32 $0xFFFFF800  }
0x244: {  	v8 =	vld [tilespmem:s31+$0x1170]  }
0x245: {  	v12 =	vld [tilespmem:s31+$0x1100]  }
0x246: {  	v14 =	vld [tilespmem:s31+$0x1110]  }
0x247: {  	v20 =	vld [tilespmem:s31+$0x1120]  }
0x248: {  	v22 =	vld [tilespmem:s31+$0x1130]  }
0x249: {  	v21 =	vimm.f32 $0.0e+00;
	v13 =	vimm.f32 $0.0e+00;
	v15 =	vld [tilespmem:s31+$0x1140]  }
0x24a: {  	v16 =	vimm.f32 $0.0e+00;
	v17 =	vimm.f32 $0.0e+00;
	v18 =	vld [tilespmem:s31+$0x1150];
	v11 =	vadd.f32 v8, v13  }
0x24b: {  	s6 =	simm.s32 $0x400;
	s5 =	simm.s32 $0x80;
	v19 =	vld [tilespmem:s31+$0x1160];
	v8 =	vadd.f32 v12, v13;
	v12 =	vadd.f32 v14, v13;
	v14 =	vimm.f32 $0.0e+00  }
.LBB2_17:
0x24c: {  	p0 =	sne.s32 s6, $0x1E00;
	v23 =	vld [tilespmem:s5+$0x1170];
	v13 =	vadd.f32 v20, v13  }
0x24d: {  	v24 =	vld [tilespmem:s5+$0x1100];
	v21 =	vadd.f32 v22, v21  }
0x24e: {  	v25 =	vld [tilespmem:s5+$0x1110];
	v16 =	vadd.f32 v15, v16  }
.Ltmp8:
0x24f: {  	v20 =	vld [tilespmem:s5+$0x1120];
	v17 =	vadd.f32 v18, v17;
	(pc) =	sbr.rel @p0 .LBB2_17-.Ltmp8, $4  }
0x250: {  	v22 =	vld [tilespmem:s5+$0x1130];
	v14 =	vadd.f32 v19, v14  }
0x251: {  	v15 =	vld [tilespmem:s5+$0x1140];
	v11 =	vadd.f32 v23, v11  }
0x252: {  	v8 =	vadd.f32 v24, v8;
	v18 =	vld [tilespmem:s5+$0x1150]  }
0x253: {  	v12 =	vadd.f32 v25, v12;
	v19 =	vld [tilespmem:s5+$0x1160];
	s5 =	sshra.s32 s6, $0x2;
	s6 =	sadd.s32 $0x200, s6  }
0x254: {  	v23 =	vimm.s32 $0xFEDCBA9;
	v24 =	vimm.s32 $0x87654321;
	v31 =	vimm.s32 $0x10FEDCBA  }
0x255: {  	v32 =	vimm.s32 $0x98765432;
	v27 =	vlaneseq.u32;
	v13 =	vadd.f32 v20, v13  }
0x256: {  	v36 =	vimm.s32 $0x3210FEDC;
	v37 =	vimm.s32 $0xBA987654;
	v45 =	vimm.s32 $0xFEDCBA98  }
0x257: {  	v48 =	vimm.s32 $0x76543210;
	v62 =	vimm.s32 $0x0;
	v9 =	vadd.f32 v9, v10  }
0x258: {  	vm3 =	vcmask $0xB08;
	vm4 =	vcmask $0x1310;
	vm5 =	vcmask $0x1714  }
0x259: {  	vm11 =	vcmask $0x2724;
	vm8 =	vcmask $0x2B28;
	vm9 =	vcmask $0x2F2C  }
0x25a: {  	v25 =	vld [tilespmem:s5+$0x1130];
	vm10 =	vcmask $0x3330;
	v23 =	vunpack.c.l.s4.s8 v23;
	v24 =	vunpack.c.l.s4.s8 v24  }
0x25b: {  	vm12 =	vcmask $0x3734;
	v21 =	vadd.f32 v22, v21;
	vm6 =	veq.s32 v27, $0xF  }
0x25c: {  	v33 =	vld [tilespmem:s5+$0x1120];
	v39 =	vunpack.c.l.s4.s8 v37;
	v23 =	vunpack.c.0.s8.s32 v23;
	v24 =	vunpack.c.0.s8.s32 v24  }
0x25d: {  	v28 =	vld [tilespmem:s5+$0x1110];
	v38 =	vunpack.c.l.s4.s8 v36;
	v36 =	vimm.s32 $0x32107654;
	v15 =	vadd.f32 v15, v16  }
0x25e: {  	v44 =	vld [tilespmem:$0x1FFD0];
	v40 =	vunpack.c.0.s8.s32 v39;
	v39 =	vimm.s32 $0x54761032;
	v30 =	vcombine.low v24, v23  }
0x25f: {  	v43 =	vld [tilespmem:s5+$0x1100];
	v21 =	vadd.f32 v25, v21;
	v23 =	vunpack.c.l.s4.s8 v31;
	v24 =	vunpack.c.l.s4.s8 v32  }
0x260: {  	v50 =	vld [tilespmem:$0x1FFE0];
	v16 =	vadd.f32 v18, v17;
	v14 =	vadd.f32 v19, v14;
	v22 =	vand.u32 $0xF, v30  }
0x261: {  	v57 =	vld [tilespmem:$0x1FFF0];
	v20 =	vunpack.c.0.s8.s32 v23;
	v34 =	vunpack.c.0.s8.s32 v24;
	v26 =	vperm.xlane v21, v22  }
0x262: {  	v19 =	vimm.f32 $1.500000000e+01;
	v13 =	vadd.f32 v33, v13;
	v12 =	vadd.f32 v28, v12  }
0x263: {  	vm0 =	vnez.u8 v44;
	v20 =	vcombine.low v34, v20;
	v35 =	vsel vm6, $0x0, v26  }
0x264: {  	v28 =	vunpack.c.l.s4.s8 v48;
	v8 =	vadd.f32 v43, v8;
	v21 =	vadd.f32 v35, v21  }
0x265: {  	vm1 =	vnez.u8 v50;
	v42 =	vperm.xlane v13, v22;
	v20 =	vand.u32 $0xF, v20  }
0x266: {  	vm2 =	vnez.u8 v57;
	v23 =	vunpack.c.0.s8.s32 v38;
	v41 =	vperm.xlane v21, v20  }
0x267: {  	v57 =	vimm.f32 $4.700000000e+01;
	v51 =	vunpack.c.0.s8.s32 v28;
	v24 =	vsel vm6, $0x0, v42  }
0x268: {  	v23 =	vcombine.low v40, v23;
	v13 =	vadd.f32 v24, v13;
	v25 =	vnsel vm0, $0x0, v41  }
0x269: {  	v46 =	vperm.xlane v12, v22;
	v21 =	vadd.f32 v25, v21;
	v25 =	vunpack.c.l.s4.s8 v45  }
0x26a: {  	v38 =	vimm.s32 $0xDCFE98BA;
	v23 =	vand.u32 $0xF, v23;
	v29 =	vperm.xlane v13, v20  }
0x26b: {  	v24 =	vsel vm6, $0x0, v46;
	v47 =	vperm.xlane v21, v23;
	v49 =	vunpack.c.0.s8.s32 v25  }
0x26c: {  	v22 =	vperm.xlane v8, v22;
	v24 =	vadd.f32 v24, v12;
	v52 =	vnsel vm0, $0x0, v29  }
0x26d: {  	v13 =	vadd.f32 v52, v13;
	v25 =	vnsel vm1, $0x0, v47;
	v12 =	vand.u32 $0xF, v49  }
0x26e: {  	v43 =	vld [tilespmem:s5+$0x1170];
	v53 =	vperm.xlane v24, v20;
	v21 =	vadd.f32 v25, v21;
	v12 =	vcombine.low v12, v51  }
0x26f: {  	v50 =	vld [tilespmem:s5+$0x1150];
	v34 =	vimm.s32 $0xBA98FEDC;
	v22 =	vsel vm6, $0x0, v22;
	v54 =	vperm.xlane v13, v23  }
0x270: {  	v8 =	vadd.f32 v22, v8;
	v25 =	vnsel vm0, $0x0, v53;
	v55 =	vperm.xlane v21, v12  }
0x271: {  	v26 =	vunpack.c.l.s4.s8 v39;
	v56 =	vnsel vm1, $0x0, v54;
	v24 =	vadd.f32 v25, v24  }
0x272: {  	v58 =	vperm.xlane v8, v20;
	v22 =	vadd.f32 v56, v13;
	v25 =	vnsel vm2, $0x0, v55  }
0x273: {  	v11 =	vadd.f32 v43, v11;
	v20 =	vperm.xlane v24, v23;
	v21 =	vadd.f32 v25, v21  }
0x274: {  	v16 =	vadd.f32 v50, v16;
	v60 =	vnsel vm0, $0x0, v58;
	v59 =	vperm.xlane v22, v12  }
0x275: {  	v8 =	vadd.f32 v60, v8;
	v20 =	vnsel vm1, $0x0, v20;
	v61 =	vadd.f32 $0.0e+00, v21  }
0x276: {  	v46 =	vimm.s32 $0xEFCDAB89;
	v25 =	vnsel vm2, $0x0, v59;
	v24 =	vadd.f32 v20, v24  }
0x277: {  	v23 =	vperm.xlane v8, v23;
	v22 =	vadd.f32 v25, v22;
	v20 =	vperm.xlane v61, v62  }
0x278: {  	v42 =	vunpack.c.0.s8.s32 v26;
	v26 =	vunpack.c.l.s4.s8 v46;
	v45 =	vld [tilespmem:s5+$0x1140];
	v63 =	vperm.xlane v24, v12  }
0x279: {  	v35 =	vunpack.c.l.s4.s8 v34;
	v27 =	vnsel vm1, $0x0, v23;
	v20 =	vadd.f32 v22, v20  }
0x27a: {  	v48 =	vunpack.c.0.s8.s32 v26;
	v28 =	vnsel vm2, $0x0, v63;
	v22 =	vadd.f32 v27, v8  }
0x27b: {  	v58 =	vimm.f32 $6.300000000e+01;
	v53 =	vld [tilespmem:s5+$0x1160];
	v23 =	vadd.f32 v28, v24;
	v8 =	vperm.xlane v20, v62  }
0x27c: {  	v47 =	vimm.s32 $0x67452301;
	v54 =	vimm.f32 $3.100000000e+01;
	v29 =	vperm.xlane v22, v12  }
0x27d: {  	vm0 =	vcmask $0x300;
	v15 =	vadd.f32 v45, v15;
	v23 =	vadd.f32 v23, v8  }
0x27e: {  	v19 =	vsel vm0, $0x0, v19;
	v26 =	vsel vm0, $0x41800000, v54;
	v10 =	vnsel vm2, $0x0, v29  }
0x27f: {  	v8 =	vadd.f32 v9, v7;
	v9 =	vadd.f32 v10, v22;
	v7 =	vperm.xlane v23, v62  }
0x280: {  	v15 =	vadd.f32 $0.0e+00, v15;
	vm1 =	vcmask $0xF0C;
	v14 =	vadd.f32 v53, v14  }
0x281: {  	v10 =	vimm.f32 $1.000000000e+00;
	v30 =	vsub.f32 $1.024000000e+03, v8;
	v7 =	vadd.f32 v9, v7  }
0x282: {  	v25 =	vunpack.c.l.s4.s8 v38;
	v27 =	vunpack.c.l.s4.s8 v47;
	v31 =	vsel vm0, $0x0, v10  }
0x283: {  	vm7 =	vge.f32 v23, v30;
	v9 =	vimm.f32 $0.0e+00;
	vm13 =	vge.f32 v7, v30  }
0x284: {  	v49 =	vunpack.c.0.s8.s32 v27;
	v32 =	vsel vm7, $0x3F800000, v9;
	v24 =	vnsel vm13, $0x0, v31  }
0x285: {  	v41 =	vunpack.c.0.s8.s32 v25;
	vm14 =	vge.f32 v20, v30;
	v24 =	vadd.f32 v24, v32  }
0x286: {  	v52 =	vcombine.low v49, v48;
	v22 =	vunpack.c.l.s4.s8 v36;
	v33 =	vsel vm14, $0x3F800000, v9  }
0x287: {  	vm2 =	vcmask $0x3B38;
	vm15 =	vge.f32 v21, v30;
	v24 =	vadd.f32 v24, v33  }
0x288: {  	v22 =	vunpack.c.0.s8.s32 v22;
	v21 =	vunpack.c.0.s8.s32 v35;
	v37 =	vsel vm15, $0x3F800000, v9  }
0x289: {  	vm15 =	vcmask $0x704;
	vm14 =	vcmask $0x1B18;
	v24 =	vadd.f32 v24, v37  }
0x28a: {  	vm7 =	vcmask $0x2320;
	v17 =	vcombine.low v22, v21;
	v21 =	vcombine.low v42, v41  }
0x28b: {  	v19 =	vsel vm15, $0x3F800000, v19;
	v22 =	vand.u32 $0xF, v52;
	v40 =	vperm.xlane v24, v12  }
0x28c: {  	v26 =	vsel vm15, $0x41880000, v26;
	v7 =	vadd.f32 $0.0e+00, v7;
	v19 =	vsel vm3, $0x40000000, v19  }
0x28d: {  	vm13 =	vcmask $0x1F1C;
	v55 =	vsel vm3, $0x41900000, v26;
	v18 =	vadd.f32 v24, v40  }
0x28e: {  	v26 =	vsel vm0, $0x42000000, v57;
	v17 =	vand.u32 $0xF, v17;
	v19 =	vsel vm1, $0x40400000, v19  }
0x28f: {  	v26 =	vsel vm15, $0x42040000, v26;
	v19 =	vsel vm4, $0x40800000, v19;
	v44 =	vperm.xlane v18, v17  }
0x290: {  	v21 =	vand.u32 $0xF, v21;
	v26 =	vsel vm3, $0x42080000, v26;
	v19 =	vsel vm5, $0x40A00000, v19  }
0x291: {  	v26 =	vsel vm1, $0x420C0000, v26;
	v19 =	vsel vm14, $0x40C00000, v19;
	v18 =	vadd.f32 v18, v44  }
0x292: {  	v26 =	vsel vm4, $0x42100000, v26;
	v19 =	vsel vm13, $0x40E00000, v19;
	v24 =	vsel vm1, $0x41980000, v55  }
0x293: {  	v26 =	vsel vm5, $0x42140000, v26;
	v24 =	vsel vm4, $0x41A00000, v24;
	v51 =	vperm.xlane v18, v21  }
0x294: {  	v19 =	vsel vm7, $0x41000000, v19;
	v26 =	vsel vm14, $0x42180000, v26;
	v24 =	vsel vm5, $0x41A80000, v24  }
0x295: {  	v19 =	vsel vm11, $0x41100000, v19;
	v24 =	vsel vm14, $0x41B00000, v24;
	v18 =	vadd.f32 v18, v51  }
0x296: {  	v26 =	vsel vm13, $0x421C0000, v26;
	v19 =	vsel vm8, $0x41200000, v19;
	v24 =	vsel vm13, $0x41B80000, v24  }
0x297: {  	v19 =	vsel vm9, $0x41300000, v19;
	v24 =	vsel vm7, $0x41C00000, v24;
	v27 =	vperm.xlane v18, v22  }
0x298: {  	v26 =	vsel vm7, $0x42200000, v26;
	v19 =	vsel vm10, $0x41400000, v19;
	v24 =	vsel vm11, $0x41C80000, v24  }
0x299: {  	v24 =	vsel vm8, $0x41D00000, v24;
	v18 =	vadd.f32 v18, v27;
	v27 =	vsel vm0, $0x42400000, v58  }
0x29a: {  	v19 =	vsel vm12, $0x41500000, v19;
	v24 =	vsel vm9, $0x41D80000, v24;
	v27 =	vsel vm15, $0x42440000, v27  }
0x29b: {  	v24 =	vsel vm10, $0x41E00000, v24;
	v56 =	vadd.f32 $1.000000000e+00, v18;
	v27 =	vsel vm3, $0x42480000, v27  }
0x29c: {  	v19 =	vsel vm2, $0x41600000, v19;
	v24 =	vsel vm12, $0x41E80000, v24;
	v27 =	vsel vm1, $0x424C0000, v27  }
0x29d: {  	v24 =	vsel vm2, $0x41F00000, v24;
	vm6 =	veq.f32 v56, v19;
	v27 =	vsel vm4, $0x42500000, v27  }
0x29e: {  	vm0 =	veq.f32 v56, v24;
	vm1 =	vle.f32 v56, v19;
	v27 =	vsel vm5, $0x42540000, v27  }
0x29f: {  	v19 =	vsel vm11, $0x42240000, v26;
	vm3 =	vle.f32 v56, v24;
	v27 =	vsel vm14, $0x42580000, v27  }
0x2a0: {  	v7 =	vnsel vm6, $0x0, v7;
	v19 =	vsel vm8, $0x42280000, v19;
	v59 =	vsel vm13, $0x425C0000, v27  }
0x2a1: {  	v23 =	vnsel vm0, $0x0, v23;
	v19 =	vsel vm9, $0x422C0000, v19;
	v26 =	vsel vm7, $0x42600000, v59  }
0x2a2: {  	v15 =	vnsel vm1, $0x0, v15;
	v19 =	vsel vm10, $0x42300000, v19;
	v60 =	vsel vm11, $0x42640000, v26  }
0x2a3: {  	v7 =	vadd.f32 v23, v7;
	v19 =	vsel vm12, $0x42340000, v19;
	v23 =	vsel vm8, $0x42680000, v60  }
0x2a4: {  	v16 =	vnsel vm3, $0x0, v16;
	v19 =	vsel vm2, $0x42380000, v19;
	v23 =	vsel vm9, $0x426C0000, v23  }
0x2a5: {  	v15 =	vadd.f32 v16, v15;
	vm11 =	veq.f32 v56, v19;
	v23 =	vsel vm10, $0x42700000, v23  }
0x2a6: {  	vm13 =	vle.f32 v56, v19;
	v20 =	vnsel vm11, $0x0, v20;
	v16 =	vsel vm12, $0x42740000, v23  }
0x2a7: {  	v14 =	vnsel vm13, $0x0, v14;
	v7 =	vadd.f32 v7, v20;
	v16 =	vsel vm2, $0x42780000, v16  }
0x2a8: {  	v14 =	vadd.f32 v15, v14;
	vm14 =	veq.f32 v56, v16;
	vm15 =	vle.f32 v56, v16  }
0x2a9: {  	v13 =	vnsel vm14, $0x0, v61;
	v11 =	vnsel vm15, $0x0, v11  }
0x2aa: {  	v7 =	vadd.f32 v7, v13;
	v11 =	vadd.f32 v14, v11;
	_ =	sdelay $0x1  }
0x2ab: {  	v13 =	vperm.xlane v7, v12;
	v12 =	vperm.xlane v11, v12;
	_ =	sdelay $0x1  }
0x2ac: {  	v7 =	vadd.f32 v7, v13;
	v11 =	vadd.f32 v11, v12;
	_ =	sdelay $0x1  }
0x2ad: {  	[tilespmem:$0x1000] =	vst v9;
	v61 =	vperm.xlane v7, v17;
	v62 =	vperm.xlane v11, v17  }
0x2ae: {  	[tilespmem:$0x1010] =	vst v9  }
0x2af: {  	[tilespmem:$0x1020] =	vst v9;
	v7 =	vadd.f32 v7, v61;
	v11 =	vadd.f32 v11, v62  }
0x2b0: {  	[tilespmem:$0x1030] =	vst v9;
	v63 =	vtrunc.f32 v18  }
0x2b1: {  	[tilespmem:$0x1040] =	vst v9;
	v12 =	vperm.xlane v7, v21;
	v13 =	vperm.xlane v11, v21  }
0x2b2: {  	[tilespmem:$0x1050] =	vst v9;
	v14 =	vcvt.f32.s32 v63  }
0x2b3: {  	[tilespmem:$0x1060] =	vst v9;
	v17 =	vadd.f32 v7, v12;
	v7 =	vadd.f32 v11, v13  }
0x2b4: {  	s6 =	simm.s32 $0x0;
	[tilespmem:$0x1070] =	vst v9;
	v11 =	vshll.u32 v14, $0x6  }
0x2b5: {  	s5 =	simm.s32 $0x1000;
	v6 =	vadd.s32 v6, v11;
	v11 =	vld [tilespmem:s6+$0xC00];
	s6 =	simm.s32 $0x40;
	v18 =	vperm.xlane v17, v22;
	v9 =	vperm.xlane v7, v22  }
.LBB2_19:
0x2b6: {  	p0 =	sne.s32 s6, $0xFC0;
	_ =	sdelay $0x3  }
0x2b7: {  	v12 =	vsub.s32 v11, v6  }
0x2b8: {  	vm6 =	vge.s32 v11, v6;
	vm7 =	vlt.s32 v12, $0x40  }
0x2b9: {  	vm6 =	vmand vm6, vm7  }
0x2ba: {  	v12 =	vand.u32 $0x3F, v11  }
0x2bb: {  	v13 =	vor.u32 $0x40, v12;
	_ =	sdelay $0x1  }
.Ltmp9:
0x2bc: {  	(pc) =	sbr.rel @p0 .LBB2_19-.Ltmp9, $4  }
0x2bd: {  	_ = 	snop  }
0x2be: {  	[tilespmem:v12+s5+$0x0] =	vst.idx.add.f32.msk vm6, v10  }
0x2bf: {  	s7 =	sshra.s32 s6, $0x2;
	[tilespmem:v13+s5+$0x0] =	vst.idx.add.f32.msk vm6, v11  }
0x2c0: {  	s6 =	sadd.s32 $0x40, s6;
	v11 =	vld [tilespmem:s7+$0xC00]  }
0x2c1: {  	_ =	sdelay $0x3  }
0x2c2: {  	v12 =	vsub.s32 v11, v6  }
0x2c3: {  	vm6 =	vge.s32 v11, v6;
	vm7 =	vlt.s32 v12, $0x40  }
0x2c4: {  	vm6 =	vmand vm6, vm7  }
0x2c5: {  	v12 =	vand.u32 $0x3F, v11  }
0x2c6: {  	v13 =	vor.u32 $0x40, v12;
	_ =	sdelay $0x3  }
0x2c7: {  	[tilespmem:v12+s5+$0x0] =	vst.idx.add.f32.msk vm6, v10  }
0x2c8: {  	s28 =	simm.s32 $0x1000;
	s29 =	simm.s32 $0x1;
	[tilespmem:v13+s5+$0x0] =	vst.idx.add.f32.msk vm6, v11  }
0x2c9: {  	[spmem:s4] =	stream.linear.scatter [tilespmem:s28], [sflag:$0x1], $0x80, $0x38;
	[tilespmem:$0x2380] =	vst v63  }
0x2ca: {  	_ =	swait.ge [sflag:s29], $0x80  }
0x2cb: {  	[sflag:s29] =	ssyncset.done $0x0  }
0x2cc: {  	s30 =	simm.s32 $0x80;
	[sflag:s29] =	ssyncadd.s32 $0xFFFFFF80  }
0x2cd: {  	s6 =	simm.s32 $0x100;
	s7 =	simm.s32 $0x1100;
	[bflag:$0x0] =	sbarrier.arrive $0xFFFF  }
0x2ce: {  	[tilespmem:s7], [sflag:$0x1] =	stream.strided.gather [spmem:s3], $0x800, s6, s30, $0x38;
	[tilespmem:$0x2380] =	vst v63  }
0x2cf: {  	_ =	swait.ge [sflag:s29], $0x800  }
0x2d0: {  	[sflag:s29] =	ssyncset.done $0x0  }
0x2d1: {  	s31 =	simm.s32 $0x0;
	[sflag:s29] =	ssyncadd.s32 $0xFFFFF800  }
0x2d2: {  	v10 =	vld [tilespmem:s31+$0x1170]  }
0x2d3: {  	v11 =	vld [tilespmem:s31+$0x1100]  }
0x2d4: {  	v12 =	vld [tilespmem:s31+$0x1110]  }
0x2d5: {  	v22 =	vld [tilespmem:s31+$0x1120]  }
0x2d6: {  	v24 =	vld [tilespmem:s31+$0x1130]  }
0x2d7: {  	v21 =	vimm.f32 $0.0e+00;
	v23 =	vimm.f32 $0.0e+00;
	v13 =	vld [tilespmem:s31+$0x1140]  }
0x2d8: {  	v15 =	vimm.f32 $0.0e+00;
	v14 =	vimm.f32 $0.0e+00;
	v16 =	vld [tilespmem:s31+$0x1150];
	v10 =	vadd.f32 v10, v21  }
0x2d9: {  	s4 =	simm.s32 $0x400;
	s3 =	simm.s32 $0x80;
	v19 =	vadd.f32 v11, v21;
	v20 =	vadd.f32 v12, v21;
	v12 =	vld [tilespmem:s31+$0x1160];
	v11 =	vimm.f32 $0.0e+00  }
.LBB2_21:
0x2da: {  	p0 =	sne.s32 s4, $0x1E00;
	v25 =	vld [tilespmem:s3+$0x1170];
	v21 =	vadd.f32 v22, v21  }
0x2db: {  	v26 =	vld [tilespmem:s3+$0x1100];
	v23 =	vadd.f32 v24, v23  }
0x2dc: {  	v27 =	vld [tilespmem:s3+$0x1110];
	v15 =	vadd.f32 v13, v15  }
.Ltmp10:
0x2dd: {  	v22 =	vld [tilespmem:s3+$0x1120];
	v14 =	vadd.f32 v16, v14;
	(pc) =	sbr.rel @p0 .LBB2_21-.Ltmp10, $4  }
0x2de: {  	v24 =	vld [tilespmem:s3+$0x1130];
	v11 =	vadd.f32 v12, v11  }
0x2df: {  	v13 =	vld [tilespmem:s3+$0x1140];
	v10 =	vadd.f32 v25, v10  }
0x2e0: {  	v19 =	vadd.f32 v26, v19;
	v16 =	vld [tilespmem:s3+$0x1150]  }
0x2e1: {  	v20 =	vadd.f32 v27, v20;
	v12 =	vld [tilespmem:s3+$0x1160];
	s3 =	sshra.s32 s4, $0x2;
	s4 =	sadd.s32 $0x200, s4  }
0x2e2: {  	v25 =	vimm.s32 $0xFEDCBA9;
	v26 =	vimm.s32 $0x87654321  }
0x2e3: {  	v27 =	vld [tilespmem:s3+$0x1130];
	v50 =	vimm.s32 $0x10FEDCBA;
	v51 =	vimm.s32 $0x98765432  }
0x2e4: {  	v49 =	vld [tilespmem:s3+$0x1120];
	v21 =	vadd.f32 v22, v21;
	v28 =	vlaneseq.u32;
	v55 =	vimm.s32 $0x3210FEDC  }
0x2e5: {  	v56 =	vimm.s32 $0xBA987654;
	v60 =	vimm.s32 $0x76543210;
	v61 =	vimm.s32 $0xFEDCBA98  }
0x2e6: {  	v53 =	vld [tilespmem:s3+$0x1110];
	v43 =	vimm.s32 $0x0;
	v17 =	vadd.f32 v17, v18;
	vm13 =	vcmask $0x300  }
0x2e7: {  	v30 =	vld [tilespmem:s3+$0x1100];
	vm12 =	vcmask $0x704;
	vm3 =	vcmask $0xB08;
	vm5 =	vcmask $0x1714  }
0x2e8: {  	v58 =	vld [tilespmem:$0x1FFD0];
	vm10 =	vcmask $0x1F1C;
	v25 =	vunpack.c.l.s4.s8 v25;
	v26 =	vunpack.c.l.s4.s8 v26  }
0x2e9: {  	v33 =	vld [tilespmem:$0x1FFE0];
	vm8 =	vcmask $0x2724;
	vm7 =	vcmask $0x3330;
	vm9 =	vcmask $0x3734  }
0x2ea: {  	v38 =	vld [tilespmem:$0x1FFF0];
	v23 =	vadd.f32 v24, v23;
	v25 =	vunpack.c.0.s8.s32 v25;
	v26 =	vunpack.c.0.s8.s32 v26  }
0x2eb: {  	vm6 =	veq.s32 v28, $0xF;
	v8 =	vadd.f32 v17, v8;
	v13 =	vadd.f32 v13, v15  }
0x2ec: {  	v14 =	vadd.f32 v16, v14;
	v11 =	vadd.f32 v12, v11;
	v48 =	vcombine.low v26, v25  }
0x2ed: {  	v23 =	vadd.f32 v27, v23;
	v26 =	vunpack.c.l.s4.s8 v50;
	v27 =	vunpack.c.l.s4.s8 v51  }
0x2ee: {  	v21 =	vadd.f32 v49, v21;
	v20 =	vadd.f32 v53, v20;
	vm0 =	vnez.u8 v58  }
0x2ef: {  	v30 =	vadd.f32 v30, v19;
	vm1 =	vnez.u8 v33;
	vm2 =	vnez.u8 v38  }
0x2f0: {  	v53 =	vimm.f32 $1.000000000e+00;
	v24 =	vand.u32 $0xF, v48;
	v26 =	vunpack.c.0.s8.s32 v26  }
0x2f1: {  	v27 =	vunpack.c.0.s8.s32 v27;
	v52 =	vperm.xlane v23, v24;
	v29 =	vperm.xlane v21, v24  }
0x2f2: {  	v33 =	vimm.f32 $1.500000000e+01;
	v63 =	vperm.xlane v20, v24;
	v24 =	vperm.xlane v30, v24  }
0x2f3: {  	v54 =	vcombine.low v27, v26;
	v26 =	vunpack.c.l.s4.s8 v56;
	v22 =	vsel vm6, $0x0, v52  }
0x2f4: {  	v59 =	vsel vm6, $0x0, v29;
	v29 =	vsel vm6, $0x0, v63;
	v24 =	vsel vm6, $0x0, v24  }
0x2f5: {  	v52 =	vsub.f32 $1.024000000e+03, v8;
	vm6 =	vcmask $0x2F2C;
	v22 =	vadd.f32 v22, v23  }
0x2f6: {  	v25 =	vand.u32 $0xF, v54;
	v23 =	vunpack.c.l.s4.s8 v55;
	v21 =	vadd.f32 v59, v21  }
0x2f7: {  	v26 =	vunpack.c.0.s8.s32 v26;
	v20 =	vadd.f32 v29, v20;
	v24 =	vadd.f32 v24, v30  }
0x2f8: {  	v54 =	vimm.f32 $0.0e+00;
	v57 =	vperm.xlane v22, v25;
	v23 =	vunpack.c.0.s8.s32 v23  }
0x2f9: {  	v59 =	vimm.s32 $0x32107654;
	v62 =	vperm.xlane v21, v25;
	v34 =	vperm.xlane v20, v25  }
0x2fa: {  	v39 =	vperm.xlane v24, v25;
	v27 =	vnsel vm0, $0x0, v57;
	v23 =	vcombine.low v26, v23  }
0x2fb: {  	v26 =	vunpack.c.l.s4.s8 v60;
	v28 =	vnsel vm0, $0x0, v62;
	v22 =	vadd.f32 v27, v22  }
0x2fc: {  	v27 =	vunpack.c.l.s4.s8 v61;
	v21 =	vadd.f32 v28, v21;
	v23 =	vand.u32 $0xF, v23  }
0x2fd: {  	v41 =	vnsel vm0, $0x0, v39;
	v57 =	vimm.s32 $0xBA98FEDC;
	v32 =	vperm.xlane v22, v23  }
0x2fe: {  	v60 =	vimm.s32 $0xDCFE98BA;
	v27 =	vunpack.c.0.s8.s32 v27;
	v35 =	vperm.xlane v21, v23  }
0x2ff: {  	v24 =	vadd.f32 v41, v24;
	v26 =	vunpack.c.0.s8.s32 v26;
	v19 =	vnsel vm1, $0x0, v32  }
0x300: {  	v27 =	vand.u32 $0xF, v27;
	v37 =	vnsel vm1, $0x0, v35;
	v22 =	vadd.f32 v19, v22  }
0x301: {  	v19 =	vcombine.low v27, v26;
	v26 =	vnsel vm0, $0x0, v34;
	v21 =	vadd.f32 v37, v21  }
0x302: {  	v58 =	vunpack.c.l.s4.s8 v57;
	v61 =	vimm.s32 $0x54761032;
	v26 =	vadd.f32 v26, v20  }
0x303: {  	v35 =	vimm.s32 $0x67452301;
	v36 =	vperm.xlane v22, v19;
	v42 =	vperm.xlane v21, v19  }
0x304: {  	v34 =	vimm.s32 $0xEFCDAB89;
	v40 =	vperm.xlane v26, v23;
	v23 =	vperm.xlane v24, v23  }
0x305: {  	v27 =	vnsel vm2, $0x0, v36;
	v28 =	vnsel vm2, $0x0, v42;
	v42 =	vimm.f32 $4.700000000e+01  }
0x306: {  	v22 =	vadd.f32 v27, v22;
	v25 =	vnsel vm1, $0x0, v40;
	v21 =	vadd.f32 v28, v21  }
0x307: {  	v23 =	vnsel vm1, $0x0, v23;
	v27 =	vunpack.c.l.s4.s8 v34;
	v28 =	vunpack.c.l.s4.s8 v35  }
0x308: {  	vm1 =	vcmask $0x2320;
	v40 =	vimm.f32 $3.100000000e+01;
	v20 =	vadd.f32 $0.0e+00, v22  }
0x309: {  	v29 =	vsel vm13, $0x42000000, v42;
	v25 =	vadd.f32 v25, v26;
	v23 =	vadd.f32 v23, v24  }
0x30a: {  	v24 =	vsel vm13, $0x0, v53;
	v26 =	vunpack.c.l.s4.s8 v61;
	v44 =	vperm.xlane v20, v43  }
0x30b: {  	v29 =	vsel vm12, $0x42040000, v29;
	vm4 =	vge.f32 v22, v52;
	v45 =	vperm.xlane v25, v19  }
0x30c: {  	v22 =	vunpack.c.0.s8.s32 v58;
	v36 =	vunpack.c.0.s8.s32 v27;
	v21 =	vadd.f32 v21, v44  }
0x30d: {  	v37 =	vunpack.c.0.s8.s32 v28;
	v27 =	vsel vm13, $0x41800000, v40;
	v46 =	vnsel vm2, $0x0, v45  }
0x30e: {  	v48 =	vperm.xlane v23, v19;
	v25 =	vadd.f32 v46, v25;
	v47 =	vperm.xlane v21, v43  }
0x30f: {  	v29 =	vsel vm3, $0x42080000, v29;
	v31 =	vunpack.c.0.s8.s32 v26;
	v27 =	vsel vm12, $0x41880000, v27  }
0x310: {  	v26 =	vcombine.low v37, v36;
	v50 =	vnsel vm2, $0x0, v48;
	v46 =	vld [tilespmem:s3+$0x1160];
	v49 =	vadd.f32 v25, v47  }
0x311: {  	v27 =	vsel vm3, $0x41900000, v27;
	vm2 =	vcmask $0x2B28;
	v23 =	vadd.f32 v50, v23  }
0x312: {  	v26 =	vand.u32 $0xF, v26;
	vm15 =	vge.f32 v21, v52;
	v51 =	vperm.xlane v49, v43  }
0x313: {  	v56 =	vsel vm15, $0x3F800000, v54;
	vm15 =	vcmask $0x3B38;
	v25 =	vsel vm4, $0x3F800000, v54  }
0x314: {  	vm4 =	vcmask $0x1310;
	vm14 =	vge.f32 v49, v52;
	v17 =	vadd.f32 v23, v51  }
0x315: {  	v11 =	vadd.f32 v46, v11;
	v43 =	vimm.f32 $6.300000000e+01;
	v55 =	vsel vm14, $0x3F800000, v54  }
0x316: {  	vm14 =	vcmask $0xF0C;
	v23 =	vunpack.c.l.s4.s8 v59;
	vm11 =	vge.f32 v17, v52  }
0x317: {  	v27 =	vsel vm14, $0x41980000, v27;
	v29 =	vsel vm14, $0x420C0000, v29;
	v24 =	vnsel vm11, $0x0, v24  }
0x318: {  	v27 =	vsel vm4, $0x41A00000, v27;
	v29 =	vsel vm4, $0x42100000, v29;
	v24 =	vadd.f32 v24, v55  }
0x319: {  	v23 =	vunpack.c.0.s8.s32 v23;
	v17 =	vadd.f32 $0.0e+00, v17;
	v27 =	vsel vm5, $0x41A80000, v27  }
0x31a: {  	v29 =	vsel vm5, $0x42140000, v29;
	vm11 =	vcmask $0x1B18;
	v24 =	vadd.f32 v24, v56  }
0x31b: {  	v22 =	vcombine.low v23, v22;
	v27 =	vsel vm11, $0x41B00000, v27;
	v29 =	vsel vm11, $0x42180000, v29  }
0x31c: {  	v27 =	vsel vm10, $0x41B80000, v27;
	v29 =	vsel vm10, $0x421C0000, v29;
	v24 =	vadd.f32 v24, v25  }
0x31d: {  	v22 =	vand.u32 $0xF, v22;
	v27 =	vsel vm1, $0x41C00000, v27;
	v29 =	vsel vm1, $0x42200000, v29  }
0x31e: {  	v27 =	vsel vm8, $0x41C80000, v27;
	v29 =	vsel vm8, $0x42240000, v29;
	v62 =	vperm.xlane v24, v19  }
0x31f: {  	v25 =	vunpack.c.l.s4.s8 v60;
	v27 =	vsel vm2, $0x41D00000, v27;
	v29 =	vsel vm2, $0x42280000, v29  }
0x320: {  	v27 =	vsel vm6, $0x41D80000, v27;
	v29 =	vsel vm6, $0x422C0000, v29;
	v63 =	vadd.f32 v24, v62  }
0x321: {  	v30 =	vunpack.c.0.s8.s32 v25;
	v25 =	vsel vm13, $0x0, v33;
	v27 =	vsel vm7, $0x41E00000, v27  }
0x322: {  	v29 =	vsel vm7, $0x42300000, v29;
	v25 =	vsel vm12, $0x3F800000, v25;
	v32 =	vperm.xlane v63, v22  }
0x323: {  	v27 =	vsel vm9, $0x41E80000, v27;
	v24 =	vcombine.low v31, v30;
	v25 =	vsel vm3, $0x40000000, v25  }
0x324: {  	v29 =	vsel vm9, $0x42340000, v29;
	v25 =	vsel vm14, $0x40400000, v25;
	v23 =	vadd.f32 v63, v32  }
0x325: {  	v30 =	vsel vm13, $0x42400000, v43;
	v24 =	vand.u32 $0xF, v24;
	v25 =	vsel vm4, $0x40800000, v25  }
0x326: {  	v31 =	vld [tilespmem:s3+$0x1140];
	v30 =	vsel vm12, $0x42440000, v30;
	v25 =	vsel vm5, $0x40A00000, v25;
	v38 =	vperm.xlane v23, v24  }
0x327: {  	v27 =	vsel vm15, $0x41F00000, v27;
	v30 =	vsel vm3, $0x42480000, v30;
	v25 =	vsel vm11, $0x40C00000, v25  }
0x328: {  	v30 =	vsel vm14, $0x424C0000, v30;
	v25 =	vsel vm10, $0x40E00000, v25;
	v23 =	vadd.f32 v23, v38  }
0x329: {  	v44 =	vsel vm15, $0x42380000, v29;
	v30 =	vsel vm4, $0x42500000, v30;
	v25 =	vsel vm1, $0x41000000, v25  }
0x32a: {  	v32 =	vld [tilespmem:s3+$0x1150];
	v30 =	vsel vm5, $0x42540000, v30;
	v25 =	vsel vm8, $0x41100000, v25;
	v39 =	vperm.xlane v23, v26  }
0x32b: {  	v13 =	vadd.f32 v31, v13;
	v30 =	vsel vm11, $0x42580000, v30;
	v25 =	vsel vm2, $0x41200000, v25  }
0x32c: {  	v30 =	vsel vm10, $0x425C0000, v30;
	v25 =	vsel vm6, $0x41300000, v25;
	v23 =	vadd.f32 v23, v39  }
0x32d: {  	v13 =	vadd.f32 $0.0e+00, v13;
	v30 =	vsel vm1, $0x42600000, v30;
	v25 =	vsel vm7, $0x41400000, v25  }
0x32e: {  	v30 =	vsel vm8, $0x42640000, v30;
	v25 =	vsel vm9, $0x41500000, v25;
	v41 =	vadd.f32 $1.000000000e+00, v23  }
0x32f: {  	v47 =	vadd.f32 v32, v14;
	v45 =	vsel vm2, $0x42680000, v30;
	v25 =	vsel vm15, $0x41600000, v25  }
0x330: {  	v16 =	vsel vm6, $0x426C0000, v45;
	vm0 =	veq.f32 v41, v25;
	vm5 =	veq.f32 v41, v27  }
0x331: {  	v16 =	vsel vm7, $0x42700000, v16;
	v17 =	vnsel vm0, $0x0, v17;
	v18 =	vnsel vm5, $0x0, v49  }
0x332: {  	v16 =	vsel vm9, $0x42740000, v16;
	vm10 =	veq.f32 v41, v44;
	v49 =	vld [tilespmem:s3+$0x1170];
	v48 =	vadd.f32 v18, v17  }
0x333: {  	v16 =	vsel vm15, $0x42780000, v16;
	vm11 =	vle.f32 v41, v25;
	v21 =	vnsel vm10, $0x0, v21  }
0x334: {  	vm12 =	vle.f32 v41, v27;
	vm13 =	veq.f32 v41, v16;
	v14 =	vadd.f32 v48, v21  }
0x335: {  	v13 =	vnsel vm11, $0x0, v13;
	v12 =	vnsel vm12, $0x0, v47;
	v50 =	vnsel vm13, $0x0, v20  }
0x336: {  	vm14 =	vle.f32 v41, v44;
	v12 =	vadd.f32 v12, v13;
	v51 =	vadd.f32 v14, v50  }
0x337: {  	v11 =	vnsel vm14, $0x0, v11;
	v10 =	vadd.f32 v49, v10  }
0x338: {  	vm15 =	vle.f32 v41, v16;
	v11 =	vadd.f32 v12, v11;
	v52 =	vperm.xlane v51, v19  }
0x339: {  	v10 =	vnsel vm15, $0x0, v10  }
0x33a: {  	v10 =	vadd.f32 v11, v10;
	v53 =	vadd.f32 v51, v52;
	_ =	sdelay $0x1  }
0x33b: {  	v54 =	vperm.xlane v10, v19;
	v12 =	vperm.xlane v53, v22;
	_ =	sdelay $0x1  }
0x33c: {  	v10 =	vadd.f32 v10, v54;
	v11 =	vadd.f32 v53, v12;
	_ =	sdelay $0x1  }
0x33d: {  	v13 =	vperm.xlane v10, v22;
	v12 =	vperm.xlane v11, v24  }
0x33e: {  	v0 =	vadd.f32 v0, v1  }
0x33f: {  	v10 =	vadd.f32 v10, v13;
	v55 =	vadd.f32 v11, v12  }
0x340: {  	v2 =	vadd.f32 v2, v3;
	v0 =	vadd.f32 $0.0e+00, v0  }
0x341: {  	v57 =	vperm.xlane v10, v24;
	v56 =	vperm.xlane v55, v26  }
0x342: {  	v0 =	vadd.f32 v2, v0;
	v58 =	vadd.f32 v4, v5  }
0x343: {  	v59 =	vadd.f32 v10, v57;
	v1 =	vadd.f32 v55, v56  }
0x344: {  	v0 =	vadd.f32 v58, v0;
	v60 =	vadd.f32 v7, v9  }
0x345: {  	v61 =	vtrunc.f32 v23;
	v62 =	vperm.xlane v59, v26;
	v1 =	vadd.f32 v1, v8  }
0x346: {  	v0 =	vadd.f32 v60, v0;
	v63 =	vcvt.f32.s32 v61  }
0x347: {  	v3 =	vadd.f32 v59, v62;
	v1 =	vsub.f32 $1.024000000e+03, v1  }
0x348: {  	v2 =	vadd.s32 v63, v6  }
0x349: {  	v0 =	vadd.f32 v3, v0;
	v1 =	vmul.f32 v2, v1;
	_ =	sdelay $0x1  }
0x34a: {  	v0 =	vadd.f32 v1, v0;
	_ =	sdelay $0x1  }
0x34b: {  	v0 =	vmul.f32 $9.765625000e-04, v0;
	_ =	sdelay $0x1  }
0x34c: {  	p0 =	sne.s32 s2, $0x0;
	[tilespmem:$0x2100] =	vst v0  }
0x34d: {  	_ =	sfence.sel @p0 $0x180000  }
0x34e: {  	[bflag:$0x0] =	sbarrier.arrive @p0 $0xFFFF  }
0x34f: {  	_ =	strace @p0 $0x90000047  }
0x350: {  	s2 =	simm.s32 @!p0 $0x0;
	s3 =	simm.s32 @!p0 $0x2100;
	[bflag:$0x2] =	sbarrier.arrive @p0 $0xFFFF  }
0x351: {  	[hbm4b:s1+s2] =	stream.linear.scatter @!p0 [tilespmem:s3], [sflag:$0x1], $0x80, $0x38;
	[tilespmem:$0x2380] =	vst v63  }
0x352: {  	s1 =	simm.s32 @!p0 $0x1  }
0x353: {  	_ =	swait.ge @!p0 [sflag:s1], $0x80  }
0x354: {  	[sflag:s1] =	ssyncset.done @!p0 $0x0  }
0x355: {  	[sflag:s1] =	ssyncadd.s32 @!p0 $0xFFFFFF80  }
0x356: {  	_ =	sfence.sel @!p0 $0x180000  }
0x357: {  	[bflag:$0x0] =	sbarrier.arrive @!p0 $0xFFFF  }
0x358: {  	_ =	strace @!p0 $0x90000047  }
0x359: {  	s0 =	sadd.s32 @!p0 $0x100000, s0;
	[bflag:$0x2] =	sbarrier.arrive @!p0 $0xFFFF  }
0x35a: {  	[sflag:s0] =	ssyncadd.tile.s32 @!p0 $0x1;
	_ =	shalt  }
.Lfunc_end2:
_tile_overlayer_lowered:
.L_overlay_start_2:
0x35b: {  	(tag) =	ssettag $0x2  }
0x35c: {  	s0 =	rddreg [dreg:$0x0];
	s2 =	stileid.u32  }
0x35d: {  	s1 =	rddreg [dreg:$0x1];
	p0 =	sne.s32 s2, $0x0  }
0x35e: {  	s3 =	rddreg [dreg:$0x2];
	[bflag:$0x3] =	sbarrier.arrive $0xFFFF;
	s2 =	simm.s32 @!p0 $0x1C01  }
0x35f: {  	[timem:s3], [sflag:s2] =	dma.local @!p0 [hbm:s0], s1  }
0x360: {  	s0 =	simm.s32 @!p0 $0x1  }
0x361: {  	_ =	swait.ge @!p0 [sflag:s0], s1  }
0x362: {  	s1 =	ssub.s32 @!p0 $0x0, s1;
	[sflag:s0] =	ssyncset.done @!p0 $0x0  }
0x363: {  	[sflag:s0] =	ssyncadd.s32 @!p0 s1  }
0x364: {  	[bflag:$0x3] =	sbarrier.arrive $0xFFFF  }
0x365: {  	_ =	shalt  }

</sc_bundles>
